<compile_context>
chip_gen: v7x
topology: tpu7x:2x2x1
jax: 0.10.2.dev20260603
libtpu: 0.0.44.dev20260713+nightly
codegen_flags: <defaults>
</compile_context>

<pallas_src>
import functools

import jax
import jax.numpy as jnp
from jax import lax
from jax.experimental import pallas as pl
from jax.experimental.pallas import tpu as pltpu
from jax.experimental.pallas import tpu_sc as plsc

N = 10000
E = 320000
D = 128
NBLK = 79
N_PAD = NBLK * 128
TRASH = N
NTILES = 32
EBLK = 79
EPT = EBLK * 128
E_PAD = NTILES * EPT
STRIPE = N_PAD // 16

_mesh = plsc.VectorSubcoreMesh(core_axis_name="c", subcore_axis_name="s")
_f32 = jnp.float32
_i32 = jnp.int32


@functools.partial(
    pl.kernel,
    mesh=_mesh,
    out_type=[
        jax.ShapeDtypeStruct((2, N_PAD, 128), _f32),
        jax.ShapeDtypeStruct((NTILES, EBLK, 128), _i32),
    ],
    scratch_types=[
        pltpu.VMEM((EBLK, 128), _i32),
        pltpu.VMEM((EBLK, 128), _i32),
        pltpu.VMEM((128, 128), _f32),
        pltpu.VMEM_SHARED((N_PAD, 128), _f32),
    ],
)
def _prep(src_hbm, dst_hbm, zeros_hbm, ones_hbm, deg_out, pk_out,
          src_v, dst_v, ones_v, dacc_sh):
    c = lax.axis_index("c")
    s = lax.axis_index("s")
    wid = c * 16 + s
    pltpu.sync_copy(src_hbm.at[wid], src_v)
    pltpu.sync_copy(dst_hbm.at[wid], dst_v)
    pltpu.sync_copy(ones_hbm, ones_v)
    pltpu.sync_copy(zeros_hbm, dacc_sh.at[pl.ds(s * STRIPE, STRIPE)])

    trash = jnp.full((16,), TRASH, dtype=_i32) + wid

    def row(r, _):
        def col(cc, _):
            sl = pl.ds(cc * 16, 16)
            sv = src_v[r, sl]
            dv = dst_v[r, sl]
            m = sv != dv
            src_v[r, sl] = jnp.where(m, sv, trash)
            dst_v[r, sl] = jnp.where(m, dv, trash)
            return 0
        return lax.fori_loop(0, 8, col, 0)

    lax.fori_loop(0, EBLK, row, 0)
    plsc.subcore_barrier()

    def deg_chunk(j, _):
        pltpu.sync_copy(ones_v, dacc_sh.at[dst_v.at[j]], add=True)
        return 0

    lax.fori_loop(0, EBLK, deg_chunk, 0)
    plsc.subcore_barrier()
    pltpu.sync_copy(dacc_sh.at[pl.ds(s * STRIPE, STRIPE)],
                    deg_out.at[c, pl.ds(s * STRIPE, STRIPE)])
    pltpu.sync_copy(src_v, pk_out.at[wid])


@functools.partial(
    pl.kernel,
    mesh=_mesh,
    out_type=jax.ShapeDtypeStruct((2, N_PAD, 128), _f32),
    scratch_types=[
        pltpu.VMEM((EBLK, 128), _i32),
        pltpu.VMEM((EBLK, 128), _i32),
        pltpu.VMEM((128, 128), _f32),
        pltpu.VMEM_SHARED((N_PAD, 128), _f32),
        pltpu.SemaphoreType.DMA,
    ],
)
def _spmm(u_hbm, dst_hbm, srcp_hbm, zeros_hbm, out_hbm,
          dst_v, srcp_v, buf_a, acc_sh, sga):
    c = lax.axis_index("c")
    s = lax.axis_index("s")
    wid = c * 16 + s
    pltpu.sync_copy(dst_hbm.at[wid], dst_v)
    pltpu.sync_copy(srcp_hbm.at[wid], srcp_v)
    pltpu.sync_copy(zeros_hbm, acc_sh.at[pl.ds(s * STRIPE, STRIPE)])
    plsc.subcore_barrier()

    def chunk(j, _):
        pltpu.async_copy(u_hbm.at[dst_v.at[j]], buf_a, sga).wait()
        pltpu.sync_copy(buf_a, acc_sh.at[srcp_v.at[j]], add=True)
        return 0

    lax.fori_loop(0, EBLK, chunk, 0)
    plsc.subcore_barrier()
    pltpu.sync_copy(acc_sh.at[pl.ds(s * STRIPE, STRIPE)],
                    out_hbm.at[c, pl.ds(s * STRIPE, STRIPE)])


def _finalize_body(degp_ref, dinv_ref, disq_ref, dsqrt_ref):
    deg = jnp.maximum(degp_ref[0, 0, 0] + degp_ref[1, 0, 0], 1.0)
    degc = jnp.broadcast_to(deg[None, :], (128, 128)).T
    dinv_ref[...] = 1.0 / degc
    disq_ref[...] = lax.rsqrt(degc)
    dsqrt_ref[...] = jnp.sqrt(degc)


def _finalize(degp):
    shp = jax.ShapeDtypeStruct((N_PAD, 128), _f32)
    return pl.pallas_call(
        _finalize_body,
        grid=(NBLK,),
        in_specs=[pl.BlockSpec((2, 1, 1, 128), lambda g: (0, g, 0, 0))],
        out_specs=[pl.BlockSpec((128, 128), lambda g: (g, 0))] * 3,
        out_shape=[shp, shp, shp],
    )(degp)


def _encode_body(x_ref, w_ref, b_ref, disq_ref, o_ref):
    h = jnp.dot(x_ref[...], w_ref[...],
                preferred_element_type=_f32,
                precision=lax.Precision.HIGHEST) + b_ref[0][None, :]
    o_ref[...] = h * disq_ref[...]


def _encode(x_pad, wT, b2, disq):
    return pl.pallas_call(
        _encode_body,
        grid=(NBLK,),
        in_specs=[
            pl.BlockSpec((128, 128), lambda g: (g, 0)),
            pl.BlockSpec((128, 128), lambda g: (0, 0)),
            pl.BlockSpec((1, 128), lambda g: (0, 0)),
            pl.BlockSpec((128, 128), lambda g: (g, 0)),
        ],
        out_specs=pl.BlockSpec((128, 128), lambda g: (g, 0)),
        out_shape=jax.ShapeDtypeStruct((N_PAD, 128), _f32),
    )(x_pad, wT, b2, disq)


def _combine_body(p_ref, dinv_ref, o_ref):
    o_ref[...] = (p_ref[0] + p_ref[1]) * dinv_ref[...]


def _combine(p, dinv):
    return pl.pallas_call(
        _combine_body,
        grid=(NBLK,),
        in_specs=[
            pl.BlockSpec((2, 128, 128), lambda g: (0, g, 0)),
            pl.BlockSpec((128, 128), lambda g: (g, 0)),
        ],
        out_specs=pl.BlockSpec((128, 128), lambda g: (g, 0)),
        out_shape=jax.ShapeDtypeStruct((N_PAD, 128), _f32),
    )(p, dinv)


def _decode_body(u_ref, dsqrt_ref, theta_ref, w_ref, b_ref, o_ref):
    z = theta_ref[0] * u_ref[0]
    for k in range(1, 6):
        z = z + theta_ref[k] * u_ref[k]
    z = z * dsqrt_ref[...]
    o_ref[...] = jnp.dot(z, w_ref[...],
                         preferred_element_type=_f32,
                         precision=lax.Precision.HIGHEST) + b_ref[0][None, :]


def _decode(ustack, dsqrt, theta, wdT, bd2):
    return pl.pallas_call(
        _decode_body,
        grid=(NBLK,),
        in_specs=[
            pl.BlockSpec((6, 128, 128), lambda g: (0, g, 0)),
            pl.BlockSpec((128, 128), lambda g: (g, 0)),
            pl.BlockSpec(memory_space=pltpu.SMEM),
            pl.BlockSpec((128, 128), lambda g: (0, 0)),
            pl.BlockSpec((1, 128), lambda g: (0, 0)),
        ],
        out_specs=pl.BlockSpec((128, 128), lambda g: (g, 0)),
        out_shape=jax.ShapeDtypeStruct((N_PAD, 128), _f32),
    )(ustack, dsqrt, theta, wdT, bd2)


def kernel(x, edge_index, W_enc, b_enc, theta, W_dec, b_dec):
    src = edge_index[0]
    dst = edge_index[1]
    src_p = jnp.pad(src, (0, E_PAD - E)).reshape(NTILES, EBLK, 128)
    dst_p = jnp.pad(dst, (0, E_PAD - E)).reshape(NTILES, EBLK, 128)
    zeros128 = jnp.zeros((STRIPE, 128), _f32)
    ones128 = jnp.ones((128, 128), _f32)

    degp, srcp = _prep(src_p, dst_p, zeros128, ones128)
    dinv, disq, dsqrt = _finalize(degp[:, :, 0].reshape(2, NBLK, 1, 128))

    x_pad = jnp.pad(x, ((0, N_PAD - N), (0, 0)))
    u = _encode(x_pad, W_enc.T, b_enc.reshape(1, D), disq)

    us = [u]
    for _ in range(5):
        t = _combine(_spmm(u, dst_p, srcp, zeros128), dinv)
        u = _combine(_spmm(t, dst_p, srcp, zeros128), dinv)
        us.append(u)

    ustack = jnp.stack(us)
    wdT = jnp.zeros((128, 128), _f32).at[:, :40].set(W_dec.T)
    bd2 = jnp.zeros((1, 128), _f32).at[0, :40].set(b_dec)
    out = _decode(ustack, dsqrt, theta, wdT, bd2)
    return out[:N, :40]

# --- scband reference (transcript-rebuilt; emitter-appended) ---
"""Pipeline reference for scband-dgl-evennet-18047452578205 (READ-ONLY COPY).

The authoritative reference and input builder live on the scoring server;
editing this copy changes nothing except your own understanding.
"""

import jax, jax.numpy as jnp
import numpy as np

N = 10000
E = 320000
D = 128
H = 128
C = 40
K = 10
K_EVEN = K // 2


def setup_inputs(seed: int = 0) -> dict:
    key = jax.random.key(seed)
    ks = jax.random.split(key, 6)
    x = jax.random.normal(ks[0], (N, D), dtype=jnp.float32)
    edge_index = jax.random.randint(ks[1], (2, E), 0, N, dtype=jnp.int32)
    W_enc = jax.random.normal(ks[2], (H, D), dtype=jnp.float32) * (1.0 / np.sqrt(D))
    b_enc = jnp.zeros((H,), dtype=jnp.float32)
    theta = jax.random.normal(ks[3], (K_EVEN + 1,), dtype=jnp.float32) * 0.1
    W_dec = jax.random.normal(ks[4], (C, H), dtype=jnp.float32) * (1.0 / np.sqrt(H))
    b_dec = jnp.zeros((C,), dtype=jnp.float32)
    return {"x": x, "edge_index": edge_index, "W_enc": W_enc, "b_enc": b_enc,
            "theta": theta, "W_dec": W_dec, "b_dec": b_dec}


def reference(x, edge_index, W_enc, b_enc, theta, W_dec, b_dec):
    src = edge_index[0]
    dst = edge_index[1]
    # remove self loops (mask them out, equivalent to dgl.remove_self_loop)
    mask = (src != dst).astype(jnp.float32)
    # in-degrees on the self-loop-free graph, clamp(min=1)
    deg = jax.ops.segment_sum(mask, dst, num_segments=N)
    deg = jnp.clip(deg, 1.0, None)
    d_isqrt = deg ** -0.5
    # P[src, dst] = d_isqrt[src] * d_isqrt[dst]; duplicates sum (coalesce)
    vals = d_isqrt[src] * d_isqrt[dst] * mask

    def spmm(cur):
        # (P @ cur)[i] = sum over edges with src==i of vals * cur[dst]
        return jax.ops.segment_sum(vals[:, None] * cur[dst], src, num_segments=N)

    h0 = x @ W_enc.T + b_enc
    Z = theta[0] * h0
    cur = h0
    for k in range(1, K_EVEN + 1):
        cur = spmm(spmm(cur))
        Z = Z + theta[k] * cur
    logits = Z @ W_dec.T + b_dec
    return logits

if __name__ == "__main__":
    import jax
    _d = setup_inputs()
    print(jax.jit(kernel)(*tuple(_d.values())))

</pallas_src>

<mosaic_0001>
#map = affine_map<(d0, d1) -> (0, 0)>
#map1 = affine_map<(d0, d1) -> (0, 0, 0)>
module attributes {stable_mosaic.version = 14 : i64} {
  func.func @_spmm(%arg0: i32, %arg1: i32, %arg2: memref<10112x128xf32, #tpu.memory_space<hbm>>, %arg3: memref<32x79x128xi32, #tpu.memory_space<hbm>>, %arg4: memref<32x79x128xi32, #tpu.memory_space<hbm>>, %arg5: memref<632x128xf32, #tpu.memory_space<hbm>>, %arg6: memref<2x10112x128xf32, #tpu.memory_space<hbm>>, %arg7: memref<79x128xi32, #tpu.memory_space<vmem>>, %arg8: memref<79x128xi32, #tpu.memory_space<vmem>>, %arg9: memref<128x128xf32, #tpu.memory_space<vmem>>, %arg10: memref<10112x128xf32, #tpu.memory_space<vmem_shared>>, %arg11: memref<!tpu.dma_semaphore, #tpu.memory_space<semaphore_mem>>) attributes {dimension_semantics = [#tpu.dimension_semantics<core_parallel>, #tpu.dimension_semantics<subcore_parallel>], iteration_bounds = array<i64: 2, 16>, scalar_prefetch = 0 : i64, scratch_operands = 5 : i64, tpu.core_type = #tpu.core_type<sc_vector_subcore>, window_params = [{transform_indices = #map}, {transform_indices = #map1}, {transform_indices = #map1}, {transform_indices = #map}, {transform_indices = #map1}]} {
    %mul3A = arith.constant 16 : i32
    %mul3A_0 = arith.muli %arg0, %mul3A : i32
    %add3A = arith.addi %mul3A_0, %arg1 : i32
    "tpu.region"() ({
      %run_scoped3A = tpu.sem_alloc : memref<!tpu.dma_semaphore, #tpu.memory_space<semaphore_mem>>
      %dma_start3A = arith.constant 0 : i32
      %dma_start3A_14 = arith.constant 0 : i32
      %dma_start3A_15 = tpu.memref_slice %arg3[%add3A, %dma_start3A, %dma_start3A_14] : memref<32x79x128xi32, #tpu.memory_space<hbm>> -> memref<1x79x128xi32, #tpu.memory_space<hbm>>
      %dma_start3A_16 = tpu.memref_squeeze %dma_start3A_15 : memref<1x79x128xi32, #tpu.memory_space<hbm>> -> memref<79x128xi32, #tpu.memory_space<hbm>>
      %dma_start3A_17 = arith.constant 0 : i32
      %dma_start3A_18 = arith.constant 0 : i32
      %dma_start3A_19 = tpu.memref_slice %arg3[%add3A, %dma_start3A_17, %dma_start3A_18] : memref<32x79x128xi32, #tpu.memory_space<hbm>> -> memref<1x79x128xi32, #tpu.memory_space<hbm>>
      %dma_start3A_20 = tpu.memref_squeeze %dma_start3A_19 : memref<1x79x128xi32, #tpu.memory_space<hbm>> -> memref<79x128xi32, #tpu.memory_space<hbm>>
      tpu.enqueue_dma source(%dma_start3A_20 : memref<79x128xi32, #tpu.memory_space<hbm>>) target(%arg7 : memref<79x128xi32, #tpu.memory_space<vmem>>) target_semaphore(%run_scoped3A : memref<!tpu.dma_semaphore, #tpu.memory_space<semaphore_mem>>)
      %dma_wait3A = arith.constant 0 : i32
      %dma_wait3A_21 = arith.constant 0 : i32
      %dma_wait3A_22 = tpu.memref_slice %arg3[%add3A, %dma_wait3A, %dma_wait3A_21] : memref<32x79x128xi32, #tpu.memory_space<hbm>> -> memref<1x79x128xi32, #tpu.memory_space<hbm>>
      %dma_wait3A_23 = tpu.memref_squeeze %dma_wait3A_22 : memref<1x79x128xi32, #tpu.memory_space<hbm>> -> memref<79x128xi32, #tpu.memory_space<hbm>>
      %dma_wait3A_24 = arith.constant 0 : i32
      %dma_wait3A_25 = arith.constant 0 : i32
      %dma_wait3A_26 = tpu.memref_slice %arg3[%add3A, %dma_wait3A_24, %dma_wait3A_25] : memref<32x79x128xi32, #tpu.memory_space<hbm>> -> memref<1x79x128xi32, #tpu.memory_space<hbm>>
      %dma_wait3A_27 = tpu.memref_squeeze %dma_wait3A_26 : memref<1x79x128xi32, #tpu.memory_space<hbm>> -> memref<79x128xi32, #tpu.memory_space<hbm>>
      tpu.wait_dma2 semaphore(%run_scoped3A : memref<!tpu.dma_semaphore, #tpu.memory_space<semaphore_mem>>) src(%dma_wait3A_27 : memref<79x128xi32, #tpu.memory_space<hbm>>) dst(%arg7 : memref<79x128xi32, #tpu.memory_space<vmem>>)
      tpu.yield
    }) : () -> ()
    "tpu.region"() ({
      %run_scoped3A = tpu.sem_alloc : memref<!tpu.dma_semaphore, #tpu.memory_space<semaphore_mem>>
      %dma_start3A = arith.constant 0 : i32
      %dma_start3A_14 = arith.constant 0 : i32
      %dma_start3A_15 = tpu.memref_slice %arg4[%add3A, %dma_start3A, %dma_start3A_14] : memref<32x79x128xi32, #tpu.memory_space<hbm>> -> memref<1x79x128xi32, #tpu.memory_space<hbm>>
      %dma_start3A_16 = tpu.memref_squeeze %dma_start3A_15 : memref<1x79x128xi32, #tpu.memory_space<hbm>> -> memref<79x128xi32, #tpu.memory_space<hbm>>
      %dma_start3A_17 = arith.constant 0 : i32
      %dma_start3A_18 = arith.constant 0 : i32
      %dma_start3A_19 = tpu.memref_slice %arg4[%add3A, %dma_start3A_17, %dma_start3A_18] : memref<32x79x128xi32, #tpu.memory_space<hbm>> -> memref<1x79x128xi32, #tpu.memory_space<hbm>>
      %dma_start3A_20 = tpu.memref_squeeze %dma_start3A_19 : memref<1x79x128xi32, #tpu.memory_space<hbm>> -> memref<79x128xi32, #tpu.memory_space<hbm>>
      tpu.enqueue_dma source(%dma_start3A_20 : memref<79x128xi32, #tpu.memory_space<hbm>>) target(%arg8 : memref<79x128xi32, #tpu.memory_space<vmem>>) target_semaphore(%run_scoped3A : memref<!tpu.dma_semaphore, #tpu.memory_space<semaphore_mem>>)
      %dma_wait3A = arith.constant 0 : i32
      %dma_wait3A_21 = arith.constant 0 : i32
      %dma_wait3A_22 = tpu.memref_slice %arg4[%add3A, %dma_wait3A, %dma_wait3A_21] : memref<32x79x128xi32, #tpu.memory_space<hbm>> -> memref<1x79x128xi32, #tpu.memory_space<hbm>>
      %dma_wait3A_23 = tpu.memref_squeeze %dma_wait3A_22 : memref<1x79x128xi32, #tpu.memory_space<hbm>> -> memref<79x128xi32, #tpu.memory_space<hbm>>
      %dma_wait3A_24 = arith.constant 0 : i32
      %dma_wait3A_25 = arith.constant 0 : i32
      %dma_wait3A_26 = tpu.memref_slice %arg4[%add3A, %dma_wait3A_24, %dma_wait3A_25] : memref<32x79x128xi32, #tpu.memory_space<hbm>> -> memref<1x79x128xi32, #tpu.memory_space<hbm>>
      %dma_wait3A_27 = tpu.memref_squeeze %dma_wait3A_26 : memref<1x79x128xi32, #tpu.memory_space<hbm>> -> memref<79x128xi32, #tpu.memory_space<hbm>>
      tpu.wait_dma2 semaphore(%run_scoped3A : memref<!tpu.dma_semaphore, #tpu.memory_space<semaphore_mem>>) src(%dma_wait3A_27 : memref<79x128xi32, #tpu.memory_space<hbm>>) dst(%arg8 : memref<79x128xi32, #tpu.memory_space<vmem>>)
      tpu.yield
    }) : () -> ()
    %mul3A_1 = arith.constant 632 : i32
    %mul3A_2 = arith.muli %arg1, %mul3A_1 : i32
    "tpu.region"() ({
      %run_scoped3A = tpu.sem_alloc : memref<!tpu.dma_semaphore, #tpu.memory_space<semaphore_mem>>
      %dma_start3A = arith.constant 0 : i32
      %dma_start3A_14 = tpu.memref_slice %arg10[%mul3A_2, %dma_start3A] : memref<10112x128xf32, #tpu.memory_space<vmem_shared>> -> memref<632x128xf32, #tpu.memory_space<vmem_shared>>
      tpu.enqueue_dma source(%arg5 : memref<632x128xf32, #tpu.memory_space<hbm>>) target(%dma_start3A_14 : memref<632x128xf32, #tpu.memory_space<vmem_shared>>) target_semaphore(%run_scoped3A : memref<!tpu.dma_semaphore, #tpu.memory_space<semaphore_mem>>)
      %dma_wait3A = arith.constant 0 : i32
      %dma_wait3A_15 = tpu.memref_slice %arg10[%mul3A_2, %dma_wait3A] : memref<10112x128xf32, #tpu.memory_space<vmem_shared>> -> memref<632x128xf32, #tpu.memory_space<vmem_shared>>
      tpu.wait_dma2 semaphore(%run_scoped3A : memref<!tpu.dma_semaphore, #tpu.memory_space<semaphore_mem>>) src(%arg5 : memref<632x128xf32, #tpu.memory_space<hbm>>) dst(%dma_wait3A_15 : memref<632x128xf32, #tpu.memory_space<vmem_shared>>)
      tpu.yield
    }) : () -> ()
    %barrier3A = arith.constant 0 : index
    tpu.barrier barrier_id(%barrier3A)
    %scan3A = arith.constant 0 : i32
    %scan3A_3 = arith.constant 0 : i32
    %scan3A_4 = arith.constant 79 : i32
    %scan3A_5 = arith.addi %scan3A_3, %scan3A_4 : i32
    %scan3A_6 = arith.constant 1 : i32
    %scan3A_7 = scf.for %scan3A_14 = %scan3A_3 to %scan3A_5 step %scan3A_6 iter_args(%scan3A_15 = %scan3A) -> (i32)  : i32 {
      %dma_start3A = arith.constant 0 : i32
      %dma_start3A_16 = tpu.memref_slice %arg7[%scan3A_14, %dma_start3A] : memref<79x128xi32, #tpu.memory_space<vmem>> -> memref<1x128xi32, #tpu.memory_space<vmem>>
      %dma_start3A_17 = tpu.memref_squeeze %dma_start3A_16 : memref<1x128xi32, #tpu.memory_space<vmem>> -> memref<128xi32, #tpu.memory_space<vmem>>
      %dma_start3A_18 = arith.constant 0 : i32
      %dma_start3A_19 = arith.constant 0 : i32
      %dma_start3A_20 = tpu.memref_slice %arg2[%dma_start3A_18, %dma_start3A_19] : memref<10112x128xf32, #tpu.memory_space<hbm>> -> memref<10112x128xf32, #tpu.memory_space<hbm>>
      tpu.enqueue_indirect_dma source(%dma_start3A_20 : memref<10112x128xf32, #tpu.memory_space<hbm>>) target(%arg9 : memref<128x128xf32, #tpu.memory_space<vmem>>) offsets(%dma_start3A_17 : memref<128xi32, #tpu.memory_space<vmem>>) semaphore(%arg11 : memref<!tpu.dma_semaphore, #tpu.memory_space<semaphore_mem>>)
      %dma_wait3A = arith.constant 0 : i32
      %dma_wait3A_21 = tpu.memref_slice %arg7[%scan3A_14, %dma_wait3A] : memref<79x128xi32, #tpu.memory_space<vmem>> -> memref<1x128xi32, #tpu.memory_space<vmem>>
      %dma_wait3A_22 = tpu.memref_squeeze %dma_wait3A_21 : memref<1x128xi32, #tpu.memory_space<vmem>> -> memref<128xi32, #tpu.memory_space<vmem>>
      %dma_wait3A_23 = arith.constant 0 : i32
      %dma_wait3A_24 = arith.constant 0 : i32
      %dma_wait3A_25 = tpu.memref_slice %arg2[%dma_wait3A_23, %dma_wait3A_24] : memref<10112x128xf32, #tpu.memory_space<hbm>> -> memref<10112x128xf32, #tpu.memory_space<hbm>>
      tpu.wait_indirect_dma semaphore(%arg11 : memref<!tpu.dma_semaphore, #tpu.memory_space<semaphore_mem>>) src(%dma_wait3A_25 : memref<10112x128xf32, #tpu.memory_space<hbm>>) dst(%arg9 : memref<128x128xf32, #tpu.memory_space<vmem>>)
      "tpu.region"() ({
        %run_scoped3A = tpu.sem_alloc : memref<!tpu.dma_semaphore, #tpu.memory_space<semaphore_mem>>
        %dma_start3A_27 = arith.constant 0 : i32
        %dma_start3A_28 = tpu.memref_slice %arg8[%scan3A_14, %dma_start3A_27] : memref<79x128xi32, #tpu.memory_space<vmem>> -> memref<1x128xi32, #tpu.memory_space<vmem>>
        %dma_start3A_29 = tpu.memref_squeeze %dma_start3A_28 : memref<1x128xi32, #tpu.memory_space<vmem>> -> memref<128xi32, #tpu.memory_space<vmem>>
        %dma_start3A_30 = arith.constant 0 : i32
        %dma_start3A_31 = arith.constant 0 : i32
        %dma_start3A_32 = tpu.memref_slice %arg10[%dma_start3A_30, %dma_start3A_31] : memref<10112x128xf32, #tpu.memory_space<vmem_shared>> -> memref<10112x128xf32, #tpu.memory_space<vmem_shared>>
        tpu.enqueue_indirect_dma source(%arg9 : memref<128x128xf32, #tpu.memory_space<vmem>>) target(%dma_start3A_32 : memref<10112x128xf32, #tpu.memory_space<vmem_shared>>) offsets(%dma_start3A_29 : memref<128xi32, #tpu.memory_space<vmem>>) semaphore(%run_scoped3A : memref<!tpu.dma_semaphore, #tpu.memory_space<semaphore_mem>>) {add = true}
        %dma_wait3A_33 = arith.constant 0 : i32
        %dma_wait3A_34 = tpu.memref_slice %arg8[%scan3A_14, %dma_wait3A_33] : memref<79x128xi32, #tpu.memory_space<vmem>> -> memref<1x128xi32, #tpu.memory_space<vmem>>
        %dma_wait3A_35 = tpu.memref_squeeze %dma_wait3A_34 : memref<1x128xi32, #tpu.memory_space<vmem>> -> memref<128xi32, #tpu.memory_space<vmem>>
        %dma_wait3A_36 = arith.constant 0 : i32
        %dma_wait3A_37 = arith.constant 0 : i32
        %dma_wait3A_38 = tpu.memref_slice %arg10[%dma_wait3A_36, %dma_wait3A_37] : memref<10112x128xf32, #tpu.memory_space<vmem_shared>> -> memref<10112x128xf32, #tpu.memory_space<vmem_shared>>
        tpu.wait_indirect_dma semaphore(%run_scoped3A : memref<!tpu.dma_semaphore, #tpu.memory_space<semaphore_mem>>) src(%arg9 : memref<128x128xf32, #tpu.memory_space<vmem>>) dst(%dma_wait3A_38 : memref<10112x128xf32, #tpu.memory_space<vmem_shared>>)
        tpu.yield
      }) : () -> ()
      %scan3A_26 = arith.constant 0 : i32
      scf.yield %scan3A_26 : i32
    }
    %scan3A_8 = arith.constant 79 : i32
    %barrier3A_9 = arith.constant 0 : index
    tpu.barrier barrier_id(%barrier3A_9)
    %mul3A_10 = arith.constant 632 : i32
    %mul3A_11 = arith.muli %arg1, %mul3A_10 : i32
    %mul3A_12 = arith.constant 632 : i32
    %mul3A_13 = arith.muli %arg1, %mul3A_12 : i32
    "tpu.region"() ({
      %run_scoped3A = tpu.sem_alloc : memref<!tpu.dma_semaphore, #tpu.memory_space<semaphore_mem>>
      %dma_start3A = arith.constant 0 : i32
      %dma_start3A_14 = tpu.memref_slice %arg6[%arg0, %mul3A_13, %dma_start3A] : memref<2x10112x128xf32, #tpu.memory_space<hbm>> -> memref<1x632x128xf32, #tpu.memory_space<hbm>>
      %dma_start3A_15 = tpu.memref_squeeze %dma_start3A_14 : memref<1x632x128xf32, #tpu.memory_space<hbm>> -> memref<632x128xf32, #tpu.memory_space<hbm>>
      %dma_start3A_16 = arith.constant 0 : i32
      %dma_start3A_17 = tpu.memref_slice %arg10[%mul3A_11, %dma_start3A_16] : memref<10112x128xf32, #tpu.memory_space<vmem_shared>> -> memref<632x128xf32, #tpu.memory_space<vmem_shared>>
      tpu.enqueue_dma source(%dma_start3A_17 : memref<632x128xf32, #tpu.memory_space<vmem_shared>>) target(%dma_start3A_15 : memref<632x128xf32, #tpu.memory_space<hbm>>) target_semaphore(%run_scoped3A : memref<!tpu.dma_semaphore, #tpu.memory_space<semaphore_mem>>)
      %dma_wait3A = arith.constant 0 : i32
      %dma_wait3A_18 = tpu.memref_slice %arg6[%arg0, %mul3A_13, %dma_wait3A] : memref<2x10112x128xf32, #tpu.memory_space<hbm>> -> memref<1x632x128xf32, #tpu.memory_space<hbm>>
      %dma_wait3A_19 = tpu.memref_squeeze %dma_wait3A_18 : memref<1x632x128xf32, #tpu.memory_space<hbm>> -> memref<632x128xf32, #tpu.memory_space<hbm>>
      %dma_wait3A_20 = arith.constant 0 : i32
      %dma_wait3A_21 = tpu.memref_slice %arg10[%mul3A_11, %dma_wait3A_20] : memref<10112x128xf32, #tpu.memory_space<vmem_shared>> -> memref<632x128xf32, #tpu.memory_space<vmem_shared>>
      tpu.wait_dma2 semaphore(%run_scoped3A : memref<!tpu.dma_semaphore, #tpu.memory_space<semaphore_mem>>) src(%dma_wait3A_21 : memref<632x128xf32, #tpu.memory_space<vmem_shared>>) dst(%dma_wait3A_19 : memref<632x128xf32, #tpu.memory_space<hbm>>)
      tpu.yield
    }) : () -> ()
    return
  }
}

#map = affine_map<(d0, d1) -> (0, 0, 0)>
#map1 = affine_map<(d0, d1) -> (0, 0)>
module attributes {stable_mosaic.version = 14 : i64} {
  func.func @_prep(%arg0: i32, %arg1: i32, %arg2: memref<32x79x128xi32, #tpu.memory_space<hbm>>, %arg3: memref<32x79x128xi32, #tpu.memory_space<hbm>>, %arg4: memref<632x128xf32, #tpu.memory_space<hbm>>, %arg5: memref<128x128xf32, #tpu.memory_space<hbm>>, %arg6: memref<2x10112x128xf32, #tpu.memory_space<hbm>>, %arg7: memref<32x79x128xi32, #tpu.memory_space<hbm>>, %arg8: memref<79x128xi32, #tpu.memory_space<vmem>>, %arg9: memref<79x128xi32, #tpu.memory_space<vmem>>, %arg10: memref<128x128xf32, #tpu.memory_space<vmem>>, %arg11: memref<10112x128xf32, #tpu.memory_space<vmem_shared>>) attributes {dimension_semantics = [#tpu.dimension_semantics<core_parallel>, #tpu.dimension_semantics<subcore_parallel>], iteration_bounds = array<i64: 2, 16>, scalar_prefetch = 0 : i64, scratch_operands = 4 : i64, tpu.core_type = #tpu.core_type<sc_vector_subcore>, window_params = [{transform_indices = #map}, {transform_indices = #map}, {transform_indices = #map1}, {transform_indices = #map1}, {transform_indices = #map}, {transform_indices = #map}]} {
    %mul3A = arith.constant 16 : i32
    %mul3A_0 = arith.muli %arg0, %mul3A : i32
    %add3A = arith.addi %mul3A_0, %arg1 : i32
    "tpu.region"() ({
      %run_scoped3A = tpu.sem_alloc : memref<!tpu.dma_semaphore, #tpu.memory_space<semaphore_mem>>
      %dma_start3A = arith.constant 0 : i32
      %dma_start3A_24 = arith.constant 0 : i32
      %dma_start3A_25 = tpu.memref_slice %arg2[%add3A, %dma_start3A, %dma_start3A_24] : memref<32x79x128xi32, #tpu.memory_space<hbm>> -> memref<1x79x128xi32, #tpu.memory_space<hbm>>
      %dma_start3A_26 = tpu.memref_squeeze %dma_start3A_25 : memref<1x79x128xi32, #tpu.memory_space<hbm>> -> memref<79x128xi32, #tpu.memory_space<hbm>>
      %dma_start3A_27 = arith.constant 0 : i32
      %dma_start3A_28 = arith.constant 0 : i32
      %dma_start3A_29 = tpu.memref_slice %arg2[%add3A, %dma_start3A_27, %dma_start3A_28] : memref<32x79x128xi32, #tpu.memory_space<hbm>> -> memref<1x79x128xi32, #tpu.memory_space<hbm>>
      %dma_start3A_30 = tpu.memref_squeeze %dma_start3A_29 : memref<1x79x128xi32, #tpu.memory_space<hbm>> -> memref<79x128xi32, #tpu.memory_space<hbm>>
      tpu.enqueue_dma source(%dma_start3A_30 : memref<79x128xi32, #tpu.memory_space<hbm>>) target(%arg8 : memref<79x128xi32, #tpu.memory_space<vmem>>) target_semaphore(%run_scoped3A : memref<!tpu.dma_semaphore, #tpu.memory_space<semaphore_mem>>)
      %dma_wait3A = arith.constant 0 : i32
      %dma_wait3A_31 = arith.constant 0 : i32
      %dma_wait3A_32 = tpu.memref_slice %arg2[%add3A, %dma_wait3A, %dma_wait3A_31] : memref<32x79x128xi32, #tpu.memory_space<hbm>> -> memref<1x79x128xi32, #tpu.memory_space<hbm>>
      %dma_wait3A_33 = tpu.memref_squeeze %dma_wait3A_32 : memref<1x79x128xi32, #tpu.memory_space<hbm>> -> memref<79x128xi32, #tpu.memory_space<hbm>>
      %dma_wait3A_34 = arith.constant 0 : i32
      %dma_wait3A_35 = arith.constant 0 : i32
      %dma_wait3A_36 = tpu.memref_slice %arg2[%add3A, %dma_wait3A_34, %dma_wait3A_35] : memref<32x79x128xi32, #tpu.memory_space<hbm>> -> memref<1x79x128xi32, #tpu.memory_space<hbm>>
      %dma_wait3A_37 = tpu.memref_squeeze %dma_wait3A_36 : memref<1x79x128xi32, #tpu.memory_space<hbm>> -> memref<79x128xi32, #tpu.memory_space<hbm>>
      tpu.wait_dma2 semaphore(%run_scoped3A : memref<!tpu.dma_semaphore, #tpu.memory_space<semaphore_mem>>) src(%dma_wait3A_37 : memref<79x128xi32, #tpu.memory_space<hbm>>) dst(%arg8 : memref<79x128xi32, #tpu.memory_space<vmem>>)
      tpu.yield
    }) : () -> ()
    "tpu.region"() ({
      %run_scoped3A = tpu.sem_alloc : memref<!tpu.dma_semaphore, #tpu.memory_space<semaphore_mem>>
      %dma_start3A = arith.constant 0 : i32
      %dma_start3A_24 = arith.constant 0 : i32
      %dma_start3A_25 = tpu.memref_slice %arg3[%add3A, %dma_start3A, %dma_start3A_24] : memref<32x79x128xi32, #tpu.memory_space<hbm>> -> memref<1x79x128xi32, #tpu.memory_space<hbm>>
      %dma_start3A_26 = tpu.memref_squeeze %dma_start3A_25 : memref<1x79x128xi32, #tpu.memory_space<hbm>> -> memref<79x128xi32, #tpu.memory_space<hbm>>
      %dma_start3A_27 = arith.constant 0 : i32
      %dma_start3A_28 = arith.constant 0 : i32
      %dma_start3A_29 = tpu.memref_slice %arg3[%add3A, %dma_start3A_27, %dma_start3A_28] : memref<32x79x128xi32, #tpu.memory_space<hbm>> -> memref<1x79x128xi32, #tpu.memory_space<hbm>>
      %dma_start3A_30 = tpu.memref_squeeze %dma_start3A_29 : memref<1x79x128xi32, #tpu.memory_space<hbm>> -> memref<79x128xi32, #tpu.memory_space<hbm>>
      tpu.enqueue_dma source(%dma_start3A_30 : memref<79x128xi32, #tpu.memory_space<hbm>>) target(%arg9 : memref<79x128xi32, #tpu.memory_space<vmem>>) target_semaphore(%run_scoped3A : memref<!tpu.dma_semaphore, #tpu.memory_space<semaphore_mem>>)
      %dma_wait3A = arith.constant 0 : i32
      %dma_wait3A_31 = arith.constant 0 : i32
      %dma_wait3A_32 = tpu.memref_slice %arg3[%add3A, %dma_wait3A, %dma_wait3A_31] : memref<32x79x128xi32, #tpu.memory_space<hbm>> -> memref<1x79x128xi32, #tpu.memory_space<hbm>>
      %dma_wait3A_33 = tpu.memref_squeeze %dma_wait3A_32 : memref<1x79x128xi32, #tpu.memory_space<hbm>> -> memref<79x128xi32, #tpu.memory_space<hbm>>
      %dma_wait3A_34 = arith.constant 0 : i32
      %dma_wait3A_35 = arith.constant 0 : i32
      %dma_wait3A_36 = tpu.memref_slice %arg3[%add3A, %dma_wait3A_34, %dma_wait3A_35] : memref<32x79x128xi32, #tpu.memory_space<hbm>> -> memref<1x79x128xi32, #tpu.memory_space<hbm>>
      %dma_wait3A_37 = tpu.memref_squeeze %dma_wait3A_36 : memref<1x79x128xi32, #tpu.memory_space<hbm>> -> memref<79x128xi32, #tpu.memory_space<hbm>>
      tpu.wait_dma2 semaphore(%run_scoped3A : memref<!tpu.dma_semaphore, #tpu.memory_space<semaphore_mem>>) src(%dma_wait3A_37 : memref<79x128xi32, #tpu.memory_space<hbm>>) dst(%arg9 : memref<79x128xi32, #tpu.memory_space<vmem>>)
      tpu.yield
    }) : () -> ()
    "tpu.region"() ({
      %run_scoped3A = tpu.sem_alloc : memref<!tpu.dma_semaphore, #tpu.memory_space<semaphore_mem>>
      tpu.enqueue_dma source(%arg5 : memref<128x128xf32, #tpu.memory_space<hbm>>) target(%arg10 : memref<128x128xf32, #tpu.memory_space<vmem>>) target_semaphore(%run_scoped3A : memref<!tpu.dma_semaphore, #tpu.memory_space<semaphore_mem>>)
      tpu.wait_dma2 semaphore(%run_scoped3A : memref<!tpu.dma_semaphore, #tpu.memory_space<semaphore_mem>>) src(%arg5 : memref<128x128xf32, #tpu.memory_space<hbm>>) dst(%arg10 : memref<128x128xf32, #tpu.memory_space<vmem>>)
      tpu.yield
    }) : () -> ()
    %mul3A_1 = arith.constant 632 : i32
    %mul3A_2 = arith.muli %arg1, %mul3A_1 : i32
    "tpu.region"() ({
      %run_scoped3A = tpu.sem_alloc : memref<!tpu.dma_semaphore, #tpu.memory_space<semaphore_mem>>
      %dma_start3A = arith.constant 0 : i32
      %dma_start3A_24 = tpu.memref_slice %arg11[%mul3A_2, %dma_start3A] : memref<10112x128xf32, #tpu.memory_space<vmem_shared>> -> memref<632x128xf32, #tpu.memory_space<vmem_shared>>
      tpu.enqueue_dma source(%arg4 : memref<632x128xf32, #tpu.memory_space<hbm>>) target(%dma_start3A_24 : memref<632x128xf32, #tpu.memory_space<vmem_shared>>) target_semaphore(%run_scoped3A : memref<!tpu.dma_semaphore, #tpu.memory_space<semaphore_mem>>)
      %dma_wait3A = arith.constant 0 : i32
      %dma_wait3A_25 = tpu.memref_slice %arg11[%mul3A_2, %dma_wait3A] : memref<10112x128xf32, #tpu.memory_space<vmem_shared>> -> memref<632x128xf32, #tpu.memory_space<vmem_shared>>
      tpu.wait_dma2 semaphore(%run_scoped3A : memref<!tpu.dma_semaphore, #tpu.memory_space<semaphore_mem>>) src(%arg4 : memref<632x128xf32, #tpu.memory_space<hbm>>) dst(%dma_wait3A_25 : memref<632x128xf32, #tpu.memory_space<vmem_shared>>)
      tpu.yield
    }) : () -> ()
    %broadcast_in_dim3A = arith.constant 10000 : i32
    %broadcast_in_dim3A_3 = vector.broadcast %broadcast_in_dim3A : i32 to vector<16xi32>
    %add3A_4 = vector.broadcast %add3A : i32 to vector<16xi32>
    %add3A_5 = arith.addi %broadcast_in_dim3A_3, %add3A_4 : vector<16xi32>
    %scan3A = arith.constant 0 : i32
    %scan3A_6 = arith.constant 0 : i32
    %scan3A_7 = arith.constant 79 : i32
    %scan3A_8 = arith.addi %scan3A_6, %scan3A_7 : i32
    %scan3A_9 = arith.constant 1 : i32
    %scan3A_10 = scf.for %scan3A_24 = %scan3A_6 to %scan3A_8 step %scan3A_9 iter_args(%scan3A_25 = %scan3A) -> (i32)  : i32 {
      %scan3A_26 = arith.constant 0 : i32
      %scan3A_27 = arith.constant 0 : i32
      %scan3A_28 = arith.constant 8 : i32
      %scan3A_29 = arith.addi %scan3A_27, %scan3A_28 : i32
      %scan3A_30 = arith.constant 1 : i32
      %scan3A_31 = scf.for %scan3A_33 = %scan3A_27 to %scan3A_29 step %scan3A_30 iter_args(%scan3A_34 = %scan3A_26) -> (i32)  : i32 {
        %mul3A_35 = arith.constant 16 : i32
        %mul3A_36 = arith.muli %scan3A_33, %mul3A_35 : i32
        %get3A = arith.index_cast %scan3A_24 : i32 to index
        %get3A_37 = arith.index_cast %mul3A_36 : i32 to index
        %get3A_38 = tpu.vector_load %arg8[%get3A, %get3A_37] {strides = array<i32>} : memref<79x128xi32, #tpu.memory_space<vmem>>, vector<1x16xi32>,
        %get3A_39 = vector.shape_cast %get3A_38 : vector<1x16xi32> to vector<16xi32>
        %get3A_40 = arith.index_cast %scan3A_24 : i32 to index
        %get3A_41 = arith.index_cast %mul3A_36 : i32 to index
        %get3A_42 = tpu.vector_load %arg9[%get3A_40, %get3A_41] {strides = array<i32>} : memref<79x128xi32, #tpu.memory_space<vmem>>, vector<1x16xi32>,
        %get3A_43 = vector.shape_cast %get3A_42 : vector<1x16xi32> to vector<16xi32>
        %ne3A = arith.cmpi ne, %get3A_39, %get3A_43 : vector<16xi32>
        %select_n3A = arith.select %ne3A, %get3A_39, %add3A_5 : vector<16xi1>, vector<16xi32>
        %swap3A = arith.index_cast %scan3A_24 : i32 to index
        %swap3A_44 = arith.index_cast %mul3A_36 : i32 to index
        %swap3A_45 = tpu.vector_load %arg8[%swap3A, %swap3A_44] {strides = array<i32>} : memref<79x128xi32, #tpu.memory_space<vmem>>, vector<1x16xi32>,
        %swap3A_46 = vector.shape_cast %swap3A_45 : vector<1x16xi32> to vector<16xi32>
        %swap3A_47 = vector.shape_cast %select_n3A : vector<16xi32> to vector<1x16xi32>
        tpu.vector_store %arg8[%swap3A, %swap3A_44], %swap3A_47 {strides = array<i32>} : memref<79x128xi32, #tpu.memory_space<vmem>>, vector<1x16xi32>,
        %select_n3A_48 = arith.select %ne3A, %get3A_43, %add3A_5 : vector<16xi1>, vector<16xi32>
        %swap3A_49 = arith.index_cast %scan3A_24 : i32 to index
        %swap3A_50 = arith.index_cast %mul3A_36 : i32 to index
        %swap3A_51 = tpu.vector_load %arg9[%swap3A_49, %swap3A_50] {strides = array<i32>} : memref<79x128xi32, #tpu.memory_space<vmem>>, vector<1x16xi32>,
        %swap3A_52 = vector.shape_cast %swap3A_51 : vector<1x16xi32> to vector<16xi32>
        %swap3A_53 = vector.shape_cast %select_n3A_48 : vector<16xi32> to vector<1x16xi32>
        tpu.vector_store %arg9[%swap3A_49, %swap3A_50], %swap3A_53 {strides = array<i32>} : memref<79x128xi32, #tpu.memory_space<vmem>>, vector<1x16xi32>,
        %scan3A_54 = arith.constant 0 : i32
        scf.yield %scan3A_54 : i32
      }
      %scan3A_32 = arith.constant 8 : i32
      scf.yield %scan3A_31 : i32
    }
    %scan3A_11 = arith.constant 79 : i32
    %barrier3A = arith.constant 0 : index
    tpu.barrier barrier_id(%barrier3A)
    %scan3A_12 = arith.constant 0 : i32
    %scan3A_13 = arith.constant 0 : i32
    %scan3A_14 = arith.constant 79 : i32
    %scan3A_15 = arith.addi %scan3A_13, %scan3A_14 : i32
    %scan3A_16 = arith.constant 1 : i32
    %scan3A_17 = scf.for %scan3A_24 = %scan3A_13 to %scan3A_15 step %scan3A_16 iter_args(%scan3A_25 = %scan3A_12) -> (i32)  : i32 {
      "tpu.region"() ({
        %run_scoped3A = tpu.sem_alloc : memref<!tpu.dma_semaphore, #tpu.memory_space<semaphore_mem>>
        %dma_start3A = arith.constant 0 : i32
        %dma_start3A_27 = tpu.memref_slice %arg9[%scan3A_24, %dma_start3A] : memref<79x128xi32, #tpu.memory_space<vmem>> -> memref<1x128xi32, #tpu.memory_space<vmem>>
        %dma_start3A_28 = tpu.memref_squeeze %dma_start3A_27 : memref<1x128xi32, #tpu.memory_space<vmem>> -> memref<128xi32, #tpu.memory_space<vmem>>
        %dma_start3A_29 = arith.constant 0 : i32
        %dma_start3A_30 = arith.constant 0 : i32
        %dma_start3A_31 = tpu.memref_slice %arg11[%dma_start3A_29, %dma_start3A_30] : memref<10112x128xf32, #tpu.memory_space<vmem_shared>> -> memref<10112x128xf32, #tpu.memory_space<vmem_shared>>
        tpu.enqueue_indirect_dma source(%arg10 : memref<128x128xf32, #tpu.memory_space<vmem>>) target(%dma_start3A_31 : memref<10112x128xf32, #tpu.memory_space<vmem_shared>>) offsets(%dma_start3A_28 : memref<128xi32, #tpu.memory_space<vmem>>) semaphore(%run_scoped3A : memref<!tpu.dma_semaphore, #tpu.memory_space<semaphore_mem>>) {add = true}
        %dma_wait3A = arith.constant 0 : i32
        %dma_wait3A_32 = tpu.memref_slice %arg9[%scan3A_24, %dma_wait3A] : memref<79x128xi32, #tpu.memory_space<vmem>> -> memref<1x128xi32, #tpu.memory_space<vmem>>
        %dma_wait3A_33 = tpu.memref_squeeze %dma_wait3A_32 : memref<1x128xi32, #tpu.memory_space<vmem>> -> memref<128xi32, #tpu.memory_space<vmem>>
        %dma_wait3A_34 = arith.constant 0 : i32
        %dma_wait3A_35 = arith.constant 0 : i32
        %dma_wait3A_36 = tpu.memref_slice %arg11[%dma_wait3A_34, %dma_wait3A_35] : memref<10112x128xf32, #tpu.memory_space<vmem_shared>> -> memref<10112x128xf32, #tpu.memory_space<vmem_shared>>
        tpu.wait_indirect_dma semaphore(%run_scoped3A : memref<!tpu.dma_semaphore, #tpu.memory_space<semaphore_mem>>) src(%arg10 : memref<128x128xf32, #tpu.memory_space<vmem>>) dst(%dma_wait3A_36 : memref<10112x128xf32, #tpu.memory_space<vmem_shared>>)
        tpu.yield
      }) : () -> ()
      %scan3A_26 = arith.constant 0 : i32
      scf.yield %scan3A_26 : i32
    }
    %scan3A_18 = arith.constant 79 : i32
    %barrier3A_19 = arith.constant 0 : index
    tpu.barrier barrier_id(%barrier3A_19)
    %mul3A_20 = arith.constant 632 : i32
    %mul3A_21 = arith.muli %arg1, %mul3A_20 : i32
    %mul3A_22 = arith.constant 632 : i32
    %mul3A_23 = arith.muli %arg1, %mul3A_22 : i32
    "tpu.region"() ({
      %run_scoped3A = tpu.sem_alloc : memref<!tpu.dma_semaphore, #tpu.memory_space<semaphore_mem>>
      %dma_start3A = arith.constant 0 : i32
      %dma_start3A_24 = tpu.memref_slice %arg6[%arg0, %mul3A_23, %dma_start3A] : memref<2x10112x128xf32, #tpu.memory_space<hbm>> -> memref<1x632x128xf32, #tpu.memory_space<hbm>>
      %dma_start3A_25 = tpu.memref_squeeze %dma_start3A_24 : memref<1x632x128xf32, #tpu.memory_space<hbm>> -> memref<632x128xf32, #tpu.memory_space<hbm>>
      %dma_start3A_26 = arith.constant 0 : i32
      %dma_start3A_27 = tpu.memref_slice %arg11[%mul3A_21, %dma_start3A_26] : memref<10112x128xf32, #tpu.memory_space<vmem_shared>> -> memref<632x128xf32, #tpu.memory_space<vmem_shared>>
      tpu.enqueue_dma source(%dma_start3A_27 : memref<632x128xf32, #tpu.memory_space<vmem_shared>>) target(%dma_start3A_25 : memref<632x128xf32, #tpu.memory_space<hbm>>) target_semaphore(%run_scoped3A : memref<!tpu.dma_semaphore, #tpu.memory_space<semaphore_mem>>)
      %dma_wait3A = arith.constant 0 : i32
      %dma_wait3A_28 = tpu.memref_slice %arg6[%arg0, %mul3A_23, %dma_wait3A] : memref<2x10112x128xf32, #tpu.memory_space<hbm>> -> memref<1x632x128xf32, #tpu.memory_space<hbm>>
      %dma_wait3A_29 = tpu.memref_squeeze %dma_wait3A_28 : memref<1x632x128xf32, #tpu.memory_space<hbm>> -> memref<632x128xf32, #tpu.memory_space<hbm>>
      %dma_wait3A_30 = arith.constant 0 : i32
      %dma_wait3A_31 = tpu.memref_slice %arg11[%mul3A_21, %dma_wait3A_30] : memref<10112x128xf32, #tpu.memory_space<vmem_shared>> -> memref<632x128xf32, #tpu.memory_space<vmem_shared>>
      tpu.wait_dma2 semaphore(%run_scoped3A : memref<!tpu.dma_semaphore, #tpu.memory_space<semaphore_mem>>) src(%dma_wait3A_31 : memref<632x128xf32, #tpu.memory_space<vmem_shared>>) dst(%dma_wait3A_29 : memref<632x128xf32, #tpu.memory_space<hbm>>)
      tpu.yield
    }) : () -> ()
    "tpu.region"() ({
      %run_scoped3A = tpu.sem_alloc : memref<!tpu.dma_semaphore, #tpu.memory_space<semaphore_mem>>
      %dma_start3A = arith.constant 0 : i32
      %dma_start3A_24 = arith.constant 0 : i32
      %dma_start3A_25 = tpu.memref_slice %arg7[%add3A, %dma_start3A, %dma_start3A_24] : memref<32x79x128xi32, #tpu.memory_space<hbm>> -> memref<1x79x128xi32, #tpu.memory_space<hbm>>
      %dma_start3A_26 = tpu.memref_squeeze %dma_start3A_25 : memref<1x79x128xi32, #tpu.memory_space<hbm>> -> memref<79x128xi32, #tpu.memory_space<hbm>>
      %dma_start3A_27 = arith.constant 0 : i32
      %dma_start3A_28 = arith.constant 0 : i32
      %dma_start3A_29 = tpu.memref_slice %arg7[%add3A, %dma_start3A_27, %dma_start3A_28] : memref<32x79x128xi32, #tpu.memory_space<hbm>> -> memref<1x79x128xi32, #tpu.memory_space<hbm>>
      %dma_start3A_30 = tpu.memref_squeeze %dma_start3A_29 : memref<1x79x128xi32, #tpu.memory_space<hbm>> -> memref<79x128xi32, #tpu.memory_space<hbm>>
      tpu.enqueue_dma source(%arg8 : memref<79x128xi32, #tpu.memory_space<vmem>>) target(%dma_start3A_30 : memref<79x128xi32, #tpu.memory_space<hbm>>) target_semaphore(%run_scoped3A : memref<!tpu.dma_semaphore, #tpu.memory_space<semaphore_mem>>)
      %dma_wait3A = arith.constant 0 : i32
      %dma_wait3A_31 = arith.constant 0 : i32
      %dma_wait3A_32 = tpu.memref_slice %arg7[%add3A, %dma_wait3A, %dma_wait3A_31] : memref<32x79x128xi32, #tpu.memory_space<hbm>> -> memref<1x79x128xi32, #tpu.memory_space<hbm>>
      %dma_wait3A_33 = tpu.memref_squeeze %dma_wait3A_32 : memref<1x79x128xi32, #tpu.memory_space<hbm>> -> memref<79x128xi32, #tpu.memory_space<hbm>>
      %dma_wait3A_34 = arith.constant 0 : i32
      %dma_wait3A_35 = arith.constant 0 : i32
      %dma_wait3A_36 = tpu.memref_slice %arg7[%add3A, %dma_wait3A_34, %dma_wait3A_35] : memref<32x79x128xi32, #tpu.memory_space<hbm>> -> memref<1x79x128xi32, #tpu.memory_space<hbm>>
      %dma_wait3A_37 = tpu.memref_squeeze %dma_wait3A_36 : memref<1x79x128xi32, #tpu.memory_space<hbm>> -> memref<79x128xi32, #tpu.memory_space<hbm>>
      tpu.wait_dma2 semaphore(%run_scoped3A : memref<!tpu.dma_semaphore, #tpu.memory_space<semaphore_mem>>) src(%arg8 : memref<79x128xi32, #tpu.memory_space<vmem>>) dst(%dma_wait3A_37 : memref<79x128xi32, #tpu.memory_space<hbm>>)
      tpu.yield
    }) : () -> ()
    return
  }
}

#map = affine_map<(d0, d1) -> (0, 0)>
#map1 = affine_map<(d0, d1) -> (0, 0, 0)>
module attributes {stable_mosaic.version = 14 : i64} {
  func.func @_spmm(%arg0: i32, %arg1: i32, %arg2: memref<10112x128xf32, #tpu.memory_space<hbm>>, %arg3: memref<32x79x128xi32, #tpu.memory_space<hbm>>, %arg4: memref<32x79x128xi32, #tpu.memory_space<hbm>>, %arg5: memref<632x128xf32, #tpu.memory_space<hbm>>, %arg6: memref<2x10112x128xf32, #tpu.memory_space<hbm>>, %arg7: memref<79x128xi32, #tpu.memory_space<vmem>>, %arg8: memref<79x128xi32, #tpu.memory_space<vmem>>, %arg9: memref<128x128xf32, #tpu.memory_space<vmem>>, %arg10: memref<10112x128xf32, #tpu.memory_space<vmem_shared>>, %arg11: memref<!tpu.dma_semaphore, #tpu.memory_space<semaphore_mem>>) attributes {dimension_semantics = [#tpu.dimension_semantics<core_parallel>, #tpu.dimension_semantics<subcore_parallel>], iteration_bounds = array<i64: 2, 16>, scalar_prefetch = 0 : i64, scratch_operands = 5 : i64, tpu.core_type = #tpu.core_type<sc_vector_subcore>, window_params = [{transform_indices = #map}, {transform_indices = #map1}, {transform_indices = #map1}, {transform_indices = #map}, {transform_indices = #map1}]} {
    %mul3A = arith.constant 16 : i32
    %mul3A_0 = arith.muli %arg0, %mul3A : i32
    %add3A = arith.addi %mul3A_0, %arg1 : i32
    "tpu.region"() ({
      %run_scoped3A = tpu.sem_alloc : memref<!tpu.dma_semaphore, #tpu.memory_space<semaphore_mem>>
      %dma_start3A = arith.constant 0 : i32
      %dma_start3A_14 = arith.constant 0 : i32
      %dma_start3A_15 = tpu.memref_slice %arg3[%add3A, %dma_start3A, %dma_start3A_14] : memref<32x79x128xi32, #tpu.memory_space<hbm>> -> memref<1x79x128xi32, #tpu.memory_space<hbm>>
      %dma_start3A_16 = tpu.memref_squeeze %dma_start3A_15 : memref<1x79x128xi32, #tpu.memory_space<hbm>> -> memref<79x128xi32, #tpu.memory_space<hbm>>
      %dma_start3A_17 = arith.constant 0 : i32
      %dma_start3A_18 = arith.constant 0 : i32
      %dma_start3A_19 = tpu.memref_slice %arg3[%add3A, %dma_start3A_17, %dma_start3A_18] : memref<32x79x128xi32, #tpu.memory_space<hbm>> -> memref<1x79x128xi32, #tpu.memory_space<hbm>>
      %dma_start3A_20 = tpu.memref_squeeze %dma_start3A_19 : memref<1x79x128xi32, #tpu.memory_space<hbm>> -> memref<79x128xi32, #tpu.memory_space<hbm>>
      tpu.enqueue_dma source(%dma_start3A_20 : memref<79x128xi32, #tpu.memory_space<hbm>>) target(%arg7 : memref<79x128xi32, #tpu.memory_space<vmem>>) target_semaphore(%run_scoped3A : memref<!tpu.dma_semaphore, #tpu.memory_space<semaphore_mem>>)
      %dma_wait3A = arith.constant 0 : i32
      %dma_wait3A_21 = arith.constant 0 : i32
      %dma_wait3A_22 = tpu.memref_slice %arg3[%add3A, %dma_wait3A, %dma_wait3A_21] : memref<32x79x128xi32, #tpu.memory_space<hbm>> -> memref<1x79x128xi32, #tpu.memory_space<hbm>>
      %dma_wait3A_23 = tpu.memref_squeeze %dma_wait3A_22 : memref<1x79x128xi32, #tpu.memory_space<hbm>> -> memref<79x128xi32, #tpu.memory_space<hbm>>
      %dma_wait3A_24 = arith.constant 0 : i32
      %dma_wait3A_25 = arith.constant 0 : i32
      %dma_wait3A_26 = tpu.memref_slice %arg3[%add3A, %dma_wait3A_24, %dma_wait3A_25] : memref<32x79x128xi32, #tpu.memory_space<hbm>> -> memref<1x79x128xi32, #tpu.memory_space<hbm>>
      %dma_wait3A_27 = tpu.memref_squeeze %dma_wait3A_26 : memref<1x79x128xi32, #tpu.memory_space<hbm>> -> memref<79x128xi32, #tpu.memory_space<hbm>>
      tpu.wait_dma2 semaphore(%run_scoped3A : memref<!tpu.dma_semaphore, #tpu.memory_space<semaphore_mem>>) src(%dma_wait3A_27 : memref<79x128xi32, #tpu.memory_space<hbm>>) dst(%arg7 : memref<79x128xi32, #tpu.memory_space<vmem>>)
      tpu.yield
    }) : () -> ()
    "tpu.region"() ({
      %run_scoped3A = tpu.sem_alloc : memref<!tpu.dma_semaphore, #tpu.memory_space<semaphore_mem>>
      %dma_start3A = arith.constant 0 : i32
      %dma_start3A_14 = arith.constant 0 : i32
      %dma_start3A_15 = tpu.memref_slice %arg4[%add3A, %dma_start3A, %dma_start3A_14] : memref<32x79x128xi32, #tpu.memory_space<hbm>> -> memref<1x79x128xi32, #tpu.memory_space<hbm>>
      %dma_start3A_16 = tpu.memref_squeeze %dma_start3A_15 : memref<1x79x128xi32, #tpu.memory_space<hbm>> -> memref<79x128xi32, #tpu.memory_space<hbm>>
      %dma_start3A_17 = arith.constant 0 : i32
      %dma_start3A_18 = arith.constant 0 : i32
      %dma_start3A_19 = tpu.memref_slice %arg4[%add3A, %dma_start3A_17, %dma_start3A_18] : memref<32x79x128xi32, #tpu.memory_space<hbm>> -> memref<1x79x128xi32, #tpu.memory_space<hbm>>
      %dma_start3A_20 = tpu.memref_squeeze %dma_start3A_19 : memref<1x79x128xi32, #tpu.memory_space<hbm>> -> memref<79x128xi32, #tpu.memory_space<hbm>>
      tpu.enqueue_dma source(%dma_start3A_20 : memref<79x128xi32, #tpu.memory_space<hbm>>) target(%arg8 : memref<79x128xi32, #tpu.memory_space<vmem>>) target_semaphore(%run_scoped3A : memref<!tpu.dma_semaphore, #tpu.memory_space<semaphore_mem>>)
      %dma_wait3A = arith.constant 0 : i32
      %dma_wait3A_21 = arith.constant 0 : i32
      %dma_wait3A_22 = tpu.memref_slice %arg4[%add3A, %dma_wait3A, %dma_wait3A_21] : memref<32x79x128xi32, #tpu.memory_space<hbm>> -> memref<1x79x128xi32, #tpu.memory_space<hbm>>
      %dma_wait3A_23 = tpu.memref_squeeze %dma_wait3A_22 : memref<1x79x128xi32, #tpu.memory_space<hbm>> -> memref<79x128xi32, #tpu.memory_space<hbm>>
      %dma_wait3A_24 = arith.constant 0 : i32
      %dma_wait3A_25 = arith.constant 0 : i32
      %dma_wait3A_26 = tpu.memref_slice %arg4[%add3A, %dma_wait3A_24, %dma_wait3A_25] : memref<32x79x128xi32, #tpu.memory_space<hbm>> -> memref<1x79x128xi32, #tpu.memory_space<hbm>>
      %dma_wait3A_27 = tpu.memref_squeeze %dma_wait3A_26 : memref<1x79x128xi32, #tpu.memory_space<hbm>> -> memref<79x128xi32, #tpu.memory_space<hbm>>
      tpu.wait_dma2 semaphore(%run_scoped3A : memref<!tpu.dma_semaphore, #tpu.memory_space<semaphore_mem>>) src(%dma_wait3A_27 : memref<79x128xi32, #tpu.memory_space<hbm>>) dst(%arg8 : memref<79x128xi32, #tpu.memory_space<vmem>>)
      tpu.yield
    }) : () -> ()
    %mul3A_1 = arith.constant 632 : i32
    %mul3A_2 = arith.muli %arg1, %mul3A_1 : i32
    "tpu.region"() ({
      %run_scoped3A = tpu.sem_alloc : memref<!tpu.dma_semaphore, #tpu.memory_space<semaphore_mem>>
      %dma_start3A = arith.constant 0 : i32
      %dma_start3A_14 = tpu.memref_slice %arg10[%mul3A_2, %dma_start3A] : memref<10112x128xf32, #tpu.memory_space<vmem_shared>> -> memref<632x128xf32, #tpu.memory_space<vmem_shared>>
      tpu.enqueue_dma source(%arg5 : memref<632x128xf32, #tpu.memory_space<hbm>>) target(%dma_start3A_14 : memref<632x128xf32, #tpu.memory_space<vmem_shared>>) target_semaphore(%run_scoped3A : memref<!tpu.dma_semaphore, #tpu.memory_space<semaphore_mem>>)
      %dma_wait3A = arith.constant 0 : i32
      %dma_wait3A_15 = tpu.memref_slice %arg10[%mul3A_2, %dma_wait3A] : memref<10112x128xf32, #tpu.memory_space<vmem_shared>> -> memref<632x128xf32, #tpu.memory_space<vmem_shared>>
      tpu.wait_dma2 semaphore(%run_scoped3A : memref<!tpu.dma_semaphore, #tpu.memory_space<semaphore_mem>>) src(%arg5 : memref<632x128xf32, #tpu.memory_space<hbm>>) dst(%dma_wait3A_15 : memref<632x128xf32, #tpu.memory_space<vmem_shared>>)
      tpu.yield
    }) : () -> ()
    %barrier3A = arith.constant 0 : index
    tpu.barrier barrier_id(%barrier3A)
    %scan3A = arith.constant 0 : i32
    %scan3A_3 = arith.constant 0 : i32
    %scan3A_4 = arith.constant 79 : i32
    %scan3A_5 = arith.addi %scan3A_3, %scan3A_4 : i32
    %scan3A_6 = arith.constant 1 : i32
    %scan3A_7 = scf.for %scan3A_14 = %scan3A_3 to %scan3A_5 step %scan3A_6 iter_args(%scan3A_15 = %scan3A) -> (i32)  : i32 {
      %dma_start3A = arith.constant 0 : i32
      %dma_start3A_16 = tpu.memref_slice %arg7[%scan3A_14, %dma_start3A] : memref<79x128xi32, #tpu.memory_space<vmem>> -> memref<1x128xi32, #tpu.memory_space<vmem>>
      %dma_start3A_17 = tpu.memref_squeeze %dma_start3A_16 : memref<1x128xi32, #tpu.memory_space<vmem>> -> memref<128xi32, #tpu.memory_space<vmem>>
      %dma_start3A_18 = arith.constant 0 : i32
      %dma_start3A_19 = arith.constant 0 : i32
      %dma_start3A_20 = tpu.memref_slice %arg2[%dma_start3A_18, %dma_start3A_19] : memref<10112x128xf32, #tpu.memory_space<hbm>> -> memref<10112x128xf32, #tpu.memory_space<hbm>>
      tpu.enqueue_indirect_dma source(%dma_start3A_20 : memref<10112x128xf32, #tpu.memory_space<hbm>>) target(%arg9 : memref<128x128xf32, #tpu.memory_space<vmem>>) offsets(%dma_start3A_17 : memref<128xi32, #tpu.memory_space<vmem>>) semaphore(%arg11 : memref<!tpu.dma_semaphore, #tpu.memory_space<semaphore_mem>>)
      %dma_wait3A = arith.constant 0 : i32
      %dma_wait3A_21 = tpu.memref_slice %arg7[%scan3A_14, %dma_wait3A] : memref<79x128xi32, #tpu.memory_space<vmem>> -> memref<1x128xi32, #tpu.memory_space<vmem>>
      %dma_wait3A_22 = tpu.memref_squeeze %dma_wait3A_21 : memref<1x128xi32, #tpu.memory_space<vmem>> -> memref<128xi32, #tpu.memory_space<vmem>>
      %dma_wait3A_23 = arith.constant 0 : i32
      %dma_wait3A_24 = arith.constant 0 : i32
      %dma_wait3A_25 = tpu.memref_slice %arg2[%dma_wait3A_23, %dma_wait3A_24] : memref<10112x128xf32, #tpu.memory_space<hbm>> -> memref<10112x128xf32, #tpu.memory_space<hbm>>
      tpu.wait_indirect_dma semaphore(%arg11 : memref<!tpu.dma_semaphore, #tpu.memory_space<semaphore_mem>>) src(%dma_wait3A_25 : memref<10112x128xf32, #tpu.memory_space<hbm>>) dst(%arg9 : memref<128x128xf32, #tpu.memory_space<vmem>>)
      "tpu.region"() ({
        %run_scoped3A = tpu.sem_alloc : memref<!tpu.dma_semaphore, #tpu.memory_space<semaphore_mem>>
        %dma_start3A_27 = arith.constant 0 : i32
        %dma_start3A_28 = tpu.memref_slice %arg8[%scan3A_14, %dma_start3A_27] : memref<79x128xi32, #tpu.memory_space<vmem>> -> memref<1x128xi32, #tpu.memory_space<vmem>>
        %dma_start3A_29 = tpu.memref_squeeze %dma_start3A_28 : memref<1x128xi32, #tpu.memory_space<vmem>> -> memref<128xi32, #tpu.memory_space<vmem>>
        %dma_start3A_30 = arith.constant 0 : i32
        %dma_start3A_31 = arith.constant 0 : i32
        %dma_start3A_32 = tpu.memref_slice %arg10[%dma_start3A_30, %dma_start3A_31] : memref<10112x128xf32, #tpu.memory_space<vmem_shared>> -> memref<10112x128xf32, #tpu.memory_space<vmem_shared>>
        tpu.enqueue_indirect_dma source(%arg9 : memref<128x128xf32, #tpu.memory_space<vmem>>) target(%dma_start3A_32 : memref<10112x128xf32, #tpu.memory_space<vmem_shared>>) offsets(%dma_start3A_29 : memref<128xi32, #tpu.memory_space<vmem>>) semaphore(%run_scoped3A : memref<!tpu.dma_semaphore, #tpu.memory_space<semaphore_mem>>) {add = true}
        %dma_wait3A_33 = arith.constant 0 : i32
        %dma_wait3A_34 = tpu.memref_slice %arg8[%scan3A_14, %dma_wait3A_33] : memref<79x128xi32, #tpu.memory_space<vmem>> -> memref<1x128xi32, #tpu.memory_space<vmem>>
        %dma_wait3A_35 = tpu.memref_squeeze %dma_wait3A_34 : memref<1x128xi32, #tpu.memory_space<vmem>> -> memref<128xi32, #tpu.memory_space<vmem>>
        %dma_wait3A_36 = arith.constant 0 : i32
        %dma_wait3A_37 = arith.constant 0 : i32
        %dma_wait3A_38 = tpu.memref_slice %arg10[%dma_wait3A_36, %dma_wait3A_37] : memref<10112x128xf32, #tpu.memory_space<vmem_shared>> -> memref<10112x128xf32, #tpu.memory_space<vmem_shared>>
        tpu.wait_indirect_dma semaphore(%run_scoped3A : memref<!tpu.dma_semaphore, #tpu.memory_space<semaphore_mem>>) src(%arg9 : memref<128x128xf32, #tpu.memory_space<vmem>>) dst(%dma_wait3A_38 : memref<10112x128xf32, #tpu.memory_space<vmem_shared>>)
        tpu.yield
      }) : () -> ()
      %scan3A_26 = arith.constant 0 : i32
      scf.yield %scan3A_26 : i32
    }
    %scan3A_8 = arith.constant 79 : i32
    %barrier3A_9 = arith.constant 0 : index
    tpu.barrier barrier_id(%barrier3A_9)
    %mul3A_10 = arith.constant 632 : i32
    %mul3A_11 = arith.muli %arg1, %mul3A_10 : i32
    %mul3A_12 = arith.constant 632 : i32
    %mul3A_13 = arith.muli %arg1, %mul3A_12 : i32
    "tpu.region"() ({
      %run_scoped3A = tpu.sem_alloc : memref<!tpu.dma_semaphore, #tpu.memory_space<semaphore_mem>>
      %dma_start3A = arith.constant 0 : i32
      %dma_start3A_14 = tpu.memref_slice %arg6[%arg0, %mul3A_13, %dma_start3A] : memref<2x10112x128xf32, #tpu.memory_space<hbm>> -> memref<1x632x128xf32, #tpu.memory_space<hbm>>
      %dma_start3A_15 = tpu.memref_squeeze %dma_start3A_14 : memref<1x632x128xf32, #tpu.memory_space<hbm>> -> memref<632x128xf32, #tpu.memory_space<hbm>>
      %dma_start3A_16 = arith.constant 0 : i32
      %dma_start3A_17 = tpu.memref_slice %arg10[%mul3A_11, %dma_start3A_16] : memref<10112x128xf32, #tpu.memory_space<vmem_shared>> -> memref<632x128xf32, #tpu.memory_space<vmem_shared>>
      tpu.enqueue_dma source(%dma_start3A_17 : memref<632x128xf32, #tpu.memory_space<vmem_shared>>) target(%dma_start3A_15 : memref<632x128xf32, #tpu.memory_space<hbm>>) target_semaphore(%run_scoped3A : memref<!tpu.dma_semaphore, #tpu.memory_space<semaphore_mem>>)
      %dma_wait3A = arith.constant 0 : i32
      %dma_wait3A_18 = tpu.memref_slice %arg6[%arg0, %mul3A_13, %dma_wait3A] : memref<2x10112x128xf32, #tpu.memory_space<hbm>> -> memref<1x632x128xf32, #tpu.memory_space<hbm>>
      %dma_wait3A_19 = tpu.memref_squeeze %dma_wait3A_18 : memref<1x632x128xf32, #tpu.memory_space<hbm>> -> memref<632x128xf32, #tpu.memory_space<hbm>>
      %dma_wait3A_20 = arith.constant 0 : i32
      %dma_wait3A_21 = tpu.memref_slice %arg10[%mul3A_11, %dma_wait3A_20] : memref<10112x128xf32, #tpu.memory_space<vmem_shared>> -> memref<632x128xf32, #tpu.memory_space<vmem_shared>>
      tpu.wait_dma2 semaphore(%run_scoped3A : memref<!tpu.dma_semaphore, #tpu.memory_space<semaphore_mem>>) src(%dma_wait3A_21 : memref<632x128xf32, #tpu.memory_space<vmem_shared>>) dst(%dma_wait3A_19 : memref<632x128xf32, #tpu.memory_space<hbm>>)
      tpu.yield
    }) : () -> ()
    return
  }
}

#map = affine_map<(d0, d1) -> (0, 0)>
#map1 = affine_map<(d0, d1) -> (0, 0, 0)>
module attributes {stable_mosaic.version = 14 : i64} {
  func.func @_spmm(%arg0: i32, %arg1: i32, %arg2: memref<10112x128xf32, #tpu.memory_space<hbm>>, %arg3: memref<32x79x128xi32, #tpu.memory_space<hbm>>, %arg4: memref<32x79x128xi32, #tpu.memory_space<hbm>>, %arg5: memref<632x128xf32, #tpu.memory_space<hbm>>, %arg6: memref<2x10112x128xf32, #tpu.memory_space<hbm>>, %arg7: memref<79x128xi32, #tpu.memory_space<vmem>>, %arg8: memref<79x128xi32, #tpu.memory_space<vmem>>, %arg9: memref<128x128xf32, #tpu.memory_space<vmem>>, %arg10: memref<10112x128xf32, #tpu.memory_space<vmem_shared>>, %arg11: memref<!tpu.dma_semaphore, #tpu.memory_space<semaphore_mem>>) attributes {dimension_semantics = [#tpu.dimension_semantics<core_parallel>, #tpu.dimension_semantics<subcore_parallel>], iteration_bounds = array<i64: 2, 16>, scalar_prefetch = 0 : i64, scratch_operands = 5 : i64, tpu.core_type = #tpu.core_type<sc_vector_subcore>, window_params = [{transform_indices = #map}, {transform_indices = #map1}, {transform_indices = #map1}, {transform_indices = #map}, {transform_indices = #map1}]} {
    %mul3A = arith.constant 16 : i32
    %mul3A_0 = arith.muli %arg0, %mul3A : i32
    %add3A = arith.addi %mul3A_0, %arg1 : i32
    "tpu.region"() ({
      %run_scoped3A = tpu.sem_alloc : memref<!tpu.dma_semaphore, #tpu.memory_space<semaphore_mem>>
      %dma_start3A = arith.constant 0 : i32
      %dma_start3A_14 = arith.constant 0 : i32
      %dma_start3A_15 = tpu.memref_slice %arg3[%add3A, %dma_start3A, %dma_start3A_14] : memref<32x79x128xi32, #tpu.memory_space<hbm>> -> memref<1x79x128xi32, #tpu.memory_space<hbm>>
      %dma_start3A_16 = tpu.memref_squeeze %dma_start3A_15 : memref<1x79x128xi32, #tpu.memory_space<hbm>> -> memref<79x128xi32, #tpu.memory_space<hbm>>
      %dma_start3A_17 = arith.constant 0 : i32
      %dma_start3A_18 = arith.constant 0 : i32
      %dma_start3A_19 = tpu.memref_slice %arg3[%add3A, %dma_start3A_17, %dma_start3A_18] : memref<32x79x128xi32, #tpu.memory_space<hbm>> -> memref<1x79x128xi32, #tpu.memory_space<hbm>>
      %dma_start3A_20 = tpu.memref_squeeze %dma_start3A_19 : memref<1x79x128xi32, #tpu.memory_space<hbm>> -> memref<79x128xi32, #tpu.memory_space<hbm>>
      tpu.enqueue_dma source(%dma_start3A_20 : memref<79x128xi32, #tpu.memory_space<hbm>>) target(%arg7 : memref<79x128xi32, #tpu.memory_space<vmem>>) target_semaphore(%run_scoped3A : memref<!tpu.dma_semaphore, #tpu.memory_space<semaphore_mem>>)
      %dma_wait3A = arith.constant 0 : i32
      %dma_wait3A_21 = arith.constant 0 : i32
      %dma_wait3A_22 = tpu.memref_slice %arg3[%add3A, %dma_wait3A, %dma_wait3A_21] : memref<32x79x128xi32, #tpu.memory_space<hbm>> -> memref<1x79x128xi32, #tpu.memory_space<hbm>>
      %dma_wait3A_23 = tpu.memref_squeeze %dma_wait3A_22 : memref<1x79x128xi32, #tpu.memory_space<hbm>> -> memref<79x128xi32, #tpu.memory_space<hbm>>
      %dma_wait3A_24 = arith.constant 0 : i32
      %dma_wait3A_25 = arith.constant 0 : i32
      %dma_wait3A_26 = tpu.memref_slice %arg3[%add3A, %dma_wait3A_24, %dma_wait3A_25] : memref<32x79x128xi32, #tpu.memory_space<hbm>> -> memref<1x79x128xi32, #tpu.memory_space<hbm>>
      %dma_wait3A_27 = tpu.memref_squeeze %dma_wait3A_26 : memref<1x79x128xi32, #tpu.memory_space<hbm>> -> memref<79x128xi32, #tpu.memory_space<hbm>>
      tpu.wait_dma2 semaphore(%run_scoped3A : memref<!tpu.dma_semaphore, #tpu.memory_space<semaphore_mem>>) src(%dma_wait3A_27 : memref<79x128xi32, #tpu.memory_space<hbm>>) dst(%arg7 : memref<79x128xi32, #tpu.memory_space<vmem>>)
      tpu.yield
    }) : () -> ()
    "tpu.region"() ({
      %run_scoped3A = tpu.sem_alloc : memref<!tpu.dma_semaphore, #tpu.memory_space<semaphore_mem>>
      %dma_start3A = arith.constant 0 : i32
      %dma_start3A_14 = arith.constant 0 : i32
      %dma_start3A_15 = tpu.memref_slice %arg4[%add3A, %dma_start3A, %dma_start3A_14] : memref<32x79x128xi32, #tpu.memory_space<hbm>> -> memref<1x79x128xi32, #tpu.memory_space<hbm>>
      %dma_start3A_16 = tpu.memref_squeeze %dma_start3A_15 : memref<1x79x128xi32, #tpu.memory_space<hbm>> -> memref<79x128xi32, #tpu.memory_space<hbm>>
      %dma_start3A_17 = arith.constant 0 : i32
      %dma_start3A_18 = arith.constant 0 : i32
      %dma_start3A_19 = tpu.memref_slice %arg4[%add3A, %dma_start3A_17, %dma_start3A_18] : memref<32x79x128xi32, #tpu.memory_space<hbm>> -> memref<1x79x128xi32, #tpu.memory_space<hbm>>
      %dma_start3A_20 = tpu.memref_squeeze %dma_start3A_19 : memref<1x79x128xi32, #tpu.memory_space<hbm>> -> memref<79x128xi32, #tpu.memory_space<hbm>>
      tpu.enqueue_dma source(%dma_start3A_20 : memref<79x128xi32, #tpu.memory_space<hbm>>) target(%arg8 : memref<79x128xi32, #tpu.memory_space<vmem>>) target_semaphore(%run_scoped3A : memref<!tpu.dma_semaphore, #tpu.memory_space<semaphore_mem>>)
      %dma_wait3A = arith.constant 0 : i32
      %dma_wait3A_21 = arith.constant 0 : i32
      %dma_wait3A_22 = tpu.memref_slice %arg4[%add3A, %dma_wait3A, %dma_wait3A_21] : memref<32x79x128xi32, #tpu.memory_space<hbm>> -> memref<1x79x128xi32, #tpu.memory_space<hbm>>
      %dma_wait3A_23 = tpu.memref_squeeze %dma_wait3A_22 : memref<1x79x128xi32, #tpu.memory_space<hbm>> -> memref<79x128xi32, #tpu.memory_space<hbm>>
      %dma_wait3A_24 = arith.constant 0 : i32
      %dma_wait3A_25 = arith.constant 0 : i32
      %dma_wait3A_26 = tpu.memref_slice %arg4[%add3A, %dma_wait3A_24, %dma_wait3A_25] : memref<32x79x128xi32, #tpu.memory_space<hbm>> -> memref<1x79x128xi32, #tpu.memory_space<hbm>>
      %dma_wait3A_27 = tpu.memref_squeeze %dma_wait3A_26 : memref<1x79x128xi32, #tpu.memory_space<hbm>> -> memref<79x128xi32, #tpu.memory_space<hbm>>
      tpu.wait_dma2 semaphore(%run_scoped3A : memref<!tpu.dma_semaphore, #tpu.memory_space<semaphore_mem>>) src(%dma_wait3A_27 : memref<79x128xi32, #tpu.memory_space<hbm>>) dst(%arg8 : memref<79x128xi32, #tpu.memory_space<vmem>>)
      tpu.yield
    }) : () -> ()
    %mul3A_1 = arith.constant 632 : i32
    %mul3A_2 = arith.muli %arg1, %mul3A_1 : i32
    "tpu.region"() ({
      %run_scoped3A = tpu.sem_alloc : memref<!tpu.dma_semaphore, #tpu.memory_space<semaphore_mem>>
      %dma_start3A = arith.constant 0 : i32
      %dma_start3A_14 = tpu.memref_slice %arg10[%mul3A_2, %dma_start3A] : memref<10112x128xf32, #tpu.memory_space<vmem_shared>> -> memref<632x128xf32, #tpu.memory_space<vmem_shared>>
      tpu.enqueue_dma source(%arg5 : memref<632x128xf32, #tpu.memory_space<hbm>>) target(%dma_start3A_14 : memref<632x128xf32, #tpu.memory_space<vmem_shared>>) target_semaphore(%run_scoped3A : memref<!tpu.dma_semaphore, #tpu.memory_space<semaphore_mem>>)
      %dma_wait3A = arith.constant 0 : i32
      %dma_wait3A_15 = tpu.memref_slice %arg10[%mul3A_2, %dma_wait3A] : memref<10112x128xf32, #tpu.memory_space<vmem_shared>> -> memref<632x128xf32, #tpu.memory_space<vmem_shared>>
      tpu.wait_dma2 semaphore(%run_scoped3A : memref<!tpu.dma_semaphore, #tpu.memory_space<semaphore_mem>>) src(%arg5 : memref<632x128xf32, #tpu.memory_space<hbm>>) dst(%dma_wait3A_15 : memref<632x128xf32, #tpu.memory_space<vmem_shared>>)
      tpu.yield
    }) : () -> ()
    %barrier3A = arith.constant 0 : index
    tpu.barrier barrier_id(%barrier3A)
    %scan3A = arith.constant 0 : i32
    %scan3A_3 = arith.constant 0 : i32
    %scan3A_4 = arith.constant 79 : i32
    %scan3A_5 = arith.addi %scan3A_3, %scan3A_4 : i32
    %scan3A_6 = arith.constant 1 : i32
    %scan3A_7 = scf.for %scan3A_14 = %scan3A_3 to %scan3A_5 step %scan3A_6 iter_args(%scan3A_15 = %scan3A) -> (i32)  : i32 {
      %dma_start3A = arith.constant 0 : i32
      %dma_start3A_16 = tpu.memref_slice %arg7[%scan3A_14, %dma_start3A] : memref<79x128xi32, #tpu.memory_space<vmem>> -> memref<1x128xi32, #tpu.memory_space<vmem>>
      %dma_start3A_17 = tpu.memref_squeeze %dma_start3A_16 : memref<1x128xi32, #tpu.memory_space<vmem>> -> memref<128xi32, #tpu.memory_space<vmem>>
      %dma_start3A_18 = arith.constant 0 : i32
      %dma_start3A_19 = arith.constant 0 : i32
      %dma_start3A_20 = tpu.memref_slice %arg2[%dma_start3A_18, %dma_start3A_19] : memref<10112x128xf32, #tpu.memory_space<hbm>> -> memref<10112x128xf32, #tpu.memory_space<hbm>>
      tpu.enqueue_indirect_dma source(%dma_start3A_20 : memref<10112x128xf32, #tpu.memory_space<hbm>>) target(%arg9 : memref<128x128xf32, #tpu.memory_space<vmem>>) offsets(%dma_start3A_17 : memref<128xi32, #tpu.memory_space<vmem>>) semaphore(%arg11 : memref<!tpu.dma_semaphore, #tpu.memory_space<semaphore_mem>>)
      %dma_wait3A = arith.constant 0 : i32
      %dma_wait3A_21 = tpu.memref_slice %arg7[%scan3A_14, %dma_wait3A] : memref<79x128xi32, #tpu.memory_space<vmem>> -> memref<1x128xi32, #tpu.memory_space<vmem>>
      %dma_wait3A_22 = tpu.memref_squeeze %dma_wait3A_21 : memref<1x128xi32, #tpu.memory_space<vmem>> -> memref<128xi32, #tpu.memory_space<vmem>>
      %dma_wait3A_23 = arith.constant 0 : i32
      %dma_wait3A_24 = arith.constant 0 : i32
      %dma_wait3A_25 = tpu.memref_slice %arg2[%dma_wait3A_23, %dma_wait3A_24] : memref<10112x128xf32, #tpu.memory_space<hbm>> -> memref<10112x128xf32, #tpu.memory_space<hbm>>
      tpu.wait_indirect_dma semaphore(%arg11 : memref<!tpu.dma_semaphore, #tpu.memory_space<semaphore_mem>>) src(%dma_wait3A_25 : memref<10112x128xf32, #tpu.memory_space<hbm>>) dst(%arg9 : memref<128x128xf32, #tpu.memory_space<vmem>>)
      "tpu.region"() ({
        %run_scoped3A = tpu.sem_alloc : memref<!tpu.dma_semaphore, #tpu.memory_space<semaphore_mem>>
        %dma_start3A_27 = arith.constant 0 : i32
        %dma_start3A_28 = tpu.memref_slice %arg8[%scan3A_14, %dma_start3A_27] : memref<79x128xi32, #tpu.memory_space<vmem>> -> memref<1x128xi32, #tpu.memory_space<vmem>>
        %dma_start3A_29 = tpu.memref_squeeze %dma_start3A_28 : memref<1x128xi32, #tpu.memory_space<vmem>> -> memref<128xi32, #tpu.memory_space<vmem>>
        %dma_start3A_30 = arith.constant 0 : i32
        %dma_start3A_31 = arith.constant 0 : i32
        %dma_start3A_32 = tpu.memref_slice %arg10[%dma_start3A_30, %dma_start3A_31] : memref<10112x128xf32, #tpu.memory_space<vmem_shared>> -> memref<10112x128xf32, #tpu.memory_space<vmem_shared>>
        tpu.enqueue_indirect_dma source(%arg9 : memref<128x128xf32, #tpu.memory_space<vmem>>) target(%dma_start3A_32 : memref<10112x128xf32, #tpu.memory_space<vmem_shared>>) offsets(%dma_start3A_29 : memref<128xi32, #tpu.memory_space<vmem>>) semaphore(%run_scoped3A : memref<!tpu.dma_semaphore, #tpu.memory_space<semaphore_mem>>) {add = true}
        %dma_wait3A_33 = arith.constant 0 : i32
        %dma_wait3A_34 = tpu.memref_slice %arg8[%scan3A_14, %dma_wait3A_33] : memref<79x128xi32, #tpu.memory_space<vmem>> -> memref<1x128xi32, #tpu.memory_space<vmem>>
        %dma_wait3A_35 = tpu.memref_squeeze %dma_wait3A_34 : memref<1x128xi32, #tpu.memory_space<vmem>> -> memref<128xi32, #tpu.memory_space<vmem>>
        %dma_wait3A_36 = arith.constant 0 : i32
        %dma_wait3A_37 = arith.constant 0 : i32
        %dma_wait3A_38 = tpu.memref_slice %arg10[%dma_wait3A_36, %dma_wait3A_37] : memref<10112x128xf32, #tpu.memory_space<vmem_shared>> -> memref<10112x128xf32, #tpu.memory_space<vmem_shared>>
        tpu.wait_indirect_dma semaphore(%run_scoped3A : memref<!tpu.dma_semaphore, #tpu.memory_space<semaphore_mem>>) src(%arg9 : memref<128x128xf32, #tpu.memory_space<vmem>>) dst(%dma_wait3A_38 : memref<10112x128xf32, #tpu.memory_space<vmem_shared>>)
        tpu.yield
      }) : () -> ()
      %scan3A_26 = arith.constant 0 : i32
      scf.yield %scan3A_26 : i32
    }
    %scan3A_8 = arith.constant 79 : i32
    %barrier3A_9 = arith.constant 0 : index
    tpu.barrier barrier_id(%barrier3A_9)
    %mul3A_10 = arith.constant 632 : i32
    %mul3A_11 = arith.muli %arg1, %mul3A_10 : i32
    %mul3A_12 = arith.constant 632 : i32
    %mul3A_13 = arith.muli %arg1, %mul3A_12 : i32
    "tpu.region"() ({
      %run_scoped3A = tpu.sem_alloc : memref<!tpu.dma_semaphore, #tpu.memory_space<semaphore_mem>>
      %dma_start3A = arith.constant 0 : i32
      %dma_start3A_14 = tpu.memref_slice %arg6[%arg0, %mul3A_13, %dma_start3A] : memref<2x10112x128xf32, #tpu.memory_space<hbm>> -> memref<1x632x128xf32, #tpu.memory_space<hbm>>
      %dma_start3A_15 = tpu.memref_squeeze %dma_start3A_14 : memref<1x632x128xf32, #tpu.memory_space<hbm>> -> memref<632x128xf32, #tpu.memory_space<hbm>>
      %dma_start3A_16 = arith.constant 0 : i32
      %dma_start3A_17 = tpu.memref_slice %arg10[%mul3A_11, %dma_start3A_16] : memref<10112x128xf32, #tpu.memory_space<vmem_shared>> -> memref<632x128xf32, #tpu.memory_space<vmem_shared>>
      tpu.enqueue_dma source(%dma_start3A_17 : memref<632x128xf32, #tpu.memory_space<vmem_shared>>) target(%dma_start3A_15 : memref<632x128xf32, #tpu.memory_space<hbm>>) target_semaphore(%run_scoped3A : memref<!tpu.dma_semaphore, #tpu.memory_space<semaphore_mem>>)
      %dma_wait3A = arith.constant 0 : i32
      %dma_wait3A_18 = tpu.memref_slice %arg6[%arg0, %mul3A_13, %dma_wait3A] : memref<2x10112x128xf32, #tpu.memory_space<hbm>> -> memref<1x632x128xf32, #tpu.memory_space<hbm>>
      %dma_wait3A_19 = tpu.memref_squeeze %dma_wait3A_18 : memref<1x632x128xf32, #tpu.memory_space<hbm>> -> memref<632x128xf32, #tpu.memory_space<hbm>>
      %dma_wait3A_20 = arith.constant 0 : i32
      %dma_wait3A_21 = tpu.memref_slice %arg10[%mul3A_11, %dma_wait3A_20] : memref<10112x128xf32, #tpu.memory_space<vmem_shared>> -> memref<632x128xf32, #tpu.memory_space<vmem_shared>>
      tpu.wait_dma2 semaphore(%run_scoped3A : memref<!tpu.dma_semaphore, #tpu.memory_space<semaphore_mem>>) src(%dma_wait3A_21 : memref<632x128xf32, #tpu.memory_space<vmem_shared>>) dst(%dma_wait3A_19 : memref<632x128xf32, #tpu.memory_space<hbm>>)
      tpu.yield
    }) : () -> ()
    return
  }
}

#map = affine_map<(d0, d1) -> (0, 0)>
#map1 = affine_map<(d0, d1) -> (0, 0, 0)>
module attributes {stable_mosaic.version = 14 : i64} {
  func.func @_spmm(%arg0: i32, %arg1: i32, %arg2: memref<10112x128xf32, #tpu.memory_space<hbm>>, %arg3: memref<32x79x128xi32, #tpu.memory_space<hbm>>, %arg4: memref<32x79x128xi32, #tpu.memory_space<hbm>>, %arg5: memref<632x128xf32, #tpu.memory_space<hbm>>, %arg6: memref<2x10112x128xf32, #tpu.memory_space<hbm>>, %arg7: memref<79x128xi32, #tpu.memory_space<vmem>>, %arg8: memref<79x128xi32, #tpu.memory_space<vmem>>, %arg9: memref<128x128xf32, #tpu.memory_space<vmem>>, %arg10: memref<10112x128xf32, #tpu.memory_space<vmem_shared>>, %arg11: memref<!tpu.dma_semaphore, #tpu.memory_space<semaphore_mem>>) attributes {dimension_semantics = [#tpu.dimension_semantics<core_parallel>, #tpu.dimension_semantics<subcore_parallel>], iteration_bounds = array<i64: 2, 16>, scalar_prefetch = 0 : i64, scratch_operands = 5 : i64, tpu.core_type = #tpu.core_type<sc_vector_subcore>, window_params = [{transform_indices = #map}, {transform_indices = #map1}, {transform_indices = #map1}, {transform_indices = #map}, {transform_indices = #map1}]} {
    %mul3A = arith.constant 16 : i32
    %mul3A_0 = arith.muli %arg0, %mul3A : i32
    %add3A = arith.addi %mul3A_0, %arg1 : i32
    "tpu.region"() ({
      %run_scoped3A = tpu.sem_alloc : memref<!tpu.dma_semaphore, #tpu.memory_space<semaphore_mem>>
      %dma_start3A = arith.constant 0 : i32
      %dma_start3A_14 = arith.constant 0 : i32
      %dma_start3A_15 = tpu.memref_slice %arg3[%add3A, %dma_start3A, %dma_start3A_14] : memref<32x79x128xi32, #tpu.memory_space<hbm>> -> memref<1x79x128xi32, #tpu.memory_space<hbm>>
      %dma_start3A_16 = tpu.memref_squeeze %dma_start3A_15 : memref<1x79x128xi32, #tpu.memory_space<hbm>> -> memref<79x128xi32, #tpu.memory_space<hbm>>
      %dma_start3A_17 = arith.constant 0 : i32
      %dma_start3A_18 = arith.constant 0 : i32
      %dma_start3A_19 = tpu.memref_slice %arg3[%add3A, %dma_start3A_17, %dma_start3A_18] : memref<32x79x128xi32, #tpu.memory_space<hbm>> -> memref<1x79x128xi32, #tpu.memory_space<hbm>>
      %dma_start3A_20 = tpu.memref_squeeze %dma_start3A_19 : memref<1x79x128xi32, #tpu.memory_space<hbm>> -> memref<79x128xi32, #tpu.memory_space<hbm>>
      tpu.enqueue_dma source(%dma_start3A_20 : memref<79x128xi32, #tpu.memory_space<hbm>>) target(%arg7 : memref<79x128xi32, #tpu.memory_space<vmem>>) target_semaphore(%run_scoped3A : memref<!tpu.dma_semaphore, #tpu.memory_space<semaphore_mem>>)
      %dma_wait3A = arith.constant 0 : i32
      %dma_wait3A_21 = arith.constant 0 : i32
      %dma_wait3A_22 = tpu.memref_slice %arg3[%add3A, %dma_wait3A, %dma_wait3A_21] : memref<32x79x128xi32, #tpu.memory_space<hbm>> -> memref<1x79x128xi32, #tpu.memory_space<hbm>>
      %dma_wait3A_23 = tpu.memref_squeeze %dma_wait3A_22 : memref<1x79x128xi32, #tpu.memory_space<hbm>> -> memref<79x128xi32, #tpu.memory_space<hbm>>
      %dma_wait3A_24 = arith.constant 0 : i32
      %dma_wait3A_25 = arith.constant 0 : i32
      %dma_wait3A_26 = tpu.memref_slice %arg3[%add3A, %dma_wait3A_24, %dma_wait3A_25] : memref<32x79x128xi32, #tpu.memory_space<hbm>> -> memref<1x79x128xi32, #tpu.memory_space<hbm>>
      %dma_wait3A_27 = tpu.memref_squeeze %dma_wait3A_26 : memref<1x79x128xi32, #tpu.memory_space<hbm>> -> memref<79x128xi32, #tpu.memory_space<hbm>>
      tpu.wait_dma2 semaphore(%run_scoped3A : memref<!tpu.dma_semaphore, #tpu.memory_space<semaphore_mem>>) src(%dma_wait3A_27 : memref<79x128xi32, #tpu.memory_space<hbm>>) dst(%arg7 : memref<79x128xi32, #tpu.memory_space<vmem>>)
      tpu.yield
    }) : () -> ()
    "tpu.region"() ({
      %run_scoped3A = tpu.sem_alloc : memref<!tpu.dma_semaphore, #tpu.memory_space<semaphore_mem>>
      %dma_start3A = arith.constant 0 : i32
      %dma_start3A_14 = arith.constant 0 : i32
      %dma_start3A_15 = tpu.memref_slice %arg4[%add3A, %dma_start3A, %dma_start3A_14] : memref<32x79x128xi32, #tpu.memory_space<hbm>> -> memref<1x79x128xi32, #tpu.memory_space<hbm>>
      %dma_start3A_16 = tpu.memref_squeeze %dma_start3A_15 : memref<1x79x128xi32, #tpu.memory_space<hbm>> -> memref<79x128xi32, #tpu.memory_space<hbm>>
      %dma_start3A_17 = arith.constant 0 : i32
      %dma_start3A_18 = arith.constant 0 : i32
      %dma_start3A_19 = tpu.memref_slice %arg4[%add3A, %dma_start3A_17, %dma_start3A_18] : memref<32x79x128xi32, #tpu.memory_space<hbm>> -> memref<1x79x128xi32, #tpu.memory_space<hbm>>
      %dma_start3A_20 = tpu.memref_squeeze %dma_start3A_19 : memref<1x79x128xi32, #tpu.memory_space<hbm>> -> memref<79x128xi32, #tpu.memory_space<hbm>>
      tpu.enqueue_dma source(%dma_start3A_20 : memref<79x128xi32, #tpu.memory_space<hbm>>) target(%arg8 : memref<79x128xi32, #tpu.memory_space<vmem>>) target_semaphore(%run_scoped3A : memref<!tpu.dma_semaphore, #tpu.memory_space<semaphore_mem>>)
      %dma_wait3A = arith.constant 0 : i32
      %dma_wait3A_21 = arith.constant 0 : i32
      %dma_wait3A_22 = tpu.memref_slice %arg4[%add3A, %dma_wait3A, %dma_wait3A_21] : memref<32x79x128xi32, #tpu.memory_space<hbm>> -> memref<1x79x128xi32, #tpu.memory_space<hbm>>
      %dma_wait3A_23 = tpu.memref_squeeze %dma_wait3A_22 : memref<1x79x128xi32, #tpu.memory_space<hbm>> -> memref<79x128xi32, #tpu.memory_space<hbm>>
      %dma_wait3A_24 = arith.constant 0 : i32
      %dma_wait3A_25 = arith.constant 0 : i32
      %dma_wait3A_26 = tpu.memref_slice %arg4[%add3A, %dma_wait3A_24, %dma_wait3A_25] : memref<32x79x128xi32, #tpu.memory_space<hbm>> -> memref<1x79x128xi32, #tpu.memory_space<hbm>>
      %dma_wait3A_27 = tpu.memref_squeeze %dma_wait3A_26 : memref<1x79x128xi32, #tpu.memory_space<hbm>> -> memref<79x128xi32, #tpu.memory_space<hbm>>
      tpu.wait_dma2 semaphore(%run_scoped3A : memref<!tpu.dma_semaphore, #tpu.memory_space<semaphore_mem>>) src(%dma_wait3A_27 : memref<79x128xi32, #tpu.memory_space<hbm>>) dst(%arg8 : memref<79x128xi32, #tpu.memory_space<vmem>>)
      tpu.yield
    }) : () -> ()
    %mul3A_1 = arith.constant 632 : i32
    %mul3A_2 = arith.muli %arg1, %mul3A_1 : i32
    "tpu.region"() ({
      %run_scoped3A = tpu.sem_alloc : memref<!tpu.dma_semaphore, #tpu.memory_space<semaphore_mem>>
      %dma_start3A = arith.constant 0 : i32
      %dma_start3A_14 = tpu.memref_slice %arg10[%mul3A_2, %dma_start3A] : memref<10112x128xf32, #tpu.memory_space<vmem_shared>> -> memref<632x128xf32, #tpu.memory_space<vmem_shared>>
      tpu.enqueue_dma source(%arg5 : memref<632x128xf32, #tpu.memory_space<hbm>>) target(%dma_start3A_14 : memref<632x128xf32, #tpu.memory_space<vmem_shared>>) target_semaphore(%run_scoped3A : memref<!tpu.dma_semaphore, #tpu.memory_space<semaphore_mem>>)
      %dma_wait3A = arith.constant 0 : i32
      %dma_wait3A_15 = tpu.memref_slice %arg10[%mul3A_2, %dma_wait3A] : memref<10112x128xf32, #tpu.memory_space<vmem_shared>> -> memref<632x128xf32, #tpu.memory_space<vmem_shared>>
      tpu.wait_dma2 semaphore(%run_scoped3A : memref<!tpu.dma_semaphore, #tpu.memory_space<semaphore_mem>>) src(%arg5 : memref<632x128xf32, #tpu.memory_space<hbm>>) dst(%dma_wait3A_15 : memref<632x128xf32, #tpu.memory_space<vmem_shared>>)
      tpu.yield
    }) : () -> ()
    %barrier3A = arith.constant 0 : index
    tpu.barrier barrier_id(%barrier3A)
    %scan3A = arith.constant 0 : i32
    %scan3A_3 = arith.constant 0 : i32
    %scan3A_4 = arith.constant 79 : i32
    %scan3A_5 = arith.addi %scan3A_3, %scan3A_4 : i32
    %scan3A_6 = arith.constant 1 : i32
    %scan3A_7 = scf.for %scan3A_14 = %scan3A_3 to %scan3A_5 step %scan3A_6 iter_args(%scan3A_15 = %scan3A) -> (i32)  : i32 {
      %dma_start3A = arith.constant 0 : i32
      %dma_start3A_16 = tpu.memref_slice %arg7[%scan3A_14, %dma_start3A] : memref<79x128xi32, #tpu.memory_space<vmem>> -> memref<1x128xi32, #tpu.memory_space<vmem>>
      %dma_start3A_17 = tpu.memref_squeeze %dma_start3A_16 : memref<1x128xi32, #tpu.memory_space<vmem>> -> memref<128xi32, #tpu.memory_space<vmem>>
      %dma_start3A_18 = arith.constant 0 : i32
      %dma_start3A_19 = arith.constant 0 : i32
      %dma_start3A_20 = tpu.memref_slice %arg2[%dma_start3A_18, %dma_start3A_19] : memref<10112x128xf32, #tpu.memory_space<hbm>> -> memref<10112x128xf32, #tpu.memory_space<hbm>>
      tpu.enqueue_indirect_dma source(%dma_start3A_20 : memref<10112x128xf32, #tpu.memory_space<hbm>>) target(%arg9 : memref<128x128xf32, #tpu.memory_space<vmem>>) offsets(%dma_start3A_17 : memref<128xi32, #tpu.memory_space<vmem>>) semaphore(%arg11 : memref<!tpu.dma_semaphore, #tpu.memory_space<semaphore_mem>>)
      %dma_wait3A = arith.constant 0 : i32
      %dma_wait3A_21 = tpu.memref_slice %arg7[%scan3A_14, %dma_wait3A] : memref<79x128xi32, #tpu.memory_space<vmem>> -> memref<1x128xi32, #tpu.memory_space<vmem>>
      %dma_wait3A_22 = tpu.memref_squeeze %dma_wait3A_21 : memref<1x128xi32, #tpu.memory_space<vmem>> -> memref<128xi32, #tpu.memory_space<vmem>>
      %dma_wait3A_23 = arith.constant 0 : i32
      %dma_wait3A_24 = arith.constant 0 : i32
      %dma_wait3A_25 = tpu.memref_slice %arg2[%dma_wait3A_23, %dma_wait3A_24] : memref<10112x128xf32, #tpu.memory_space<hbm>> -> memref<10112x128xf32, #tpu.memory_space<hbm>>
      tpu.wait_indirect_dma semaphore(%arg11 : memref<!tpu.dma_semaphore, #tpu.memory_space<semaphore_mem>>) src(%dma_wait3A_25 : memref<10112x128xf32, #tpu.memory_space<hbm>>) dst(%arg9 : memref<128x128xf32, #tpu.memory_space<vmem>>)
      "tpu.region"() ({
        %run_scoped3A = tpu.sem_alloc : memref<!tpu.dma_semaphore, #tpu.memory_space<semaphore_mem>>
        %dma_start3A_27 = arith.constant 0 : i32
        %dma_start3A_28 = tpu.memref_slice %arg8[%scan3A_14, %dma_start3A_27] : memref<79x128xi32, #tpu.memory_space<vmem>> -> memref<1x128xi32, #tpu.memory_space<vmem>>
        %dma_start3A_29 = tpu.memref_squeeze %dma_start3A_28 : memref<1x128xi32, #tpu.memory_space<vmem>> -> memref<128xi32, #tpu.memory_space<vmem>>
        %dma_start3A_30 = arith.constant 0 : i32
        %dma_start3A_31 = arith.constant 0 : i32
        %dma_start3A_32 = tpu.memref_slice %arg10[%dma_start3A_30, %dma_start3A_31] : memref<10112x128xf32, #tpu.memory_space<vmem_shared>> -> memref<10112x128xf32, #tpu.memory_space<vmem_shared>>
        tpu.enqueue_indirect_dma source(%arg9 : memref<128x128xf32, #tpu.memory_space<vmem>>) target(%dma_start3A_32 : memref<10112x128xf32, #tpu.memory_space<vmem_shared>>) offsets(%dma_start3A_29 : memref<128xi32, #tpu.memory_space<vmem>>) semaphore(%run_scoped3A : memref<!tpu.dma_semaphore, #tpu.memory_space<semaphore_mem>>) {add = true}
        %dma_wait3A_33 = arith.constant 0 : i32
        %dma_wait3A_34 = tpu.memref_slice %arg8[%scan3A_14, %dma_wait3A_33] : memref<79x128xi32, #tpu.memory_space<vmem>> -> memref<1x128xi32, #tpu.memory_space<vmem>>
        %dma_wait3A_35 = tpu.memref_squeeze %dma_wait3A_34 : memref<1x128xi32, #tpu.memory_space<vmem>> -> memref<128xi32, #tpu.memory_space<vmem>>
        %dma_wait3A_36 = arith.constant 0 : i32
        %dma_wait3A_37 = arith.constant 0 : i32
        %dma_wait3A_38 = tpu.memref_slice %arg10[%dma_wait3A_36, %dma_wait3A_37] : memref<10112x128xf32, #tpu.memory_space<vmem_shared>> -> memref<10112x128xf32, #tpu.memory_space<vmem_shared>>
        tpu.wait_indirect_dma semaphore(%run_scoped3A : memref<!tpu.dma_semaphore, #tpu.memory_space<semaphore_mem>>) src(%arg9 : memref<128x128xf32, #tpu.memory_space<vmem>>) dst(%dma_wait3A_38 : memref<10112x128xf32, #tpu.memory_space<vmem_shared>>)
        tpu.yield
      }) : () -> ()
      %scan3A_26 = arith.constant 0 : i32
      scf.yield %scan3A_26 : i32
    }
    %scan3A_8 = arith.constant 79 : i32
    %barrier3A_9 = arith.constant 0 : index
    tpu.barrier barrier_id(%barrier3A_9)
    %mul3A_10 = arith.constant 632 : i32
    %mul3A_11 = arith.muli %arg1, %mul3A_10 : i32
    %mul3A_12 = arith.constant 632 : i32
    %mul3A_13 = arith.muli %arg1, %mul3A_12 : i32
    "tpu.region"() ({
      %run_scoped3A = tpu.sem_alloc : memref<!tpu.dma_semaphore, #tpu.memory_space<semaphore_mem>>
      %dma_start3A = arith.constant 0 : i32
      %dma_start3A_14 = tpu.memref_slice %arg6[%arg0, %mul3A_13, %dma_start3A] : memref<2x10112x128xf32, #tpu.memory_space<hbm>> -> memref<1x632x128xf32, #tpu.memory_space<hbm>>
      %dma_start3A_15 = tpu.memref_squeeze %dma_start3A_14 : memref<1x632x128xf32, #tpu.memory_space<hbm>> -> memref<632x128xf32, #tpu.memory_space<hbm>>
      %dma_start3A_16 = arith.constant 0 : i32
      %dma_start3A_17 = tpu.memref_slice %arg10[%mul3A_11, %dma_start3A_16] : memref<10112x128xf32, #tpu.memory_space<vmem_shared>> -> memref<632x128xf32, #tpu.memory_space<vmem_shared>>
      tpu.enqueue_dma source(%dma_start3A_17 : memref<632x128xf32, #tpu.memory_space<vmem_shared>>) target(%dma_start3A_15 : memref<632x128xf32, #tpu.memory_space<hbm>>) target_semaphore(%run_scoped3A : memref<!tpu.dma_semaphore, #tpu.memory_space<semaphore_mem>>)
      %dma_wait3A = arith.constant 0 : i32
      %dma_wait3A_18 = tpu.memref_slice %arg6[%arg0, %mul3A_13, %dma_wait3A] : memref<2x10112x128xf32, #tpu.memory_space<hbm>> -> memref<1x632x128xf32, #tpu.memory_space<hbm>>
      %dma_wait3A_19 = tpu.memref_squeeze %dma_wait3A_18 : memref<1x632x128xf32, #tpu.memory_space<hbm>> -> memref<632x128xf32, #tpu.memory_space<hbm>>
      %dma_wait3A_20 = arith.constant 0 : i32
      %dma_wait3A_21 = tpu.memref_slice %arg10[%mul3A_11, %dma_wait3A_20] : memref<10112x128xf32, #tpu.memory_space<vmem_shared>> -> memref<632x128xf32, #tpu.memory_space<vmem_shared>>
      tpu.wait_dma2 semaphore(%run_scoped3A : memref<!tpu.dma_semaphore, #tpu.memory_space<semaphore_mem>>) src(%dma_wait3A_21 : memref<632x128xf32, #tpu.memory_space<vmem_shared>>) dst(%dma_wait3A_19 : memref<632x128xf32, #tpu.memory_space<hbm>>)
      tpu.yield
    }) : () -> ()
    return
  }
}

#map = affine_map<(d0, d1) -> (0, 0)>
#map1 = affine_map<(d0, d1) -> (0, 0, 0)>
module attributes {stable_mosaic.version = 14 : i64} {
  func.func @_spmm(%arg0: i32, %arg1: i32, %arg2: memref<10112x128xf32, #tpu.memory_space<hbm>>, %arg3: memref<32x79x128xi32, #tpu.memory_space<hbm>>, %arg4: memref<32x79x128xi32, #tpu.memory_space<hbm>>, %arg5: memref<632x128xf32, #tpu.memory_space<hbm>>, %arg6: memref<2x10112x128xf32, #tpu.memory_space<hbm>>, %arg7: memref<79x128xi32, #tpu.memory_space<vmem>>, %arg8: memref<79x128xi32, #tpu.memory_space<vmem>>, %arg9: memref<128x128xf32, #tpu.memory_space<vmem>>, %arg10: memref<10112x128xf32, #tpu.memory_space<vmem_shared>>, %arg11: memref<!tpu.dma_semaphore, #tpu.memory_space<semaphore_mem>>) attributes {dimension_semantics = [#tpu.dimension_semantics<core_parallel>, #tpu.dimension_semantics<subcore_parallel>], iteration_bounds = array<i64: 2, 16>, scalar_prefetch = 0 : i64, scratch_operands = 5 : i64, tpu.core_type = #tpu.core_type<sc_vector_subcore>, window_params = [{transform_indices = #map}, {transform_indices = #map1}, {transform_indices = #map1}, {transform_indices = #map}, {transform_indices = #map1}]} {
    %mul3A = arith.constant 16 : i32
    %mul3A_0 = arith.muli %arg0, %mul3A : i32
    %add3A = arith.addi %mul3A_0, %arg1 : i32
    "tpu.region"() ({
      %run_scoped3A = tpu.sem_alloc : memref<!tpu.dma_semaphore, #tpu.memory_space<semaphore_mem>>
      %dma_start3A = arith.constant 0 : i32
      %dma_start3A_14 = arith.constant 0 : i32
      %dma_start3A_15 = tpu.memref_slice %arg3[%add3A, %dma_start3A, %dma_start3A_14] : memref<32x79x128xi32, #tpu.memory_space<hbm>> -> memref<1x79x128xi32, #tpu.memory_space<hbm>>
      %dma_start3A_16 = tpu.memref_squeeze %dma_start3A_15 : memref<1x79x128xi32, #tpu.memory_space<hbm>> -> memref<79x128xi32, #tpu.memory_space<hbm>>
      %dma_start3A_17 = arith.constant 0 : i32
      %dma_start3A_18 = arith.constant 0 : i32
      %dma_start3A_19 = tpu.memref_slice %arg3[%add3A, %dma_start3A_17, %dma_start3A_18] : memref<32x79x128xi32, #tpu.memory_space<hbm>> -> memref<1x79x128xi32, #tpu.memory_space<hbm>>
      %dma_start3A_20 = tpu.memref_squeeze %dma_start3A_19 : memref<1x79x128xi32, #tpu.memory_space<hbm>> -> memref<79x128xi32, #tpu.memory_space<hbm>>
      tpu.enqueue_dma source(%dma_start3A_20 : memref<79x128xi32, #tpu.memory_space<hbm>>) target(%arg7 : memref<79x128xi32, #tpu.memory_space<vmem>>) target_semaphore(%run_scoped3A : memref<!tpu.dma_semaphore, #tpu.memory_space<semaphore_mem>>)
      %dma_wait3A = arith.constant 0 : i32
      %dma_wait3A_21 = arith.constant 0 : i32
      %dma_wait3A_22 = tpu.memref_slice %arg3[%add3A, %dma_wait3A, %dma_wait3A_21] : memref<32x79x128xi32, #tpu.memory_space<hbm>> -> memref<1x79x128xi32, #tpu.memory_space<hbm>>
      %dma_wait3A_23 = tpu.memref_squeeze %dma_wait3A_22 : memref<1x79x128xi32, #tpu.memory_space<hbm>> -> memref<79x128xi32, #tpu.memory_space<hbm>>
      %dma_wait3A_24 = arith.constant 0 : i32
      %dma_wait3A_25 = arith.constant 0 : i32
      %dma_wait3A_26 = tpu.memref_slice %arg3[%add3A, %dma_wait3A_24, %dma_wait3A_25] : memref<32x79x128xi32, #tpu.memory_space<hbm>> -> memref<1x79x128xi32, #tpu.memory_space<hbm>>
      %dma_wait3A_27 = tpu.memref_squeeze %dma_wait3A_26 : memref<1x79x128xi32, #tpu.memory_space<hbm>> -> memref<79x128xi32, #tpu.memory_space<hbm>>
      tpu.wait_dma2 semaphore(%run_scoped3A : memref<!tpu.dma_semaphore, #tpu.memory_space<semaphore_mem>>) src(%dma_wait3A_27 : memref<79x128xi32, #tpu.memory_space<hbm>>) dst(%arg7 : memref<79x128xi32, #tpu.memory_space<vmem>>)
      tpu.yield
    }) : () -> ()
    "tpu.region"() ({
      %run_scoped3A = tpu.sem_alloc : memref<!tpu.dma_semaphore, #tpu.memory_space<semaphore_mem>>
      %dma_start3A = arith.constant 0 : i32
      %dma_start3A_14 = arith.constant 0 : i32
      %dma_start3A_15 = tpu.memref_slice %arg4[%add3A, %dma_start3A, %dma_start3A_14] : memref<32x79x128xi32, #tpu.memory_space<hbm>> -> memref<1x79x128xi32, #tpu.memory_space<hbm>>
      %dma_start3A_16 = tpu.memref_squeeze %dma_start3A_15 : memref<1x79x128xi32, #tpu.memory_space<hbm>> -> memref<79x128xi32, #tpu.memory_space<hbm>>
      %dma_start3A_17 = arith.constant 0 : i32
      %dma_start3A_18 = arith.constant 0 : i32
      %dma_start3A_19 = tpu.memref_slice %arg4[%add3A, %dma_start3A_17, %dma_start3A_18] : memref<32x79x128xi32, #tpu.memory_space<hbm>> -> memref<1x79x128xi32, #tpu.memory_space<hbm>>
      %dma_start3A_20 = tpu.memref_squeeze %dma_start3A_19 : memref<1x79x128xi32, #tpu.memory_space<hbm>> -> memref<79x128xi32, #tpu.memory_space<hbm>>
      tpu.enqueue_dma source(%dma_start3A_20 : memref<79x128xi32, #tpu.memory_space<hbm>>) target(%arg8 : memref<79x128xi32, #tpu.memory_space<vmem>>) target_semaphore(%run_scoped3A : memref<!tpu.dma_semaphore, #tpu.memory_space<semaphore_mem>>)
      %dma_wait3A = arith.constant 0 : i32
      %dma_wait3A_21 = arith.constant 0 : i32
      %dma_wait3A_22 = tpu.memref_slice %arg4[%add3A, %dma_wait3A, %dma_wait3A_21] : memref<32x79x128xi32, #tpu.memory_space<hbm>> -> memref<1x79x128xi32, #tpu.memory_space<hbm>>
      %dma_wait3A_23 = tpu.memref_squeeze %dma_wait3A_22 : memref<1x79x128xi32, #tpu.memory_space<hbm>> -> memref<79x128xi32, #tpu.memory_space<hbm>>
      %dma_wait3A_24 = arith.constant 0 : i32
      %dma_wait3A_25 = arith.constant 0 : i32
      %dma_wait3A_26 = tpu.memref_slice %arg4[%add3A, %dma_wait3A_24, %dma_wait3A_25] : memref<32x79x128xi32, #tpu.memory_space<hbm>> -> memref<1x79x128xi32, #tpu.memory_space<hbm>>
      %dma_wait3A_27 = tpu.memref_squeeze %dma_wait3A_26 : memref<1x79x128xi32, #tpu.memory_space<hbm>> -> memref<79x128xi32, #tpu.memory_space<hbm>>
      tpu.wait_dma2 semaphore(%run_scoped3A : memref<!tpu.dma_semaphore, #tpu.memory_space<semaphore_mem>>) src(%dma_wait3A_27 : memref<79x128xi32, #tpu.memory_space<hbm>>) dst(%arg8 : memref<79x128xi32, #tpu.memory_space<vmem>>)
      tpu.yield
    }) : () -> ()
    %mul3A_1 = arith.constant 632 : i32
    %mul3A_2 = arith.muli %arg1, %mul3A_1 : i32
    "tpu.region"() ({
      %run_scoped3A = tpu.sem_alloc : memref<!tpu.dma_semaphore, #tpu.memory_space<semaphore_mem>>
      %dma_start3A = arith.constant 0 : i32
      %dma_start3A_14 = tpu.memref_slice %arg10[%mul3A_2, %dma_start3A] : memref<10112x128xf32, #tpu.memory_space<vmem_shared>> -> memref<632x128xf32, #tpu.memory_space<vmem_shared>>
      tpu.enqueue_dma source(%arg5 : memref<632x128xf32, #tpu.memory_space<hbm>>) target(%dma_start3A_14 : memref<632x128xf32, #tpu.memory_space<vmem_shared>>) target_semaphore(%run_scoped3A : memref<!tpu.dma_semaphore, #tpu.memory_space<semaphore_mem>>)
      %dma_wait3A = arith.constant 0 : i32
      %dma_wait3A_15 = tpu.memref_slice %arg10[%mul3A_2, %dma_wait3A] : memref<10112x128xf32, #tpu.memory_space<vmem_shared>> -> memref<632x128xf32, #tpu.memory_space<vmem_shared>>
      tpu.wait_dma2 semaphore(%run_scoped3A : memref<!tpu.dma_semaphore, #tpu.memory_space<semaphore_mem>>) src(%arg5 : memref<632x128xf32, #tpu.memory_space<hbm>>) dst(%dma_wait3A_15 : memref<632x128xf32, #tpu.memory_space<vmem_shared>>)
      tpu.yield
    }) : () -> ()
    %barrier3A = arith.constant 0 : index
    tpu.barrier barrier_id(%barrier3A)
    %scan3A = arith.constant 0 : i32
    %scan3A_3 = arith.constant 0 : i32
    %scan3A_4 = arith.constant 79 : i32
    %scan3A_5 = arith.addi %scan3A_3, %scan3A_4 : i32
    %scan3A_6 = arith.constant 1 : i32
    %scan3A_7 = scf.for %scan3A_14 = %scan3A_3 to %scan3A_5 step %scan3A_6 iter_args(%scan3A_15 = %scan3A) -> (i32)  : i32 {
      %dma_start3A = arith.constant 0 : i32
      %dma_start3A_16 = tpu.memref_slice %arg7[%scan3A_14, %dma_start3A] : memref<79x128xi32, #tpu.memory_space<vmem>> -> memref<1x128xi32, #tpu.memory_space<vmem>>
      %dma_start3A_17 = tpu.memref_squeeze %dma_start3A_16 : memref<1x128xi32, #tpu.memory_space<vmem>> -> memref<128xi32, #tpu.memory_space<vmem>>
      %dma_start3A_18 = arith.constant 0 : i32
      %dma_start3A_19 = arith.constant 0 : i32
      %dma_start3A_20 = tpu.memref_slice %arg2[%dma_start3A_18, %dma_start3A_19] : memref<10112x128xf32, #tpu.memory_space<hbm>> -> memref<10112x128xf32, #tpu.memory_space<hbm>>
      tpu.enqueue_indirect_dma source(%dma_start3A_20 : memref<10112x128xf32, #tpu.memory_space<hbm>>) target(%arg9 : memref<128x128xf32, #tpu.memory_space<vmem>>) offsets(%dma_start3A_17 : memref<128xi32, #tpu.memory_space<vmem>>) semaphore(%arg11 : memref<!tpu.dma_semaphore, #tpu.memory_space<semaphore_mem>>)
      %dma_wait3A = arith.constant 0 : i32
      %dma_wait3A_21 = tpu.memref_slice %arg7[%scan3A_14, %dma_wait3A] : memref<79x128xi32, #tpu.memory_space<vmem>> -> memref<1x128xi32, #tpu.memory_space<vmem>>
      %dma_wait3A_22 = tpu.memref_squeeze %dma_wait3A_21 : memref<1x128xi32, #tpu.memory_space<vmem>> -> memref<128xi32, #tpu.memory_space<vmem>>
      %dma_wait3A_23 = arith.constant 0 : i32
      %dma_wait3A_24 = arith.constant 0 : i32
      %dma_wait3A_25 = tpu.memref_slice %arg2[%dma_wait3A_23, %dma_wait3A_24] : memref<10112x128xf32, #tpu.memory_space<hbm>> -> memref<10112x128xf32, #tpu.memory_space<hbm>>
      tpu.wait_indirect_dma semaphore(%arg11 : memref<!tpu.dma_semaphore, #tpu.memory_space<semaphore_mem>>) src(%dma_wait3A_25 : memref<10112x128xf32, #tpu.memory_space<hbm>>) dst(%arg9 : memref<128x128xf32, #tpu.memory_space<vmem>>)
      "tpu.region"() ({
        %run_scoped3A = tpu.sem_alloc : memref<!tpu.dma_semaphore, #tpu.memory_space<semaphore_mem>>
        %dma_start3A_27 = arith.constant 0 : i32
        %dma_start3A_28 = tpu.memref_slice %arg8[%scan3A_14, %dma_start3A_27] : memref<79x128xi32, #tpu.memory_space<vmem>> -> memref<1x128xi32, #tpu.memory_space<vmem>>
        %dma_start3A_29 = tpu.memref_squeeze %dma_start3A_28 : memref<1x128xi32, #tpu.memory_space<vmem>> -> memref<128xi32, #tpu.memory_space<vmem>>
        %dma_start3A_30 = arith.constant 0 : i32
        %dma_start3A_31 = arith.constant 0 : i32
        %dma_start3A_32 = tpu.memref_slice %arg10[%dma_start3A_30, %dma_start3A_31] : memref<10112x128xf32, #tpu.memory_space<vmem_shared>> -> memref<10112x128xf32, #tpu.memory_space<vmem_shared>>
        tpu.enqueue_indirect_dma source(%arg9 : memref<128x128xf32, #tpu.memory_space<vmem>>) target(%dma_start3A_32 : memref<10112x128xf32, #tpu.memory_space<vmem_shared>>) offsets(%dma_start3A_29 : memref<128xi32, #tpu.memory_space<vmem>>) semaphore(%run_scoped3A : memref<!tpu.dma_semaphore, #tpu.memory_space<semaphore_mem>>) {add = true}
        %dma_wait3A_33 = arith.constant 0 : i32
        %dma_wait3A_34 = tpu.memref_slice %arg8[%scan3A_14, %dma_wait3A_33] : memref<79x128xi32, #tpu.memory_space<vmem>> -> memref<1x128xi32, #tpu.memory_space<vmem>>
        %dma_wait3A_35 = tpu.memref_squeeze %dma_wait3A_34 : memref<1x128xi32, #tpu.memory_space<vmem>> -> memref<128xi32, #tpu.memory_space<vmem>>
        %dma_wait3A_36 = arith.constant 0 : i32
        %dma_wait3A_37 = arith.constant 0 : i32
        %dma_wait3A_38 = tpu.memref_slice %arg10[%dma_wait3A_36, %dma_wait3A_37] : memref<10112x128xf32, #tpu.memory_space<vmem_shared>> -> memref<10112x128xf32, #tpu.memory_space<vmem_shared>>
        tpu.wait_indirect_dma semaphore(%run_scoped3A : memref<!tpu.dma_semaphore, #tpu.memory_space<semaphore_mem>>) src(%arg9 : memref<128x128xf32, #tpu.memory_space<vmem>>) dst(%dma_wait3A_38 : memref<10112x128xf32, #tpu.memory_space<vmem_shared>>)
        tpu.yield
      }) : () -> ()
      %scan3A_26 = arith.constant 0 : i32
      scf.yield %scan3A_26 : i32
    }
    %scan3A_8 = arith.constant 79 : i32
    %barrier3A_9 = arith.constant 0 : index
    tpu.barrier barrier_id(%barrier3A_9)
    %mul3A_10 = arith.constant 632 : i32
    %mul3A_11 = arith.muli %arg1, %mul3A_10 : i32
    %mul3A_12 = arith.constant 632 : i32
    %mul3A_13 = arith.muli %arg1, %mul3A_12 : i32
    "tpu.region"() ({
      %run_scoped3A = tpu.sem_alloc : memref<!tpu.dma_semaphore, #tpu.memory_space<semaphore_mem>>
      %dma_start3A = arith.constant 0 : i32
      %dma_start3A_14 = tpu.memref_slice %arg6[%arg0, %mul3A_13, %dma_start3A] : memref<2x10112x128xf32, #tpu.memory_space<hbm>> -> memref<1x632x128xf32, #tpu.memory_space<hbm>>
      %dma_start3A_15 = tpu.memref_squeeze %dma_start3A_14 : memref<1x632x128xf32, #tpu.memory_space<hbm>> -> memref<632x128xf32, #tpu.memory_space<hbm>>
      %dma_start3A_16 = arith.constant 0 : i32
      %dma_start3A_17 = tpu.memref_slice %arg10[%mul3A_11, %dma_start3A_16] : memref<10112x128xf32, #tpu.memory_space<vmem_shared>> -> memref<632x128xf32, #tpu.memory_space<vmem_shared>>
      tpu.enqueue_dma source(%dma_start3A_17 : memref<632x128xf32, #tpu.memory_space<vmem_shared>>) target(%dma_start3A_15 : memref<632x128xf32, #tpu.memory_space<hbm>>) target_semaphore(%run_scoped3A : memref<!tpu.dma_semaphore, #tpu.memory_space<semaphore_mem>>)
      %dma_wait3A = arith.constant 0 : i32
      %dma_wait3A_18 = tpu.memref_slice %arg6[%arg0, %mul3A_13, %dma_wait3A] : memref<2x10112x128xf32, #tpu.memory_space<hbm>> -> memref<1x632x128xf32, #tpu.memory_space<hbm>>
      %dma_wait3A_19 = tpu.memref_squeeze %dma_wait3A_18 : memref<1x632x128xf32, #tpu.memory_space<hbm>> -> memref<632x128xf32, #tpu.memory_space<hbm>>
      %dma_wait3A_20 = arith.constant 0 : i32
      %dma_wait3A_21 = tpu.memref_slice %arg10[%mul3A_11, %dma_wait3A_20] : memref<10112x128xf32, #tpu.memory_space<vmem_shared>> -> memref<632x128xf32, #tpu.memory_space<vmem_shared>>
      tpu.wait_dma2 semaphore(%run_scoped3A : memref<!tpu.dma_semaphore, #tpu.memory_space<semaphore_mem>>) src(%dma_wait3A_21 : memref<632x128xf32, #tpu.memory_space<vmem_shared>>) dst(%dma_wait3A_19 : memref<632x128xf32, #tpu.memory_space<hbm>>)
      tpu.yield
    }) : () -> ()
    return
  }
}

#map = affine_map<(d0, d1) -> (0, 0)>
#map1 = affine_map<(d0, d1) -> (0, 0, 0)>
module attributes {stable_mosaic.version = 14 : i64} {
  func.func @_spmm(%arg0: i32, %arg1: i32, %arg2: memref<10112x128xf32, #tpu.memory_space<hbm>>, %arg3: memref<32x79x128xi32, #tpu.memory_space<hbm>>, %arg4: memref<32x79x128xi32, #tpu.memory_space<hbm>>, %arg5: memref<632x128xf32, #tpu.memory_space<hbm>>, %arg6: memref<2x10112x128xf32, #tpu.memory_space<hbm>>, %arg7: memref<79x128xi32, #tpu.memory_space<vmem>>, %arg8: memref<79x128xi32, #tpu.memory_space<vmem>>, %arg9: memref<128x128xf32, #tpu.memory_space<vmem>>, %arg10: memref<10112x128xf32, #tpu.memory_space<vmem_shared>>, %arg11: memref<!tpu.dma_semaphore, #tpu.memory_space<semaphore_mem>>) attributes {dimension_semantics = [#tpu.dimension_semantics<core_parallel>, #tpu.dimension_semantics<subcore_parallel>], iteration_bounds = array<i64: 2, 16>, scalar_prefetch = 0 : i64, scratch_operands = 5 : i64, tpu.core_type = #tpu.core_type<sc_vector_subcore>, window_params = [{transform_indices = #map}, {transform_indices = #map1}, {transform_indices = #map1}, {transform_indices = #map}, {transform_indices = #map1}]} {
    %mul3A = arith.constant 16 : i32
    %mul3A_0 = arith.muli %arg0, %mul3A : i32
    %add3A = arith.addi %mul3A_0, %arg1 : i32
    "tpu.region"() ({
      %run_scoped3A = tpu.sem_alloc : memref<!tpu.dma_semaphore, #tpu.memory_space<semaphore_mem>>
      %dma_start3A = arith.constant 0 : i32
      %dma_start3A_14 = arith.constant 0 : i32
      %dma_start3A_15 = tpu.memref_slice %arg3[%add3A, %dma_start3A, %dma_start3A_14] : memref<32x79x128xi32, #tpu.memory_space<hbm>> -> memref<1x79x128xi32, #tpu.memory_space<hbm>>
      %dma_start3A_16 = tpu.memref_squeeze %dma_start3A_15 : memref<1x79x128xi32, #tpu.memory_space<hbm>> -> memref<79x128xi32, #tpu.memory_space<hbm>>
      %dma_start3A_17 = arith.constant 0 : i32
      %dma_start3A_18 = arith.constant 0 : i32
      %dma_start3A_19 = tpu.memref_slice %arg3[%add3A, %dma_start3A_17, %dma_start3A_18] : memref<32x79x128xi32, #tpu.memory_space<hbm>> -> memref<1x79x128xi32, #tpu.memory_space<hbm>>
      %dma_start3A_20 = tpu.memref_squeeze %dma_start3A_19 : memref<1x79x128xi32, #tpu.memory_space<hbm>> -> memref<79x128xi32, #tpu.memory_space<hbm>>
      tpu.enqueue_dma source(%dma_start3A_20 : memref<79x128xi32, #tpu.memory_space<hbm>>) target(%arg7 : memref<79x128xi32, #tpu.memory_space<vmem>>) target_semaphore(%run_scoped3A : memref<!tpu.dma_semaphore, #tpu.memory_space<semaphore_mem>>)
      %dma_wait3A = arith.constant 0 : i32
      %dma_wait3A_21 = arith.constant 0 : i32
      %dma_wait3A_22 = tpu.memref_slice %arg3[%add3A, %dma_wait3A, %dma_wait3A_21] : memref<32x79x128xi32, #tpu.memory_space<hbm>> -> memref<1x79x128xi32, #tpu.memory_space<hbm>>
      %dma_wait3A_23 = tpu.memref_squeeze %dma_wait3A_22 : memref<1x79x128xi32, #tpu.memory_space<hbm>> -> memref<79x128xi32, #tpu.memory_space<hbm>>
      %dma_wait3A_24 = arith.constant 0 : i32
      %dma_wait3A_25 = arith.constant 0 : i32
      %dma_wait3A_26 = tpu.memref_slice %arg3[%add3A, %dma_wait3A_24, %dma_wait3A_25] : memref<32x79x128xi32, #tpu.memory_space<hbm>> -> memref<1x79x128xi32, #tpu.memory_space<hbm>>
      %dma_wait3A_27 = tpu.memref_squeeze %dma_wait3A_26 : memref<1x79x128xi32, #tpu.memory_space<hbm>> -> memref<79x128xi32, #tpu.memory_space<hbm>>
      tpu.wait_dma2 semaphore(%run_scoped3A : memref<!tpu.dma_semaphore, #tpu.memory_space<semaphore_mem>>) src(%dma_wait3A_27 : memref<79x128xi32, #tpu.memory_space<hbm>>) dst(%arg7 : memref<79x128xi32, #tpu.memory_space<vmem>>)
      tpu.yield
    }) : () -> ()
    "tpu.region"() ({
      %run_scoped3A = tpu.sem_alloc : memref<!tpu.dma_semaphore, #tpu.memory_space<semaphore_mem>>
      %dma_start3A = arith.constant 0 : i32
      %dma_start3A_14 = arith.constant 0 : i32
      %dma_start3A_15 = tpu.memref_slice %arg4[%add3A, %dma_start3A, %dma_start3A_14] : memref<32x79x128xi32, #tpu.memory_space<hbm>> -> memref<1x79x128xi32, #tpu.memory_space<hbm>>
      %dma_start3A_16 = tpu.memref_squeeze %dma_start3A_15 : memref<1x79x128xi32, #tpu.memory_space<hbm>> -> memref<79x128xi32, #tpu.memory_space<hbm>>
      %dma_start3A_17 = arith.constant 0 : i32
      %dma_start3A_18 = arith.constant 0 : i32
      %dma_start3A_19 = tpu.memref_slice %arg4[%add3A, %dma_start3A_17, %dma_start3A_18] : memref<32x79x128xi32, #tpu.memory_space<hbm>> -> memref<1x79x128xi32, #tpu.memory_space<hbm>>
      %dma_start3A_20 = tpu.memref_squeeze %dma_start3A_19 : memref<1x79x128xi32, #tpu.memory_space<hbm>> -> memref<79x128xi32, #tpu.memory_space<hbm>>
      tpu.enqueue_dma source(%dma_start3A_20 : memref<79x128xi32, #tpu.memory_space<hbm>>) target(%arg8 : memref<79x128xi32, #tpu.memory_space<vmem>>) target_semaphore(%run_scoped3A : memref<!tpu.dma_semaphore, #tpu.memory_space<semaphore_mem>>)
      %dma_wait3A = arith.constant 0 : i32
      %dma_wait3A_21 = arith.constant 0 : i32
      %dma_wait3A_22 = tpu.memref_slice %arg4[%add3A, %dma_wait3A, %dma_wait3A_21] : memref<32x79x128xi32, #tpu.memory_space<hbm>> -> memref<1x79x128xi32, #tpu.memory_space<hbm>>
      %dma_wait3A_23 = tpu.memref_squeeze %dma_wait3A_22 : memref<1x79x128xi32, #tpu.memory_space<hbm>> -> memref<79x128xi32, #tpu.memory_space<hbm>>
      %dma_wait3A_24 = arith.constant 0 : i32
      %dma_wait3A_25 = arith.constant 0 : i32
      %dma_wait3A_26 = tpu.memref_slice %arg4[%add3A, %dma_wait3A_24, %dma_wait3A_25] : memref<32x79x128xi32, #tpu.memory_space<hbm>> -> memref<1x79x128xi32, #tpu.memory_space<hbm>>
      %dma_wait3A_27 = tpu.memref_squeeze %dma_wait3A_26 : memref<1x79x128xi32, #tpu.memory_space<hbm>> -> memref<79x128xi32, #tpu.memory_space<hbm>>
      tpu.wait_dma2 semaphore(%run_scoped3A : memref<!tpu.dma_semaphore, #tpu.memory_space<semaphore_mem>>) src(%dma_wait3A_27 : memref<79x128xi32, #tpu.memory_space<hbm>>) dst(%arg8 : memref<79x128xi32, #tpu.memory_space<vmem>>)
      tpu.yield
    }) : () -> ()
    %mul3A_1 = arith.constant 632 : i32
    %mul3A_2 = arith.muli %arg1, %mul3A_1 : i32
    "tpu.region"() ({
      %run_scoped3A = tpu.sem_alloc : memref<!tpu.dma_semaphore, #tpu.memory_space<semaphore_mem>>
      %dma_start3A = arith.constant 0 : i32
      %dma_start3A_14 = tpu.memref_slice %arg10[%mul3A_2, %dma_start3A] : memref<10112x128xf32, #tpu.memory_space<vmem_shared>> -> memref<632x128xf32, #tpu.memory_space<vmem_shared>>
      tpu.enqueue_dma source(%arg5 : memref<632x128xf32, #tpu.memory_space<hbm>>) target(%dma_start3A_14 : memref<632x128xf32, #tpu.memory_space<vmem_shared>>) target_semaphore(%run_scoped3A : memref<!tpu.dma_semaphore, #tpu.memory_space<semaphore_mem>>)
      %dma_wait3A = arith.constant 0 : i32
      %dma_wait3A_15 = tpu.memref_slice %arg10[%mul3A_2, %dma_wait3A] : memref<10112x128xf32, #tpu.memory_space<vmem_shared>> -> memref<632x128xf32, #tpu.memory_space<vmem_shared>>
      tpu.wait_dma2 semaphore(%run_scoped3A : memref<!tpu.dma_semaphore, #tpu.memory_space<semaphore_mem>>) src(%arg5 : memref<632x128xf32, #tpu.memory_space<hbm>>) dst(%dma_wait3A_15 : memref<632x128xf32, #tpu.memory_space<vmem_shared>>)
      tpu.yield
    }) : () -> ()
    %barrier3A = arith.constant 0 : index
    tpu.barrier barrier_id(%barrier3A)
    %scan3A = arith.constant 0 : i32
    %scan3A_3 = arith.constant 0 : i32
    %scan3A_4 = arith.constant 79 : i32
    %scan3A_5 = arith.addi %scan3A_3, %scan3A_4 : i32
    %scan3A_6 = arith.constant 1 : i32
    %scan3A_7 = scf.for %scan3A_14 = %scan3A_3 to %scan3A_5 step %scan3A_6 iter_args(%scan3A_15 = %scan3A) -> (i32)  : i32 {
      %dma_start3A = arith.constant 0 : i32
      %dma_start3A_16 = tpu.memref_slice %arg7[%scan3A_14, %dma_start3A] : memref<79x128xi32, #tpu.memory_space<vmem>> -> memref<1x128xi32, #tpu.memory_space<vmem>>
      %dma_start3A_17 = tpu.memref_squeeze %dma_start3A_16 : memref<1x128xi32, #tpu.memory_space<vmem>> -> memref<128xi32, #tpu.memory_space<vmem>>
      %dma_start3A_18 = arith.constant 0 : i32
      %dma_start3A_19 = arith.constant 0 : i32
      %dma_start3A_20 = tpu.memref_slice %arg2[%dma_start3A_18, %dma_start3A_19] : memref<10112x128xf32, #tpu.memory_space<hbm>> -> memref<10112x128xf32, #tpu.memory_space<hbm>>
      tpu.enqueue_indirect_dma source(%dma_start3A_20 : memref<10112x128xf32, #tpu.memory_space<hbm>>) target(%arg9 : memref<128x128xf32, #tpu.memory_space<vmem>>) offsets(%dma_start3A_17 : memref<128xi32, #tpu.memory_space<vmem>>) semaphore(%arg11 : memref<!tpu.dma_semaphore, #tpu.memory_space<semaphore_mem>>)
      %dma_wait3A = arith.constant 0 : i32
      %dma_wait3A_21 = tpu.memref_slice %arg7[%scan3A_14, %dma_wait3A] : memref<79x128xi32, #tpu.memory_space<vmem>> -> memref<1x128xi32, #tpu.memory_space<vmem>>
      %dma_wait3A_22 = tpu.memref_squeeze %dma_wait3A_21 : memref<1x128xi32, #tpu.memory_space<vmem>> -> memref<128xi32, #tpu.memory_space<vmem>>
      %dma_wait3A_23 = arith.constant 0 : i32
      %dma_wait3A_24 = arith.constant 0 : i32
      %dma_wait3A_25 = tpu.memref_slice %arg2[%dma_wait3A_23, %dma_wait3A_24] : memref<10112x128xf32, #tpu.memory_space<hbm>> -> memref<10112x128xf32, #tpu.memory_space<hbm>>
      tpu.wait_indirect_dma semaphore(%arg11 : memref<!tpu.dma_semaphore, #tpu.memory_space<semaphore_mem>>) src(%dma_wait3A_25 : memref<10112x128xf32, #tpu.memory_space<hbm>>) dst(%arg9 : memref<128x128xf32, #tpu.memory_space<vmem>>)
      "tpu.region"() ({
        %run_scoped3A = tpu.sem_alloc : memref<!tpu.dma_semaphore, #tpu.memory_space<semaphore_mem>>
        %dma_start3A_27 = arith.constant 0 : i32
        %dma_start3A_28 = tpu.memref_slice %arg8[%scan3A_14, %dma_start3A_27] : memref<79x128xi32, #tpu.memory_space<vmem>> -> memref<1x128xi32, #tpu.memory_space<vmem>>
        %dma_start3A_29 = tpu.memref_squeeze %dma_start3A_28 : memref<1x128xi32, #tpu.memory_space<vmem>> -> memref<128xi32, #tpu.memory_space<vmem>>
        %dma_start3A_30 = arith.constant 0 : i32
        %dma_start3A_31 = arith.constant 0 : i32
        %dma_start3A_32 = tpu.memref_slice %arg10[%dma_start3A_30, %dma_start3A_31] : memref<10112x128xf32, #tpu.memory_space<vmem_shared>> -> memref<10112x128xf32, #tpu.memory_space<vmem_shared>>
        tpu.enqueue_indirect_dma source(%arg9 : memref<128x128xf32, #tpu.memory_space<vmem>>) target(%dma_start3A_32 : memref<10112x128xf32, #tpu.memory_space<vmem_shared>>) offsets(%dma_start3A_29 : memref<128xi32, #tpu.memory_space<vmem>>) semaphore(%run_scoped3A : memref<!tpu.dma_semaphore, #tpu.memory_space<semaphore_mem>>) {add = true}
        %dma_wait3A_33 = arith.constant 0 : i32
        %dma_wait3A_34 = tpu.memref_slice %arg8[%scan3A_14, %dma_wait3A_33] : memref<79x128xi32, #tpu.memory_space<vmem>> -> memref<1x128xi32, #tpu.memory_space<vmem>>
        %dma_wait3A_35 = tpu.memref_squeeze %dma_wait3A_34 : memref<1x128xi32, #tpu.memory_space<vmem>> -> memref<128xi32, #tpu.memory_space<vmem>>
        %dma_wait3A_36 = arith.constant 0 : i32
        %dma_wait3A_37 = arith.constant 0 : i32
        %dma_wait3A_38 = tpu.memref_slice %arg10[%dma_wait3A_36, %dma_wait3A_37] : memref<10112x128xf32, #tpu.memory_space<vmem_shared>> -> memref<10112x128xf32, #tpu.memory_space<vmem_shared>>
        tpu.wait_indirect_dma semaphore(%run_scoped3A : memref<!tpu.dma_semaphore, #tpu.memory_space<semaphore_mem>>) src(%arg9 : memref<128x128xf32, #tpu.memory_space<vmem>>) dst(%dma_wait3A_38 : memref<10112x128xf32, #tpu.memory_space<vmem_shared>>)
        tpu.yield
      }) : () -> ()
      %scan3A_26 = arith.constant 0 : i32
      scf.yield %scan3A_26 : i32
    }
    %scan3A_8 = arith.constant 79 : i32
    %barrier3A_9 = arith.constant 0 : index
    tpu.barrier barrier_id(%barrier3A_9)
    %mul3A_10 = arith.constant 632 : i32
    %mul3A_11 = arith.muli %arg1, %mul3A_10 : i32
    %mul3A_12 = arith.constant 632 : i32
    %mul3A_13 = arith.muli %arg1, %mul3A_12 : i32
    "tpu.region"() ({
      %run_scoped3A = tpu.sem_alloc : memref<!tpu.dma_semaphore, #tpu.memory_space<semaphore_mem>>
      %dma_start3A = arith.constant 0 : i32
      %dma_start3A_14 = tpu.memref_slice %arg6[%arg0, %mul3A_13, %dma_start3A] : memref<2x10112x128xf32, #tpu.memory_space<hbm>> -> memref<1x632x128xf32, #tpu.memory_space<hbm>>
      %dma_start3A_15 = tpu.memref_squeeze %dma_start3A_14 : memref<1x632x128xf32, #tpu.memory_space<hbm>> -> memref<632x128xf32, #tpu.memory_space<hbm>>
      %dma_start3A_16 = arith.constant 0 : i32
      %dma_start3A_17 = tpu.memref_slice %arg10[%mul3A_11, %dma_start3A_16] : memref<10112x128xf32, #tpu.memory_space<vmem_shared>> -> memref<632x128xf32, #tpu.memory_space<vmem_shared>>
      tpu.enqueue_dma source(%dma_start3A_17 : memref<632x128xf32, #tpu.memory_space<vmem_shared>>) target(%dma_start3A_15 : memref<632x128xf32, #tpu.memory_space<hbm>>) target_semaphore(%run_scoped3A : memref<!tpu.dma_semaphore, #tpu.memory_space<semaphore_mem>>)
      %dma_wait3A = arith.constant 0 : i32
      %dma_wait3A_18 = tpu.memref_slice %arg6[%arg0, %mul3A_13, %dma_wait3A] : memref<2x10112x128xf32, #tpu.memory_space<hbm>> -> memref<1x632x128xf32, #tpu.memory_space<hbm>>
      %dma_wait3A_19 = tpu.memref_squeeze %dma_wait3A_18 : memref<1x632x128xf32, #tpu.memory_space<hbm>> -> memref<632x128xf32, #tpu.memory_space<hbm>>
      %dma_wait3A_20 = arith.constant 0 : i32
      %dma_wait3A_21 = tpu.memref_slice %arg10[%mul3A_11, %dma_wait3A_20] : memref<10112x128xf32, #tpu.memory_space<vmem_shared>> -> memref<632x128xf32, #tpu.memory_space<vmem_shared>>
      tpu.wait_dma2 semaphore(%run_scoped3A : memref<!tpu.dma_semaphore, #tpu.memory_space<semaphore_mem>>) src(%dma_wait3A_21 : memref<632x128xf32, #tpu.memory_space<vmem_shared>>) dst(%dma_wait3A_19 : memref<632x128xf32, #tpu.memory_space<hbm>>)
      tpu.yield
    }) : () -> ()
    return
  }
}

#map = affine_map<(d0, d1) -> (0, 0)>
#map1 = affine_map<(d0, d1) -> (0, 0, 0)>
module attributes {stable_mosaic.version = 14 : i64} {
  func.func @_spmm(%arg0: i32, %arg1: i32, %arg2: memref<10112x128xf32, #tpu.memory_space<hbm>>, %arg3: memref<32x79x128xi32, #tpu.memory_space<hbm>>, %arg4: memref<32x79x128xi32, #tpu.memory_space<hbm>>, %arg5: memref<632x128xf32, #tpu.memory_space<hbm>>, %arg6: memref<2x10112x128xf32, #tpu.memory_space<hbm>>, %arg7: memref<79x128xi32, #tpu.memory_space<vmem>>, %arg8: memref<79x128xi32, #tpu.memory_space<vmem>>, %arg9: memref<128x128xf32, #tpu.memory_space<vmem>>, %arg10: memref<10112x128xf32, #tpu.memory_space<vmem_shared>>, %arg11: memref<!tpu.dma_semaphore, #tpu.memory_space<semaphore_mem>>) attributes {dimension_semantics = [#tpu.dimension_semantics<core_parallel>, #tpu.dimension_semantics<subcore_parallel>], iteration_bounds = array<i64: 2, 16>, scalar_prefetch = 0 : i64, scratch_operands = 5 : i64, tpu.core_type = #tpu.core_type<sc_vector_subcore>, window_params = [{transform_indices = #map}, {transform_indices = #map1}, {transform_indices = #map1}, {transform_indices = #map}, {transform_indices = #map1}]} {
    %mul3A = arith.constant 16 : i32
    %mul3A_0 = arith.muli %arg0, %mul3A : i32
    %add3A = arith.addi %mul3A_0, %arg1 : i32
    "tpu.region"() ({
      %run_scoped3A = tpu.sem_alloc : memref<!tpu.dma_semaphore, #tpu.memory_space<semaphore_mem>>
      %dma_start3A = arith.constant 0 : i32
      %dma_start3A_14 = arith.constant 0 : i32
      %dma_start3A_15 = tpu.memref_slice %arg3[%add3A, %dma_start3A, %dma_start3A_14] : memref<32x79x128xi32, #tpu.memory_space<hbm>> -> memref<1x79x128xi32, #tpu.memory_space<hbm>>
      %dma_start3A_16 = tpu.memref_squeeze %dma_start3A_15 : memref<1x79x128xi32, #tpu.memory_space<hbm>> -> memref<79x128xi32, #tpu.memory_space<hbm>>
      %dma_start3A_17 = arith.constant 0 : i32
      %dma_start3A_18 = arith.constant 0 : i32
      %dma_start3A_19 = tpu.memref_slice %arg3[%add3A, %dma_start3A_17, %dma_start3A_18] : memref<32x79x128xi32, #tpu.memory_space<hbm>> -> memref<1x79x128xi32, #tpu.memory_space<hbm>>
      %dma_start3A_20 = tpu.memref_squeeze %dma_start3A_19 : memref<1x79x128xi32, #tpu.memory_space<hbm>> -> memref<79x128xi32, #tpu.memory_space<hbm>>
      tpu.enqueue_dma source(%dma_start3A_20 : memref<79x128xi32, #tpu.memory_space<hbm>>) target(%arg7 : memref<79x128xi32, #tpu.memory_space<vmem>>) target_semaphore(%run_scoped3A : memref<!tpu.dma_semaphore, #tpu.memory_space<semaphore_mem>>)
      %dma_wait3A = arith.constant 0 : i32
      %dma_wait3A_21 = arith.constant 0 : i32
      %dma_wait3A_22 = tpu.memref_slice %arg3[%add3A, %dma_wait3A, %dma_wait3A_21] : memref<32x79x128xi32, #tpu.memory_space<hbm>> -> memref<1x79x128xi32, #tpu.memory_space<hbm>>
      %dma_wait3A_23 = tpu.memref_squeeze %dma_wait3A_22 : memref<1x79x128xi32, #tpu.memory_space<hbm>> -> memref<79x128xi32, #tpu.memory_space<hbm>>
      %dma_wait3A_24 = arith.constant 0 : i32
      %dma_wait3A_25 = arith.constant 0 : i32
      %dma_wait3A_26 = tpu.memref_slice %arg3[%add3A, %dma_wait3A_24, %dma_wait3A_25] : memref<32x79x128xi32, #tpu.memory_space<hbm>> -> memref<1x79x128xi32, #tpu.memory_space<hbm>>
      %dma_wait3A_27 = tpu.memref_squeeze %dma_wait3A_26 : memref<1x79x128xi32, #tpu.memory_space<hbm>> -> memref<79x128xi32, #tpu.memory_space<hbm>>
      tpu.wait_dma2 semaphore(%run_scoped3A : memref<!tpu.dma_semaphore, #tpu.memory_space<semaphore_mem>>) src(%dma_wait3A_27 : memref<79x128xi32, #tpu.memory_space<hbm>>) dst(%arg7 : memref<79x128xi32, #tpu.memory_space<vmem>>)
      tpu.yield
    }) : () -> ()
    "tpu.region"() ({
      %run_scoped3A = tpu.sem_alloc : memref<!tpu.dma_semaphore, #tpu.memory_space<semaphore_mem>>
      %dma_start3A = arith.constant 0 : i32
      %dma_start3A_14 = arith.constant 0 : i32
      %dma_start3A_15 = tpu.memref_slice %arg4[%add3A, %dma_start3A, %dma_start3A_14] : memref<32x79x128xi32, #tpu.memory_space<hbm>> -> memref<1x79x128xi32, #tpu.memory_space<hbm>>
      %dma_start3A_16 = tpu.memref_squeeze %dma_start3A_15 : memref<1x79x128xi32, #tpu.memory_space<hbm>> -> memref<79x128xi32, #tpu.memory_space<hbm>>
      %dma_start3A_17 = arith.constant 0 : i32
      %dma_start3A_18 = arith.constant 0 : i32
      %dma_start3A_19 = tpu.memref_slice %arg4[%add3A, %dma_start3A_17, %dma_start3A_18] : memref<32x79x128xi32, #tpu.memory_space<hbm>> -> memref<1x79x128xi32, #tpu.memory_space<hbm>>
      %dma_start3A_20 = tpu.memref_squeeze %dma_start3A_19 : memref<1x79x128xi32, #tpu.memory_space<hbm>> -> memref<79x128xi32, #tpu.memory_space<hbm>>
      tpu.enqueue_dma source(%dma_start3A_20 : memref<79x128xi32, #tpu.memory_space<hbm>>) target(%arg8 : memref<79x128xi32, #tpu.memory_space<vmem>>) target_semaphore(%run_scoped3A : memref<!tpu.dma_semaphore, #tpu.memory_space<semaphore_mem>>)
      %dma_wait3A = arith.constant 0 : i32
      %dma_wait3A_21 = arith.constant 0 : i32
      %dma_wait3A_22 = tpu.memref_slice %arg4[%add3A, %dma_wait3A, %dma_wait3A_21] : memref<32x79x128xi32, #tpu.memory_space<hbm>> -> memref<1x79x128xi32, #tpu.memory_space<hbm>>
      %dma_wait3A_23 = tpu.memref_squeeze %dma_wait3A_22 : memref<1x79x128xi32, #tpu.memory_space<hbm>> -> memref<79x128xi32, #tpu.memory_space<hbm>>
      %dma_wait3A_24 = arith.constant 0 : i32
      %dma_wait3A_25 = arith.constant 0 : i32
      %dma_wait3A_26 = tpu.memref_slice %arg4[%add3A, %dma_wait3A_24, %dma_wait3A_25] : memref<32x79x128xi32, #tpu.memory_space<hbm>> -> memref<1x79x128xi32, #tpu.memory_space<hbm>>
      %dma_wait3A_27 = tpu.memref_squeeze %dma_wait3A_26 : memref<1x79x128xi32, #tpu.memory_space<hbm>> -> memref<79x128xi32, #tpu.memory_space<hbm>>
      tpu.wait_dma2 semaphore(%run_scoped3A : memref<!tpu.dma_semaphore, #tpu.memory_space<semaphore_mem>>) src(%dma_wait3A_27 : memref<79x128xi32, #tpu.memory_space<hbm>>) dst(%arg8 : memref<79x128xi32, #tpu.memory_space<vmem>>)
      tpu.yield
    }) : () -> ()
    %mul3A_1 = arith.constant 632 : i32
    %mul3A_2 = arith.muli %arg1, %mul3A_1 : i32
    "tpu.region"() ({
      %run_scoped3A = tpu.sem_alloc : memref<!tpu.dma_semaphore, #tpu.memory_space<semaphore_mem>>
      %dma_start3A = arith.constant 0 : i32
      %dma_start3A_14 = tpu.memref_slice %arg10[%mul3A_2, %dma_start3A] : memref<10112x128xf32, #tpu.memory_space<vmem_shared>> -> memref<632x128xf32, #tpu.memory_space<vmem_shared>>
      tpu.enqueue_dma source(%arg5 : memref<632x128xf32, #tpu.memory_space<hbm>>) target(%dma_start3A_14 : memref<632x128xf32, #tpu.memory_space<vmem_shared>>) target_semaphore(%run_scoped3A : memref<!tpu.dma_semaphore, #tpu.memory_space<semaphore_mem>>)
      %dma_wait3A = arith.constant 0 : i32
      %dma_wait3A_15 = tpu.memref_slice %arg10[%mul3A_2, %dma_wait3A] : memref<10112x128xf32, #tpu.memory_space<vmem_shared>> -> memref<632x128xf32, #tpu.memory_space<vmem_shared>>
      tpu.wait_dma2 semaphore(%run_scoped3A : memref<!tpu.dma_semaphore, #tpu.memory_space<semaphore_mem>>) src(%arg5 : memref<632x128xf32, #tpu.memory_space<hbm>>) dst(%dma_wait3A_15 : memref<632x128xf32, #tpu.memory_space<vmem_shared>>)
      tpu.yield
    }) : () -> ()
    %barrier3A = arith.constant 0 : index
    tpu.barrier barrier_id(%barrier3A)
    %scan3A = arith.constant 0 : i32
    %scan3A_3 = arith.constant 0 : i32
    %scan3A_4 = arith.constant 79 : i32
    %scan3A_5 = arith.addi %scan3A_3, %scan3A_4 : i32
    %scan3A_6 = arith.constant 1 : i32
    %scan3A_7 = scf.for %scan3A_14 = %scan3A_3 to %scan3A_5 step %scan3A_6 iter_args(%scan3A_15 = %scan3A) -> (i32)  : i32 {
      %dma_start3A = arith.constant 0 : i32
      %dma_start3A_16 = tpu.memref_slice %arg7[%scan3A_14, %dma_start3A] : memref<79x128xi32, #tpu.memory_space<vmem>> -> memref<1x128xi32, #tpu.memory_space<vmem>>
      %dma_start3A_17 = tpu.memref_squeeze %dma_start3A_16 : memref<1x128xi32, #tpu.memory_space<vmem>> -> memref<128xi32, #tpu.memory_space<vmem>>
      %dma_start3A_18 = arith.constant 0 : i32
      %dma_start3A_19 = arith.constant 0 : i32
      %dma_start3A_20 = tpu.memref_slice %arg2[%dma_start3A_18, %dma_start3A_19] : memref<10112x128xf32, #tpu.memory_space<hbm>> -> memref<10112x128xf32, #tpu.memory_space<hbm>>
      tpu.enqueue_indirect_dma source(%dma_start3A_20 : memref<10112x128xf32, #tpu.memory_space<hbm>>) target(%arg9 : memref<128x128xf32, #tpu.memory_space<vmem>>) offsets(%dma_start3A_17 : memref<128xi32, #tpu.memory_space<vmem>>) semaphore(%arg11 : memref<!tpu.dma_semaphore, #tpu.memory_space<semaphore_mem>>)
      %dma_wait3A = arith.constant 0 : i32
      %dma_wait3A_21 = tpu.memref_slice %arg7[%scan3A_14, %dma_wait3A] : memref<79x128xi32, #tpu.memory_space<vmem>> -> memref<1x128xi32, #tpu.memory_space<vmem>>
      %dma_wait3A_22 = tpu.memref_squeeze %dma_wait3A_21 : memref<1x128xi32, #tpu.memory_space<vmem>> -> memref<128xi32, #tpu.memory_space<vmem>>
      %dma_wait3A_23 = arith.constant 0 : i32
      %dma_wait3A_24 = arith.constant 0 : i32
      %dma_wait3A_25 = tpu.memref_slice %arg2[%dma_wait3A_23, %dma_wait3A_24] : memref<10112x128xf32, #tpu.memory_space<hbm>> -> memref<10112x128xf32, #tpu.memory_space<hbm>>
      tpu.wait_indirect_dma semaphore(%arg11 : memref<!tpu.dma_semaphore, #tpu.memory_space<semaphore_mem>>) src(%dma_wait3A_25 : memref<10112x128xf32, #tpu.memory_space<hbm>>) dst(%arg9 : memref<128x128xf32, #tpu.memory_space<vmem>>)
      "tpu.region"() ({
        %run_scoped3A = tpu.sem_alloc : memref<!tpu.dma_semaphore, #tpu.memory_space<semaphore_mem>>
        %dma_start3A_27 = arith.constant 0 : i32
        %dma_start3A_28 = tpu.memref_slice %arg8[%scan3A_14, %dma_start3A_27] : memref<79x128xi32, #tpu.memory_space<vmem>> -> memref<1x128xi32, #tpu.memory_space<vmem>>
        %dma_start3A_29 = tpu.memref_squeeze %dma_start3A_28 : memref<1x128xi32, #tpu.memory_space<vmem>> -> memref<128xi32, #tpu.memory_space<vmem>>
        %dma_start3A_30 = arith.constant 0 : i32
        %dma_start3A_31 = arith.constant 0 : i32
        %dma_start3A_32 = tpu.memref_slice %arg10[%dma_start3A_30, %dma_start3A_31] : memref<10112x128xf32, #tpu.memory_space<vmem_shared>> -> memref<10112x128xf32, #tpu.memory_space<vmem_shared>>
        tpu.enqueue_indirect_dma source(%arg9 : memref<128x128xf32, #tpu.memory_space<vmem>>) target(%dma_start3A_32 : memref<10112x128xf32, #tpu.memory_space<vmem_shared>>) offsets(%dma_start3A_29 : memref<128xi32, #tpu.memory_space<vmem>>) semaphore(%run_scoped3A : memref<!tpu.dma_semaphore, #tpu.memory_space<semaphore_mem>>) {add = true}
        %dma_wait3A_33 = arith.constant 0 : i32
        %dma_wait3A_34 = tpu.memref_slice %arg8[%scan3A_14, %dma_wait3A_33] : memref<79x128xi32, #tpu.memory_space<vmem>> -> memref<1x128xi32, #tpu.memory_space<vmem>>
        %dma_wait3A_35 = tpu.memref_squeeze %dma_wait3A_34 : memref<1x128xi32, #tpu.memory_space<vmem>> -> memref<128xi32, #tpu.memory_space<vmem>>
        %dma_wait3A_36 = arith.constant 0 : i32
        %dma_wait3A_37 = arith.constant 0 : i32
        %dma_wait3A_38 = tpu.memref_slice %arg10[%dma_wait3A_36, %dma_wait3A_37] : memref<10112x128xf32, #tpu.memory_space<vmem_shared>> -> memref<10112x128xf32, #tpu.memory_space<vmem_shared>>
        tpu.wait_indirect_dma semaphore(%run_scoped3A : memref<!tpu.dma_semaphore, #tpu.memory_space<semaphore_mem>>) src(%arg9 : memref<128x128xf32, #tpu.memory_space<vmem>>) dst(%dma_wait3A_38 : memref<10112x128xf32, #tpu.memory_space<vmem_shared>>)
        tpu.yield
      }) : () -> ()
      %scan3A_26 = arith.constant 0 : i32
      scf.yield %scan3A_26 : i32
    }
    %scan3A_8 = arith.constant 79 : i32
    %barrier3A_9 = arith.constant 0 : index
    tpu.barrier barrier_id(%barrier3A_9)
    %mul3A_10 = arith.constant 632 : i32
    %mul3A_11 = arith.muli %arg1, %mul3A_10 : i32
    %mul3A_12 = arith.constant 632 : i32
    %mul3A_13 = arith.muli %arg1, %mul3A_12 : i32
    "tpu.region"() ({
      %run_scoped3A = tpu.sem_alloc : memref<!tpu.dma_semaphore, #tpu.memory_space<semaphore_mem>>
      %dma_start3A = arith.constant 0 : i32
      %dma_start3A_14 = tpu.memref_slice %arg6[%arg0, %mul3A_13, %dma_start3A] : memref<2x10112x128xf32, #tpu.memory_space<hbm>> -> memref<1x632x128xf32, #tpu.memory_space<hbm>>
      %dma_start3A_15 = tpu.memref_squeeze %dma_start3A_14 : memref<1x632x128xf32, #tpu.memory_space<hbm>> -> memref<632x128xf32, #tpu.memory_space<hbm>>
      %dma_start3A_16 = arith.constant 0 : i32
      %dma_start3A_17 = tpu.memref_slice %arg10[%mul3A_11, %dma_start3A_16] : memref<10112x128xf32, #tpu.memory_space<vmem_shared>> -> memref<632x128xf32, #tpu.memory_space<vmem_shared>>
      tpu.enqueue_dma source(%dma_start3A_17 : memref<632x128xf32, #tpu.memory_space<vmem_shared>>) target(%dma_start3A_15 : memref<632x128xf32, #tpu.memory_space<hbm>>) target_semaphore(%run_scoped3A : memref<!tpu.dma_semaphore, #tpu.memory_space<semaphore_mem>>)
      %dma_wait3A = arith.constant 0 : i32
      %dma_wait3A_18 = tpu.memref_slice %arg6[%arg0, %mul3A_13, %dma_wait3A] : memref<2x10112x128xf32, #tpu.memory_space<hbm>> -> memref<1x632x128xf32, #tpu.memory_space<hbm>>
      %dma_wait3A_19 = tpu.memref_squeeze %dma_wait3A_18 : memref<1x632x128xf32, #tpu.memory_space<hbm>> -> memref<632x128xf32, #tpu.memory_space<hbm>>
      %dma_wait3A_20 = arith.constant 0 : i32
      %dma_wait3A_21 = tpu.memref_slice %arg10[%mul3A_11, %dma_wait3A_20] : memref<10112x128xf32, #tpu.memory_space<vmem_shared>> -> memref<632x128xf32, #tpu.memory_space<vmem_shared>>
      tpu.wait_dma2 semaphore(%run_scoped3A : memref<!tpu.dma_semaphore, #tpu.memory_space<semaphore_mem>>) src(%dma_wait3A_21 : memref<632x128xf32, #tpu.memory_space<vmem_shared>>) dst(%dma_wait3A_19 : memref<632x128xf32, #tpu.memory_space<hbm>>)
      tpu.yield
    }) : () -> ()
    return
  }
}

#map = affine_map<(d0, d1) -> (0, 0)>
#map1 = affine_map<(d0, d1) -> (0, 0, 0)>
module attributes {stable_mosaic.version = 14 : i64} {
  func.func @_spmm(%arg0: i32, %arg1: i32, %arg2: memref<10112x128xf32, #tpu.memory_space<hbm>>, %arg3: memref<32x79x128xi32, #tpu.memory_space<hbm>>, %arg4: memref<32x79x128xi32, #tpu.memory_space<hbm>>, %arg5: memref<632x128xf32, #tpu.memory_space<hbm>>, %arg6: memref<2x10112x128xf32, #tpu.memory_space<hbm>>, %arg7: memref<79x128xi32, #tpu.memory_space<vmem>>, %arg8: memref<79x128xi32, #tpu.memory_space<vmem>>, %arg9: memref<128x128xf32, #tpu.memory_space<vmem>>, %arg10: memref<10112x128xf32, #tpu.memory_space<vmem_shared>>, %arg11: memref<!tpu.dma_semaphore, #tpu.memory_space<semaphore_mem>>) attributes {dimension_semantics = [#tpu.dimension_semantics<core_parallel>, #tpu.dimension_semantics<subcore_parallel>], iteration_bounds = array<i64: 2, 16>, scalar_prefetch = 0 : i64, scratch_operands = 5 : i64, tpu.core_type = #tpu.core_type<sc_vector_subcore>, window_params = [{transform_indices = #map}, {transform_indices = #map1}, {transform_indices = #map1}, {transform_indices = #map}, {transform_indices = #map1}]} {
    %mul3A = arith.constant 16 : i32
    %mul3A_0 = arith.muli %arg0, %mul3A : i32
    %add3A = arith.addi %mul3A_0, %arg1 : i32
    "tpu.region"() ({
      %run_scoped3A = tpu.sem_alloc : memref<!tpu.dma_semaphore, #tpu.memory_space<semaphore_mem>>
      %dma_start3A = arith.constant 0 : i32
      %dma_start3A_14 = arith.constant 0 : i32
      %dma_start3A_15 = tpu.memref_slice %arg3[%add3A, %dma_start3A, %dma_start3A_14] : memref<32x79x128xi32, #tpu.memory_space<hbm>> -> memref<1x79x128xi32, #tpu.memory_space<hbm>>
      %dma_start3A_16 = tpu.memref_squeeze %dma_start3A_15 : memref<1x79x128xi32, #tpu.memory_space<hbm>> -> memref<79x128xi32, #tpu.memory_space<hbm>>
      %dma_start3A_17 = arith.constant 0 : i32
      %dma_start3A_18 = arith.constant 0 : i32
      %dma_start3A_19 = tpu.memref_slice %arg3[%add3A, %dma_start3A_17, %dma_start3A_18] : memref<32x79x128xi32, #tpu.memory_space<hbm>> -> memref<1x79x128xi32, #tpu.memory_space<hbm>>
      %dma_start3A_20 = tpu.memref_squeeze %dma_start3A_19 : memref<1x79x128xi32, #tpu.memory_space<hbm>> -> memref<79x128xi32, #tpu.memory_space<hbm>>
      tpu.enqueue_dma source(%dma_start3A_20 : memref<79x128xi32, #tpu.memory_space<hbm>>) target(%arg7 : memref<79x128xi32, #tpu.memory_space<vmem>>) target_semaphore(%run_scoped3A : memref<!tpu.dma_semaphore, #tpu.memory_space<semaphore_mem>>)
      %dma_wait3A = arith.constant 0 : i32
      %dma_wait3A_21 = arith.constant 0 : i32
      %dma_wait3A_22 = tpu.memref_slice %arg3[%add3A, %dma_wait3A, %dma_wait3A_21] : memref<32x79x128xi32, #tpu.memory_space<hbm>> -> memref<1x79x128xi32, #tpu.memory_space<hbm>>
      %dma_wait3A_23 = tpu.memref_squeeze %dma_wait3A_22 : memref<1x79x128xi32, #tpu.memory_space<hbm>> -> memref<79x128xi32, #tpu.memory_space<hbm>>
      %dma_wait3A_24 = arith.constant 0 : i32
      %dma_wait3A_25 = arith.constant 0 : i32
      %dma_wait3A_26 = tpu.memref_slice %arg3[%add3A, %dma_wait3A_24, %dma_wait3A_25] : memref<32x79x128xi32, #tpu.memory_space<hbm>> -> memref<1x79x128xi32, #tpu.memory_space<hbm>>
      %dma_wait3A_27 = tpu.memref_squeeze %dma_wait3A_26 : memref<1x79x128xi32, #tpu.memory_space<hbm>> -> memref<79x128xi32, #tpu.memory_space<hbm>>
      tpu.wait_dma2 semaphore(%run_scoped3A : memref<!tpu.dma_semaphore, #tpu.memory_space<semaphore_mem>>) src(%dma_wait3A_27 : memref<79x128xi32, #tpu.memory_space<hbm>>) dst(%arg7 : memref<79x128xi32, #tpu.memory_space<vmem>>)
      tpu.yield
    }) : () -> ()
    "tpu.region"() ({
      %run_scoped3A = tpu.sem_alloc : memref<!tpu.dma_semaphore, #tpu.memory_space<semaphore_mem>>
      %dma_start3A = arith.constant 0 : i32
      %dma_start3A_14 = arith.constant 0 : i32
      %dma_start3A_15 = tpu.memref_slice %arg4[%add3A, %dma_start3A, %dma_start3A_14] : memref<32x79x128xi32, #tpu.memory_space<hbm>> -> memref<1x79x128xi32, #tpu.memory_space<hbm>>
      %dma_start3A_16 = tpu.memref_squeeze %dma_start3A_15 : memref<1x79x128xi32, #tpu.memory_space<hbm>> -> memref<79x128xi32, #tpu.memory_space<hbm>>
      %dma_start3A_17 = arith.constant 0 : i32
      %dma_start3A_18 = arith.constant 0 : i32
      %dma_start3A_19 = tpu.memref_slice %arg4[%add3A, %dma_start3A_17, %dma_start3A_18] : memref<32x79x128xi32, #tpu.memory_space<hbm>> -> memref<1x79x128xi32, #tpu.memory_space<hbm>>
      %dma_start3A_20 = tpu.memref_squeeze %dma_start3A_19 : memref<1x79x128xi32, #tpu.memory_space<hbm>> -> memref<79x128xi32, #tpu.memory_space<hbm>>
      tpu.enqueue_dma source(%dma_start3A_20 : memref<79x128xi32, #tpu.memory_space<hbm>>) target(%arg8 : memref<79x128xi32, #tpu.memory_space<vmem>>) target_semaphore(%run_scoped3A : memref<!tpu.dma_semaphore, #tpu.memory_space<semaphore_mem>>)
      %dma_wait3A = arith.constant 0 : i32
      %dma_wait3A_21 = arith.constant 0 : i32
      %dma_wait3A_22 = tpu.memref_slice %arg4[%add3A, %dma_wait3A, %dma_wait3A_21] : memref<32x79x128xi32, #tpu.memory_space<hbm>> -> memref<1x79x128xi32, #tpu.memory_space<hbm>>
      %dma_wait3A_23 = tpu.memref_squeeze %dma_wait3A_22 : memref<1x79x128xi32, #tpu.memory_space<hbm>> -> memref<79x128xi32, #tpu.memory_space<hbm>>
      %dma_wait3A_24 = arith.constant 0 : i32
      %dma_wait3A_25 = arith.constant 0 : i32
      %dma_wait3A_26 = tpu.memref_slice %arg4[%add3A, %dma_wait3A_24, %dma_wait3A_25] : memref<32x79x128xi32, #tpu.memory_space<hbm>> -> memref<1x79x128xi32, #tpu.memory_space<hbm>>
      %dma_wait3A_27 = tpu.memref_squeeze %dma_wait3A_26 : memref<1x79x128xi32, #tpu.memory_space<hbm>> -> memref<79x128xi32, #tpu.memory_space<hbm>>
      tpu.wait_dma2 semaphore(%run_scoped3A : memref<!tpu.dma_semaphore, #tpu.memory_space<semaphore_mem>>) src(%dma_wait3A_27 : memref<79x128xi32, #tpu.memory_space<hbm>>) dst(%arg8 : memref<79x128xi32, #tpu.memory_space<vmem>>)
      tpu.yield
    }) : () -> ()
    %mul3A_1 = arith.constant 632 : i32
    %mul3A_2 = arith.muli %arg1, %mul3A_1 : i32
    "tpu.region"() ({
      %run_scoped3A = tpu.sem_alloc : memref<!tpu.dma_semaphore, #tpu.memory_space<semaphore_mem>>
      %dma_start3A = arith.constant 0 : i32
      %dma_start3A_14 = tpu.memref_slice %arg10[%mul3A_2, %dma_start3A] : memref<10112x128xf32, #tpu.memory_space<vmem_shared>> -> memref<632x128xf32, #tpu.memory_space<vmem_shared>>
      tpu.enqueue_dma source(%arg5 : memref<632x128xf32, #tpu.memory_space<hbm>>) target(%dma_start3A_14 : memref<632x128xf32, #tpu.memory_space<vmem_shared>>) target_semaphore(%run_scoped3A : memref<!tpu.dma_semaphore, #tpu.memory_space<semaphore_mem>>)
      %dma_wait3A = arith.constant 0 : i32
      %dma_wait3A_15 = tpu.memref_slice %arg10[%mul3A_2, %dma_wait3A] : memref<10112x128xf32, #tpu.memory_space<vmem_shared>> -> memref<632x128xf32, #tpu.memory_space<vmem_shared>>
      tpu.wait_dma2 semaphore(%run_scoped3A : memref<!tpu.dma_semaphore, #tpu.memory_space<semaphore_mem>>) src(%arg5 : memref<632x128xf32, #tpu.memory_space<hbm>>) dst(%dma_wait3A_15 : memref<632x128xf32, #tpu.memory_space<vmem_shared>>)
      tpu.yield
    }) : () -> ()
    %barrier3A = arith.constant 0 : index
    tpu.barrier barrier_id(%barrier3A)
    %scan3A = arith.constant 0 : i32
    %scan3A_3 = arith.constant 0 : i32
    %scan3A_4 = arith.constant 79 : i32
    %scan3A_5 = arith.addi %scan3A_3, %scan3A_4 : i32
    %scan3A_6 = arith.constant 1 : i32
    %scan3A_7 = scf.for %scan3A_14 = %scan3A_3 to %scan3A_5 step %scan3A_6 iter_args(%scan3A_15 = %scan3A) -> (i32)  : i32 {
      %dma_start3A = arith.constant 0 : i32
      %dma_start3A_16 = tpu.memref_slice %arg7[%scan3A_14, %dma_start3A] : memref<79x128xi32, #tpu.memory_space<vmem>> -> memref<1x128xi32, #tpu.memory_space<vmem>>
      %dma_start3A_17 = tpu.memref_squeeze %dma_start3A_16 : memref<1x128xi32, #tpu.memory_space<vmem>> -> memref<128xi32, #tpu.memory_space<vmem>>
      %dma_start3A_18 = arith.constant 0 : i32
      %dma_start3A_19 = arith.constant 0 : i32
      %dma_start3A_20 = tpu.memref_slice %arg2[%dma_start3A_18, %dma_start3A_19] : memref<10112x128xf32, #tpu.memory_space<hbm>> -> memref<10112x128xf32, #tpu.memory_space<hbm>>
      tpu.enqueue_indirect_dma source(%dma_start3A_20 : memref<10112x128xf32, #tpu.memory_space<hbm>>) target(%arg9 : memref<128x128xf32, #tpu.memory_space<vmem>>) offsets(%dma_start3A_17 : memref<128xi32, #tpu.memory_space<vmem>>) semaphore(%arg11 : memref<!tpu.dma_semaphore, #tpu.memory_space<semaphore_mem>>)
      %dma_wait3A = arith.constant 0 : i32
      %dma_wait3A_21 = tpu.memref_slice %arg7[%scan3A_14, %dma_wait3A] : memref<79x128xi32, #tpu.memory_space<vmem>> -> memref<1x128xi32, #tpu.memory_space<vmem>>
      %dma_wait3A_22 = tpu.memref_squeeze %dma_wait3A_21 : memref<1x128xi32, #tpu.memory_space<vmem>> -> memref<128xi32, #tpu.memory_space<vmem>>
      %dma_wait3A_23 = arith.constant 0 : i32
      %dma_wait3A_24 = arith.constant 0 : i32
      %dma_wait3A_25 = tpu.memref_slice %arg2[%dma_wait3A_23, %dma_wait3A_24] : memref<10112x128xf32, #tpu.memory_space<hbm>> -> memref<10112x128xf32, #tpu.memory_space<hbm>>
      tpu.wait_indirect_dma semaphore(%arg11 : memref<!tpu.dma_semaphore, #tpu.memory_space<semaphore_mem>>) src(%dma_wait3A_25 : memref<10112x128xf32, #tpu.memory_space<hbm>>) dst(%arg9 : memref<128x128xf32, #tpu.memory_space<vmem>>)
      "tpu.region"() ({
        %run_scoped3A = tpu.sem_alloc : memref<!tpu.dma_semaphore, #tpu.memory_space<semaphore_mem>>
        %dma_start3A_27 = arith.constant 0 : i32
        %dma_start3A_28 = tpu.memref_slice %arg8[%scan3A_14, %dma_start3A_27] : memref<79x128xi32, #tpu.memory_space<vmem>> -> memref<1x128xi32, #tpu.memory_space<vmem>>
        %dma_start3A_29 = tpu.memref_squeeze %dma_start3A_28 : memref<1x128xi32, #tpu.memory_space<vmem>> -> memref<128xi32, #tpu.memory_space<vmem>>
        %dma_start3A_30 = arith.constant 0 : i32
        %dma_start3A_31 = arith.constant 0 : i32
        %dma_start3A_32 = tpu.memref_slice %arg10[%dma_start3A_30, %dma_start3A_31] : memref<10112x128xf32, #tpu.memory_space<vmem_shared>> -> memref<10112x128xf32, #tpu.memory_space<vmem_shared>>
        tpu.enqueue_indirect_dma source(%arg9 : memref<128x128xf32, #tpu.memory_space<vmem>>) target(%dma_start3A_32 : memref<10112x128xf32, #tpu.memory_space<vmem_shared>>) offsets(%dma_start3A_29 : memref<128xi32, #tpu.memory_space<vmem>>) semaphore(%run_scoped3A : memref<!tpu.dma_semaphore, #tpu.memory_space<semaphore_mem>>) {add = true}
        %dma_wait3A_33 = arith.constant 0 : i32
        %dma_wait3A_34 = tpu.memref_slice %arg8[%scan3A_14, %dma_wait3A_33] : memref<79x128xi32, #tpu.memory_space<vmem>> -> memref<1x128xi32, #tpu.memory_space<vmem>>
        %dma_wait3A_35 = tpu.memref_squeeze %dma_wait3A_34 : memref<1x128xi32, #tpu.memory_space<vmem>> -> memref<128xi32, #tpu.memory_space<vmem>>
        %dma_wait3A_36 = arith.constant 0 : i32
        %dma_wait3A_37 = arith.constant 0 : i32
        %dma_wait3A_38 = tpu.memref_slice %arg10[%dma_wait3A_36, %dma_wait3A_37] : memref<10112x128xf32, #tpu.memory_space<vmem_shared>> -> memref<10112x128xf32, #tpu.memory_space<vmem_shared>>
        tpu.wait_indirect_dma semaphore(%run_scoped3A : memref<!tpu.dma_semaphore, #tpu.memory_space<semaphore_mem>>) src(%arg9 : memref<128x128xf32, #tpu.memory_space<vmem>>) dst(%dma_wait3A_38 : memref<10112x128xf32, #tpu.memory_space<vmem_shared>>)
        tpu.yield
      }) : () -> ()
      %scan3A_26 = arith.constant 0 : i32
      scf.yield %scan3A_26 : i32
    }
    %scan3A_8 = arith.constant 79 : i32
    %barrier3A_9 = arith.constant 0 : index
    tpu.barrier barrier_id(%barrier3A_9)
    %mul3A_10 = arith.constant 632 : i32
    %mul3A_11 = arith.muli %arg1, %mul3A_10 : i32
    %mul3A_12 = arith.constant 632 : i32
    %mul3A_13 = arith.muli %arg1, %mul3A_12 : i32
    "tpu.region"() ({
      %run_scoped3A = tpu.sem_alloc : memref<!tpu.dma_semaphore, #tpu.memory_space<semaphore_mem>>
      %dma_start3A = arith.constant 0 : i32
      %dma_start3A_14 = tpu.memref_slice %arg6[%arg0, %mul3A_13, %dma_start3A] : memref<2x10112x128xf32, #tpu.memory_space<hbm>> -> memref<1x632x128xf32, #tpu.memory_space<hbm>>
      %dma_start3A_15 = tpu.memref_squeeze %dma_start3A_14 : memref<1x632x128xf32, #tpu.memory_space<hbm>> -> memref<632x128xf32, #tpu.memory_space<hbm>>
      %dma_start3A_16 = arith.constant 0 : i32
      %dma_start3A_17 = tpu.memref_slice %arg10[%mul3A_11, %dma_start3A_16] : memref<10112x128xf32, #tpu.memory_space<vmem_shared>> -> memref<632x128xf32, #tpu.memory_space<vmem_shared>>
      tpu.enqueue_dma source(%dma_start3A_17 : memref<632x128xf32, #tpu.memory_space<vmem_shared>>) target(%dma_start3A_15 : memref<632x128xf32, #tpu.memory_space<hbm>>) target_semaphore(%run_scoped3A : memref<!tpu.dma_semaphore, #tpu.memory_space<semaphore_mem>>)
      %dma_wait3A = arith.constant 0 : i32
      %dma_wait3A_18 = tpu.memref_slice %arg6[%arg0, %mul3A_13, %dma_wait3A] : memref<2x10112x128xf32, #tpu.memory_space<hbm>> -> memref<1x632x128xf32, #tpu.memory_space<hbm>>
      %dma_wait3A_19 = tpu.memref_squeeze %dma_wait3A_18 : memref<1x632x128xf32, #tpu.memory_space<hbm>> -> memref<632x128xf32, #tpu.memory_space<hbm>>
      %dma_wait3A_20 = arith.constant 0 : i32
      %dma_wait3A_21 = tpu.memref_slice %arg10[%mul3A_11, %dma_wait3A_20] : memref<10112x128xf32, #tpu.memory_space<vmem_shared>> -> memref<632x128xf32, #tpu.memory_space<vmem_shared>>
      tpu.wait_dma2 semaphore(%run_scoped3A : memref<!tpu.dma_semaphore, #tpu.memory_space<semaphore_mem>>) src(%dma_wait3A_21 : memref<632x128xf32, #tpu.memory_space<vmem_shared>>) dst(%dma_wait3A_19 : memref<632x128xf32, #tpu.memory_space<hbm>>)
      tpu.yield
    }) : () -> ()
    return
  }
}

#map = affine_map<(d0, d1) -> (0, 0)>
#map1 = affine_map<(d0, d1) -> (0, 0, 0)>
module attributes {stable_mosaic.version = 14 : i64} {
  func.func @_spmm(%arg0: i32, %arg1: i32, %arg2: memref<10112x128xf32, #tpu.memory_space<hbm>>, %arg3: memref<32x79x128xi32, #tpu.memory_space<hbm>>, %arg4: memref<32x79x128xi32, #tpu.memory_space<hbm>>, %arg5: memref<632x128xf32, #tpu.memory_space<hbm>>, %arg6: memref<2x10112x128xf32, #tpu.memory_space<hbm>>, %arg7: memref<79x128xi32, #tpu.memory_space<vmem>>, %arg8: memref<79x128xi32, #tpu.memory_space<vmem>>, %arg9: memref<128x128xf32, #tpu.memory_space<vmem>>, %arg10: memref<10112x128xf32, #tpu.memory_space<vmem_shared>>, %arg11: memref<!tpu.dma_semaphore, #tpu.memory_space<semaphore_mem>>) attributes {dimension_semantics = [#tpu.dimension_semantics<core_parallel>, #tpu.dimension_semantics<subcore_parallel>], iteration_bounds = array<i64: 2, 16>, scalar_prefetch = 0 : i64, scratch_operands = 5 : i64, tpu.core_type = #tpu.core_type<sc_vector_subcore>, window_params = [{transform_indices = #map}, {transform_indices = #map1}, {transform_indices = #map1}, {transform_indices = #map}, {transform_indices = #map1}]} {
    %mul3A = arith.constant 16 : i32
    %mul3A_0 = arith.muli %arg0, %mul3A : i32
    %add3A = arith.addi %mul3A_0, %arg1 : i32
    "tpu.region"() ({
      %run_scoped3A = tpu.sem_alloc : memref<!tpu.dma_semaphore, #tpu.memory_space<semaphore_mem>>
      %dma_start3A = arith.constant 0 : i32
      %dma_start3A_14 = arith.constant 0 : i32
      %dma_start3A_15 = tpu.memref_slice %arg3[%add3A, %dma_start3A, %dma_start3A_14] : memref<32x79x128xi32, #tpu.memory_space<hbm>> -> memref<1x79x128xi32, #tpu.memory_space<hbm>>
      %dma_start3A_16 = tpu.memref_squeeze %dma_start3A_15 : memref<1x79x128xi32, #tpu.memory_space<hbm>> -> memref<79x128xi32, #tpu.memory_space<hbm>>
      %dma_start3A_17 = arith.constant 0 : i32
      %dma_start3A_18 = arith.constant 0 : i32
      %dma_start3A_19 = tpu.memref_slice %arg3[%add3A, %dma_start3A_17, %dma_start3A_18] : memref<32x79x128xi32, #tpu.memory_space<hbm>> -> memref<1x79x128xi32, #tpu.memory_space<hbm>>
      %dma_start3A_20 = tpu.memref_squeeze %dma_start3A_19 : memref<1x79x128xi32, #tpu.memory_space<hbm>> -> memref<79x128xi32, #tpu.memory_space<hbm>>
      tpu.enqueue_dma source(%dma_start3A_20 : memref<79x128xi32, #tpu.memory_space<hbm>>) target(%arg7 : memref<79x128xi32, #tpu.memory_space<vmem>>) target_semaphore(%run_scoped3A : memref<!tpu.dma_semaphore, #tpu.memory_space<semaphore_mem>>)
      %dma_wait3A = arith.constant 0 : i32
      %dma_wait3A_21 = arith.constant 0 : i32
      %dma_wait3A_22 = tpu.memref_slice %arg3[%add3A, %dma_wait3A, %dma_wait3A_21] : memref<32x79x128xi32, #tpu.memory_space<hbm>> -> memref<1x79x128xi32, #tpu.memory_space<hbm>>
      %dma_wait3A_23 = tpu.memref_squeeze %dma_wait3A_22 : memref<1x79x128xi32, #tpu.memory_space<hbm>> -> memref<79x128xi32, #tpu.memory_space<hbm>>
      %dma_wait3A_24 = arith.constant 0 : i32
      %dma_wait3A_25 = arith.constant 0 : i32
      %dma_wait3A_26 = tpu.memref_slice %arg3[%add3A, %dma_wait3A_24, %dma_wait3A_25] : memref<32x79x128xi32, #tpu.memory_space<hbm>> -> memref<1x79x128xi32, #tpu.memory_space<hbm>>
      %dma_wait3A_27 = tpu.memref_squeeze %dma_wait3A_26 : memref<1x79x128xi32, #tpu.memory_space<hbm>> -> memref<79x128xi32, #tpu.memory_space<hbm>>
      tpu.wait_dma2 semaphore(%run_scoped3A : memref<!tpu.dma_semaphore, #tpu.memory_space<semaphore_mem>>) src(%dma_wait3A_27 : memref<79x128xi32, #tpu.memory_space<hbm>>) dst(%arg7 : memref<79x128xi32, #tpu.memory_space<vmem>>)
      tpu.yield
    }) : () -> ()
    "tpu.region"() ({
      %run_scoped3A = tpu.sem_alloc : memref<!tpu.dma_semaphore, #tpu.memory_space<semaphore_mem>>
      %dma_start3A = arith.constant 0 : i32
      %dma_start3A_14 = arith.constant 0 : i32
      %dma_start3A_15 = tpu.memref_slice %arg4[%add3A, %dma_start3A, %dma_start3A_14] : memref<32x79x128xi32, #tpu.memory_space<hbm>> -> memref<1x79x128xi32, #tpu.memory_space<hbm>>
      %dma_start3A_16 = tpu.memref_squeeze %dma_start3A_15 : memref<1x79x128xi32, #tpu.memory_space<hbm>> -> memref<79x128xi32, #tpu.memory_space<hbm>>
      %dma_start3A_17 = arith.constant 0 : i32
      %dma_start3A_18 = arith.constant 0 : i32
      %dma_start3A_19 = tpu.memref_slice %arg4[%add3A, %dma_start3A_17, %dma_start3A_18] : memref<32x79x128xi32, #tpu.memory_space<hbm>> -> memref<1x79x128xi32, #tpu.memory_space<hbm>>
      %dma_start3A_20 = tpu.memref_squeeze %dma_start3A_19 : memref<1x79x128xi32, #tpu.memory_space<hbm>> -> memref<79x128xi32, #tpu.memory_space<hbm>>
      tpu.enqueue_dma source(%dma_start3A_20 : memref<79x128xi32, #tpu.memory_space<hbm>>) target(%arg8 : memref<79x128xi32, #tpu.memory_space<vmem>>) target_semaphore(%run_scoped3A : memref<!tpu.dma_semaphore, #tpu.memory_space<semaphore_mem>>)
      %dma_wait3A = arith.constant 0 : i32
      %dma_wait3A_21 = arith.constant 0 : i32
      %dma_wait3A_22 = tpu.memref_slice %arg4[%add3A, %dma_wait3A, %dma_wait3A_21] : memref<32x79x128xi32, #tpu.memory_space<hbm>> -> memref<1x79x128xi32, #tpu.memory_space<hbm>>
      %dma_wait3A_23 = tpu.memref_squeeze %dma_wait3A_22 : memref<1x79x128xi32, #tpu.memory_space<hbm>> -> memref<79x128xi32, #tpu.memory_space<hbm>>
      %dma_wait3A_24 = arith.constant 0 : i32
      %dma_wait3A_25 = arith.constant 0 : i32
      %dma_wait3A_26 = tpu.memref_slice %arg4[%add3A, %dma_wait3A_24, %dma_wait3A_25] : memref<32x79x128xi32, #tpu.memory_space<hbm>> -> memref<1x79x128xi32, #tpu.memory_space<hbm>>
      %dma_wait3A_27 = tpu.memref_squeeze %dma_wait3A_26 : memref<1x79x128xi32, #tpu.memory_space<hbm>> -> memref<79x128xi32, #tpu.memory_space<hbm>>
      tpu.wait_dma2 semaphore(%run_scoped3A : memref<!tpu.dma_semaphore, #tpu.memory_space<semaphore_mem>>) src(%dma_wait3A_27 : memref<79x128xi32, #tpu.memory_space<hbm>>) dst(%arg8 : memref<79x128xi32, #tpu.memory_space<vmem>>)
      tpu.yield
    }) : () -> ()
    %mul3A_1 = arith.constant 632 : i32
    %mul3A_2 = arith.muli %arg1, %mul3A_1 : i32
    "tpu.region"() ({
      %run_scoped3A = tpu.sem_alloc : memref<!tpu.dma_semaphore, #tpu.memory_space<semaphore_mem>>
      %dma_start3A = arith.constant 0 : i32
      %dma_start3A_14 = tpu.memref_slice %arg10[%mul3A_2, %dma_start3A] : memref<10112x128xf32, #tpu.memory_space<vmem_shared>> -> memref<632x128xf32, #tpu.memory_space<vmem_shared>>
      tpu.enqueue_dma source(%arg5 : memref<632x128xf32, #tpu.memory_space<hbm>>) target(%dma_start3A_14 : memref<632x128xf32, #tpu.memory_space<vmem_shared>>) target_semaphore(%run_scoped3A : memref<!tpu.dma_semaphore, #tpu.memory_space<semaphore_mem>>)
      %dma_wait3A = arith.constant 0 : i32
      %dma_wait3A_15 = tpu.memref_slice %arg10[%mul3A_2, %dma_wait3A] : memref<10112x128xf32, #tpu.memory_space<vmem_shared>> -> memref<632x128xf32, #tpu.memory_space<vmem_shared>>
      tpu.wait_dma2 semaphore(%run_scoped3A : memref<!tpu.dma_semaphore, #tpu.memory_space<semaphore_mem>>) src(%arg5 : memref<632x128xf32, #tpu.memory_space<hbm>>) dst(%dma_wait3A_15 : memref<632x128xf32, #tpu.memory_space<vmem_shared>>)
      tpu.yield
    }) : () -> ()
    %barrier3A = arith.constant 0 : index
    tpu.barrier barrier_id(%barrier3A)
    %scan3A = arith.constant 0 : i32
    %scan3A_3 = arith.constant 0 : i32
    %scan3A_4 = arith.constant 79 : i32
    %scan3A_5 = arith.addi %scan3A_3, %scan3A_4 : i32
    %scan3A_6 = arith.constant 1 : i32
    %scan3A_7 = scf.for %scan3A_14 = %scan3A_3 to %scan3A_5 step %scan3A_6 iter_args(%scan3A_15 = %scan3A) -> (i32)  : i32 {
      %dma_start3A = arith.constant 0 : i32
      %dma_start3A_16 = tpu.memref_slice %arg7[%scan3A_14, %dma_start3A] : memref<79x128xi32, #tpu.memory_space<vmem>> -> memref<1x128xi32, #tpu.memory_space<vmem>>
      %dma_start3A_17 = tpu.memref_squeeze %dma_start3A_16 : memref<1x128xi32, #tpu.memory_space<vmem>> -> memref<128xi32, #tpu.memory_space<vmem>>
      %dma_start3A_18 = arith.constant 0 : i32
      %dma_start3A_19 = arith.constant 0 : i32
      %dma_start3A_20 = tpu.memref_slice %arg2[%dma_start3A_18, %dma_start3A_19] : memref<10112x128xf32, #tpu.memory_space<hbm>> -> memref<10112x128xf32, #tpu.memory_space<hbm>>
      tpu.enqueue_indirect_dma source(%dma_start3A_20 : memref<10112x128xf32, #tpu.memory_space<hbm>>) target(%arg9 : memref<128x128xf32, #tpu.memory_space<vmem>>) offsets(%dma_start3A_17 : memref<128xi32, #tpu.memory_space<vmem>>) semaphore(%arg11 : memref<!tpu.dma_semaphore, #tpu.memory_space<semaphore_mem>>)
      %dma_wait3A = arith.constant 0 : i32
      %dma_wait3A_21 = tpu.memref_slice %arg7[%scan3A_14, %dma_wait3A] : memref<79x128xi32, #tpu.memory_space<vmem>> -> memref<1x128xi32, #tpu.memory_space<vmem>>
      %dma_wait3A_22 = tpu.memref_squeeze %dma_wait3A_21 : memref<1x128xi32, #tpu.memory_space<vmem>> -> memref<128xi32, #tpu.memory_space<vmem>>
      %dma_wait3A_23 = arith.constant 0 : i32
      %dma_wait3A_24 = arith.constant 0 : i32
      %dma_wait3A_25 = tpu.memref_slice %arg2[%dma_wait3A_23, %dma_wait3A_24] : memref<10112x128xf32, #tpu.memory_space<hbm>> -> memref<10112x128xf32, #tpu.memory_space<hbm>>
      tpu.wait_indirect_dma semaphore(%arg11 : memref<!tpu.dma_semaphore, #tpu.memory_space<semaphore_mem>>) src(%dma_wait3A_25 : memref<10112x128xf32, #tpu.memory_space<hbm>>) dst(%arg9 : memref<128x128xf32, #tpu.memory_space<vmem>>)
      "tpu.region"() ({
        %run_scoped3A = tpu.sem_alloc : memref<!tpu.dma_semaphore, #tpu.memory_space<semaphore_mem>>
        %dma_start3A_27 = arith.constant 0 : i32
        %dma_start3A_28 = tpu.memref_slice %arg8[%scan3A_14, %dma_start3A_27] : memref<79x128xi32, #tpu.memory_space<vmem>> -> memref<1x128xi32, #tpu.memory_space<vmem>>
        %dma_start3A_29 = tpu.memref_squeeze %dma_start3A_28 : memref<1x128xi32, #tpu.memory_space<vmem>> -> memref<128xi32, #tpu.memory_space<vmem>>
        %dma_start3A_30 = arith.constant 0 : i32
        %dma_start3A_31 = arith.constant 0 : i32
        %dma_start3A_32 = tpu.memref_slice %arg10[%dma_start3A_30, %dma_start3A_31] : memref<10112x128xf32, #tpu.memory_space<vmem_shared>> -> memref<10112x128xf32, #tpu.memory_space<vmem_shared>>
        tpu.enqueue_indirect_dma source(%arg9 : memref<128x128xf32, #tpu.memory_space<vmem>>) target(%dma_start3A_32 : memref<10112x128xf32, #tpu.memory_space<vmem_shared>>) offsets(%dma_start3A_29 : memref<128xi32, #tpu.memory_space<vmem>>) semaphore(%run_scoped3A : memref<!tpu.dma_semaphore, #tpu.memory_space<semaphore_mem>>) {add = true}
        %dma_wait3A_33 = arith.constant 0 : i32
        %dma_wait3A_34 = tpu.memref_slice %arg8[%scan3A_14, %dma_wait3A_33] : memref<79x128xi32, #tpu.memory_space<vmem>> -> memref<1x128xi32, #tpu.memory_space<vmem>>
        %dma_wait3A_35 = tpu.memref_squeeze %dma_wait3A_34 : memref<1x128xi32, #tpu.memory_space<vmem>> -> memref<128xi32, #tpu.memory_space<vmem>>
        %dma_wait3A_36 = arith.constant 0 : i32
        %dma_wait3A_37 = arith.constant 0 : i32
        %dma_wait3A_38 = tpu.memref_slice %arg10[%dma_wait3A_36, %dma_wait3A_37] : memref<10112x128xf32, #tpu.memory_space<vmem_shared>> -> memref<10112x128xf32, #tpu.memory_space<vmem_shared>>
        tpu.wait_indirect_dma semaphore(%run_scoped3A : memref<!tpu.dma_semaphore, #tpu.memory_space<semaphore_mem>>) src(%arg9 : memref<128x128xf32, #tpu.memory_space<vmem>>) dst(%dma_wait3A_38 : memref<10112x128xf32, #tpu.memory_space<vmem_shared>>)
        tpu.yield
      }) : () -> ()
      %scan3A_26 = arith.constant 0 : i32
      scf.yield %scan3A_26 : i32
    }
    %scan3A_8 = arith.constant 79 : i32
    %barrier3A_9 = arith.constant 0 : index
    tpu.barrier barrier_id(%barrier3A_9)
    %mul3A_10 = arith.constant 632 : i32
    %mul3A_11 = arith.muli %arg1, %mul3A_10 : i32
    %mul3A_12 = arith.constant 632 : i32
    %mul3A_13 = arith.muli %arg1, %mul3A_12 : i32
    "tpu.region"() ({
      %run_scoped3A = tpu.sem_alloc : memref<!tpu.dma_semaphore, #tpu.memory_space<semaphore_mem>>
      %dma_start3A = arith.constant 0 : i32
      %dma_start3A_14 = tpu.memref_slice %arg6[%arg0, %mul3A_13, %dma_start3A] : memref<2x10112x128xf32, #tpu.memory_space<hbm>> -> memref<1x632x128xf32, #tpu.memory_space<hbm>>
      %dma_start3A_15 = tpu.memref_squeeze %dma_start3A_14 : memref<1x632x128xf32, #tpu.memory_space<hbm>> -> memref<632x128xf32, #tpu.memory_space<hbm>>
      %dma_start3A_16 = arith.constant 0 : i32
      %dma_start3A_17 = tpu.memref_slice %arg10[%mul3A_11, %dma_start3A_16] : memref<10112x128xf32, #tpu.memory_space<vmem_shared>> -> memref<632x128xf32, #tpu.memory_space<vmem_shared>>
      tpu.enqueue_dma source(%dma_start3A_17 : memref<632x128xf32, #tpu.memory_space<vmem_shared>>) target(%dma_start3A_15 : memref<632x128xf32, #tpu.memory_space<hbm>>) target_semaphore(%run_scoped3A : memref<!tpu.dma_semaphore, #tpu.memory_space<semaphore_mem>>)
      %dma_wait3A = arith.constant 0 : i32
      %dma_wait3A_18 = tpu.memref_slice %arg6[%arg0, %mul3A_13, %dma_wait3A] : memref<2x10112x128xf32, #tpu.memory_space<hbm>> -> memref<1x632x128xf32, #tpu.memory_space<hbm>>
      %dma_wait3A_19 = tpu.memref_squeeze %dma_wait3A_18 : memref<1x632x128xf32, #tpu.memory_space<hbm>> -> memref<632x128xf32, #tpu.memory_space<hbm>>
      %dma_wait3A_20 = arith.constant 0 : i32
      %dma_wait3A_21 = tpu.memref_slice %arg10[%mul3A_11, %dma_wait3A_20] : memref<10112x128xf32, #tpu.memory_space<vmem_shared>> -> memref<632x128xf32, #tpu.memory_space<vmem_shared>>
      tpu.wait_dma2 semaphore(%run_scoped3A : memref<!tpu.dma_semaphore, #tpu.memory_space<semaphore_mem>>) src(%dma_wait3A_21 : memref<632x128xf32, #tpu.memory_space<vmem_shared>>) dst(%dma_wait3A_19 : memref<632x128xf32, #tpu.memory_space<hbm>>)
      tpu.yield
    }) : () -> ()
    return
  }
}

#map = affine_map<(d0, d1) -> (0, 0)>
#map1 = affine_map<(d0, d1) -> (0, 0, 0)>
module attributes {stable_mosaic.version = 14 : i64} {
  func.func @_spmm(%arg0: i32, %arg1: i32, %arg2: memref<10112x128xf32, #tpu.memory_space<hbm>>, %arg3: memref<32x79x128xi32, #tpu.memory_space<hbm>>, %arg4: memref<32x79x128xi32, #tpu.memory_space<hbm>>, %arg5: memref<632x128xf32, #tpu.memory_space<hbm>>, %arg6: memref<2x10112x128xf32, #tpu.memory_space<hbm>>, %arg7: memref<79x128xi32, #tpu.memory_space<vmem>>, %arg8: memref<79x128xi32, #tpu.memory_space<vmem>>, %arg9: memref<128x128xf32, #tpu.memory_space<vmem>>, %arg10: memref<10112x128xf32, #tpu.memory_space<vmem_shared>>, %arg11: memref<!tpu.dma_semaphore, #tpu.memory_space<semaphore_mem>>) attributes {dimension_semantics = [#tpu.dimension_semantics<core_parallel>, #tpu.dimension_semantics<subcore_parallel>], iteration_bounds = array<i64: 2, 16>, scalar_prefetch = 0 : i64, scratch_operands = 5 : i64, tpu.core_type = #tpu.core_type<sc_vector_subcore>, window_params = [{transform_indices = #map}, {transform_indices = #map1}, {transform_indices = #map1}, {transform_indices = #map}, {transform_indices = #map1}]} {
    %mul3A = arith.constant 16 : i32
    %mul3A_0 = arith.muli %arg0, %mul3A : i32
    %add3A = arith.addi %mul3A_0, %arg1 : i32
    "tpu.region"() ({
      %run_scoped3A = tpu.sem_alloc : memref<!tpu.dma_semaphore, #tpu.memory_space<semaphore_mem>>
      %dma_start3A = arith.constant 0 : i32
      %dma_start3A_14 = arith.constant 0 : i32
      %dma_start3A_15 = tpu.memref_slice %arg3[%add3A, %dma_start3A, %dma_start3A_14] : memref<32x79x128xi32, #tpu.memory_space<hbm>> -> memref<1x79x128xi32, #tpu.memory_space<hbm>>
      %dma_start3A_16 = tpu.memref_squeeze %dma_start3A_15 : memref<1x79x128xi32, #tpu.memory_space<hbm>> -> memref<79x128xi32, #tpu.memory_space<hbm>>
      %dma_start3A_17 = arith.constant 0 : i32
      %dma_start3A_18 = arith.constant 0 : i32
      %dma_start3A_19 = tpu.memref_slice %arg3[%add3A, %dma_start3A_17, %dma_start3A_18] : memref<32x79x128xi32, #tpu.memory_space<hbm>> -> memref<1x79x128xi32, #tpu.memory_space<hbm>>
      %dma_start3A_20 = tpu.memref_squeeze %dma_start3A_19 : memref<1x79x128xi32, #tpu.memory_space<hbm>> -> memref<79x128xi32, #tpu.memory_space<hbm>>
      tpu.enqueue_dma source(%dma_start3A_20 : memref<79x128xi32, #tpu.memory_space<hbm>>) target(%arg7 : memref<79x128xi32, #tpu.memory_space<vmem>>) target_semaphore(%run_scoped3A : memref<!tpu.dma_semaphore, #tpu.memory_space<semaphore_mem>>)
      %dma_wait3A = arith.constant 0 : i32
      %dma_wait3A_21 = arith.constant 0 : i32
      %dma_wait3A_22 = tpu.memref_slice %arg3[%add3A, %dma_wait3A, %dma_wait3A_21] : memref<32x79x128xi32, #tpu.memory_space<hbm>> -> memref<1x79x128xi32, #tpu.memory_space<hbm>>
      %dma_wait3A_23 = tpu.memref_squeeze %dma_wait3A_22 : memref<1x79x128xi32, #tpu.memory_space<hbm>> -> memref<79x128xi32, #tpu.memory_space<hbm>>
      %dma_wait3A_24 = arith.constant 0 : i32
      %dma_wait3A_25 = arith.constant 0 : i32
      %dma_wait3A_26 = tpu.memref_slice %arg3[%add3A, %dma_wait3A_24, %dma_wait3A_25] : memref<32x79x128xi32, #tpu.memory_space<hbm>> -> memref<1x79x128xi32, #tpu.memory_space<hbm>>
      %dma_wait3A_27 = tpu.memref_squeeze %dma_wait3A_26 : memref<1x79x128xi32, #tpu.memory_space<hbm>> -> memref<79x128xi32, #tpu.memory_space<hbm>>
      tpu.wait_dma2 semaphore(%run_scoped3A : memref<!tpu.dma_semaphore, #tpu.memory_space<semaphore_mem>>) src(%dma_wait3A_27 : memref<79x128xi32, #tpu.memory_space<hbm>>) dst(%arg7 : memref<79x128xi32, #tpu.memory_space<vmem>>)
      tpu.yield
    }) : () -> ()
    "tpu.region"() ({
      %run_scoped3A = tpu.sem_alloc : memref<!tpu.dma_semaphore, #tpu.memory_space<semaphore_mem>>
      %dma_start3A = arith.constant 0 : i32
      %dma_start3A_14 = arith.constant 0 : i32
      %dma_start3A_15 = tpu.memref_slice %arg4[%add3A, %dma_start3A, %dma_start3A_14] : memref<32x79x128xi32, #tpu.memory_space<hbm>> -> memref<1x79x128xi32, #tpu.memory_space<hbm>>
      %dma_start3A_16 = tpu.memref_squeeze %dma_start3A_15 : memref<1x79x128xi32, #tpu.memory_space<hbm>> -> memref<79x128xi32, #tpu.memory_space<hbm>>
      %dma_start3A_17 = arith.constant 0 : i32
      %dma_start3A_18 = arith.constant 0 : i32
      %dma_start3A_19 = tpu.memref_slice %arg4[%add3A, %dma_start3A_17, %dma_start3A_18] : memref<32x79x128xi32, #tpu.memory_space<hbm>> -> memref<1x79x128xi32, #tpu.memory_space<hbm>>
      %dma_start3A_20 = tpu.memref_squeeze %dma_start3A_19 : memref<1x79x128xi32, #tpu.memory_space<hbm>> -> memref<79x128xi32, #tpu.memory_space<hbm>>
      tpu.enqueue_dma source(%dma_start3A_20 : memref<79x128xi32, #tpu.memory_space<hbm>>) target(%arg8 : memref<79x128xi32, #tpu.memory_space<vmem>>) target_semaphore(%run_scoped3A : memref<!tpu.dma_semaphore, #tpu.memory_space<semaphore_mem>>)
      %dma_wait3A = arith.constant 0 : i32
      %dma_wait3A_21 = arith.constant 0 : i32
      %dma_wait3A_22 = tpu.memref_slice %arg4[%add3A, %dma_wait3A, %dma_wait3A_21] : memref<32x79x128xi32, #tpu.memory_space<hbm>> -> memref<1x79x128xi32, #tpu.memory_space<hbm>>
      %dma_wait3A_23 = tpu.memref_squeeze %dma_wait3A_22 : memref<1x79x128xi32, #tpu.memory_space<hbm>> -> memref<79x128xi32, #tpu.memory_space<hbm>>
      %dma_wait3A_24 = arith.constant 0 : i32
      %dma_wait3A_25 = arith.constant 0 : i32
      %dma_wait3A_26 = tpu.memref_slice %arg4[%add3A, %dma_wait3A_24, %dma_wait3A_25] : memref<32x79x128xi32, #tpu.memory_space<hbm>> -> memref<1x79x128xi32, #tpu.memory_space<hbm>>
      %dma_wait3A_27 = tpu.memref_squeeze %dma_wait3A_26 : memref<1x79x128xi32, #tpu.memory_space<hbm>> -> memref<79x128xi32, #tpu.memory_space<hbm>>
      tpu.wait_dma2 semaphore(%run_scoped3A : memref<!tpu.dma_semaphore, #tpu.memory_space<semaphore_mem>>) src(%dma_wait3A_27 : memref<79x128xi32, #tpu.memory_space<hbm>>) dst(%arg8 : memref<79x128xi32, #tpu.memory_space<vmem>>)
      tpu.yield
    }) : () -> ()
    %mul3A_1 = arith.constant 632 : i32
    %mul3A_2 = arith.muli %arg1, %mul3A_1 : i32
    "tpu.region"() ({
      %run_scoped3A = tpu.sem_alloc : memref<!tpu.dma_semaphore, #tpu.memory_space<semaphore_mem>>
      %dma_start3A = arith.constant 0 : i32
      %dma_start3A_14 = tpu.memref_slice %arg10[%mul3A_2, %dma_start3A] : memref<10112x128xf32, #tpu.memory_space<vmem_shared>> -> memref<632x128xf32, #tpu.memory_space<vmem_shared>>
      tpu.enqueue_dma source(%arg5 : memref<632x128xf32, #tpu.memory_space<hbm>>) target(%dma_start3A_14 : memref<632x128xf32, #tpu.memory_space<vmem_shared>>) target_semaphore(%run_scoped3A : memref<!tpu.dma_semaphore, #tpu.memory_space<semaphore_mem>>)
      %dma_wait3A = arith.constant 0 : i32
      %dma_wait3A_15 = tpu.memref_slice %arg10[%mul3A_2, %dma_wait3A] : memref<10112x128xf32, #tpu.memory_space<vmem_shared>> -> memref<632x128xf32, #tpu.memory_space<vmem_shared>>
      tpu.wait_dma2 semaphore(%run_scoped3A : memref<!tpu.dma_semaphore, #tpu.memory_space<semaphore_mem>>) src(%arg5 : memref<632x128xf32, #tpu.memory_space<hbm>>) dst(%dma_wait3A_15 : memref<632x128xf32, #tpu.memory_space<vmem_shared>>)
      tpu.yield
    }) : () -> ()
    %barrier3A = arith.constant 0 : index
    tpu.barrier barrier_id(%barrier3A)
    %scan3A = arith.constant 0 : i32
    %scan3A_3 = arith.constant 0 : i32
    %scan3A_4 = arith.constant 79 : i32
    %scan3A_5 = arith.addi %scan3A_3, %scan3A_4 : i32
    %scan3A_6 = arith.constant 1 : i32
    %scan3A_7 = scf.for %scan3A_14 = %scan3A_3 to %scan3A_5 step %scan3A_6 iter_args(%scan3A_15 = %scan3A) -> (i32)  : i32 {
      %dma_start3A = arith.constant 0 : i32
      %dma_start3A_16 = tpu.memref_slice %arg7[%scan3A_14, %dma_start3A] : memref<79x128xi32, #tpu.memory_space<vmem>> -> memref<1x128xi32, #tpu.memory_space<vmem>>
      %dma_start3A_17 = tpu.memref_squeeze %dma_start3A_16 : memref<1x128xi32, #tpu.memory_space<vmem>> -> memref<128xi32, #tpu.memory_space<vmem>>
      %dma_start3A_18 = arith.constant 0 : i32
      %dma_start3A_19 = arith.constant 0 : i32
      %dma_start3A_20 = tpu.memref_slice %arg2[%dma_start3A_18, %dma_start3A_19] : memref<10112x128xf32, #tpu.memory_space<hbm>> -> memref<10112x128xf32, #tpu.memory_space<hbm>>
      tpu.enqueue_indirect_dma source(%dma_start3A_20 : memref<10112x128xf32, #tpu.memory_space<hbm>>) target(%arg9 : memref<128x128xf32, #tpu.memory_space<vmem>>) offsets(%dma_start3A_17 : memref<128xi32, #tpu.memory_space<vmem>>) semaphore(%arg11 : memref<!tpu.dma_semaphore, #tpu.memory_space<semaphore_mem>>)
      %dma_wait3A = arith.constant 0 : i32
      %dma_wait3A_21 = tpu.memref_slice %arg7[%scan3A_14, %dma_wait3A] : memref<79x128xi32, #tpu.memory_space<vmem>> -> memref<1x128xi32, #tpu.memory_space<vmem>>
      %dma_wait3A_22 = tpu.memref_squeeze %dma_wait3A_21 : memref<1x128xi32, #tpu.memory_space<vmem>> -> memref<128xi32, #tpu.memory_space<vmem>>
      %dma_wait3A_23 = arith.constant 0 : i32
      %dma_wait3A_24 = arith.constant 0 : i32
      %dma_wait3A_25 = tpu.memref_slice %arg2[%dma_wait3A_23, %dma_wait3A_24] : memref<10112x128xf32, #tpu.memory_space<hbm>> -> memref<10112x128xf32, #tpu.memory_space<hbm>>
      tpu.wait_indirect_dma semaphore(%arg11 : memref<!tpu.dma_semaphore, #tpu.memory_space<semaphore_mem>>) src(%dma_wait3A_25 : memref<10112x128xf32, #tpu.memory_space<hbm>>) dst(%arg9 : memref<128x128xf32, #tpu.memory_space<vmem>>)
      "tpu.region"() ({
        %run_scoped3A = tpu.sem_alloc : memref<!tpu.dma_semaphore, #tpu.memory_space<semaphore_mem>>
        %dma_start3A_27 = arith.constant 0 : i32
        %dma_start3A_28 = tpu.memref_slice %arg8[%scan3A_14, %dma_start3A_27] : memref<79x128xi32, #tpu.memory_space<vmem>> -> memref<1x128xi32, #tpu.memory_space<vmem>>
        %dma_start3A_29 = tpu.memref_squeeze %dma_start3A_28 : memref<1x128xi32, #tpu.memory_space<vmem>> -> memref<128xi32, #tpu.memory_space<vmem>>
        %dma_start3A_30 = arith.constant 0 : i32
        %dma_start3A_31 = arith.constant 0 : i32
        %dma_start3A_32 = tpu.memref_slice %arg10[%dma_start3A_30, %dma_start3A_31] : memref<10112x128xf32, #tpu.memory_space<vmem_shared>> -> memref<10112x128xf32, #tpu.memory_space<vmem_shared>>
        tpu.enqueue_indirect_dma source(%arg9 : memref<128x128xf32, #tpu.memory_space<vmem>>) target(%dma_start3A_32 : memref<10112x128xf32, #tpu.memory_space<vmem_shared>>) offsets(%dma_start3A_29 : memref<128xi32, #tpu.memory_space<vmem>>) semaphore(%run_scoped3A : memref<!tpu.dma_semaphore, #tpu.memory_space<semaphore_mem>>) {add = true}
        %dma_wait3A_33 = arith.constant 0 : i32
        %dma_wait3A_34 = tpu.memref_slice %arg8[%scan3A_14, %dma_wait3A_33] : memref<79x128xi32, #tpu.memory_space<vmem>> -> memref<1x128xi32, #tpu.memory_space<vmem>>
        %dma_wait3A_35 = tpu.memref_squeeze %dma_wait3A_34 : memref<1x128xi32, #tpu.memory_space<vmem>> -> memref<128xi32, #tpu.memory_space<vmem>>
        %dma_wait3A_36 = arith.constant 0 : i32
        %dma_wait3A_37 = arith.constant 0 : i32
        %dma_wait3A_38 = tpu.memref_slice %arg10[%dma_wait3A_36, %dma_wait3A_37] : memref<10112x128xf32, #tpu.memory_space<vmem_shared>> -> memref<10112x128xf32, #tpu.memory_space<vmem_shared>>
        tpu.wait_indirect_dma semaphore(%run_scoped3A : memref<!tpu.dma_semaphore, #tpu.memory_space<semaphore_mem>>) src(%arg9 : memref<128x128xf32, #tpu.memory_space<vmem>>) dst(%dma_wait3A_38 : memref<10112x128xf32, #tpu.memory_space<vmem_shared>>)
        tpu.yield
      }) : () -> ()
      %scan3A_26 = arith.constant 0 : i32
      scf.yield %scan3A_26 : i32
    }
    %scan3A_8 = arith.constant 79 : i32
    %barrier3A_9 = arith.constant 0 : index
    tpu.barrier barrier_id(%barrier3A_9)
    %mul3A_10 = arith.constant 632 : i32
    %mul3A_11 = arith.muli %arg1, %mul3A_10 : i32
    %mul3A_12 = arith.constant 632 : i32
    %mul3A_13 = arith.muli %arg1, %mul3A_12 : i32
    "tpu.region"() ({
      %run_scoped3A = tpu.sem_alloc : memref<!tpu.dma_semaphore, #tpu.memory_space<semaphore_mem>>
      %dma_start3A = arith.constant 0 : i32
      %dma_start3A_14 = tpu.memref_slice %arg6[%arg0, %mul3A_13, %dma_start3A] : memref<2x10112x128xf32, #tpu.memory_space<hbm>> -> memref<1x632x128xf32, #tpu.memory_space<hbm>>
      %dma_start3A_15 = tpu.memref_squeeze %dma_start3A_14 : memref<1x632x128xf32, #tpu.memory_space<hbm>> -> memref<632x128xf32, #tpu.memory_space<hbm>>
      %dma_start3A_16 = arith.constant 0 : i32
      %dma_start3A_17 = tpu.memref_slice %arg10[%mul3A_11, %dma_start3A_16] : memref<10112x128xf32, #tpu.memory_space<vmem_shared>> -> memref<632x128xf32, #tpu.memory_space<vmem_shared>>
      tpu.enqueue_dma source(%dma_start3A_17 : memref<632x128xf32, #tpu.memory_space<vmem_shared>>) target(%dma_start3A_15 : memref<632x128xf32, #tpu.memory_space<hbm>>) target_semaphore(%run_scoped3A : memref<!tpu.dma_semaphore, #tpu.memory_space<semaphore_mem>>)
      %dma_wait3A = arith.constant 0 : i32
      %dma_wait3A_18 = tpu.memref_slice %arg6[%arg0, %mul3A_13, %dma_wait3A] : memref<2x10112x128xf32, #tpu.memory_space<hbm>> -> memref<1x632x128xf32, #tpu.memory_space<hbm>>
      %dma_wait3A_19 = tpu.memref_squeeze %dma_wait3A_18 : memref<1x632x128xf32, #tpu.memory_space<hbm>> -> memref<632x128xf32, #tpu.memory_space<hbm>>
      %dma_wait3A_20 = arith.constant 0 : i32
      %dma_wait3A_21 = tpu.memref_slice %arg10[%mul3A_11, %dma_wait3A_20] : memref<10112x128xf32, #tpu.memory_space<vmem_shared>> -> memref<632x128xf32, #tpu.memory_space<vmem_shared>>
      tpu.wait_dma2 semaphore(%run_scoped3A : memref<!tpu.dma_semaphore, #tpu.memory_space<semaphore_mem>>) src(%dma_wait3A_21 : memref<632x128xf32, #tpu.memory_space<vmem_shared>>) dst(%dma_wait3A_19 : memref<632x128xf32, #tpu.memory_space<hbm>>)
      tpu.yield
    }) : () -> ()
    return
  }
}

module attributes {stable_mosaic.version = 14 : i64} {
  func.func @_finalize_body(%arg0: i32, %arg1: memref<2x1x1x128xf32, #tpu.memory_space<vmem>>, %arg2: memref<128x128xf32, #tpu.memory_space<vmem>>, %arg3: memref<128x128xf32, #tpu.memory_space<vmem>>, %arg4: memref<128x128xf32, #tpu.memory_space<vmem>>) attributes {dimension_semantics = [#tpu.dimension_semantics<arbitrary>], iteration_bounds = array<i64: 79>, scalar_prefetch = 0 : i64, scratch_operands = 0 : i64, tpu.core_type = #tpu.core_type<tc>, window_params = [{transform_indices = @transform_0, window_bounds = array<i64: 2, 1, 1, 128>}, {transform_indices = @transform_1, window_bounds = array<i64: 128, 128>}, {transform_indices = @transform_2, window_bounds = array<i64: 128, 128>}, {transform_indices = @transform_3, window_bounds = array<i64: 128, 128>}]} {
    %get3A = arith.constant 0 : index
    %get3A_0 = arith.constant 0 : index
    %get3A_1 = arith.constant 0 : index
    %get3A_2 = arith.constant 0 : index
    %get3A_3 = vector.load %arg1[%get3A, %get3A_0, %get3A_1, %get3A_2] : memref<2x1x1x128xf32, #tpu.memory_space<vmem>>, vector<1x1x1x128xf32>
    %get3A_4 = vector.shape_cast %get3A_3 : vector<1x1x1x128xf32> to vector<128xf32>
    %get3A_5 = arith.constant 1 : index
    %get3A_6 = arith.constant 0 : index
    %get3A_7 = arith.constant 0 : index
    %get3A_8 = arith.constant 0 : index
    %get3A_9 = vector.load %arg1[%get3A_5, %get3A_6, %get3A_7, %get3A_8] : memref<2x1x1x128xf32, #tpu.memory_space<vmem>>, vector<1x1x1x128xf32>
    %get3A_10 = vector.shape_cast %get3A_9 : vector<1x1x1x128xf32> to vector<128xf32>
    %add3A = arith.addf %get3A_4, %get3A_10 : vector<128xf32>
    %max3A = arith.constant 1.000000e+00 : f32
    %max3A_11 = vector.broadcast %max3A : f32 to vector<128xf32>
    %max3A_12 = arith.maximumf %add3A, %max3A_11 : vector<128xf32>
    %broadcast_in_dim3A = vector.shape_cast %max3A_12 : vector<128xf32> to vector<1x128xf32>
    %broadcast_in_dim3A_13 = vector.shape_cast %broadcast_in_dim3A : vector<1x128xf32> to vector<1x128xf32>
    %broadcast_in_dim3A_14 = vector.broadcast %broadcast_in_dim3A_13 : vector<1x128xf32> to vector<128x128xf32>
    %transpose3A = tpu.transpose %broadcast_in_dim3A_14, [1, 0] : vector<128x128xf32> -> vector<128x128xf32>
    %div3A = arith.constant 1.000000e+00 : f32
    %div3A_15 = vector.broadcast %div3A : f32 to vector<128x128xf32>
    %div3A_16 = arith.divf %div3A_15, %transpose3A : vector<128x128xf32>
    %swap3A = arith.constant 0 : index
    %swap3A_17 = arith.constant 0 : index
    %swap3A_18 = vector.load %arg2[%swap3A, %swap3A_17] : memref<128x128xf32, #tpu.memory_space<vmem>>, vector<128x128xf32>
    tpu.vector_store %arg2[%swap3A, %swap3A_17], %div3A_16 {strides = array<i32>} : memref<128x128xf32, #tpu.memory_space<vmem>>, vector<128x128xf32>,
    %rsqrt3A = math.rsqrt %transpose3A : vector<128x128xf32>
    %swap3A_19 = arith.constant 0 : index
    %swap3A_20 = arith.constant 0 : index
    %swap3A_21 = vector.load %arg3[%swap3A_19, %swap3A_20] : memref<128x128xf32, #tpu.memory_space<vmem>>, vector<128x128xf32>
    tpu.vector_store %arg3[%swap3A_19, %swap3A_20], %rsqrt3A {strides = array<i32>} : memref<128x128xf32, #tpu.memory_space<vmem>>, vector<128x128xf32>,
    %sqrt3A = math.sqrt %transpose3A : vector<128x128xf32>
    %swap3A_22 = arith.constant 0 : index
    %swap3A_23 = arith.constant 0 : index
    %swap3A_24 = vector.load %arg4[%swap3A_22, %swap3A_23] : memref<128x128xf32, #tpu.memory_space<vmem>>, vector<128x128xf32>
    tpu.vector_store %arg4[%swap3A_22, %swap3A_23], %sqrt3A {strides = array<i32>} : memref<128x128xf32, #tpu.memory_space<vmem>>, vector<128x128xf32>,
    return
  }
  func.func @transform_0(%arg0: i32) -> (i32, i32, i32, i32) {
    %c0_i32 = arith.constant 0 : i32
    %c0_i32_0 = arith.constant 0 : i32
    %c0_i32_1 = arith.constant 0 : i32
    %c0_i32_2 = arith.constant 0 : i32
    return %c0_i32, %arg0, %c0_i32_0, %c0_i32_1 : i32, i32, i32, i32
  }
  func.func @transform_1(%arg0: i32) -> (i32, i32) {
    %c0_i32 = arith.constant 0 : i32
    %c0_i32_0 = arith.constant 0 : i32
    return %arg0, %c0_i32 : i32, i32
  }
  func.func @transform_2(%arg0: i32) -> (i32, i32) {
    %c0_i32 = arith.constant 0 : i32
    %c0_i32_0 = arith.constant 0 : i32
    return %arg0, %c0_i32 : i32, i32
  }
  func.func @transform_3(%arg0: i32) -> (i32, i32) {
    %c0_i32 = arith.constant 0 : i32
    %c0_i32_0 = arith.constant 0 : i32
    return %arg0, %c0_i32 : i32, i32
  }
}

module attributes {stable_mosaic.version = 14 : i64} {
  func.func @_combine_body(%arg0: i32, %arg1: memref<2x128x128xf32, #tpu.memory_space<vmem>>, %arg2: memref<128x128xf32, #tpu.memory_space<vmem>>, %arg3: memref<128x128xf32, #tpu.memory_space<vmem>>) attributes {dimension_semantics = [#tpu.dimension_semantics<arbitrary>], iteration_bounds = array<i64: 79>, scalar_prefetch = 0 : i64, scratch_operands = 0 : i64, tpu.core_type = #tpu.core_type<tc>, window_params = [{transform_indices = @transform_0, window_bounds = array<i64: 2, 128, 128>}, {transform_indices = @transform_1, window_bounds = array<i64: 128, 128>}, {transform_indices = @transform_2, window_bounds = array<i64: 128, 128>}]} {
    %get3A = arith.constant 0 : index
    %get3A_0 = arith.constant 0 : index
    %get3A_1 = arith.constant 0 : index
    %get3A_2 = vector.load %arg1[%get3A, %get3A_0, %get3A_1] : memref<2x128x128xf32, #tpu.memory_space<vmem>>, vector<1x128x128xf32>
    %get3A_3 = vector.shape_cast %get3A_2 : vector<1x128x128xf32> to vector<128x128xf32>
    %get3A_4 = arith.constant 1 : index
    %get3A_5 = arith.constant 0 : index
    %get3A_6 = arith.constant 0 : index
    %get3A_7 = vector.load %arg1[%get3A_4, %get3A_5, %get3A_6] : memref<2x128x128xf32, #tpu.memory_space<vmem>>, vector<1x128x128xf32>
    %get3A_8 = vector.shape_cast %get3A_7 : vector<1x128x128xf32> to vector<128x128xf32>
    %add3A = arith.addf %get3A_3, %get3A_8 : vector<128x128xf32>
    %get3A_9 = arith.constant 0 : index
    %get3A_10 = arith.constant 0 : index
    %get3A_11 = vector.load %arg2[%get3A_9, %get3A_10] : memref<128x128xf32, #tpu.memory_space<vmem>>, vector<128x128xf32>
    %mul3A = arith.mulf %add3A, %get3A_11 : vector<128x128xf32>
    %swap3A = arith.constant 0 : index
    %swap3A_12 = arith.constant 0 : index
    %swap3A_13 = vector.load %arg3[%swap3A, %swap3A_12] : memref<128x128xf32, #tpu.memory_space<vmem>>, vector<128x128xf32>
    tpu.vector_store %arg3[%swap3A, %swap3A_12], %mul3A {strides = array<i32>} : memref<128x128xf32, #tpu.memory_space<vmem>>, vector<128x128xf32>,
    return
  }
  func.func @transform_0(%arg0: i32) -> (i32, i32, i32) {
    %c0_i32 = arith.constant 0 : i32
    %c0_i32_0 = arith.constant 0 : i32
    %c0_i32_1 = arith.constant 0 : i32
    return %c0_i32, %arg0, %c0_i32_0 : i32, i32, i32
  }
  func.func @transform_1(%arg0: i32) -> (i32, i32) {
    %c0_i32 = arith.constant 0 : i32
    %c0_i32_0 = arith.constant 0 : i32
    return %arg0, %c0_i32 : i32, i32
  }
  func.func @transform_2(%arg0: i32) -> (i32, i32) {
    %c0_i32 = arith.constant 0 : i32
    %c0_i32_0 = arith.constant 0 : i32
    return %arg0, %c0_i32 : i32, i32
  }
}

module attributes {stable_mosaic.version = 14 : i64} {
  func.func @_encode_body(%arg0: i32, %arg1: memref<128x128xf32, #tpu.memory_space<vmem>>, %arg2: memref<128x128xf32, #tpu.memory_space<vmem>>, %arg3: memref<1x128xf32, #tpu.memory_space<vmem>>, %arg4: memref<128x128xf32, #tpu.memory_space<vmem>>, %arg5: memref<128x128xf32, #tpu.memory_space<vmem>>) attributes {dimension_semantics = [#tpu.dimension_semantics<arbitrary>], iteration_bounds = array<i64: 79>, scalar_prefetch = 0 : i64, scratch_operands = 0 : i64, tpu.core_type = #tpu.core_type<tc>, window_params = [{transform_indices = @transform_0, window_bounds = array<i64: 128, 128>}, {pipeline_mode = #tpu.pipeline_mode<synchronous>, transform_indices = @transform_1, window_bounds = array<i64: 128, 128>}, {pipeline_mode = #tpu.pipeline_mode<synchronous>, transform_indices = @transform_2, window_bounds = array<i64: 1, 128>}, {transform_indices = @transform_3, window_bounds = array<i64: 128, 128>}, {transform_indices = @transform_4, window_bounds = array<i64: 128, 128>}]} {
    %get3A = arith.constant 0 : index
    %get3A_0 = arith.constant 0 : index
    %get3A_1 = vector.load %arg1[%get3A, %get3A_0] : memref<128x128xf32, #tpu.memory_space<vmem>>, vector<128x128xf32>
    %get3A_2 = arith.constant 0 : index
    %get3A_3 = arith.constant 0 : index
    %get3A_4 = vector.load %arg2[%get3A_2, %get3A_3] : memref<128x128xf32, #tpu.memory_space<vmem>>, vector<128x128xf32>
    %dot_general3A = arith.constant dense<0.000000e+00> : vector<128x128xf32>
    %dot_general3A_5 = tpu.matmul %get3A_1, %get3A_4, %dot_general3A {dimension_numbers = #tpu.dot_dimension_numbers<[1], [0], [0], [1], [0, 0, 1, 1], [], []>, precision = #tpu.contract_precision<fp32>, transpose_lhs_hint = false} : vector<128x128xf32>, vector<128x128xf32>, vector<128x128xf32> -> vector<128x128xf32>
    %get3A_6 = arith.constant 0 : index
    %get3A_7 = arith.constant 0 : index
    %get3A_8 = vector.load %arg3[%get3A_6, %get3A_7] : memref<1x128xf32, #tpu.memory_space<vmem>>, vector<1x128xf32>
    %get3A_9 = vector.shape_cast %get3A_8 : vector<1x128xf32> to vector<128xf32>
    %broadcast_in_dim3A = vector.shape_cast %get3A_9 : vector<128xf32> to vector<1x128xf32>
    %add3A = vector.broadcast %broadcast_in_dim3A : vector<1x128xf32> to vector<128x128xf32>
    %add3A_10 = arith.addf %dot_general3A_5, %add3A : vector<128x128xf32>
    %get3A_11 = arith.constant 0 : index
    %get3A_12 = arith.constant 0 : index
    %get3A_13 = vector.load %arg4[%get3A_11, %get3A_12] : memref<128x128xf32, #tpu.memory_space<vmem>>, vector<128x128xf32>
    %mul3A = arith.mulf %add3A_10, %get3A_13 : vector<128x128xf32>
    %swap3A = arith.constant 0 : index
    %swap3A_14 = arith.constant 0 : index
    %swap3A_15 = vector.load %arg5[%swap3A, %swap3A_14] : memref<128x128xf32, #tpu.memory_space<vmem>>, vector<128x128xf32>
    tpu.vector_store %arg5[%swap3A, %swap3A_14], %mul3A {strides = array<i32>} : memref<128x128xf32, #tpu.memory_space<vmem>>, vector<128x128xf32>,
    return
  }
  func.func @transform_0(%arg0: i32) -> (i32, i32) {
    %c0_i32 = arith.constant 0 : i32
    %c0_i32_0 = arith.constant 0 : i32
    return %arg0, %c0_i32 : i32, i32
  }
  func.func @transform_1(%arg0: i32) -> (i32, i32) {
    %c0_i32 = arith.constant 0 : i32
    %c0_i32_0 = arith.constant 0 : i32
    %c0_i32_1 = arith.constant 0 : i32
    return %c0_i32, %c0_i32_0 : i32, i32
  }
  func.func @transform_2(%arg0: i32) -> (i32, i32) {
    %c0_i32 = arith.constant 0 : i32
    %c0_i32_0 = arith.constant 0 : i32
    %c0_i32_1 = arith.constant 0 : i32
    return %c0_i32, %c0_i32_0 : i32, i32
  }
  func.func @transform_3(%arg0: i32) -> (i32, i32) {
    %c0_i32 = arith.constant 0 : i32
    %c0_i32_0 = arith.constant 0 : i32
    return %arg0, %c0_i32 : i32, i32
  }
  func.func @transform_4(%arg0: i32) -> (i32, i32) {
    %c0_i32 = arith.constant 0 : i32
    %c0_i32_0 = arith.constant 0 : i32
    return %arg0, %c0_i32 : i32, i32
  }
}

module attributes {stable_mosaic.version = 14 : i64} {
  func.func @_decode_body(%arg0: i32, %arg1: memref<6x128x128xf32, #tpu.memory_space<vmem>>, %arg2: memref<128x128xf32, #tpu.memory_space<vmem>>, %arg3: memref<6xf32, #tpu.memory_space<smem>>, %arg4: memref<128x128xf32, #tpu.memory_space<vmem>>, %arg5: memref<1x128xf32, #tpu.memory_space<vmem>>, %arg6: memref<128x128xf32, #tpu.memory_space<vmem>>) attributes {dimension_semantics = [#tpu.dimension_semantics<arbitrary>], iteration_bounds = array<i64: 79>, scalar_prefetch = 0 : i64, scratch_operands = 0 : i64, tpu.core_type = #tpu.core_type<tc>, window_params = [{transform_indices = @transform_0, window_bounds = array<i64: 6, 128, 128>}, {transform_indices = @transform_1, window_bounds = array<i64: 128, 128>}, {transform_indices = @transform_2, window_bounds = array<i64: 6>}, {pipeline_mode = #tpu.pipeline_mode<synchronous>, transform_indices = @transform_3, window_bounds = array<i64: 128, 128>}, {pipeline_mode = #tpu.pipeline_mode<synchronous>, transform_indices = @transform_4, window_bounds = array<i64: 1, 128>}, {transform_indices = @transform_5, window_bounds = array<i64: 128, 128>}]} {
    %get3A = arith.constant 0 : index
    %get3A_0 = memref.load %arg3[%get3A] : memref<6xf32, #tpu.memory_space<smem>>
    %get3A_1 = arith.constant 0 : index
    %get3A_2 = arith.constant 0 : index
    %get3A_3 = arith.constant 0 : index
    %get3A_4 = vector.load %arg1[%get3A_1, %get3A_2, %get3A_3] : memref<6x128x128xf32, #tpu.memory_space<vmem>>, vector<1x128x128xf32>
    %get3A_5 = vector.shape_cast %get3A_4 : vector<1x128x128xf32> to vector<128x128xf32>
    %mul3A = vector.broadcast %get3A_0 : f32 to vector<128x128xf32>
    %mul3A_6 = arith.mulf %mul3A, %get3A_5 : vector<128x128xf32>
    %get3A_7 = arith.constant 1 : index
    %get3A_8 = memref.load %arg3[%get3A_7] : memref<6xf32, #tpu.memory_space<smem>>
    %get3A_9 = arith.constant 1 : index
    %get3A_10 = arith.constant 0 : index
    %get3A_11 = arith.constant 0 : index
    %get3A_12 = vector.load %arg1[%get3A_9, %get3A_10, %get3A_11] : memref<6x128x128xf32, #tpu.memory_space<vmem>>, vector<1x128x128xf32>
    %get3A_13 = vector.shape_cast %get3A_12 : vector<1x128x128xf32> to vector<128x128xf32>
    %mul3A_14 = vector.broadcast %get3A_8 : f32 to vector<128x128xf32>
    %mul3A_15 = arith.mulf %mul3A_14, %get3A_13 : vector<128x128xf32>
    %add3A = arith.addf %mul3A_6, %mul3A_15 : vector<128x128xf32>
    %get3A_16 = arith.constant 2 : index
    %get3A_17 = memref.load %arg3[%get3A_16] : memref<6xf32, #tpu.memory_space<smem>>
    %get3A_18 = arith.constant 2 : index
    %get3A_19 = arith.constant 0 : index
    %get3A_20 = arith.constant 0 : index
    %get3A_21 = vector.load %arg1[%get3A_18, %get3A_19, %get3A_20] : memref<6x128x128xf32, #tpu.memory_space<vmem>>, vector<1x128x128xf32>
    %get3A_22 = vector.shape_cast %get3A_21 : vector<1x128x128xf32> to vector<128x128xf32>
    %mul3A_23 = vector.broadcast %get3A_17 : f32 to vector<128x128xf32>
    %mul3A_24 = arith.mulf %mul3A_23, %get3A_22 : vector<128x128xf32>
    %add3A_25 = arith.addf %add3A, %mul3A_24 : vector<128x128xf32>
    %get3A_26 = arith.constant 3 : index
    %get3A_27 = memref.load %arg3[%get3A_26] : memref<6xf32, #tpu.memory_space<smem>>
    %get3A_28 = arith.constant 3 : index
    %get3A_29 = arith.constant 0 : index
    %get3A_30 = arith.constant 0 : index
    %get3A_31 = vector.load %arg1[%get3A_28, %get3A_29, %get3A_30] : memref<6x128x128xf32, #tpu.memory_space<vmem>>, vector<1x128x128xf32>
    %get3A_32 = vector.shape_cast %get3A_31 : vector<1x128x128xf32> to vector<128x128xf32>
    %mul3A_33 = vector.broadcast %get3A_27 : f32 to vector<128x128xf32>
    %mul3A_34 = arith.mulf %mul3A_33, %get3A_32 : vector<128x128xf32>
    %add3A_35 = arith.addf %add3A_25, %mul3A_34 : vector<128x128xf32>
    %get3A_36 = arith.constant 4 : index
    %get3A_37 = memref.load %arg3[%get3A_36] : memref<6xf32, #tpu.memory_space<smem>>
    %get3A_38 = arith.constant 4 : index
    %get3A_39 = arith.constant 0 : index
    %get3A_40 = arith.constant 0 : index
    %get3A_41 = vector.load %arg1[%get3A_38, %get3A_39, %get3A_40] : memref<6x128x128xf32, #tpu.memory_space<vmem>>, vector<1x128x128xf32>
    %get3A_42 = vector.shape_cast %get3A_41 : vector<1x128x128xf32> to vector<128x128xf32>
    %mul3A_43 = vector.broadcast %get3A_37 : f32 to vector<128x128xf32>
    %mul3A_44 = arith.mulf %mul3A_43, %get3A_42 : vector<128x128xf32>
    %add3A_45 = arith.addf %add3A_35, %mul3A_44 : vector<128x128xf32>
    %get3A_46 = arith.constant 5 : index
    %get3A_47 = memref.load %arg3[%get3A_46] : memref<6xf32, #tpu.memory_space<smem>>
    %get3A_48 = arith.constant 5 : index
    %get3A_49 = arith.constant 0 : index
    %get3A_50 = arith.constant 0 : index
    %get3A_51 = vector.load %arg1[%get3A_48, %get3A_49, %get3A_50] : memref<6x128x128xf32, #tpu.memory_space<vmem>>, vector<1x128x128xf32>
    %get3A_52 = vector.shape_cast %get3A_51 : vector<1x128x128xf32> to vector<128x128xf32>
    %mul3A_53 = vector.broadcast %get3A_47 : f32 to vector<128x128xf32>
    %mul3A_54 = arith.mulf %mul3A_53, %get3A_52 : vector<128x128xf32>
    %add3A_55 = arith.addf %add3A_45, %mul3A_54 : vector<128x128xf32>
    %get3A_56 = arith.constant 0 : index
    %get3A_57 = arith.constant 0 : index
    %get3A_58 = vector.load %arg2[%get3A_56, %get3A_57] : memref<128x128xf32, #tpu.memory_space<vmem>>, vector<128x128xf32>
    %mul3A_59 = arith.mulf %add3A_55, %get3A_58 : vector<128x128xf32>
    %get3A_60 = arith.constant 0 : index
    %get3A_61 = arith.constant 0 : index
    %get3A_62 = vector.load %arg4[%get3A_60, %get3A_61] : memref<128x128xf32, #tpu.memory_space<vmem>>, vector<128x128xf32>
    %dot_general3A = arith.constant dense<0.000000e+00> : vector<128x128xf32>
    %dot_general3A_63 = tpu.matmul %mul3A_59, %get3A_62, %dot_general3A {dimension_numbers = #tpu.dot_dimension_numbers<[1], [0], [0], [1], [0, 0, 1, 1], [], []>, precision = #tpu.contract_precision<fp32>, transpose_lhs_hint = false} : vector<128x128xf32>, vector<128x128xf32>, vector<128x128xf32> -> vector<128x128xf32>
    %get3A_64 = arith.constant 0 : index
    %get3A_65 = arith.constant 0 : index
    %get3A_66 = vector.load %arg5[%get3A_64, %get3A_65] : memref<1x128xf32, #tpu.memory_space<vmem>>, vector<1x128xf32>
    %get3A_67 = vector.shape_cast %get3A_66 : vector<1x128xf32> to vector<128xf32>
    %broadcast_in_dim3A = vector.shape_cast %get3A_67 : vector<128xf32> to vector<1x128xf32>
    %add3A_68 = vector.broadcast %broadcast_in_dim3A : vector<1x128xf32> to vector<128x128xf32>
    %add3A_69 = arith.addf %dot_general3A_63, %add3A_68 : vector<128x128xf32>
    %swap3A = arith.constant 0 : index
    %swap3A_70 = arith.constant 0 : index
    %swap3A_71 = vector.load %arg6[%swap3A, %swap3A_70] : memref<128x128xf32, #tpu.memory_space<vmem>>, vector<128x128xf32>
    tpu.vector_store %arg6[%swap3A, %swap3A_70], %add3A_69 {strides = array<i32>} : memref<128x128xf32, #tpu.memory_space<vmem>>, vector<128x128xf32>,
    return
  }
  func.func @transform_0(%arg0: i32) -> (i32, i32, i32) {
    %c0_i32 = arith.constant 0 : i32
    %c0_i32_0 = arith.constant 0 : i32
    %c0_i32_1 = arith.constant 0 : i32
    return %c0_i32, %arg0, %c0_i32_0 : i32, i32, i32
  }
  func.func @transform_1(%arg0: i32) -> (i32, i32) {
    %c0_i32 = arith.constant 0 : i32
    %c0_i32_0 = arith.constant 0 : i32
    return %arg0, %c0_i32 : i32, i32
  }
  func.func @transform_2(%arg0: i32) -> i32 {
    %c0_i32 = arith.constant 0 : i32
    %c0_i32_0 = arith.constant 0 : i32
    return %c0_i32 : i32
  }
  func.func @transform_3(%arg0: i32) -> (i32, i32) {
    %c0_i32 = arith.constant 0 : i32
    %c0_i32_0 = arith.constant 0 : i32
    %c0_i32_1 = arith.constant 0 : i32
    return %c0_i32, %c0_i32_0 : i32, i32
  }
  func.func @transform_4(%arg0: i32) -> (i32, i32) {
    %c0_i32 = arith.constant 0 : i32
    %c0_i32_0 = arith.constant 0 : i32
    %c0_i32_1 = arith.constant 0 : i32
    return %c0_i32, %c0_i32_0 : i32, i32
  }
  func.func @transform_5(%arg0: i32) -> (i32, i32) {
    %c0_i32 = arith.constant 0 : i32
    %c0_i32_0 = arith.constant 0 : i32
    return %arg0, %c0_i32 : i32, i32
  }
}

module attributes {stable_mosaic.version = 14 : i64} {
  func.func @_combine_body(%arg0: i32, %arg1: memref<2x128x128xf32, #tpu.memory_space<vmem>>, %arg2: memref<128x128xf32, #tpu.memory_space<vmem>>, %arg3: memref<128x128xf32, #tpu.memory_space<vmem>>) attributes {dimension_semantics = [#tpu.dimension_semantics<arbitrary>], iteration_bounds = array<i64: 79>, scalar_prefetch = 0 : i64, scratch_operands = 0 : i64, tpu.core_type = #tpu.core_type<tc>, window_params = [{transform_indices = @transform_0, window_bounds = array<i64: 2, 128, 128>}, {transform_indices = @transform_1, window_bounds = array<i64: 128, 128>}, {transform_indices = @transform_2, window_bounds = array<i64: 128, 128>}]} {
    %get3A = arith.constant 0 : index
    %get3A_0 = arith.constant 0 : index
    %get3A_1 = arith.constant 0 : index
    %get3A_2 = vector.load %arg1[%get3A, %get3A_0, %get3A_1] : memref<2x128x128xf32, #tpu.memory_space<vmem>>, vector<1x128x128xf32>
    %get3A_3 = vector.shape_cast %get3A_2 : vector<1x128x128xf32> to vector<128x128xf32>
    %get3A_4 = arith.constant 1 : index
    %get3A_5 = arith.constant 0 : index
    %get3A_6 = arith.constant 0 : index
    %get3A_7 = vector.load %arg1[%get3A_4, %get3A_5, %get3A_6] : memref<2x128x128xf32, #tpu.memory_space<vmem>>, vector<1x128x128xf32>
    %get3A_8 = vector.shape_cast %get3A_7 : vector<1x128x128xf32> to vector<128x128xf32>
    %add3A = arith.addf %get3A_3, %get3A_8 : vector<128x128xf32>
    %get3A_9 = arith.constant 0 : index
    %get3A_10 = arith.constant 0 : index
    %get3A_11 = vector.load %arg2[%get3A_9, %get3A_10] : memref<128x128xf32, #tpu.memory_space<vmem>>, vector<128x128xf32>
    %mul3A = arith.mulf %add3A, %get3A_11 : vector<128x128xf32>
    %swap3A = arith.constant 0 : index
    %swap3A_12 = arith.constant 0 : index
    %swap3A_13 = vector.load %arg3[%swap3A, %swap3A_12] : memref<128x128xf32, #tpu.memory_space<vmem>>, vector<128x128xf32>
    tpu.vector_store %arg3[%swap3A, %swap3A_12], %mul3A {strides = array<i32>} : memref<128x128xf32, #tpu.memory_space<vmem>>, vector<128x128xf32>,
    return
  }
  func.func @transform_0(%arg0: i32) -> (i32, i32, i32) {
    %c0_i32 = arith.constant 0 : i32
    %c0_i32_0 = arith.constant 0 : i32
    %c0_i32_1 = arith.constant 0 : i32
    return %c0_i32, %arg0, %c0_i32_0 : i32, i32, i32
  }
  func.func @transform_1(%arg0: i32) -> (i32, i32) {
    %c0_i32 = arith.constant 0 : i32
    %c0_i32_0 = arith.constant 0 : i32
    return %arg0, %c0_i32 : i32, i32
  }
  func.func @transform_2(%arg0: i32) -> (i32, i32) {
    %c0_i32 = arith.constant 0 : i32
    %c0_i32_0 = arith.constant 0 : i32
    return %arg0, %c0_i32 : i32, i32
  }
}

</mosaic_0001>

<sc_bundles>
// kernel: kernel.27.cloned.1.call-start
scs
__scs_entry_jumppad:
0x0: {  	(pc) =	sbr.rel $0x88, $3  }
0x1: {  	(tag) =	ssettag $0x0;
	lr =	simm.s32 $0x1  }
0x2: {  	[smem:$0x3F9A] =	sst lr;
	_ =	strace $0xD0000000  }
0x3: {  	_ = 	snop  }
0x4: {  	_ = 	snop  }
0x5: {  	_ = 	snop  }
0x6: {  	_ = 	snop  }
0x7: {  	_ = 	snop  }
__scs_overlays_trampoline_lowered:
0x8: {  	[smem:$0x3FA9] =	sst s0  }
0x9: {  	[smem:$0x3FAA] =	sst s1  }
0xa: {  	[smem:$0x3FAB] =	sst s2  }
0xb: {  	[smem:$0x3FAC] =	sst s3  }
0xc: {  	[smem:$0x3FAD] =	sst s4  }
0xd: {  	[smem:$0x3FAE] =	sst s5  }
0xe: {  	[smem:$0x3FAF] =	sst s6  }
0xf: {  	[smem:$0x3FB0] =	sst s7  }
0x10: {  	[smem:$0x3FB1] =	sst s8  }
0x11: {  	[smem:$0x3FB2] =	sst s9;
	s0 =	simm.s32 @!p0 $0x0  }
0x12: {  	s1 =	sld [smem:$0x3F98];
	s0 =	simm.s32 @p0 $0x1  }
0x13: {  	[smem:$0x3FB3] =	sst s0;
	s0 =	simm.s32 @!p1 $0x0  }
0x14: {  	s2 =	sld [smem:$0x3F97];
	s0 =	simm.s32 @p1 $0x1  }
0x15: {  	[smem:$0x3FB4] =	sst s0;
	s0 =	simm.s32 @!p2 $0x0  }
0x16: {  	s3 =	sld [smem:$0x3FDB];
	s0 =	simm.s32 @p2 $0x1  }
0x17: {  	s4 =	simm.s32 $0x1BF5;
	[smem:$0x3FB6] =	sst s0  }
0x18: {  	s0 =	sld [smem:$0x3F99];
	_ =	swait.ge [sflag:s4], $0x0  }
0x19: {  	s7 =	sld [smem:$0x3F9A]  }
0x1a: {  	s8 =	sadd.s32 $0xFFFFE003, lr  }
0x1b: {  	s9 =	sadd.s32 $0xFFFFFEF7, lr;
	s5 =	simm.s32 $0xFFFFFFFF;
	p2 =	slt.u32 s8, $0xFFFFF086  }
0x1c: {  	p1 =	slt.u32 s9, $0xF7A;
	s5 =	simm.s32 @!p2 $0x0  }
0x1d: {  	s5 =	simm.s32 @p1 $0x1;
	p0 =	seq.s32 s7, s2  }
0x1e: {  	s7 =	smul.u32 @!p0 $0xF7A, s2;
	p2 =	seq.s32 @!p0 s5, $0x0  }
0x1f: {  	s9 =	smul.u32 $0xF7A, s1;
	s8 =	simm.s32 @!p0 $0x1BF5;
	p2 =	por !p2, p0  }
0x20: {  	[sflag:s8] =	ssyncset.s32 @!p0 $0xFFFFF086;
	s6 =	sadd.s32 @!p0 s3, s7;
	s7 =	simm.s32 @!p0 $0x108  }
0x21: {  	s3 =	sadd.s32 s3, s9;
	s6 =	sadd.s32 @!p0 $0x88, s6;
	s7 =	simm.s32 @p2 $0x1082  }
0x22: {  	[simem:s7], [sflag:s8] =	dma.local @!p0 [hbm:s6], $0xF7A  }
0x23: {  	s9 =	sor.u32 $0xD0000000, s2;
	s6 =	simm.s32 $0x108;
	_ =	swait.ge @!p0 [sflag:s8], $0x0  }
0x24: {  	s3 =	sadd.s32 $0x88, s3;
	s6 =	simm.s32 @!p1 $0x1082;
	[sflag:s4] =	ssyncset.s32 $0xFFFFF086  }
0x25: {  	[simem:s6], [sflag:s4] =	dma.local [hbm:s3], $0xF7A  }
0x26: {  	[smem:$0x3F9A] =	sst s1;
	(tag) =	ssettag s2;
	_ =	strace s9  }
0x27: {  	s1 =	sld [smem:$0x3FAA]  }
0x28: {  	s2 =	sld [smem:$0x3FAB]  }
0x29: {  	s4 =	sld [smem:$0x3FAD]  }
0x2a: {  	p0 =	seq.s32 s5, $0x0;
	s5 =	sld [smem:$0x3FAE]  }
0x2b: {  	s6 =	sld [smem:$0x3FAF]  }
0x2c: {  	s7 =	sld [smem:$0x3FB0]  }
0x2d: {  	s3 =	simm.s32 $0x108;
	s8 =	sld [smem:$0x3FB1]  }
0x2e: {  	s3 =	simm.s32 @!p0 $0x1082;
	s9 =	sld [smem:$0x3FB2]  }
0x2f: {  	lr =	sadd.s32 s0, s3;
	s0 =	sld [smem:$0x3FA9]  }
0x30: {  	s3 =	sld [smem:$0x3FAC]  }
0x31: {  	[smem:$0x3FB5] =	sst s10  }
0x32: {  	s10 =	sld [smem:$0x3FB3];
	_ =	sdelay $0x3  }
0x33: {  	p0 =	seq.s32 s10, $0x1;
	s10 =	sld [smem:$0x3FB5];
	_ =	sdelay $0x3  }
0x34: {  	[smem:$0x3FB5] =	sst s10  }
0x35: {  	s10 =	sld [smem:$0x3FB4];
	_ =	sdelay $0x3  }
0x36: {  	p1 =	seq.s32 s10, $0x1;
	s10 =	sld [smem:$0x3FB5];
	_ =	sdelay $0x3  }
0x37: {  	[smem:$0x3FB5] =	sst s10  }
0x38: {  	s10 =	sld [smem:$0x3FB6]  }
0x39: {  	_ = 	snop;
	(pc) =	sbr.ind lr, $3  }
0x3a: {  	_ = 	snop  }
0x3b: {  	_ = 	snop  }
0x3c: {  	p2 =	seq.s32 s10, $0x1;
	s10 =	sld [smem:$0x3FB5]  }
0x3d: {  	_ =	shalt  }
0x3e: {  	_ =	shalt  }
0x3f: {  	_ =	shalt  }
0x40: {  	_ =	shalt  }
0x41: {  	_ =	shalt  }
0x42: {  	_ =	shalt  }
0x43: {  	_ =	shalt  }
0x44: {  	_ =	shalt  }
0x45: {  	_ =	shalt  }
0x46: {  	_ =	shalt  }
0x47: {  	_ =	shalt  }
0x48: {  	_ =	shalt  }
0x49: {  	_ =	shalt  }
0x4a: {  	_ =	shalt  }
0x4b: {  	_ =	shalt  }
0x4c: {  	_ =	shalt  }
0x4d: {  	_ =	shalt  }
0x4e: {  	_ =	shalt  }
0x4f: {  	_ =	shalt  }
0x50: {  	_ =	shalt  }
0x51: {  	_ =	shalt  }
0x52: {  	_ =	shalt  }
0x53: {  	_ =	shalt  }
0x54: {  	_ =	shalt  }
0x55: {  	_ =	shalt  }
0x56: {  	_ =	shalt  }
0x57: {  	_ =	shalt  }
0x58: {  	_ =	shalt  }
0x59: {  	_ =	shalt  }
0x5a: {  	_ =	shalt  }
0x5b: {  	_ =	shalt  }
0x5c: {  	_ =	shalt  }
0x5d: {  	_ =	shalt  }
0x5e: {  	_ =	shalt  }
0x5f: {  	_ =	shalt  }
0x60: {  	_ =	shalt  }
0x61: {  	_ =	shalt  }
0x62: {  	_ =	shalt  }
0x63: {  	_ =	shalt  }
0x64: {  	_ =	shalt  }
0x65: {  	_ =	shalt  }
0x66: {  	_ =	shalt  }
0x67: {  	_ =	shalt  }
0x68: {  	_ =	shalt  }
0x69: {  	_ =	shalt  }
0x6a: {  	_ =	shalt  }
0x6b: {  	_ =	shalt  }
0x6c: {  	_ =	shalt  }
0x6d: {  	_ =	shalt  }
0x6e: {  	_ =	shalt  }
0x6f: {  	_ =	shalt  }
0x70: {  	_ =	shalt  }
0x71: {  	_ =	shalt  }
0x72: {  	_ =	shalt  }
0x73: {  	_ =	shalt  }
0x74: {  	_ =	shalt  }
0x75: {  	_ =	shalt  }
0x76: {  	_ =	shalt  }
0x77: {  	_ =	shalt  }
0x78: {  	_ =	shalt  }
0x79: {  	_ =	shalt  }
0x7a: {  	_ =	shalt  }
0x7b: {  	_ =	shalt  }
0x7c: {  	_ =	shalt  }
0x7d: {  	_ =	shalt  }
0x7e: {  	_ =	shalt  }
0x7f: {  	_ =	shalt  }
0x80: {  	_ =	shalt  }
0x81: {  	_ =	shalt  }
0x82: {  	_ =	shalt  }
0x83: {  	_ =	shalt  }
0x84: {  	_ =	shalt  }
0x85: {  	_ =	shalt  }
0x86: {  	_ =	shalt  }
0x87: {  	_ =	shalt  }
.Lfunc_end0:
.L_simem_size_0:
called_computation_lowered:
.L_overlay_start_0:
0x88: {  	s2 =	sld [smem:$0x3FD9]  }
0x89: {  	s3 =	sld [smem:$0x3FFE];
	_ =	sdelay $0x1  }
0x8a: {  	s1 =	srdreg.scid  }
0x8b: {  	s0 =	sand.u32 $0x1, s1  }
0x8c: {  	s17 =	sshll.u32 s0, $0xA;
	s2 =	sadd.s32 s3, s2  }
0x8d: {  	s2 =	sadd.s32 s2, s17  }
0x8e: {  	[smem:$0x3FC1] =	sst s2  }
0x8f: {  	_ = 	snop  }
0x90: {  	s2 =	sld [smem:$0x3FD0];
	(tm) =	ssettm $0x1  }
0x91: {  	s18 =	sld [smem:$0x3FFB];
	_ =	sdelay $0x3  }
0x92: {  	_ =	strace s18  }
0x93: {  	s3 =	sld [smem:$0x3FFC];
	_ =	sdelay $0x3  }
0x94: {  	_ =	strace s3  }
0x95: {  	s3 =	sld [smem:$0x3FFD];
	_ =	sdelay $0x3  }
0x96: {  	_ =	strace s3  }
0x97: {  	_ =	strace $0x8FFFFFFF  }
0x98: {  	s19 =	sld [smem:$0x3FDB];
	_ =	sdelay $0x1  }
0x99: {  	s4 =	simm.s32 $_scs_section_size  }
0x9a: {  	s5 =	simm.s32 $_size__tile_overlayer_lowered;
	s6 =	simm.s32 $_tile_overlayer_lowered  }
0x9b: {  	s22 =	simm.s32 $0x1BFF;
	s21 =	sshll.u32 s6, $0x1;
	s3 =	sadd.s32 s4, s19  }
0x9c: {  	s7 =	simm.s32 $0x0;
	s20 =	sshll.u32 s5, $0x1;
	s5 =	sadd.s32 s21, s3  }
0x9d: {  	[timem:s7], [sflag:s22] =	dma.local [hbm:s5], s20  }
0x9e: {  	_ =	swait.ge [sflag:s22], s20  }
0x9f: {  	s4 =	ssub.s32 $0x0, s20;
	[sflag:s22] =	ssyncset.done $0x0  }
0xa0: {  	[sflag:s22] =	ssyncadd.s32 s4;
	_ =	sdelay $0x1  }
0xa1: {  	s23 =	simm.s32 $0x1B8B  }
0xa2: {  	_ =	swait.ge [sflag:s23], $0x1  }
0xa3: {  	[sflag:s23] =	ssyncset.done $0x0  }
0xa4: {  	s25 =	simm.s32 $0x1B8E;
	s24 =	sld [smem:$0x3FFE];
	[sflag:s23] =	ssyncadd.s32 $0xFFFFFFFF  }
0xa5: {  	s26 =	simm.s32 $execute0_lowered;
	[smem:$0x3FD2] =	sst s25  }
0xa6: {  	s5 =	sshll.u32 s26, $0x1;
	_ =	strace $0x80000046;
	[dreg:$0x1] =	wrdreg $0xFFFFFFFF  }
0xa7: {  	s28 =	simm.s32 $_size_execute0_lowered;
	s3 =	sadd.s32 s3, s5;
	[dreg:$0x0] =	wrdreg $0x0  }
0xa8: {  	s5 =	sshll.u32 s28, $0x1;
	[dreg:$0x2] =	wrdreg s3  }
0xa9: {  	[dreg:$0x3] =	wrdreg s5  }
0xaa: {  	[dreg:$0x4] =	wrdreg $0xC0  }
0xab: {  	_ =	task [dreg:s7], $0x5FFFF  }
0xac: {  	[dreg:$0x1] =	wrdreg $0xFFFFFFFF  }
0xad: {  	[dreg:$0x0] =	wrdreg $0x60  }
0xae: {  	[dreg:$0x2] =	wrdreg s2  }
0xaf: {  	[dreg:$0x3] =	wrdreg s24  }
0xb0: {  	[dreg:$0x4] =	wrdreg $0x90000  }
0xb1: {  	[dreg:$0x5] =	wrdreg $0x9  }
0xb2: {  	_ =	task.clear_ibuf [dreg:s7], $0x6FFFF;
	_ =	strace $0x90000046  }
0xb3: {  	s29 =	simm.s32 $0x9;
	_ =	strace $0x80000048  }
0xb4: {  	_ =	swait.ge [sflag:s29], $0x1  }
0xb5: {  	[sflag:s29] =	ssyncadd.s32 $0xFFFFFFFF  }
0xb6: {  	_ =	strace $0x90000048  }
0xb7: {  	_ =	sfence  }
0xb8: {  	s30 =	sld [smem:$0x0];
	_ =	sdelay $0x2  }
0xb9: {  	s31 =	sshll.u32 s1, $0xD;
	s1 =	sshrl.u32 s1, $0x2  }
0xba: {  	s3 =	sand.u32 $0x4000, s31;
	s1 =	sadd.s32 s1, s30  }
0xbb: {  	s0 =	sor.u32 s3, s0;
	s1 =	sshll.u32 s1, $0x11  }
0xbc: {  	s0 =	sor.u32 s1, s0  }
0xbd: {  	s0 =	sadd.s32 $0x8F2B, s0  }
0xbe: {  	[sflag:s0] =	ssyncadd.remote.s32 $0x1  }
0xbf: {  	_ =	sfence.sel $0xFFFF  }
0xc0: {  	[dreg:$0x0] =	wrdreg $0xFFFFFFFF;
	(pc) =	sbr.abs _section_cstart, $3  }
0xc1: {  	[dreg:$0x1] =	wrdreg $0xFFFFFFFF  }
0xc2: {  	_ =	task.clear_ibuf [dreg:s7], $0x2FFFF;
	_ =	strace $0x9FFFFFFF  }
0xc3: {  	(tm) =	ssettm $0x7FFFFFFF  }
tec
execute0_lowered:
.L_overlay_start_1:
0x0: {  	(tag) =	ssettag $0x1  }
0x1: {  	s6 =	rddreg [dreg:$0x0]  }
0x2: {  	s7 =	rddreg [dreg:$0x1]  }
0x3: {  	s1 =	rddreg [dreg:$0x2]  }
0x4: {  	s0 =	rddreg [dreg:$0x3]  }
0x5: {  	s3 =	simm.s32 $0x0;
	s2 =	srdreg.scid;
	s16 =	simm.s32 $0x80  }
0x6: {  	s17 =	simm.s32 $0x0;
	[smem:$0x7FF] =	sst s3;
	s8 =	sand.u32 $0x1, s2  }
0x7: {  	s2 =	stileid.u32;
	s4 =	sadd.s32 $0x12800, s7;
	s9 =	smul.u32 $0x13C000, s8  }
0x8: {  	s5 =	sadd.s32 $0x15000, s7;
	_ =	strace $0x80000047;
	s10 =	smul.u32 $0x13C00, s2  }
0x9: {  	s11 =	sshll.u32 s8, $0x4;
	s8 =	ssub.s32 $0x2, s8;
	s13 =	smul.u32 $0x4F000, s2  }
0xa: {  	s31 =	sshll.u32 s2, $0x6;
	s11 =	sor.u32 s2, s11;
	s12 =	sshrl.u32 s8, $0x1  }
0xb: {  	s9 =	sadd.s32 s10, s9;
	s29 =	smul.u32 $0x500, s11;
	s12 =	ssub.s32 s8, s12  }
0xc: {  	s30 =	sshrl.u32 s13, $0x2;
	v0 =	vmov s11;
	s11 =	simm.s32 $0x1;
	s13 =	simm.s32 $0x5000  }
0xd: {  	s9 =	sshrl.u32 s9, $0x3;
	s15 =	sadd.s32 s30, s1;
	s10 =	smax.u32 s12, $0x1  }
0xe: {  	v0 =	vadd.s32 $0x2710, v0;
	s12 =	simm.s32 $0x2800;
	s9 =	sadd.s32 s9, s7;
	s14 =	sadd.s32 s29, s7  }
0xf: {  	s6 =	sadd.s32 s6, s29;
	v0 =	vbroadcast v0, $0x0;
	s15 =	sshrl.u32 s15, $0x3;
	s7 =	sadd.s32 $0x8800, s14  }
0x10: {  	s8 =	sadd.s32 $0x15800, s9;
	s9 =	sadd.s32 $0x64800, s14;
	s14 =	sor.u32 $0x1C01, s31  }
.LBB2_1:
0x11: {  	[tilespmem:s3], [sflag:$0x1] =	stream.linear.gather [hbm4b:s6+s3], $0x2780, $0x38;
	[tilespmem:$0x1CC00] =	vst v63  }
0x12: {  	_ =	swait.ge [sflag:s11], $0x2780  }
0x13: {  	[sflag:s11] =	ssyncset.done $0x0  }
0x14: {  	[sflag:s11] =	ssyncadd.s32 $0xFFFFD880  }
0x15: {  	[tilespmem:s12], [sflag:$0x1] =	stream.linear.gather [hbm4b:s7+s3], $0x2780, $0x38;
	[tilespmem:$0x1CC00] =	vst v63  }
0x16: {  	_ =	swait.ge [sflag:s11], $0x2780  }
0x17: {  	[sflag:s11] =	ssyncset.done $0x0  }
0x18: {  	[sflag:s11] =	ssyncadd.s32 $0xFFFFD880  }
0x19: {  	[tilespmem:s13], [sflag:$0x1] =	stream.linear.gather [hbm4b:s5+s3], $0x4000, $0x38;
	[tilespmem:$0x1CC00] =	vst v63  }
0x1a: {  	_ =	swait.ge [sflag:s11], $0x4000  }
0x1b: {  	[sflag:s11] =	ssyncset.done $0x0  }
0x1c: {  	[sflag:s11] =	ssyncadd.s32 $0xFFFFC000  }
0x1d: {  	[spmem:s15], [sflag:s14] =	dma.local [hbm:s4], $0x2780  }
0x1e: {  	_ =	swait.ge [sflag:s11], $0x2780  }
0x1f: {  	[sflag:s11] =	ssyncset.done $0x0  }
0x20: {  	s18 =	simm.s32 $0x0;
	[sflag:s11] =	ssyncadd.s32 $0xFFFFD880  }
0x21: {  	v10 =	vld [tilespmem:s18+$0x2870]  }
0x22: {  	v3 =	vld [tilespmem:s18+$0x70]  }
0x23: {  	v6 =	vld [tilespmem:s18+$0x2850]  }
0x24: {  	v8 =	vld [tilespmem:s18+$0x2860]  }
0x25: {  	v11 =	vld [tilespmem:s18+$0x50]  }
0x26: {  	v12 =	vld [tilespmem:s18+$0x60]  }
0x27: {  	v2 =	vld [tilespmem:s18+$0x2840]  }
0x28: {  	v1 =	vld [tilespmem:s18+$0x30]  }
0x29: {  	v7 =	vld [tilespmem:s18+$0x2820];
	vm0 =	veq.s32 v3, v10  }
0x2a: {  	v5 =	vld [tilespmem:s18+$0x20];
	vm1 =	veq.s32 v11, v6;
	v3 =	vsel vm0, v0, v3  }
0x2b: {  	v4 =	vld [tilespmem:s18+$0x40];
	v11 =	vsel vm1, v0, v11;
	[tilespmem:s18+$0x70] =	vst v3  }
0x2c: {  	v9 =	vld [tilespmem:s18+$0x10];
	vm2 =	veq.s32 v12, v8;
	v3 =	vsel vm1, v0, v6;
	[tilespmem:s18+$0x50] =	vst v11  }
0x2d: {  	v6 =	vld [tilespmem:s18+$0x2810];
	[tilespmem:s18+$0x2850] =	vst v3;
	v3 =	vsel vm2, v0, v8  }
0x2e: {  	v8 =	vsel vm2, v0, v12;
	[tilespmem:s18+$0x2860] =	vst v3;
	v3 =	vld [tilespmem:s18+$0x2800]  }
0x2f: {  	s19 =	simm.s32 $0x200;
	v10 =	vsel vm0, v0, v10;
	vm0 =	veq.s32 v5, v7;
	[tilespmem:s18+$0x60] =	vst v8;
	v8 =	vld [tilespmem:s18+$0x0]  }
.LBB2_2:
0x30: {  	s20 =	sshra.s32 s19, $0x2;
	p0 =	sne.s32 s19, $0x9C00;
	s19 =	sadd.s32 $0x200, s19;
	v7 =	vsel vm0, v0, v7;
	v11 =	vld [tilespmem:s18+$0x2830];
	vm1 =	veq.s32 v4, v2;
	[tilespmem:s18+$0x2870] =	vst v10  }
0x31: {  	v10 =	vld [tilespmem:s20+$0x2870];
	[tilespmem:s18+$0x2820] =	vst v7;
	v4 =	vsel vm1, v0, v4;
	v2 =	vsel vm1, v0, v2  }
0x32: {  	v5 =	vsel vm0, v0, v5;
	v7 =	vld [tilespmem:s20+$0x70];
	vm1 =	veq.s32 v9, v6;
	[tilespmem:s18+$0x2840] =	vst v2  }
0x33: {  	v12 =	vld [tilespmem:s20+$0x2850];
	v2 =	vsel vm1, v0, v9;
	v6 =	vsel vm1, v0, v6;
	[tilespmem:s18+$0x20] =	vst v5  }
0x34: {  	v9 =	vld [tilespmem:s20+$0x2860];
	vm0 =	veq.s32 v8, v3;
	[tilespmem:s18+$0x10] =	vst v2  }
0x35: {  	v13 =	vld [tilespmem:s20+$0x50];
	v2 =	vsel vm0, v0, v8;
	[tilespmem:s18+$0x2810] =	vst v6;
	vm1 =	veq.s32 v1, v11  }
0x36: {  	v8 =	vld [tilespmem:s20+$0x60];
	[tilespmem:s18+$0x0] =	vst v2;
	v1 =	vsel vm1, v0, v1;
	v5 =	vsel vm1, v0, v11  }
0x37: {  	v2 =	vld [tilespmem:s20+$0x2840];
	vm1 =	veq.s32 v7, v10;
	[tilespmem:s18+$0x30] =	vst v1  }
0x38: {  	v3 =	vsel vm0, v0, v3;
	v1 =	vld [tilespmem:s20+$0x30];
	v6 =	vsel vm1, v0, v7;
	v10 =	vsel vm1, v0, v10;
	[tilespmem:s18+$0x2830] =	vst v5  }
0x39: {  	v7 =	vld [tilespmem:s20+$0x2820];
	[tilespmem:s18+$0x2800] =	vst v3  }
0x3a: {  	v5 =	vld [tilespmem:s20+$0x20];
	vm0 =	veq.s32 v13, v12;
	[tilespmem:s18+$0x40] =	vst v4;
	s18 =	smov.u32 s20  }
.Ltmp0:
0x3b: {  	v4 =	vld [tilespmem:s18+$0x40];
	v11 =	vsel vm0, v0, v13;
	v3 =	vsel vm0, v0, v12;
	vm0 =	veq.s32 v8, v9;
	[tilespmem:s18+$0x70] =	vst v6;
	(pc) =	sbr.rel @p0 .LBB2_2-.Ltmp0, $4  }
0x3c: {  	v6 =	vld [tilespmem:s18+$0x2810];
	[tilespmem:s18+$0x2850] =	vst v3;
	v8 =	vsel vm0, v0, v8;
	v3 =	vsel vm0, v0, v9  }
0x3d: {  	v9 =	vld [tilespmem:s18+$0x10];
	[tilespmem:s18+$0x2860] =	vst v3  }
0x3e: {  	v3 =	vld [tilespmem:s18+$0x2800];
	[tilespmem:s18+$0x60] =	vst v8  }
0x3f: {  	v8 =	vld [tilespmem:s18+$0x0];
	vm0 =	veq.s32 v5, v7;
	[tilespmem:s18+$0x50] =	vst v11  }
0x40: {  	v11 =	vld [tilespmem:s18+$0x2830];
	v7 =	vsel vm0, v0, v7;
	[tilespmem:s18+$0x2870] =	vst v10  }
0x41: {  	vm1 =	veq.s32 v4, v2;
	v5 =	vsel vm0, v0, v5;
	[tilespmem:s18+$0x2820] =	vst v7  }
0x42: {  	v2 =	vsel vm1, v0, v2;
	[tilespmem:s18+$0x20] =	vst v5;
	vm2 =	veq.s32 v9, v6  }
0x43: {  	[tilespmem:s18+$0x2840] =	vst v2;
	v2 =	vsel vm2, v0, v9  }
0x44: {  	v63 =	vsel vm2, v0, v6;
	vm14 =	veq.s32 v8, v3;
	[tilespmem:s18+$0x10] =	vst v2  }
0x45: {  	[tilespmem:s18+$0x2810] =	vst v63;
	v2 =	vsel vm14, v0, v8;
	vm15 =	veq.s32 v1, v11  }
0x46: {  	[tilespmem:s18+$0x0] =	vst v2;
	v1 =	vsel vm15, v0, v1  }
0x47: {  	v2 =	vsel vm15, v0, v11;
	[tilespmem:s18+$0x30] =	vst v1  }
0x48: {  	v1 =	vsel vm14, v0, v3;
	[tilespmem:s18+$0x2830] =	vst v2  }
0x49: {  	v2 =	vsel vm1, v0, v4;
	[tilespmem:s18+$0x2800] =	vst v1  }
0x4a: {  	[tilespmem:s18+$0x40] =	vst v2  }
0x4b: {  	s31 =	simm.s32 $0x2800;
	[bflag:$0x0] =	sbarrier.arrive $0xFFFF  }
0x4c: {  	[spmem:s1] =	stream.indirect.scatter.add.f32 [tilespmem:s13], [sflag:$0x1], $0x80, s31, s16, $0xb8;
	[tilespmem:$0x1CC00] =	vst v63  }
0x4d: {  	s18 =	simm.s32 $0x200;
	_ =	swait.ge [sflag:s11], $0x4000  }
.LBB2_4:
0x4e: {  	s19 =	sshra.s32 s18, $0x2;
	[sflag:s11] =	ssyncset.done $0x0;
	p0 =	sne.s32 s18, $0x9C00  }
.Ltmp1:
0x4f: {  	s19 =	sadd.s32 $0x2800, s19;
	[sflag:s11] =	ssyncadd.s32 $0xFFFFC000;
	(pc) =	sbr.rel @p0 .LBB2_4-.Ltmp1, $3  }
0x50: {  	[spmem:s1] =	stream.indirect.scatter.add.f32 [tilespmem:s13], [sflag:$0x1], $0x80, s19, s16, $0xb8;
	[tilespmem:$0x1CC00] =	vst v63  }
0x51: {  	s18 =	sadd.s32 $0x200, s18;
	_ =	sdelay $0x1  }
0x52: {  	_ =	swait.ge [sflag:s11], $0x4000  }
0x53: {  	[sflag:s11] =	ssyncset.done $0x0  }
0x54: {  	[sflag:s11] =	ssyncadd.s32 $0xFFFFC000  }
0x55: {  	[bflag:$0x0] =	sbarrier.arrive $0xFFFF  }
0x56: {  	[hbm:s8], [sflag:s14] =	dma.local [spmem:s15], $0x2780  }
0x57: {  	s17 =	sadd.s32 $0x1, s17;
	_ =	swait.ge [sflag:s11], $0x2780  }
0x58: {  	p0 =	sne.s32 s17, s10;
	[sflag:s11] =	ssyncset.done $0x0  }
.Ltmp2:
0x59: {  	[sflag:s11] =	ssyncadd.s32 $0xFFFFD880;
	(pc) =	sbr.rel @p0 .LBB2_1-.Ltmp2, $4  }
0x5a: {  	[hbm4b:s9+s3] =	stream.linear.scatter [tilespmem:s3], [sflag:$0x1], $0x2780, $0x38;
	[tilespmem:$0x1CC00] =	vst v63  }
0x5b: {  	_ =	swait.ge [sflag:s11], $0x2780  }
0x5c: {  	[sflag:s11] =	ssyncset.done $0x0  }
0x5d: {  	[sflag:s11] =	ssyncadd.s32 $0xFFFFD880  }
0x5e: {  	_ =	sfence.sel $0x180000  }
0x5f: {  	[bflag:$0x0] =	sbarrier.arrive $0xFFFF  }
0x60: {  	p0 =	sne.s32 s2, $0x0;
	_ =	strace $0x90000047  }
0x61: {  	s0 =	sadd.s32 @!p0 $0x100000, s0;
	[bflag:$0x2] =	sbarrier.arrive $0xFFFF  }
0x62: {  	[sflag:s0] =	ssyncadd.tile.s32 @!p0 $0x1;
	_ =	shalt  }
.Lfunc_end2:
_tile_overlayer_lowered:
.L_overlay_start_2:
0x63: {  	(tag) =	ssettag $0x2  }
0x64: {  	s0 =	rddreg [dreg:$0x0];
	s2 =	stileid.u32  }
0x65: {  	s1 =	rddreg [dreg:$0x1];
	p0 =	sne.s32 s2, $0x0  }
0x66: {  	s3 =	rddreg [dreg:$0x2];
	[bflag:$0x3] =	sbarrier.arrive $0xFFFF;
	s2 =	simm.s32 @!p0 $0x1C01  }
0x67: {  	[timem:s3], [sflag:s2] =	dma.local @!p0 [hbm:s0], s1  }
0x68: {  	s0 =	simm.s32 @!p0 $0x1  }
0x69: {  	_ =	swait.ge @!p0 [sflag:s0], s1  }
0x6a: {  	s1 =	ssub.s32 @!p0 $0x0, s1;
	[sflag:s0] =	ssyncset.done @!p0 $0x0  }
0x6b: {  	[sflag:s0] =	ssyncadd.s32 @!p0 s1  }
0x6c: {  	[bflag:$0x3] =	sbarrier.arrive $0xFFFF  }
0x6d: {  	_ =	shalt  }

// kernel: kernel.30.cloned.1.call-start
scs
__scs_entry_jumppad:
0x0: {  	(pc) =	sbr.rel $0x88, $3  }
0x1: {  	(tag) =	ssettag $0x0;
	lr =	simm.s32 $0x1  }
0x2: {  	[smem:$0x3F9A] =	sst lr;
	_ =	strace $0xD0000000  }
0x3: {  	_ = 	snop  }
0x4: {  	_ = 	snop  }
0x5: {  	_ = 	snop  }
0x6: {  	_ = 	snop  }
0x7: {  	_ = 	snop  }
__scs_overlays_trampoline_lowered:
0x8: {  	[smem:$0x3FA9] =	sst s0  }
0x9: {  	[smem:$0x3FAA] =	sst s1  }
0xa: {  	[smem:$0x3FAB] =	sst s2  }
0xb: {  	[smem:$0x3FAC] =	sst s3  }
0xc: {  	[smem:$0x3FAD] =	sst s4  }
0xd: {  	[smem:$0x3FAE] =	sst s5  }
0xe: {  	[smem:$0x3FAF] =	sst s6  }
0xf: {  	[smem:$0x3FB0] =	sst s7  }
0x10: {  	[smem:$0x3FB1] =	sst s8  }
0x11: {  	[smem:$0x3FB2] =	sst s9;
	s0 =	simm.s32 @!p0 $0x0  }
0x12: {  	s1 =	sld [smem:$0x3F98];
	s0 =	simm.s32 @p0 $0x1  }
0x13: {  	[smem:$0x3FB3] =	sst s0;
	s0 =	simm.s32 @!p1 $0x0  }
0x14: {  	s2 =	sld [smem:$0x3F97];
	s0 =	simm.s32 @p1 $0x1  }
0x15: {  	[smem:$0x3FB4] =	sst s0;
	s0 =	simm.s32 @!p2 $0x0  }
0x16: {  	s3 =	sld [smem:$0x3FDB];
	s0 =	simm.s32 @p2 $0x1  }
0x17: {  	s4 =	simm.s32 $0x1BF5;
	[smem:$0x3FB6] =	sst s0  }
0x18: {  	s0 =	sld [smem:$0x3F99];
	_ =	swait.ge [sflag:s4], $0x0  }
0x19: {  	s7 =	sld [smem:$0x3F9A]  }
0x1a: {  	s8 =	sadd.s32 $0xFFFFE003, lr  }
0x1b: {  	s9 =	sadd.s32 $0xFFFFFEF7, lr;
	s5 =	simm.s32 $0xFFFFFFFF;
	p2 =	slt.u32 s8, $0xFFFFF086  }
0x1c: {  	p1 =	slt.u32 s9, $0xF7A;
	s5 =	simm.s32 @!p2 $0x0  }
0x1d: {  	s5 =	simm.s32 @p1 $0x1;
	p0 =	seq.s32 s7, s2  }
0x1e: {  	s7 =	smul.u32 @!p0 $0xF7A, s2;
	p2 =	seq.s32 @!p0 s5, $0x0  }
0x1f: {  	s9 =	smul.u32 $0xF7A, s1;
	s8 =	simm.s32 @!p0 $0x1BF5;
	p2 =	por !p2, p0  }
0x20: {  	[sflag:s8] =	ssyncset.s32 @!p0 $0xFFFFF086;
	s6 =	sadd.s32 @!p0 s3, s7;
	s7 =	simm.s32 @!p0 $0x108  }
0x21: {  	s3 =	sadd.s32 s3, s9;
	s6 =	sadd.s32 @!p0 $0x88, s6;
	s7 =	simm.s32 @p2 $0x1082  }
0x22: {  	[simem:s7], [sflag:s8] =	dma.local @!p0 [hbm:s6], $0xF7A  }
0x23: {  	s9 =	sor.u32 $0xD0000000, s2;
	s6 =	simm.s32 $0x108;
	_ =	swait.ge @!p0 [sflag:s8], $0x0  }
0x24: {  	s3 =	sadd.s32 $0x88, s3;
	s6 =	simm.s32 @!p1 $0x1082;
	[sflag:s4] =	ssyncset.s32 $0xFFFFF086  }
0x25: {  	[simem:s6], [sflag:s4] =	dma.local [hbm:s3], $0xF7A  }
0x26: {  	[smem:$0x3F9A] =	sst s1;
	(tag) =	ssettag s2;
	_ =	strace s9  }
0x27: {  	s1 =	sld [smem:$0x3FAA]  }
0x28: {  	s2 =	sld [smem:$0x3FAB]  }
0x29: {  	s4 =	sld [smem:$0x3FAD]  }
0x2a: {  	p0 =	seq.s32 s5, $0x0;
	s5 =	sld [smem:$0x3FAE]  }
0x2b: {  	s6 =	sld [smem:$0x3FAF]  }
0x2c: {  	s7 =	sld [smem:$0x3FB0]  }
0x2d: {  	s3 =	simm.s32 $0x108;
	s8 =	sld [smem:$0x3FB1]  }
0x2e: {  	s3 =	simm.s32 @!p0 $0x1082;
	s9 =	sld [smem:$0x3FB2]  }
0x2f: {  	lr =	sadd.s32 s0, s3;
	s0 =	sld [smem:$0x3FA9]  }
0x30: {  	s3 =	sld [smem:$0x3FAC]  }
0x31: {  	[smem:$0x3FB5] =	sst s10  }
0x32: {  	s10 =	sld [smem:$0x3FB3];
	_ =	sdelay $0x3  }
0x33: {  	p0 =	seq.s32 s10, $0x1;
	s10 =	sld [smem:$0x3FB5];
	_ =	sdelay $0x3  }
0x34: {  	[smem:$0x3FB5] =	sst s10  }
0x35: {  	s10 =	sld [smem:$0x3FB4];
	_ =	sdelay $0x3  }
0x36: {  	p1 =	seq.s32 s10, $0x1;
	s10 =	sld [smem:$0x3FB5];
	_ =	sdelay $0x3  }
0x37: {  	[smem:$0x3FB5] =	sst s10  }
0x38: {  	s10 =	sld [smem:$0x3FB6]  }
0x39: {  	_ = 	snop;
	(pc) =	sbr.ind lr, $3  }
0x3a: {  	_ = 	snop  }
0x3b: {  	_ = 	snop  }
0x3c: {  	p2 =	seq.s32 s10, $0x1;
	s10 =	sld [smem:$0x3FB5]  }
0x3d: {  	_ =	shalt  }
0x3e: {  	_ =	shalt  }
0x3f: {  	_ =	shalt  }
0x40: {  	_ =	shalt  }
0x41: {  	_ =	shalt  }
0x42: {  	_ =	shalt  }
0x43: {  	_ =	shalt  }
0x44: {  	_ =	shalt  }
0x45: {  	_ =	shalt  }
0x46: {  	_ =	shalt  }
0x47: {  	_ =	shalt  }
0x48: {  	_ =	shalt  }
0x49: {  	_ =	shalt  }
0x4a: {  	_ =	shalt  }
0x4b: {  	_ =	shalt  }
0x4c: {  	_ =	shalt  }
0x4d: {  	_ =	shalt  }
0x4e: {  	_ =	shalt  }
0x4f: {  	_ =	shalt  }
0x50: {  	_ =	shalt  }
0x51: {  	_ =	shalt  }
0x52: {  	_ =	shalt  }
0x53: {  	_ =	shalt  }
0x54: {  	_ =	shalt  }
0x55: {  	_ =	shalt  }
0x56: {  	_ =	shalt  }
0x57: {  	_ =	shalt  }
0x58: {  	_ =	shalt  }
0x59: {  	_ =	shalt  }
0x5a: {  	_ =	shalt  }
0x5b: {  	_ =	shalt  }
0x5c: {  	_ =	shalt  }
0x5d: {  	_ =	shalt  }
0x5e: {  	_ =	shalt  }
0x5f: {  	_ =	shalt  }
0x60: {  	_ =	shalt  }
0x61: {  	_ =	shalt  }
0x62: {  	_ =	shalt  }
0x63: {  	_ =	shalt  }
0x64: {  	_ =	shalt  }
0x65: {  	_ =	shalt  }
0x66: {  	_ =	shalt  }
0x67: {  	_ =	shalt  }
0x68: {  	_ =	shalt  }
0x69: {  	_ =	shalt  }
0x6a: {  	_ =	shalt  }
0x6b: {  	_ =	shalt  }
0x6c: {  	_ =	shalt  }
0x6d: {  	_ =	shalt  }
0x6e: {  	_ =	shalt  }
0x6f: {  	_ =	shalt  }
0x70: {  	_ =	shalt  }
0x71: {  	_ =	shalt  }
0x72: {  	_ =	shalt  }
0x73: {  	_ =	shalt  }
0x74: {  	_ =	shalt  }
0x75: {  	_ =	shalt  }
0x76: {  	_ =	shalt  }
0x77: {  	_ =	shalt  }
0x78: {  	_ =	shalt  }
0x79: {  	_ =	shalt  }
0x7a: {  	_ =	shalt  }
0x7b: {  	_ =	shalt  }
0x7c: {  	_ =	shalt  }
0x7d: {  	_ =	shalt  }
0x7e: {  	_ =	shalt  }
0x7f: {  	_ =	shalt  }
0x80: {  	_ =	shalt  }
0x81: {  	_ =	shalt  }
0x82: {  	_ =	shalt  }
0x83: {  	_ =	shalt  }
0x84: {  	_ =	shalt  }
0x85: {  	_ =	shalt  }
0x86: {  	_ =	shalt  }
0x87: {  	_ =	shalt  }
.Lfunc_end0:
.L_simem_size_0:
called_computation.1_lowered:
.L_overlay_start_0:
0x88: {  	s2 =	sld [smem:$0x3FD9]  }
0x89: {  	s3 =	sld [smem:$0x3FFE];
	_ =	sdelay $0x1  }
0x8a: {  	s1 =	srdreg.scid  }
0x8b: {  	s0 =	sand.u32 $0x1, s1  }
0x8c: {  	s16 =	sshll.u32 s0, $0xA;
	s2 =	sadd.s32 s3, s2  }
0x8d: {  	s2 =	sadd.s32 s2, s16  }
0x8e: {  	[smem:$0x3FC1] =	sst s2  }
0x8f: {  	_ = 	snop  }
0x90: {  	(tm) =	ssettm $0x1  }
0x91: {  	s17 =	sld [smem:$0x3FFB];
	_ =	sdelay $0x3  }
0x92: {  	_ =	strace s17  }
0x93: {  	s2 =	sld [smem:$0x3FFC];
	_ =	sdelay $0x3  }
0x94: {  	_ =	strace s2  }
0x95: {  	s2 =	sld [smem:$0x3FFD];
	_ =	sdelay $0x3  }
0x96: {  	_ =	strace s2  }
0x97: {  	_ =	strace $0x8FFFFFFF  }
0x98: {  	s18 =	sld [smem:$0x3FDB];
	_ =	sdelay $0x1  }
0x99: {  	s19 =	simm.s32 $_scs_section_size  }
0x9a: {  	s4 =	simm.s32 $_size__tile_overlayer_lowered;
	s5 =	simm.s32 $_tile_overlayer_lowered  }
0x9b: {  	s22 =	simm.s32 $0x1BFF;
	s21 =	sshll.u32 s5, $0x1;
	s2 =	sadd.s32 s19, s18  }
0x9c: {  	s6 =	simm.s32 $0x0;
	s20 =	sshll.u32 s4, $0x1;
	s4 =	sadd.s32 s21, s2  }
0x9d: {  	[timem:s6], [sflag:s22] =	dma.local [hbm:s4], s20  }
0x9e: {  	_ =	swait.ge [sflag:s22], s20  }
0x9f: {  	s3 =	ssub.s32 $0x0, s20;
	[sflag:s22] =	ssyncset.done $0x0  }
0xa0: {  	[sflag:s22] =	ssyncadd.s32 s3;
	_ =	sdelay $0x1  }
0xa1: {  	s23 =	simm.s32 $0x1B8B  }
0xa2: {  	_ =	swait.ge [sflag:s23], $0x1  }
0xa3: {  	[sflag:s23] =	ssyncset.done $0x0  }
0xa4: {  	s25 =	simm.s32 $0x1B8E;
	s24 =	sld [smem:$0x3FFE];
	[sflag:s23] =	ssyncadd.s32 $0xFFFFFFFF  }
0xa5: {  	s26 =	simm.s32 $execute0_lowered;
	[smem:$0x3FD2] =	sst s25  }
0xa6: {  	s4 =	sshll.u32 s26, $0x1;
	_ =	strace $0x80000049;
	[dreg:$0x1] =	wrdreg $0xFFFFFFFF  }
0xa7: {  	s28 =	simm.s32 $_size_execute0_lowered;
	s2 =	sadd.s32 s2, s4;
	[dreg:$0x0] =	wrdreg $0x0  }
0xa8: {  	s4 =	sshll.u32 s28, $0x1;
	[dreg:$0x2] =	wrdreg s2  }
0xa9: {  	[dreg:$0x3] =	wrdreg s4  }
0xaa: {  	[dreg:$0x4] =	wrdreg $0xC0  }
0xab: {  	_ =	task [dreg:s6], $0x5FFFF  }
0xac: {  	[dreg:$0x1] =	wrdreg $0xFFFFFFFF  }
0xad: {  	[dreg:$0x0] =	wrdreg $0x60  }
0xae: {  	[dreg:$0x2] =	wrdreg s24  }
0xaf: {  	[dreg:$0x3] =	wrdreg $0x90000  }
0xb0: {  	[dreg:$0x4] =	wrdreg $0x9  }
0xb1: {  	_ =	task.clear_ibuf [dreg:s6], $0x5FFFF;
	_ =	strace $0x90000049  }
0xb2: {  	s29 =	simm.s32 $0x9;
	_ =	strace $0x8000004B  }
0xb3: {  	_ =	swait.ge [sflag:s29], $0x1  }
0xb4: {  	[sflag:s29] =	ssyncadd.s32 $0xFFFFFFFF  }
0xb5: {  	_ =	strace $0x9000004B  }
0xb6: {  	_ =	sfence  }
0xb7: {  	s30 =	sld [smem:$0x0];
	_ =	sdelay $0x2  }
0xb8: {  	s31 =	sshll.u32 s1, $0xD;
	s1 =	sshrl.u32 s1, $0x2  }
0xb9: {  	s3 =	sand.u32 $0x4000, s31;
	s1 =	sadd.s32 s1, s30  }
0xba: {  	s0 =	sor.u32 s3, s0;
	s1 =	sshll.u32 s1, $0x11  }
0xbb: {  	s0 =	sor.u32 s1, s0  }
0xbc: {  	s0 =	sadd.s32 $0x8F2B, s0  }
0xbd: {  	[sflag:s0] =	ssyncadd.remote.s32 $0x1  }
0xbe: {  	_ =	sfence.sel $0xFFFF  }
0xbf: {  	[dreg:$0x0] =	wrdreg $0xFFFFFFFF;
	(pc) =	sbr.abs _section_cstart, $3  }
0xc0: {  	[dreg:$0x1] =	wrdreg $0xFFFFFFFF  }
0xc1: {  	_ =	task.clear_ibuf [dreg:s6], $0x2FFFF;
	_ =	strace $0x9FFFFFFF  }
0xc2: {  	(tm) =	ssettm $0x7FFFFFFF  }
0xc3: {  	_ =	shalt  }
tec
execute0_lowered:
.L_overlay_start_1:
0x0: {  	(tag) =	ssettag $0x1  }
0x1: {  	s6 =	rddreg [dreg:$0x0]  }
0x2: {  	s0 =	srdreg.scid;
	s2 =	rddreg [dreg:$0x1]  }
0x3: {  	s3 =	simm.s32 $0x0;
	s14 =	simm.s32 $0x80;
	s15 =	simm.s32 $0x5000  }
0x4: {  	s16 =	simm.s32 $0x1;
	s5 =	sand.u32 $0x1, s0;
	s0 =	stileid.u32  }
0x5: {  	s17 =	simm.s32 $0x0;
	[smem:$0x7FF] =	sst s3;
	s8 =	smul.u32 $0x13C000, s5  }
0x6: {  	s4 =	sadd.s32 $0x3C800, s6;
	s1 =	sshll.u32 s5, $0x4;
	s9 =	smul.u32 $0x13C00, s0  }
0x7: {  	s30 =	ssub.s32 $0x2, s5;
	s11 =	smul.u32 $0x4F000, s0;
	s5 =	sadd.s32 $0x12800, s6  }
0x8: {  	s12 =	sshll.u32 s0, $0x6;
	s1 =	sor.u32 s0, s1;
	s10 =	sshrl.u32 s30, $0x1  }
0x9: {  	s12 =	sor.u32 $0x1C02, s12;
	s7 =	smul.u32 $0x500, s1;
	s1 =	rddreg [dreg:$0x2]  }
0xa: {  	_ =	strace $0x8000004A;
	s8 =	sadd.s32 s9, s8;
	s9 =	ssub.s32 s30, s10  }
0xb: {  	s31 =	sshrl.u32 s11, $0x2;
	s10 =	simm.s32 $0x2;
	s11 =	simm.s32 $0x2800  }
0xc: {  	s8 =	sshrl.u32 s8, $0x3;
	s13 =	sadd.s32 s31, s2;
	s9 =	smax.u32 s9, $0x1  }
0xd: {  	s7 =	sadd.s32 s7, s6;
	s8 =	sadd.s32 s8, s6;
	s13 =	sshrl.u32 s13, $0x3  }
0xe: {  	s6 =	sadd.s32 $0x8800, s7;
	s7 =	sadd.s32 $0x64800, s7;
	s8 =	sadd.s32 $0x6E800, s8  }
.LBB2_1:
0xf: {  	[tilespmem:s3], [sflag:$0x2] =	stream.linear.gather [hbm4b:s6+s3], $0x2780, $0x38;
	[tilespmem:$0x1CC00] =	vst v63  }
0x10: {  	_ =	swait.ge [sflag:s10], $0x2780  }
0x11: {  	[sflag:s10] =	ssyncset.done $0x0  }
0x12: {  	[sflag:s10] =	ssyncadd.s32 $0xFFFFD880  }
0x13: {  	[tilespmem:s11], [sflag:$0x2] =	stream.linear.gather [hbm4b:s7+s3], $0x2780, $0x38;
	[tilespmem:$0x1CC00] =	vst v63  }
0x14: {  	_ =	swait.ge [sflag:s10], $0x2780  }
0x15: {  	[sflag:s10] =	ssyncset.done $0x0  }
0x16: {  	[sflag:s10] =	ssyncadd.s32 $0xFFFFD880  }
0x17: {  	[spmem:s13], [sflag:s12] =	dma.local [hbm:s5], $0x2780  }
0x18: {  	_ =	swait.ge [sflag:s10], $0x2780  }
0x19: {  	[sflag:s10] =	ssyncset.done $0x0  }
0x1a: {  	[sflag:s10] =	ssyncadd.s32 $0xFFFFD880  }
0x1b: {  	s18 =	simm.s32 $0x0;
	[bflag:$0x0] =	sbarrier.arrive $0xFFFF  }
0x1c: {  	[tilespmem:s15], [sflag:$0x1] =	stream.indirect.gather [hbm4b:s4+s14], $0x80, s18, s14, $0xb8;
	[tilespmem:$0x1CC00] =	vst v63  }
0x1d: {  	_ =	swait.ge [sflag:s16], $0x4000  }
0x1e: {  	[sflag:s16] =	ssyncset.done $0x0  }
0x1f: {  	s31 =	simm.s32 $0x2800;
	[sflag:s16] =	ssyncadd.s32 $0xFFFFC000  }
0x20: {  	[spmem:s2] =	stream.indirect.scatter.add.f32 [tilespmem:s15], [sflag:$0x2], $0x80, s31, s14, $0xb8;
	[tilespmem:$0x1CC00] =	vst v63  }
0x21: {  	_ =	swait.ge [sflag:s10], $0x4000  }
0x22: {  	s19 =	simm.s32 $0x400;
	s18 =	simm.s32 $0x200;
	[sflag:s10] =	ssyncset.done $0x0  }
.LBB2_2:
0x23: {  	s20 =	sshra.s32 s18, $0x2  }
0x24: {  	[sflag:s10] =	ssyncadd.s32 $0xFFFFC000;
	s18 =	smov.u32 s19;
	s21 =	sadd.s32 $0x200, s19  }
0x25: {  	[tilespmem:s15], [sflag:$0x1] =	stream.indirect.gather [hbm4b:s4+s14], $0x80, s20, s14, $0xb8;
	[tilespmem:$0x1CC00] =	vst v63  }
0x26: {  	p0 =	sne.s32 s19, $0x9C00;
	_ =	swait.ge [sflag:s16], $0x4000  }
.Ltmp0:
0x27: {  	[sflag:s16] =	ssyncset.done $0x0;
	(pc) =	sbr.rel @p0 .LBB2_2-.Ltmp0, $4  }
0x28: {  	s19 =	sadd.s32 $0x2800, s20;
	[sflag:s16] =	ssyncadd.s32 $0xFFFFC000  }
0x29: {  	[spmem:s2] =	stream.indirect.scatter.add.f32 [tilespmem:s15], [sflag:$0x2], $0x80, s19, s14, $0xb8;
	[tilespmem:$0x1CC00] =	vst v63  }
0x2a: {  	_ =	swait.ge [sflag:s10], $0x4000  }
0x2b: {  	s19 =	smov.u32 s21;
	[sflag:s10] =	ssyncset.done $0x0  }
0x2c: {  	s18 =	sshra.s32 s18, $0x2;
	[sflag:s10] =	ssyncadd.s32 $0xFFFFC000  }
0x2d: {  	[tilespmem:s15], [sflag:$0x1] =	stream.indirect.gather [hbm4b:s4+s14], $0x80, s18, s14, $0xb8;
	[tilespmem:$0x1CC00] =	vst v63  }
0x2e: {  	_ =	swait.ge [sflag:s16], $0x4000  }
0x2f: {  	[sflag:s16] =	ssyncset.done $0x0  }
0x30: {  	s18 =	sadd.s32 $0x2800, s18;
	[sflag:s16] =	ssyncadd.s32 $0xFFFFC000  }
0x31: {  	[spmem:s2] =	stream.indirect.scatter.add.f32 [tilespmem:s15], [sflag:$0x2], $0x80, s18, s14, $0xb8;
	[tilespmem:$0x1CC00] =	vst v63  }
0x32: {  	_ =	swait.ge [sflag:s10], $0x4000  }
0x33: {  	s17 =	sadd.s32 $0x1, s17;
	[sflag:s10] =	ssyncset.done $0x0  }
0x34: {  	p0 =	sne.s32 s17, s9;
	[sflag:s10] =	ssyncadd.s32 $0xFFFFC000  }
.Ltmp1:
0x35: {  	[bflag:$0x0] =	sbarrier.arrive $0xFFFF;
	(pc) =	sbr.rel @p0 .LBB2_1-.Ltmp1, $4  }
0x36: {  	[hbm:s8], [sflag:s12] =	dma.local [spmem:s13], $0x2780  }
0x37: {  	_ =	swait.ge [sflag:s10], $0x2780  }
0x38: {  	[sflag:s10] =	ssyncset.done $0x0  }
0x39: {  	[sflag:s10] =	ssyncadd.s32 $0xFFFFD880  }
0x3a: {  	_ =	sfence.sel $0x180000  }
0x3b: {  	[bflag:$0x0] =	sbarrier.arrive $0xFFFF  }
0x3c: {  	p0 =	sne.s32 s0, $0x0;
	_ =	strace $0x9000004A  }
0x3d: {  	s0 =	sadd.s32 @!p0 $0x100000, s1;
	[bflag:$0x2] =	sbarrier.arrive $0xFFFF  }
0x3e: {  	[sflag:s0] =	ssyncadd.tile.s32 @!p0 $0x1;
	_ =	shalt  }
.Lfunc_end2:
_tile_overlayer_lowered:
.L_overlay_start_2:
0x3f: {  	(tag) =	ssettag $0x2  }
0x40: {  	s0 =	rddreg [dreg:$0x0];
	s2 =	stileid.u32  }
0x41: {  	s1 =	rddreg [dreg:$0x1];
	p0 =	sne.s32 s2, $0x0  }
0x42: {  	s3 =	rddreg [dreg:$0x2];
	[bflag:$0x3] =	sbarrier.arrive $0xFFFF;
	s2 =	simm.s32 @!p0 $0x1C02  }
0x43: {  	[timem:s3], [sflag:s2] =	dma.local @!p0 [hbm:s0], s1  }
0x44: {  	s0 =	simm.s32 @!p0 $0x2  }
0x45: {  	_ =	swait.ge @!p0 [sflag:s0], s1  }
0x46: {  	s1 =	ssub.s32 @!p0 $0x0, s1;
	[sflag:s0] =	ssyncset.done @!p0 $0x0  }
0x47: {  	[sflag:s0] =	ssyncadd.s32 @!p0 s1  }
0x48: {  	[bflag:$0x3] =	sbarrier.arrive $0xFFFF  }
0x49: {  	_ =	shalt  }

// kernel: kernel.33.cloned.1.call-start
scs
__scs_entry_jumppad:
0x0: {  	(pc) =	sbr.rel $0x88, $3  }
0x1: {  	(tag) =	ssettag $0x0;
	lr =	simm.s32 $0x1  }
0x2: {  	[smem:$0x3F9A] =	sst lr;
	_ =	strace $0xD0000000  }
0x3: {  	_ = 	snop  }
0x4: {  	_ = 	snop  }
0x5: {  	_ = 	snop  }
0x6: {  	_ = 	snop  }
0x7: {  	_ = 	snop  }
__scs_overlays_trampoline_lowered:
0x8: {  	[smem:$0x3FA9] =	sst s0  }
0x9: {  	[smem:$0x3FAA] =	sst s1  }
0xa: {  	[smem:$0x3FAB] =	sst s2  }
0xb: {  	[smem:$0x3FAC] =	sst s3  }
0xc: {  	[smem:$0x3FAD] =	sst s4  }
0xd: {  	[smem:$0x3FAE] =	sst s5  }
0xe: {  	[smem:$0x3FAF] =	sst s6  }
0xf: {  	[smem:$0x3FB0] =	sst s7  }
0x10: {  	[smem:$0x3FB1] =	sst s8  }
0x11: {  	[smem:$0x3FB2] =	sst s9;
	s0 =	simm.s32 @!p0 $0x0  }
0x12: {  	s1 =	sld [smem:$0x3F98];
	s0 =	simm.s32 @p0 $0x1  }
0x13: {  	[smem:$0x3FB3] =	sst s0;
	s0 =	simm.s32 @!p1 $0x0  }
0x14: {  	s2 =	sld [smem:$0x3F97];
	s0 =	simm.s32 @p1 $0x1  }
0x15: {  	[smem:$0x3FB4] =	sst s0;
	s0 =	simm.s32 @!p2 $0x0  }
0x16: {  	s3 =	sld [smem:$0x3FDB];
	s0 =	simm.s32 @p2 $0x1  }
0x17: {  	s4 =	simm.s32 $0x1BF5;
	[smem:$0x3FB6] =	sst s0  }
0x18: {  	s0 =	sld [smem:$0x3F99];
	_ =	swait.ge [sflag:s4], $0x0  }
0x19: {  	s7 =	sld [smem:$0x3F9A]  }
0x1a: {  	s8 =	sadd.s32 $0xFFFFE003, lr  }
0x1b: {  	s9 =	sadd.s32 $0xFFFFFEF7, lr;
	s5 =	simm.s32 $0xFFFFFFFF;
	p2 =	slt.u32 s8, $0xFFFFF086  }
0x1c: {  	p1 =	slt.u32 s9, $0xF7A;
	s5 =	simm.s32 @!p2 $0x0  }
0x1d: {  	s5 =	simm.s32 @p1 $0x1;
	p0 =	seq.s32 s7, s2  }
0x1e: {  	s7 =	smul.u32 @!p0 $0xF7A, s2;
	p2 =	seq.s32 @!p0 s5, $0x0  }
0x1f: {  	s9 =	smul.u32 $0xF7A, s1;
	s8 =	simm.s32 @!p0 $0x1BF5;
	p2 =	por !p2, p0  }
0x20: {  	[sflag:s8] =	ssyncset.s32 @!p0 $0xFFFFF086;
	s6 =	sadd.s32 @!p0 s3, s7;
	s7 =	simm.s32 @!p0 $0x108  }
0x21: {  	s3 =	sadd.s32 s3, s9;
	s6 =	sadd.s32 @!p0 $0x88, s6;
	s7 =	simm.s32 @p2 $0x1082  }
0x22: {  	[simem:s7], [sflag:s8] =	dma.local @!p0 [hbm:s6], $0xF7A  }
0x23: {  	s9 =	sor.u32 $0xD0000000, s2;
	s6 =	simm.s32 $0x108;
	_ =	swait.ge @!p0 [sflag:s8], $0x0  }
0x24: {  	s3 =	sadd.s32 $0x88, s3;
	s6 =	simm.s32 @!p1 $0x1082;
	[sflag:s4] =	ssyncset.s32 $0xFFFFF086  }
0x25: {  	[simem:s6], [sflag:s4] =	dma.local [hbm:s3], $0xF7A  }
0x26: {  	[smem:$0x3F9A] =	sst s1;
	(tag) =	ssettag s2;
	_ =	strace s9  }
0x27: {  	s1 =	sld [smem:$0x3FAA]  }
0x28: {  	s2 =	sld [smem:$0x3FAB]  }
0x29: {  	s4 =	sld [smem:$0x3FAD]  }
0x2a: {  	p0 =	seq.s32 s5, $0x0;
	s5 =	sld [smem:$0x3FAE]  }
0x2b: {  	s6 =	sld [smem:$0x3FAF]  }
0x2c: {  	s7 =	sld [smem:$0x3FB0]  }
0x2d: {  	s3 =	simm.s32 $0x108;
	s8 =	sld [smem:$0x3FB1]  }
0x2e: {  	s3 =	simm.s32 @!p0 $0x1082;
	s9 =	sld [smem:$0x3FB2]  }
0x2f: {  	lr =	sadd.s32 s0, s3;
	s0 =	sld [smem:$0x3FA9]  }
0x30: {  	s3 =	sld [smem:$0x3FAC]  }
0x31: {  	[smem:$0x3FB5] =	sst s10  }
0x32: {  	s10 =	sld [smem:$0x3FB3];
	_ =	sdelay $0x3  }
0x33: {  	p0 =	seq.s32 s10, $0x1;
	s10 =	sld [smem:$0x3FB5];
	_ =	sdelay $0x3  }
0x34: {  	[smem:$0x3FB5] =	sst s10  }
0x35: {  	s10 =	sld [smem:$0x3FB4];
	_ =	sdelay $0x3  }
0x36: {  	p1 =	seq.s32 s10, $0x1;
	s10 =	sld [smem:$0x3FB5];
	_ =	sdelay $0x3  }
0x37: {  	[smem:$0x3FB5] =	sst s10  }
0x38: {  	s10 =	sld [smem:$0x3FB6]  }
0x39: {  	_ = 	snop;
	(pc) =	sbr.ind lr, $3  }
0x3a: {  	_ = 	snop  }
0x3b: {  	_ = 	snop  }
0x3c: {  	p2 =	seq.s32 s10, $0x1;
	s10 =	sld [smem:$0x3FB5]  }
0x3d: {  	_ =	shalt  }
0x3e: {  	_ =	shalt  }
0x3f: {  	_ =	shalt  }
0x40: {  	_ =	shalt  }
0x41: {  	_ =	shalt  }
0x42: {  	_ =	shalt  }
0x43: {  	_ =	shalt  }
0x44: {  	_ =	shalt  }
0x45: {  	_ =	shalt  }
0x46: {  	_ =	shalt  }
0x47: {  	_ =	shalt  }
0x48: {  	_ =	shalt  }
0x49: {  	_ =	shalt  }
0x4a: {  	_ =	shalt  }
0x4b: {  	_ =	shalt  }
0x4c: {  	_ =	shalt  }
0x4d: {  	_ =	shalt  }
0x4e: {  	_ =	shalt  }
0x4f: {  	_ =	shalt  }
0x50: {  	_ =	shalt  }
0x51: {  	_ =	shalt  }
0x52: {  	_ =	shalt  }
0x53: {  	_ =	shalt  }
0x54: {  	_ =	shalt  }
0x55: {  	_ =	shalt  }
0x56: {  	_ =	shalt  }
0x57: {  	_ =	shalt  }
0x58: {  	_ =	shalt  }
0x59: {  	_ =	shalt  }
0x5a: {  	_ =	shalt  }
0x5b: {  	_ =	shalt  }
0x5c: {  	_ =	shalt  }
0x5d: {  	_ =	shalt  }
0x5e: {  	_ =	shalt  }
0x5f: {  	_ =	shalt  }
0x60: {  	_ =	shalt  }
0x61: {  	_ =	shalt  }
0x62: {  	_ =	shalt  }
0x63: {  	_ =	shalt  }
0x64: {  	_ =	shalt  }
0x65: {  	_ =	shalt  }
0x66: {  	_ =	shalt  }
0x67: {  	_ =	shalt  }
0x68: {  	_ =	shalt  }
0x69: {  	_ =	shalt  }
0x6a: {  	_ =	shalt  }
0x6b: {  	_ =	shalt  }
0x6c: {  	_ =	shalt  }
0x6d: {  	_ =	shalt  }
0x6e: {  	_ =	shalt  }
0x6f: {  	_ =	shalt  }
0x70: {  	_ =	shalt  }
0x71: {  	_ =	shalt  }
0x72: {  	_ =	shalt  }
0x73: {  	_ =	shalt  }
0x74: {  	_ =	shalt  }
0x75: {  	_ =	shalt  }
0x76: {  	_ =	shalt  }
0x77: {  	_ =	shalt  }
0x78: {  	_ =	shalt  }
0x79: {  	_ =	shalt  }
0x7a: {  	_ =	shalt  }
0x7b: {  	_ =	shalt  }
0x7c: {  	_ =	shalt  }
0x7d: {  	_ =	shalt  }
0x7e: {  	_ =	shalt  }
0x7f: {  	_ =	shalt  }
0x80: {  	_ =	shalt  }
0x81: {  	_ =	shalt  }
0x82: {  	_ =	shalt  }
0x83: {  	_ =	shalt  }
0x84: {  	_ =	shalt  }
0x85: {  	_ =	shalt  }
0x86: {  	_ =	shalt  }
0x87: {  	_ =	shalt  }
.Lfunc_end0:
.L_simem_size_0:
called_computation.2_lowered:
.L_overlay_start_0:
0x88: {  	s2 =	sld [smem:$0x3FD9]  }
0x89: {  	s3 =	sld [smem:$0x3FFE];
	_ =	sdelay $0x1  }
0x8a: {  	s1 =	srdreg.scid  }
0x8b: {  	s0 =	sand.u32 $0x1, s1  }
0x8c: {  	s16 =	sshll.u32 s0, $0xA;
	s2 =	sadd.s32 s3, s2  }
0x8d: {  	s2 =	sadd.s32 s2, s16  }
0x8e: {  	[smem:$0x3FC1] =	sst s2  }
0x8f: {  	_ = 	snop  }
0x90: {  	(tm) =	ssettm $0x1  }
0x91: {  	s17 =	sld [smem:$0x3FFB];
	_ =	sdelay $0x3  }
0x92: {  	_ =	strace s17  }
0x93: {  	s2 =	sld [smem:$0x3FFC];
	_ =	sdelay $0x3  }
0x94: {  	_ =	strace s2  }
0x95: {  	s2 =	sld [smem:$0x3FFD];
	_ =	sdelay $0x3  }
0x96: {  	_ =	strace s2  }
0x97: {  	_ =	strace $0x8FFFFFFF  }
0x98: {  	s18 =	sld [smem:$0x3FDB];
	_ =	sdelay $0x1  }
0x99: {  	s19 =	simm.s32 $_scs_section_size  }
0x9a: {  	s4 =	simm.s32 $_size__tile_overlayer_lowered;
	s5 =	simm.s32 $_tile_overlayer_lowered  }
0x9b: {  	s22 =	simm.s32 $0x1BFF;
	s21 =	sshll.u32 s5, $0x1;
	s2 =	sadd.s32 s19, s18  }
0x9c: {  	s6 =	simm.s32 $0x0;
	s20 =	sshll.u32 s4, $0x1;
	s4 =	sadd.s32 s21, s2  }
0x9d: {  	[timem:s6], [sflag:s22] =	dma.local [hbm:s4], s20  }
0x9e: {  	_ =	swait.ge [sflag:s22], s20  }
0x9f: {  	s3 =	ssub.s32 $0x0, s20;
	[sflag:s22] =	ssyncset.done $0x0  }
0xa0: {  	[sflag:s22] =	ssyncadd.s32 s3;
	_ =	sdelay $0x1  }
0xa1: {  	s23 =	simm.s32 $0x1B8B  }
0xa2: {  	_ =	swait.ge [sflag:s23], $0x1  }
0xa3: {  	[sflag:s23] =	ssyncset.done $0x0  }
0xa4: {  	s25 =	simm.s32 $0x1B8E;
	s24 =	sld [smem:$0x3FFE];
	[sflag:s23] =	ssyncadd.s32 $0xFFFFFFFF  }
0xa5: {  	s26 =	simm.s32 $execute0_lowered;
	[smem:$0x3FD2] =	sst s25  }
0xa6: {  	s4 =	sshll.u32 s26, $0x1;
	_ =	strace $0x8000004C;
	[dreg:$0x1] =	wrdreg $0xFFFFFFFF  }
0xa7: {  	s28 =	simm.s32 $_size_execute0_lowered;
	s2 =	sadd.s32 s2, s4;
	[dreg:$0x0] =	wrdreg $0x0  }
0xa8: {  	s4 =	sshll.u32 s28, $0x1;
	[dreg:$0x2] =	wrdreg s2  }
0xa9: {  	[dreg:$0x3] =	wrdreg s4  }
0xaa: {  	[dreg:$0x4] =	wrdreg $0xC0  }
0xab: {  	_ =	task [dreg:s6], $0x5FFFF  }
0xac: {  	[dreg:$0x1] =	wrdreg $0xFFFFFFFF  }
0xad: {  	[dreg:$0x0] =	wrdreg $0x60  }
0xae: {  	[dreg:$0x2] =	wrdreg s24  }
0xaf: {  	[dreg:$0x3] =	wrdreg $0x90000  }
0xb0: {  	[dreg:$0x4] =	wrdreg $0x9  }
0xb1: {  	_ =	task.clear_ibuf [dreg:s6], $0x5FFFF;
	_ =	strace $0x9000004C  }
0xb2: {  	s29 =	simm.s32 $0x9;
	_ =	strace $0x8000004E  }
0xb3: {  	_ =	swait.ge [sflag:s29], $0x1  }
0xb4: {  	[sflag:s29] =	ssyncadd.s32 $0xFFFFFFFF  }
0xb5: {  	_ =	strace $0x9000004E  }
0xb6: {  	_ =	sfence  }
0xb7: {  	s30 =	sld [smem:$0x0];
	_ =	sdelay $0x2  }
0xb8: {  	s31 =	sshll.u32 s1, $0xD;
	s1 =	sshrl.u32 s1, $0x2  }
0xb9: {  	s3 =	sand.u32 $0x4000, s31;
	s1 =	sadd.s32 s1, s30  }
0xba: {  	s0 =	sor.u32 s3, s0;
	s1 =	sshll.u32 s1, $0x11  }
0xbb: {  	s0 =	sor.u32 s1, s0  }
0xbc: {  	s0 =	sadd.s32 $0x8F2B, s0  }
0xbd: {  	[sflag:s0] =	ssyncadd.remote.s32 $0x1  }
0xbe: {  	_ =	sfence.sel $0xFFFF  }
0xbf: {  	[dreg:$0x0] =	wrdreg $0xFFFFFFFF;
	(pc) =	sbr.abs _section_cstart, $3  }
0xc0: {  	[dreg:$0x1] =	wrdreg $0xFFFFFFFF  }
0xc1: {  	_ =	task.clear_ibuf [dreg:s6], $0x2FFFF;
	_ =	strace $0x9FFFFFFF  }
0xc2: {  	(tm) =	ssettm $0x7FFFFFFF  }
0xc3: {  	_ =	shalt  }
tec
execute0_lowered:
.L_overlay_start_1:
0x0: {  	(tag) =	ssettag $0x1  }
0x1: {  	s6 =	rddreg [dreg:$0x0]  }
0x2: {  	s0 =	srdreg.scid;
	s2 =	rddreg [dreg:$0x1]  }
0x3: {  	s3 =	simm.s32 $0x0;
	s14 =	simm.s32 $0x80;
	s15 =	simm.s32 $0x5000  }
0x4: {  	s16 =	simm.s32 $0x1;
	s5 =	sand.u32 $0x1, s0;
	s0 =	stileid.u32  }
0x5: {  	s17 =	simm.s32 $0x0;
	[smem:$0x7FF] =	sst s3;
	s8 =	smul.u32 $0x13C000, s5  }
0x6: {  	s4 =	sadd.s32 $0x6E800, s6;
	s1 =	sshll.u32 s5, $0x4;
	s9 =	smul.u32 $0x13C00, s0  }
0x7: {  	s30 =	ssub.s32 $0x2, s5;
	s11 =	smul.u32 $0x4F000, s0;
	s5 =	sadd.s32 $0x12800, s6  }
0x8: {  	s12 =	sshll.u32 s0, $0x6;
	s1 =	sor.u32 s0, s1;
	s10 =	sshrl.u32 s30, $0x1  }
0x9: {  	s12 =	sor.u32 $0x1C02, s12;
	s7 =	smul.u32 $0x500, s1;
	s1 =	rddreg [dreg:$0x2]  }
0xa: {  	_ =	strace $0x8000004D;
	s8 =	sadd.s32 s9, s8;
	s9 =	ssub.s32 s30, s10  }
0xb: {  	s31 =	sshrl.u32 s11, $0x2;
	s10 =	simm.s32 $0x2;
	s11 =	simm.s32 $0x2800  }
0xc: {  	s8 =	sshrl.u32 s8, $0x3;
	s13 =	sadd.s32 s31, s2;
	s9 =	smax.u32 s9, $0x1  }
0xd: {  	s7 =	sadd.s32 s7, s6;
	s8 =	sadd.s32 s8, s6;
	s13 =	sshrl.u32 s13, $0x3  }
0xe: {  	s6 =	sadd.s32 $0x8800, s7;
	s7 =	sadd.s32 $0x64800, s7;
	s8 =	sadd.s32 $0x96000, s8  }
.LBB2_1:
0xf: {  	[tilespmem:s3], [sflag:$0x2] =	stream.linear.gather [hbm4b:s6+s3], $0x2780, $0x38;
	[tilespmem:$0x1CC00] =	vst v63  }
0x10: {  	_ =	swait.ge [sflag:s10], $0x2780  }
0x11: {  	[sflag:s10] =	ssyncset.done $0x0  }
0x12: {  	[sflag:s10] =	ssyncadd.s32 $0xFFFFD880  }
0x13: {  	[tilespmem:s11], [sflag:$0x2] =	stream.linear.gather [hbm4b:s7+s3], $0x2780, $0x38;
	[tilespmem:$0x1CC00] =	vst v63  }
0x14: {  	_ =	swait.ge [sflag:s10], $0x2780  }
0x15: {  	[sflag:s10] =	ssyncset.done $0x0  }
0x16: {  	[sflag:s10] =	ssyncadd.s32 $0xFFFFD880  }
0x17: {  	[spmem:s13], [sflag:s12] =	dma.local [hbm:s5], $0x2780  }
0x18: {  	_ =	swait.ge [sflag:s10], $0x2780  }
0x19: {  	[sflag:s10] =	ssyncset.done $0x0  }
0x1a: {  	[sflag:s10] =	ssyncadd.s32 $0xFFFFD880  }
0x1b: {  	s18 =	simm.s32 $0x0;
	[bflag:$0x0] =	sbarrier.arrive $0xFFFF  }
0x1c: {  	[tilespmem:s15], [sflag:$0x1] =	stream.indirect.gather [hbm4b:s4+s14], $0x80, s18, s14, $0xb8;
	[tilespmem:$0x1CC00] =	vst v63  }
0x1d: {  	_ =	swait.ge [sflag:s16], $0x4000  }
0x1e: {  	[sflag:s16] =	ssyncset.done $0x0  }
0x1f: {  	s31 =	simm.s32 $0x2800;
	[sflag:s16] =	ssyncadd.s32 $0xFFFFC000  }
0x20: {  	[spmem:s2] =	stream.indirect.scatter.add.f32 [tilespmem:s15], [sflag:$0x2], $0x80, s31, s14, $0xb8;
	[tilespmem:$0x1CC00] =	vst v63  }
0x21: {  	_ =	swait.ge [sflag:s10], $0x4000  }
0x22: {  	s19 =	simm.s32 $0x400;
	s18 =	simm.s32 $0x200;
	[sflag:s10] =	ssyncset.done $0x0  }
.LBB2_2:
0x23: {  	s20 =	sshra.s32 s18, $0x2  }
0x24: {  	[sflag:s10] =	ssyncadd.s32 $0xFFFFC000;
	s18 =	smov.u32 s19;
	s21 =	sadd.s32 $0x200, s19  }
0x25: {  	[tilespmem:s15], [sflag:$0x1] =	stream.indirect.gather [hbm4b:s4+s14], $0x80, s20, s14, $0xb8;
	[tilespmem:$0x1CC00] =	vst v63  }
0x26: {  	p0 =	sne.s32 s19, $0x9C00;
	_ =	swait.ge [sflag:s16], $0x4000  }
.Ltmp0:
0x27: {  	[sflag:s16] =	ssyncset.done $0x0;
	(pc) =	sbr.rel @p0 .LBB2_2-.Ltmp0, $4  }
0x28: {  	s19 =	sadd.s32 $0x2800, s20;
	[sflag:s16] =	ssyncadd.s32 $0xFFFFC000  }
0x29: {  	[spmem:s2] =	stream.indirect.scatter.add.f32 [tilespmem:s15], [sflag:$0x2], $0x80, s19, s14, $0xb8;
	[tilespmem:$0x1CC00] =	vst v63  }
0x2a: {  	_ =	swait.ge [sflag:s10], $0x4000  }
0x2b: {  	s19 =	smov.u32 s21;
	[sflag:s10] =	ssyncset.done $0x0  }
0x2c: {  	s18 =	sshra.s32 s18, $0x2;
	[sflag:s10] =	ssyncadd.s32 $0xFFFFC000  }
0x2d: {  	[tilespmem:s15], [sflag:$0x1] =	stream.indirect.gather [hbm4b:s4+s14], $0x80, s18, s14, $0xb8;
	[tilespmem:$0x1CC00] =	vst v63  }
0x2e: {  	_ =	swait.ge [sflag:s16], $0x4000  }
0x2f: {  	[sflag:s16] =	ssyncset.done $0x0  }
0x30: {  	s18 =	sadd.s32 $0x2800, s18;
	[sflag:s16] =	ssyncadd.s32 $0xFFFFC000  }
0x31: {  	[spmem:s2] =	stream.indirect.scatter.add.f32 [tilespmem:s15], [sflag:$0x2], $0x80, s18, s14, $0xb8;
	[tilespmem:$0x1CC00] =	vst v63  }
0x32: {  	_ =	swait.ge [sflag:s10], $0x4000  }
0x33: {  	s17 =	sadd.s32 $0x1, s17;
	[sflag:s10] =	ssyncset.done $0x0  }
0x34: {  	p0 =	sne.s32 s17, s9;
	[sflag:s10] =	ssyncadd.s32 $0xFFFFC000  }
.Ltmp1:
0x35: {  	[bflag:$0x0] =	sbarrier.arrive $0xFFFF;
	(pc) =	sbr.rel @p0 .LBB2_1-.Ltmp1, $4  }
0x36: {  	[hbm:s8], [sflag:s12] =	dma.local [spmem:s13], $0x2780  }
0x37: {  	_ =	swait.ge [sflag:s10], $0x2780  }
0x38: {  	[sflag:s10] =	ssyncset.done $0x0  }
0x39: {  	[sflag:s10] =	ssyncadd.s32 $0xFFFFD880  }
0x3a: {  	_ =	sfence.sel $0x180000  }
0x3b: {  	[bflag:$0x0] =	sbarrier.arrive $0xFFFF  }
0x3c: {  	p0 =	sne.s32 s0, $0x0;
	_ =	strace $0x9000004D  }
0x3d: {  	s0 =	sadd.s32 @!p0 $0x100000, s1;
	[bflag:$0x2] =	sbarrier.arrive $0xFFFF  }
0x3e: {  	[sflag:s0] =	ssyncadd.tile.s32 @!p0 $0x1;
	_ =	shalt  }
.Lfunc_end2:
_tile_overlayer_lowered:
.L_overlay_start_2:
0x3f: {  	(tag) =	ssettag $0x2  }
0x40: {  	s0 =	rddreg [dreg:$0x0];
	s2 =	stileid.u32  }
0x41: {  	s1 =	rddreg [dreg:$0x1];
	p0 =	sne.s32 s2, $0x0  }
0x42: {  	s3 =	rddreg [dreg:$0x2];
	[bflag:$0x3] =	sbarrier.arrive $0xFFFF;
	s2 =	simm.s32 @!p0 $0x1C02  }
0x43: {  	[timem:s3], [sflag:s2] =	dma.local @!p0 [hbm:s0], s1  }
0x44: {  	s0 =	simm.s32 @!p0 $0x2  }
0x45: {  	_ =	swait.ge @!p0 [sflag:s0], s1  }
0x46: {  	s1 =	ssub.s32 @!p0 $0x0, s1;
	[sflag:s0] =	ssyncset.done @!p0 $0x0  }
0x47: {  	[sflag:s0] =	ssyncadd.s32 @!p0 s1  }
0x48: {  	[bflag:$0x3] =	sbarrier.arrive $0xFFFF  }
0x49: {  	_ =	shalt  }

// kernel: kernel.36.cloned.1.call-start
scs
__scs_entry_jumppad:
0x0: {  	(pc) =	sbr.rel $0x88, $3  }
0x1: {  	(tag) =	ssettag $0x0;
	lr =	simm.s32 $0x1  }
0x2: {  	[smem:$0x3F9A] =	sst lr;
	_ =	strace $0xD0000000  }
0x3: {  	_ = 	snop  }
0x4: {  	_ = 	snop  }
0x5: {  	_ = 	snop  }
0x6: {  	_ = 	snop  }
0x7: {  	_ = 	snop  }
__scs_overlays_trampoline_lowered:
0x8: {  	[smem:$0x3FA9] =	sst s0  }
0x9: {  	[smem:$0x3FAA] =	sst s1  }
0xa: {  	[smem:$0x3FAB] =	sst s2  }
0xb: {  	[smem:$0x3FAC] =	sst s3  }
0xc: {  	[smem:$0x3FAD] =	sst s4  }
0xd: {  	[smem:$0x3FAE] =	sst s5  }
0xe: {  	[smem:$0x3FAF] =	sst s6  }
0xf: {  	[smem:$0x3FB0] =	sst s7  }
0x10: {  	[smem:$0x3FB1] =	sst s8  }
0x11: {  	[smem:$0x3FB2] =	sst s9;
	s0 =	simm.s32 @!p0 $0x0  }
0x12: {  	s1 =	sld [smem:$0x3F98];
	s0 =	simm.s32 @p0 $0x1  }
0x13: {  	[smem:$0x3FB3] =	sst s0;
	s0 =	simm.s32 @!p1 $0x0  }
0x14: {  	s2 =	sld [smem:$0x3F97];
	s0 =	simm.s32 @p1 $0x1  }
0x15: {  	[smem:$0x3FB4] =	sst s0;
	s0 =	simm.s32 @!p2 $0x0  }
0x16: {  	s3 =	sld [smem:$0x3FDB];
	s0 =	simm.s32 @p2 $0x1  }
0x17: {  	s4 =	simm.s32 $0x1BF5;
	[smem:$0x3FB6] =	sst s0  }
0x18: {  	s0 =	sld [smem:$0x3F99];
	_ =	swait.ge [sflag:s4], $0x0  }
0x19: {  	s7 =	sld [smem:$0x3F9A]  }
0x1a: {  	s8 =	sadd.s32 $0xFFFFE003, lr  }
0x1b: {  	s9 =	sadd.s32 $0xFFFFFEF7, lr;
	s5 =	simm.s32 $0xFFFFFFFF;
	p2 =	slt.u32 s8, $0xFFFFF086  }
0x1c: {  	p1 =	slt.u32 s9, $0xF7A;
	s5 =	simm.s32 @!p2 $0x0  }
0x1d: {  	s5 =	simm.s32 @p1 $0x1;
	p0 =	seq.s32 s7, s2  }
0x1e: {  	s7 =	smul.u32 @!p0 $0xF7A, s2;
	p2 =	seq.s32 @!p0 s5, $0x0  }
0x1f: {  	s9 =	smul.u32 $0xF7A, s1;
	s8 =	simm.s32 @!p0 $0x1BF5;
	p2 =	por !p2, p0  }
0x20: {  	[sflag:s8] =	ssyncset.s32 @!p0 $0xFFFFF086;
	s6 =	sadd.s32 @!p0 s3, s7;
	s7 =	simm.s32 @!p0 $0x108  }
0x21: {  	s3 =	sadd.s32 s3, s9;
	s6 =	sadd.s32 @!p0 $0x88, s6;
	s7 =	simm.s32 @p2 $0x1082  }
0x22: {  	[simem:s7], [sflag:s8] =	dma.local @!p0 [hbm:s6], $0xF7A  }
0x23: {  	s9 =	sor.u32 $0xD0000000, s2;
	s6 =	simm.s32 $0x108;
	_ =	swait.ge @!p0 [sflag:s8], $0x0  }
0x24: {  	s3 =	sadd.s32 $0x88, s3;
	s6 =	simm.s32 @!p1 $0x1082;
	[sflag:s4] =	ssyncset.s32 $0xFFFFF086  }
0x25: {  	[simem:s6], [sflag:s4] =	dma.local [hbm:s3], $0xF7A  }
0x26: {  	[smem:$0x3F9A] =	sst s1;
	(tag) =	ssettag s2;
	_ =	strace s9  }
0x27: {  	s1 =	sld [smem:$0x3FAA]  }
0x28: {  	s2 =	sld [smem:$0x3FAB]  }
0x29: {  	s4 =	sld [smem:$0x3FAD]  }
0x2a: {  	p0 =	seq.s32 s5, $0x0;
	s5 =	sld [smem:$0x3FAE]  }
0x2b: {  	s6 =	sld [smem:$0x3FAF]  }
0x2c: {  	s7 =	sld [smem:$0x3FB0]  }
0x2d: {  	s3 =	simm.s32 $0x108;
	s8 =	sld [smem:$0x3FB1]  }
0x2e: {  	s3 =	simm.s32 @!p0 $0x1082;
	s9 =	sld [smem:$0x3FB2]  }
0x2f: {  	lr =	sadd.s32 s0, s3;
	s0 =	sld [smem:$0x3FA9]  }
0x30: {  	s3 =	sld [smem:$0x3FAC]  }
0x31: {  	[smem:$0x3FB5] =	sst s10  }
0x32: {  	s10 =	sld [smem:$0x3FB3];
	_ =	sdelay $0x3  }
0x33: {  	p0 =	seq.s32 s10, $0x1;
	s10 =	sld [smem:$0x3FB5];
	_ =	sdelay $0x3  }
0x34: {  	[smem:$0x3FB5] =	sst s10  }
0x35: {  	s10 =	sld [smem:$0x3FB4];
	_ =	sdelay $0x3  }
0x36: {  	p1 =	seq.s32 s10, $0x1;
	s10 =	sld [smem:$0x3FB5];
	_ =	sdelay $0x3  }
0x37: {  	[smem:$0x3FB5] =	sst s10  }
0x38: {  	s10 =	sld [smem:$0x3FB6]  }
0x39: {  	_ = 	snop;
	(pc) =	sbr.ind lr, $3  }
0x3a: {  	_ = 	snop  }
0x3b: {  	_ = 	snop  }
0x3c: {  	p2 =	seq.s32 s10, $0x1;
	s10 =	sld [smem:$0x3FB5]  }
0x3d: {  	_ =	shalt  }
0x3e: {  	_ =	shalt  }
0x3f: {  	_ =	shalt  }
0x40: {  	_ =	shalt  }
0x41: {  	_ =	shalt  }
0x42: {  	_ =	shalt  }
0x43: {  	_ =	shalt  }
0x44: {  	_ =	shalt  }
0x45: {  	_ =	shalt  }
0x46: {  	_ =	shalt  }
0x47: {  	_ =	shalt  }
0x48: {  	_ =	shalt  }
0x49: {  	_ =	shalt  }
0x4a: {  	_ =	shalt  }
0x4b: {  	_ =	shalt  }
0x4c: {  	_ =	shalt  }
0x4d: {  	_ =	shalt  }
0x4e: {  	_ =	shalt  }
0x4f: {  	_ =	shalt  }
0x50: {  	_ =	shalt  }
0x51: {  	_ =	shalt  }
0x52: {  	_ =	shalt  }
0x53: {  	_ =	shalt  }
0x54: {  	_ =	shalt  }
0x55: {  	_ =	shalt  }
0x56: {  	_ =	shalt  }
0x57: {  	_ =	shalt  }
0x58: {  	_ =	shalt  }
0x59: {  	_ =	shalt  }
0x5a: {  	_ =	shalt  }
0x5b: {  	_ =	shalt  }
0x5c: {  	_ =	shalt  }
0x5d: {  	_ =	shalt  }
0x5e: {  	_ =	shalt  }
0x5f: {  	_ =	shalt  }
0x60: {  	_ =	shalt  }
0x61: {  	_ =	shalt  }
0x62: {  	_ =	shalt  }
0x63: {  	_ =	shalt  }
0x64: {  	_ =	shalt  }
0x65: {  	_ =	shalt  }
0x66: {  	_ =	shalt  }
0x67: {  	_ =	shalt  }
0x68: {  	_ =	shalt  }
0x69: {  	_ =	shalt  }
0x6a: {  	_ =	shalt  }
0x6b: {  	_ =	shalt  }
0x6c: {  	_ =	shalt  }
0x6d: {  	_ =	shalt  }
0x6e: {  	_ =	shalt  }
0x6f: {  	_ =	shalt  }
0x70: {  	_ =	shalt  }
0x71: {  	_ =	shalt  }
0x72: {  	_ =	shalt  }
0x73: {  	_ =	shalt  }
0x74: {  	_ =	shalt  }
0x75: {  	_ =	shalt  }
0x76: {  	_ =	shalt  }
0x77: {  	_ =	shalt  }
0x78: {  	_ =	shalt  }
0x79: {  	_ =	shalt  }
0x7a: {  	_ =	shalt  }
0x7b: {  	_ =	shalt  }
0x7c: {  	_ =	shalt  }
0x7d: {  	_ =	shalt  }
0x7e: {  	_ =	shalt  }
0x7f: {  	_ =	shalt  }
0x80: {  	_ =	shalt  }
0x81: {  	_ =	shalt  }
0x82: {  	_ =	shalt  }
0x83: {  	_ =	shalt  }
0x84: {  	_ =	shalt  }
0x85: {  	_ =	shalt  }
0x86: {  	_ =	shalt  }
0x87: {  	_ =	shalt  }
.Lfunc_end0:
.L_simem_size_0:
called_computation.3_lowered:
.L_overlay_start_0:
0x88: {  	s2 =	sld [smem:$0x3FD9]  }
0x89: {  	s3 =	sld [smem:$0x3FFE];
	_ =	sdelay $0x1  }
0x8a: {  	s1 =	srdreg.scid  }
0x8b: {  	s0 =	sand.u32 $0x1, s1  }
0x8c: {  	s16 =	sshll.u32 s0, $0xA;
	s2 =	sadd.s32 s3, s2  }
0x8d: {  	s2 =	sadd.s32 s2, s16  }
0x8e: {  	[smem:$0x3FC1] =	sst s2  }
0x8f: {  	_ = 	snop  }
0x90: {  	(tm) =	ssettm $0x1  }
0x91: {  	s17 =	sld [smem:$0x3FFB];
	_ =	sdelay $0x3  }
0x92: {  	_ =	strace s17  }
0x93: {  	s2 =	sld [smem:$0x3FFC];
	_ =	sdelay $0x3  }
0x94: {  	_ =	strace s2  }
0x95: {  	s2 =	sld [smem:$0x3FFD];
	_ =	sdelay $0x3  }
0x96: {  	_ =	strace s2  }
0x97: {  	_ =	strace $0x8FFFFFFF  }
0x98: {  	s18 =	sld [smem:$0x3FDB];
	_ =	sdelay $0x1  }
0x99: {  	s19 =	simm.s32 $_scs_section_size  }
0x9a: {  	s4 =	simm.s32 $_size__tile_overlayer_lowered;
	s5 =	simm.s32 $_tile_overlayer_lowered  }
0x9b: {  	s22 =	simm.s32 $0x1BFF;
	s21 =	sshll.u32 s5, $0x1;
	s2 =	sadd.s32 s19, s18  }
0x9c: {  	s6 =	simm.s32 $0x0;
	s20 =	sshll.u32 s4, $0x1;
	s4 =	sadd.s32 s21, s2  }
0x9d: {  	[timem:s6], [sflag:s22] =	dma.local [hbm:s4], s20  }
0x9e: {  	_ =	swait.ge [sflag:s22], s20  }
0x9f: {  	s3 =	ssub.s32 $0x0, s20;
	[sflag:s22] =	ssyncset.done $0x0  }
0xa0: {  	[sflag:s22] =	ssyncadd.s32 s3;
	_ =	sdelay $0x1  }
0xa1: {  	s23 =	simm.s32 $0x1B8B  }
0xa2: {  	_ =	swait.ge [sflag:s23], $0x1  }
0xa3: {  	[sflag:s23] =	ssyncset.done $0x0  }
0xa4: {  	s25 =	simm.s32 $0x1B8E;
	s24 =	sld [smem:$0x3FFE];
	[sflag:s23] =	ssyncadd.s32 $0xFFFFFFFF  }
0xa5: {  	s26 =	simm.s32 $execute0_lowered;
	[smem:$0x3FD2] =	sst s25  }
0xa6: {  	s4 =	sshll.u32 s26, $0x1;
	_ =	strace $0x8000004F;
	[dreg:$0x1] =	wrdreg $0xFFFFFFFF  }
0xa7: {  	s28 =	simm.s32 $_size_execute0_lowered;
	s2 =	sadd.s32 s2, s4;
	[dreg:$0x0] =	wrdreg $0x0  }
0xa8: {  	s4 =	sshll.u32 s28, $0x1;
	[dreg:$0x2] =	wrdreg s2  }
0xa9: {  	[dreg:$0x3] =	wrdreg s4  }
0xaa: {  	[dreg:$0x4] =	wrdreg $0xC0  }
0xab: {  	_ =	task [dreg:s6], $0x5FFFF  }
0xac: {  	[dreg:$0x1] =	wrdreg $0xFFFFFFFF  }
0xad: {  	[dreg:$0x0] =	wrdreg $0x60  }
0xae: {  	[dreg:$0x2] =	wrdreg s24  }
0xaf: {  	[dreg:$0x3] =	wrdreg $0x90000  }
0xb0: {  	[dreg:$0x4] =	wrdreg $0x9  }
0xb1: {  	_ =	task.clear_ibuf [dreg:s6], $0x5FFFF;
	_ =	strace $0x9000004F  }
0xb2: {  	s29 =	simm.s32 $0x9;
	_ =	strace $0x80000051  }
0xb3: {  	_ =	swait.ge [sflag:s29], $0x1  }
0xb4: {  	[sflag:s29] =	ssyncadd.s32 $0xFFFFFFFF  }
0xb5: {  	_ =	strace $0x90000051  }
0xb6: {  	_ =	sfence  }
0xb7: {  	s30 =	sld [smem:$0x0];
	_ =	sdelay $0x2  }
0xb8: {  	s31 =	sshll.u32 s1, $0xD;
	s1 =	sshrl.u32 s1, $0x2  }
0xb9: {  	s3 =	sand.u32 $0x4000, s31;
	s1 =	sadd.s32 s1, s30  }
0xba: {  	s0 =	sor.u32 s3, s0;
	s1 =	sshll.u32 s1, $0x11  }
0xbb: {  	s0 =	sor.u32 s1, s0  }
0xbc: {  	s0 =	sadd.s32 $0x8F2B, s0  }
0xbd: {  	[sflag:s0] =	ssyncadd.remote.s32 $0x1  }
0xbe: {  	_ =	sfence.sel $0xFFFF  }
0xbf: {  	[dreg:$0x0] =	wrdreg $0xFFFFFFFF;
	(pc) =	sbr.abs _section_cstart, $3  }
0xc0: {  	[dreg:$0x1] =	wrdreg $0xFFFFFFFF  }
0xc1: {  	_ =	task.clear_ibuf [dreg:s6], $0x2FFFF;
	_ =	strace $0x9FFFFFFF  }
0xc2: {  	(tm) =	ssettm $0x7FFFFFFF  }
0xc3: {  	_ =	shalt  }
tec
execute0_lowered:
.L_overlay_start_1:
0x0: {  	(tag) =	ssettag $0x1  }
0x1: {  	s6 =	rddreg [dreg:$0x0]  }
0x2: {  	s0 =	srdreg.scid;
	s2 =	rddreg [dreg:$0x1]  }
0x3: {  	s3 =	simm.s32 $0x0;
	s14 =	simm.s32 $0x80;
	s15 =	simm.s32 $0x5000  }
0x4: {  	s16 =	simm.s32 $0x1;
	s5 =	sand.u32 $0x1, s0;
	s0 =	stileid.u32  }
0x5: {  	s17 =	simm.s32 $0x0;
	[smem:$0x7FF] =	sst s3;
	s8 =	smul.u32 $0x13C000, s5  }
0x6: {  	s4 =	sadd.s32 $0x6E800, s6;
	s1 =	sshll.u32 s5, $0x4;
	s9 =	smul.u32 $0x13C00, s0  }
0x7: {  	s30 =	ssub.s32 $0x2, s5;
	s11 =	smul.u32 $0x4F000, s0;
	s5 =	sadd.s32 $0x12800, s6  }
0x8: {  	s12 =	sshll.u32 s0, $0x6;
	s1 =	sor.u32 s0, s1;
	s10 =	sshrl.u32 s30, $0x1  }
0x9: {  	s12 =	sor.u32 $0x1C02, s12;
	s7 =	smul.u32 $0x500, s1;
	s1 =	rddreg [dreg:$0x2]  }
0xa: {  	_ =	strace $0x80000050;
	s8 =	sadd.s32 s9, s8;
	s9 =	ssub.s32 s30, s10  }
0xb: {  	s31 =	sshrl.u32 s11, $0x2;
	s10 =	simm.s32 $0x2;
	s11 =	simm.s32 $0x2800  }
0xc: {  	s8 =	sshrl.u32 s8, $0x3;
	s13 =	sadd.s32 s31, s2;
	s9 =	smax.u32 s9, $0x1  }
0xd: {  	s7 =	sadd.s32 s7, s6;
	s8 =	sadd.s32 s8, s6;
	s13 =	sshrl.u32 s13, $0x3  }
0xe: {  	s6 =	sadd.s32 $0x8800, s7;
	s7 =	sadd.s32 $0x64800, s7;
	s8 =	sadd.s32 $0x96000, s8  }
.LBB2_1:
0xf: {  	[tilespmem:s3], [sflag:$0x2] =	stream.linear.gather [hbm4b:s6+s3], $0x2780, $0x38;
	[tilespmem:$0x1CC00] =	vst v63  }
0x10: {  	_ =	swait.ge [sflag:s10], $0x2780  }
0x11: {  	[sflag:s10] =	ssyncset.done $0x0  }
0x12: {  	[sflag:s10] =	ssyncadd.s32 $0xFFFFD880  }
0x13: {  	[tilespmem:s11], [sflag:$0x2] =	stream.linear.gather [hbm4b:s7+s3], $0x2780, $0x38;
	[tilespmem:$0x1CC00] =	vst v63  }
0x14: {  	_ =	swait.ge [sflag:s10], $0x2780  }
0x15: {  	[sflag:s10] =	ssyncset.done $0x0  }
0x16: {  	[sflag:s10] =	ssyncadd.s32 $0xFFFFD880  }
0x17: {  	[spmem:s13], [sflag:s12] =	dma.local [hbm:s5], $0x2780  }
0x18: {  	_ =	swait.ge [sflag:s10], $0x2780  }
0x19: {  	[sflag:s10] =	ssyncset.done $0x0  }
0x1a: {  	[sflag:s10] =	ssyncadd.s32 $0xFFFFD880  }
0x1b: {  	s18 =	simm.s32 $0x0;
	[bflag:$0x0] =	sbarrier.arrive $0xFFFF  }
0x1c: {  	[tilespmem:s15], [sflag:$0x1] =	stream.indirect.gather [hbm4b:s4+s14], $0x80, s18, s14, $0xb8;
	[tilespmem:$0x1CC00] =	vst v63  }
0x1d: {  	_ =	swait.ge [sflag:s16], $0x4000  }
0x1e: {  	[sflag:s16] =	ssyncset.done $0x0  }
0x1f: {  	s31 =	simm.s32 $0x2800;
	[sflag:s16] =	ssyncadd.s32 $0xFFFFC000  }
0x20: {  	[spmem:s2] =	stream.indirect.scatter.add.f32 [tilespmem:s15], [sflag:$0x2], $0x80, s31, s14, $0xb8;
	[tilespmem:$0x1CC00] =	vst v63  }
0x21: {  	_ =	swait.ge [sflag:s10], $0x4000  }
0x22: {  	s19 =	simm.s32 $0x400;
	s18 =	simm.s32 $0x200;
	[sflag:s10] =	ssyncset.done $0x0  }
.LBB2_2:
0x23: {  	s20 =	sshra.s32 s18, $0x2  }
0x24: {  	[sflag:s10] =	ssyncadd.s32 $0xFFFFC000;
	s18 =	smov.u32 s19;
	s21 =	sadd.s32 $0x200, s19  }
0x25: {  	[tilespmem:s15], [sflag:$0x1] =	stream.indirect.gather [hbm4b:s4+s14], $0x80, s20, s14, $0xb8;
	[tilespmem:$0x1CC00] =	vst v63  }
0x26: {  	p0 =	sne.s32 s19, $0x9C00;
	_ =	swait.ge [sflag:s16], $0x4000  }
.Ltmp0:
0x27: {  	[sflag:s16] =	ssyncset.done $0x0;
	(pc) =	sbr.rel @p0 .LBB2_2-.Ltmp0, $4  }
0x28: {  	s19 =	sadd.s32 $0x2800, s20;
	[sflag:s16] =	ssyncadd.s32 $0xFFFFC000  }
0x29: {  	[spmem:s2] =	stream.indirect.scatter.add.f32 [tilespmem:s15], [sflag:$0x2], $0x80, s19, s14, $0xb8;
	[tilespmem:$0x1CC00] =	vst v63  }
0x2a: {  	_ =	swait.ge [sflag:s10], $0x4000  }
0x2b: {  	s19 =	smov.u32 s21;
	[sflag:s10] =	ssyncset.done $0x0  }
0x2c: {  	s18 =	sshra.s32 s18, $0x2;
	[sflag:s10] =	ssyncadd.s32 $0xFFFFC000  }
0x2d: {  	[tilespmem:s15], [sflag:$0x1] =	stream.indirect.gather [hbm4b:s4+s14], $0x80, s18, s14, $0xb8;
	[tilespmem:$0x1CC00] =	vst v63  }
0x2e: {  	_ =	swait.ge [sflag:s16], $0x4000  }
0x2f: {  	[sflag:s16] =	ssyncset.done $0x0  }
0x30: {  	s18 =	sadd.s32 $0x2800, s18;
	[sflag:s16] =	ssyncadd.s32 $0xFFFFC000  }
0x31: {  	[spmem:s2] =	stream.indirect.scatter.add.f32 [tilespmem:s15], [sflag:$0x2], $0x80, s18, s14, $0xb8;
	[tilespmem:$0x1CC00] =	vst v63  }
0x32: {  	_ =	swait.ge [sflag:s10], $0x4000  }
0x33: {  	s17 =	sadd.s32 $0x1, s17;
	[sflag:s10] =	ssyncset.done $0x0  }
0x34: {  	p0 =	sne.s32 s17, s9;
	[sflag:s10] =	ssyncadd.s32 $0xFFFFC000  }
.Ltmp1:
0x35: {  	[bflag:$0x0] =	sbarrier.arrive $0xFFFF;
	(pc) =	sbr.rel @p0 .LBB2_1-.Ltmp1, $4  }
0x36: {  	[hbm:s8], [sflag:s12] =	dma.local [spmem:s13], $0x2780  }
0x37: {  	_ =	swait.ge [sflag:s10], $0x2780  }
0x38: {  	[sflag:s10] =	ssyncset.done $0x0  }
0x39: {  	[sflag:s10] =	ssyncadd.s32 $0xFFFFD880  }
0x3a: {  	_ =	sfence.sel $0x180000  }
0x3b: {  	[bflag:$0x0] =	sbarrier.arrive $0xFFFF  }
0x3c: {  	p0 =	sne.s32 s0, $0x0;
	_ =	strace $0x90000050  }
0x3d: {  	s0 =	sadd.s32 @!p0 $0x100000, s1;
	[bflag:$0x2] =	sbarrier.arrive $0xFFFF  }
0x3e: {  	[sflag:s0] =	ssyncadd.tile.s32 @!p0 $0x1;
	_ =	shalt  }
.Lfunc_end2:
_tile_overlayer_lowered:
.L_overlay_start_2:
0x3f: {  	(tag) =	ssettag $0x2  }
0x40: {  	s0 =	rddreg [dreg:$0x0];
	s2 =	stileid.u32  }
0x41: {  	s1 =	rddreg [dreg:$0x1];
	p0 =	sne.s32 s2, $0x0  }
0x42: {  	s3 =	rddreg [dreg:$0x2];
	[bflag:$0x3] =	sbarrier.arrive $0xFFFF;
	s2 =	simm.s32 @!p0 $0x1C02  }
0x43: {  	[timem:s3], [sflag:s2] =	dma.local @!p0 [hbm:s0], s1  }
0x44: {  	s0 =	simm.s32 @!p0 $0x2  }
0x45: {  	_ =	swait.ge @!p0 [sflag:s0], s1  }
0x46: {  	s1 =	ssub.s32 @!p0 $0x0, s1;
	[sflag:s0] =	ssyncset.done @!p0 $0x0  }
0x47: {  	[sflag:s0] =	ssyncadd.s32 @!p0 s1  }
0x48: {  	[bflag:$0x3] =	sbarrier.arrive $0xFFFF  }
0x49: {  	_ =	shalt  }

// kernel: kernel.39.cloned.1.call-start
scs
__scs_entry_jumppad:
0x0: {  	(pc) =	sbr.rel $0x88, $3  }
0x1: {  	(tag) =	ssettag $0x0;
	lr =	simm.s32 $0x1  }
0x2: {  	[smem:$0x3F9A] =	sst lr;
	_ =	strace $0xD0000000  }
0x3: {  	_ = 	snop  }
0x4: {  	_ = 	snop  }
0x5: {  	_ = 	snop  }
0x6: {  	_ = 	snop  }
0x7: {  	_ = 	snop  }
__scs_overlays_trampoline_lowered:
0x8: {  	[smem:$0x3FA9] =	sst s0  }
0x9: {  	[smem:$0x3FAA] =	sst s1  }
0xa: {  	[smem:$0x3FAB] =	sst s2  }
0xb: {  	[smem:$0x3FAC] =	sst s3  }
0xc: {  	[smem:$0x3FAD] =	sst s4  }
0xd: {  	[smem:$0x3FAE] =	sst s5  }
0xe: {  	[smem:$0x3FAF] =	sst s6  }
0xf: {  	[smem:$0x3FB0] =	sst s7  }
0x10: {  	[smem:$0x3FB1] =	sst s8  }
0x11: {  	[smem:$0x3FB2] =	sst s9;
	s0 =	simm.s32 @!p0 $0x0  }
0x12: {  	s1 =	sld [smem:$0x3F98];
	s0 =	simm.s32 @p0 $0x1  }
0x13: {  	[smem:$0x3FB3] =	sst s0;
	s0 =	simm.s32 @!p1 $0x0  }
0x14: {  	s2 =	sld [smem:$0x3F97];
	s0 =	simm.s32 @p1 $0x1  }
0x15: {  	[smem:$0x3FB4] =	sst s0;
	s0 =	simm.s32 @!p2 $0x0  }
0x16: {  	s3 =	sld [smem:$0x3FDB];
	s0 =	simm.s32 @p2 $0x1  }
0x17: {  	s4 =	simm.s32 $0x1BF5;
	[smem:$0x3FB6] =	sst s0  }
0x18: {  	s0 =	sld [smem:$0x3F99];
	_ =	swait.ge [sflag:s4], $0x0  }
0x19: {  	s7 =	sld [smem:$0x3F9A]  }
0x1a: {  	s8 =	sadd.s32 $0xFFFFE003, lr  }
0x1b: {  	s9 =	sadd.s32 $0xFFFFFEF7, lr;
	s5 =	simm.s32 $0xFFFFFFFF;
	p2 =	slt.u32 s8, $0xFFFFF086  }
0x1c: {  	p1 =	slt.u32 s9, $0xF7A;
	s5 =	simm.s32 @!p2 $0x0  }
0x1d: {  	s5 =	simm.s32 @p1 $0x1;
	p0 =	seq.s32 s7, s2  }
0x1e: {  	s7 =	smul.u32 @!p0 $0xF7A, s2;
	p2 =	seq.s32 @!p0 s5, $0x0  }
0x1f: {  	s9 =	smul.u32 $0xF7A, s1;
	s8 =	simm.s32 @!p0 $0x1BF5;
	p2 =	por !p2, p0  }
0x20: {  	[sflag:s8] =	ssyncset.s32 @!p0 $0xFFFFF086;
	s6 =	sadd.s32 @!p0 s3, s7;
	s7 =	simm.s32 @!p0 $0x108  }
0x21: {  	s3 =	sadd.s32 s3, s9;
	s6 =	sadd.s32 @!p0 $0x88, s6;
	s7 =	simm.s32 @p2 $0x1082  }
0x22: {  	[simem:s7], [sflag:s8] =	dma.local @!p0 [hbm:s6], $0xF7A  }
0x23: {  	s9 =	sor.u32 $0xD0000000, s2;
	s6 =	simm.s32 $0x108;
	_ =	swait.ge @!p0 [sflag:s8], $0x0  }
0x24: {  	s3 =	sadd.s32 $0x88, s3;
	s6 =	simm.s32 @!p1 $0x1082;
	[sflag:s4] =	ssyncset.s32 $0xFFFFF086  }
0x25: {  	[simem:s6], [sflag:s4] =	dma.local [hbm:s3], $0xF7A  }
0x26: {  	[smem:$0x3F9A] =	sst s1;
	(tag) =	ssettag s2;
	_ =	strace s9  }
0x27: {  	s1 =	sld [smem:$0x3FAA]  }
0x28: {  	s2 =	sld [smem:$0x3FAB]  }
0x29: {  	s4 =	sld [smem:$0x3FAD]  }
0x2a: {  	p0 =	seq.s32 s5, $0x0;
	s5 =	sld [smem:$0x3FAE]  }
0x2b: {  	s6 =	sld [smem:$0x3FAF]  }
0x2c: {  	s7 =	sld [smem:$0x3FB0]  }
0x2d: {  	s3 =	simm.s32 $0x108;
	s8 =	sld [smem:$0x3FB1]  }
0x2e: {  	s3 =	simm.s32 @!p0 $0x1082;
	s9 =	sld [smem:$0x3FB2]  }
0x2f: {  	lr =	sadd.s32 s0, s3;
	s0 =	sld [smem:$0x3FA9]  }
0x30: {  	s3 =	sld [smem:$0x3FAC]  }
0x31: {  	[smem:$0x3FB5] =	sst s10  }
0x32: {  	s10 =	sld [smem:$0x3FB3];
	_ =	sdelay $0x3  }
0x33: {  	p0 =	seq.s32 s10, $0x1;
	s10 =	sld [smem:$0x3FB5];
	_ =	sdelay $0x3  }
0x34: {  	[smem:$0x3FB5] =	sst s10  }
0x35: {  	s10 =	sld [smem:$0x3FB4];
	_ =	sdelay $0x3  }
0x36: {  	p1 =	seq.s32 s10, $0x1;
	s10 =	sld [smem:$0x3FB5];
	_ =	sdelay $0x3  }
0x37: {  	[smem:$0x3FB5] =	sst s10  }
0x38: {  	s10 =	sld [smem:$0x3FB6]  }
0x39: {  	_ = 	snop;
	(pc) =	sbr.ind lr, $3  }
0x3a: {  	_ = 	snop  }
0x3b: {  	_ = 	snop  }
0x3c: {  	p2 =	seq.s32 s10, $0x1;
	s10 =	sld [smem:$0x3FB5]  }
0x3d: {  	_ =	shalt  }
0x3e: {  	_ =	shalt  }
0x3f: {  	_ =	shalt  }
0x40: {  	_ =	shalt  }
0x41: {  	_ =	shalt  }
0x42: {  	_ =	shalt  }
0x43: {  	_ =	shalt  }
0x44: {  	_ =	shalt  }
0x45: {  	_ =	shalt  }
0x46: {  	_ =	shalt  }
0x47: {  	_ =	shalt  }
0x48: {  	_ =	shalt  }
0x49: {  	_ =	shalt  }
0x4a: {  	_ =	shalt  }
0x4b: {  	_ =	shalt  }
0x4c: {  	_ =	shalt  }
0x4d: {  	_ =	shalt  }
0x4e: {  	_ =	shalt  }
0x4f: {  	_ =	shalt  }
0x50: {  	_ =	shalt  }
0x51: {  	_ =	shalt  }
0x52: {  	_ =	shalt  }
0x53: {  	_ =	shalt  }
0x54: {  	_ =	shalt  }
0x55: {  	_ =	shalt  }
0x56: {  	_ =	shalt  }
0x57: {  	_ =	shalt  }
0x58: {  	_ =	shalt  }
0x59: {  	_ =	shalt  }
0x5a: {  	_ =	shalt  }
0x5b: {  	_ =	shalt  }
0x5c: {  	_ =	shalt  }
0x5d: {  	_ =	shalt  }
0x5e: {  	_ =	shalt  }
0x5f: {  	_ =	shalt  }
0x60: {  	_ =	shalt  }
0x61: {  	_ =	shalt  }
0x62: {  	_ =	shalt  }
0x63: {  	_ =	shalt  }
0x64: {  	_ =	shalt  }
0x65: {  	_ =	shalt  }
0x66: {  	_ =	shalt  }
0x67: {  	_ =	shalt  }
0x68: {  	_ =	shalt  }
0x69: {  	_ =	shalt  }
0x6a: {  	_ =	shalt  }
0x6b: {  	_ =	shalt  }
0x6c: {  	_ =	shalt  }
0x6d: {  	_ =	shalt  }
0x6e: {  	_ =	shalt  }
0x6f: {  	_ =	shalt  }
0x70: {  	_ =	shalt  }
0x71: {  	_ =	shalt  }
0x72: {  	_ =	shalt  }
0x73: {  	_ =	shalt  }
0x74: {  	_ =	shalt  }
0x75: {  	_ =	shalt  }
0x76: {  	_ =	shalt  }
0x77: {  	_ =	shalt  }
0x78: {  	_ =	shalt  }
0x79: {  	_ =	shalt  }
0x7a: {  	_ =	shalt  }
0x7b: {  	_ =	shalt  }
0x7c: {  	_ =	shalt  }
0x7d: {  	_ =	shalt  }
0x7e: {  	_ =	shalt  }
0x7f: {  	_ =	shalt  }
0x80: {  	_ =	shalt  }
0x81: {  	_ =	shalt  }
0x82: {  	_ =	shalt  }
0x83: {  	_ =	shalt  }
0x84: {  	_ =	shalt  }
0x85: {  	_ =	shalt  }
0x86: {  	_ =	shalt  }
0x87: {  	_ =	shalt  }
.Lfunc_end0:
.L_simem_size_0:
called_computation.4_lowered:
.L_overlay_start_0:
0x88: {  	s2 =	sld [smem:$0x3FD9]  }
0x89: {  	s3 =	sld [smem:$0x3FFE];
	_ =	sdelay $0x1  }
0x8a: {  	s1 =	srdreg.scid  }
0x8b: {  	s0 =	sand.u32 $0x1, s1  }
0x8c: {  	s16 =	sshll.u32 s0, $0xA;
	s2 =	sadd.s32 s3, s2  }
0x8d: {  	s2 =	sadd.s32 s2, s16  }
0x8e: {  	[smem:$0x3FC1] =	sst s2  }
0x8f: {  	_ = 	snop  }
0x90: {  	(tm) =	ssettm $0x1  }
0x91: {  	s17 =	sld [smem:$0x3FFB];
	_ =	sdelay $0x3  }
0x92: {  	_ =	strace s17  }
0x93: {  	s2 =	sld [smem:$0x3FFC];
	_ =	sdelay $0x3  }
0x94: {  	_ =	strace s2  }
0x95: {  	s2 =	sld [smem:$0x3FFD];
	_ =	sdelay $0x3  }
0x96: {  	_ =	strace s2  }
0x97: {  	_ =	strace $0x8FFFFFFF  }
0x98: {  	s18 =	sld [smem:$0x3FDB];
	_ =	sdelay $0x1  }
0x99: {  	s19 =	simm.s32 $_scs_section_size  }
0x9a: {  	s4 =	simm.s32 $_size__tile_overlayer_lowered;
	s5 =	simm.s32 $_tile_overlayer_lowered  }
0x9b: {  	s22 =	simm.s32 $0x1BFF;
	s21 =	sshll.u32 s5, $0x1;
	s2 =	sadd.s32 s19, s18  }
0x9c: {  	s6 =	simm.s32 $0x0;
	s20 =	sshll.u32 s4, $0x1;
	s4 =	sadd.s32 s21, s2  }
0x9d: {  	[timem:s6], [sflag:s22] =	dma.local [hbm:s4], s20  }
0x9e: {  	_ =	swait.ge [sflag:s22], s20  }
0x9f: {  	s3 =	ssub.s32 $0x0, s20;
	[sflag:s22] =	ssyncset.done $0x0  }
0xa0: {  	[sflag:s22] =	ssyncadd.s32 s3;
	_ =	sdelay $0x1  }
0xa1: {  	s23 =	simm.s32 $0x1B8B  }
0xa2: {  	_ =	swait.ge [sflag:s23], $0x1  }
0xa3: {  	[sflag:s23] =	ssyncset.done $0x0  }
0xa4: {  	s25 =	simm.s32 $0x1B8E;
	s24 =	sld [smem:$0x3FFE];
	[sflag:s23] =	ssyncadd.s32 $0xFFFFFFFF  }
0xa5: {  	s26 =	simm.s32 $execute0_lowered;
	[smem:$0x3FD2] =	sst s25  }
0xa6: {  	s4 =	sshll.u32 s26, $0x1;
	_ =	strace $0x80000052;
	[dreg:$0x1] =	wrdreg $0xFFFFFFFF  }
0xa7: {  	s28 =	simm.s32 $_size_execute0_lowered;
	s2 =	sadd.s32 s2, s4;
	[dreg:$0x0] =	wrdreg $0x0  }
0xa8: {  	s4 =	sshll.u32 s28, $0x1;
	[dreg:$0x2] =	wrdreg s2  }
0xa9: {  	[dreg:$0x3] =	wrdreg s4  }
0xaa: {  	[dreg:$0x4] =	wrdreg $0xC0  }
0xab: {  	_ =	task [dreg:s6], $0x5FFFF  }
0xac: {  	[dreg:$0x1] =	wrdreg $0xFFFFFFFF  }
0xad: {  	[dreg:$0x0] =	wrdreg $0x60  }
0xae: {  	[dreg:$0x2] =	wrdreg s24  }
0xaf: {  	[dreg:$0x3] =	wrdreg $0x90000  }
0xb0: {  	[dreg:$0x4] =	wrdreg $0x9  }
0xb1: {  	_ =	task.clear_ibuf [dreg:s6], $0x5FFFF;
	_ =	strace $0x90000052  }
0xb2: {  	s29 =	simm.s32 $0x9;
	_ =	strace $0x80000054  }
0xb3: {  	_ =	swait.ge [sflag:s29], $0x1  }
0xb4: {  	[sflag:s29] =	ssyncadd.s32 $0xFFFFFFFF  }
0xb5: {  	_ =	strace $0x90000054  }
0xb6: {  	_ =	sfence  }
0xb7: {  	s30 =	sld [smem:$0x0];
	_ =	sdelay $0x2  }
0xb8: {  	s31 =	sshll.u32 s1, $0xD;
	s1 =	sshrl.u32 s1, $0x2  }
0xb9: {  	s3 =	sand.u32 $0x4000, s31;
	s1 =	sadd.s32 s1, s30  }
0xba: {  	s0 =	sor.u32 s3, s0;
	s1 =	sshll.u32 s1, $0x11  }
0xbb: {  	s0 =	sor.u32 s1, s0  }
0xbc: {  	s0 =	sadd.s32 $0x8F2B, s0  }
0xbd: {  	[sflag:s0] =	ssyncadd.remote.s32 $0x1  }
0xbe: {  	_ =	sfence.sel $0xFFFF  }
0xbf: {  	[dreg:$0x0] =	wrdreg $0xFFFFFFFF;
	(pc) =	sbr.abs _section_cstart, $3  }
0xc0: {  	[dreg:$0x1] =	wrdreg $0xFFFFFFFF  }
0xc1: {  	_ =	task.clear_ibuf [dreg:s6], $0x2FFFF;
	_ =	strace $0x9FFFFFFF  }
0xc2: {  	(tm) =	ssettm $0x7FFFFFFF  }
0xc3: {  	_ =	shalt  }
tec
execute0_lowered:
.L_overlay_start_1:
0x0: {  	(tag) =	ssettag $0x1  }
0x1: {  	s6 =	rddreg [dreg:$0x0]  }
0x2: {  	s0 =	srdreg.scid;
	s2 =	rddreg [dreg:$0x1]  }
0x3: {  	s3 =	simm.s32 $0x0;
	s14 =	simm.s32 $0x80;
	s15 =	simm.s32 $0x5000  }
0x4: {  	s16 =	simm.s32 $0x1;
	s5 =	sand.u32 $0x1, s0;
	s0 =	stileid.u32  }
0x5: {  	s17 =	simm.s32 $0x0;
	[smem:$0x7FF] =	sst s3;
	s8 =	smul.u32 $0x13C000, s5  }
0x6: {  	s4 =	sadd.s32 $0x96000, s6;
	s1 =	sshll.u32 s5, $0x4;
	s9 =	smul.u32 $0x13C00, s0  }
0x7: {  	s30 =	ssub.s32 $0x2, s5;
	s11 =	smul.u32 $0x4F000, s0;
	s5 =	sadd.s32 $0x12800, s6  }
0x8: {  	s12 =	sshll.u32 s0, $0x6;
	s1 =	sor.u32 s0, s1;
	s10 =	sshrl.u32 s30, $0x1  }
0x9: {  	s12 =	sor.u32 $0x1C02, s12;
	s7 =	smul.u32 $0x500, s1;
	s1 =	rddreg [dreg:$0x2]  }
0xa: {  	_ =	strace $0x80000053;
	s8 =	sadd.s32 s9, s8;
	s9 =	ssub.s32 s30, s10  }
0xb: {  	s31 =	sshrl.u32 s11, $0x2;
	s10 =	simm.s32 $0x2;
	s11 =	simm.s32 $0x2800  }
0xc: {  	s8 =	sshrl.u32 s8, $0x3;
	s13 =	sadd.s32 s31, s2;
	s9 =	smax.u32 s9, $0x1  }
0xd: {  	s7 =	sadd.s32 s7, s6;
	s8 =	sadd.s32 s8, s6;
	s13 =	sshrl.u32 s13, $0x3  }
0xe: {  	s6 =	sadd.s32 $0x8800, s7;
	s7 =	sadd.s32 $0x64800, s7;
	s8 =	sadd.s32 $0xBD800, s8  }
.LBB2_1:
0xf: {  	[tilespmem:s3], [sflag:$0x2] =	stream.linear.gather [hbm4b:s6+s3], $0x2780, $0x38;
	[tilespmem:$0x1CC00] =	vst v63  }
0x10: {  	_ =	swait.ge [sflag:s10], $0x2780  }
0x11: {  	[sflag:s10] =	ssyncset.done $0x0  }
0x12: {  	[sflag:s10] =	ssyncadd.s32 $0xFFFFD880  }
0x13: {  	[tilespmem:s11], [sflag:$0x2] =	stream.linear.gather [hbm4b:s7+s3], $0x2780, $0x38;
	[tilespmem:$0x1CC00] =	vst v63  }
0x14: {  	_ =	swait.ge [sflag:s10], $0x2780  }
0x15: {  	[sflag:s10] =	ssyncset.done $0x0  }
0x16: {  	[sflag:s10] =	ssyncadd.s32 $0xFFFFD880  }
0x17: {  	[spmem:s13], [sflag:s12] =	dma.local [hbm:s5], $0x2780  }
0x18: {  	_ =	swait.ge [sflag:s10], $0x2780  }
0x19: {  	[sflag:s10] =	ssyncset.done $0x0  }
0x1a: {  	[sflag:s10] =	ssyncadd.s32 $0xFFFFD880  }
0x1b: {  	s18 =	simm.s32 $0x0;
	[bflag:$0x0] =	sbarrier.arrive $0xFFFF  }
0x1c: {  	[tilespmem:s15], [sflag:$0x1] =	stream.indirect.gather [hbm4b:s4+s14], $0x80, s18, s14, $0xb8;
	[tilespmem:$0x1CC00] =	vst v63  }
0x1d: {  	_ =	swait.ge [sflag:s16], $0x4000  }
0x1e: {  	[sflag:s16] =	ssyncset.done $0x0  }
0x1f: {  	s31 =	simm.s32 $0x2800;
	[sflag:s16] =	ssyncadd.s32 $0xFFFFC000  }
0x20: {  	[spmem:s2] =	stream.indirect.scatter.add.f32 [tilespmem:s15], [sflag:$0x2], $0x80, s31, s14, $0xb8;
	[tilespmem:$0x1CC00] =	vst v63  }
0x21: {  	_ =	swait.ge [sflag:s10], $0x4000  }
0x22: {  	s19 =	simm.s32 $0x400;
	s18 =	simm.s32 $0x200;
	[sflag:s10] =	ssyncset.done $0x0  }
.LBB2_2:
0x23: {  	s20 =	sshra.s32 s18, $0x2  }
0x24: {  	[sflag:s10] =	ssyncadd.s32 $0xFFFFC000;
	s18 =	smov.u32 s19;
	s21 =	sadd.s32 $0x200, s19  }
0x25: {  	[tilespmem:s15], [sflag:$0x1] =	stream.indirect.gather [hbm4b:s4+s14], $0x80, s20, s14, $0xb8;
	[tilespmem:$0x1CC00] =	vst v63  }
0x26: {  	p0 =	sne.s32 s19, $0x9C00;
	_ =	swait.ge [sflag:s16], $0x4000  }
.Ltmp0:
0x27: {  	[sflag:s16] =	ssyncset.done $0x0;
	(pc) =	sbr.rel @p0 .LBB2_2-.Ltmp0, $4  }
0x28: {  	s19 =	sadd.s32 $0x2800, s20;
	[sflag:s16] =	ssyncadd.s32 $0xFFFFC000  }
0x29: {  	[spmem:s2] =	stream.indirect.scatter.add.f32 [tilespmem:s15], [sflag:$0x2], $0x80, s19, s14, $0xb8;
	[tilespmem:$0x1CC00] =	vst v63  }
0x2a: {  	_ =	swait.ge [sflag:s10], $0x4000  }
0x2b: {  	s19 =	smov.u32 s21;
	[sflag:s10] =	ssyncset.done $0x0  }
0x2c: {  	s18 =	sshra.s32 s18, $0x2;
	[sflag:s10] =	ssyncadd.s32 $0xFFFFC000  }
0x2d: {  	[tilespmem:s15], [sflag:$0x1] =	stream.indirect.gather [hbm4b:s4+s14], $0x80, s18, s14, $0xb8;
	[tilespmem:$0x1CC00] =	vst v63  }
0x2e: {  	_ =	swait.ge [sflag:s16], $0x4000  }
0x2f: {  	[sflag:s16] =	ssyncset.done $0x0  }
0x30: {  	s18 =	sadd.s32 $0x2800, s18;
	[sflag:s16] =	ssyncadd.s32 $0xFFFFC000  }
0x31: {  	[spmem:s2] =	stream.indirect.scatter.add.f32 [tilespmem:s15], [sflag:$0x2], $0x80, s18, s14, $0xb8;
	[tilespmem:$0x1CC00] =	vst v63  }
0x32: {  	_ =	swait.ge [sflag:s10], $0x4000  }
0x33: {  	s17 =	sadd.s32 $0x1, s17;
	[sflag:s10] =	ssyncset.done $0x0  }
0x34: {  	p0 =	sne.s32 s17, s9;
	[sflag:s10] =	ssyncadd.s32 $0xFFFFC000  }
.Ltmp1:
0x35: {  	[bflag:$0x0] =	sbarrier.arrive $0xFFFF;
	(pc) =	sbr.rel @p0 .LBB2_1-.Ltmp1, $4  }
0x36: {  	[hbm:s8], [sflag:s12] =	dma.local [spmem:s13], $0x2780  }
0x37: {  	_ =	swait.ge [sflag:s10], $0x2780  }
0x38: {  	[sflag:s10] =	ssyncset.done $0x0  }
0x39: {  	[sflag:s10] =	ssyncadd.s32 $0xFFFFD880  }
0x3a: {  	_ =	sfence.sel $0x180000  }
0x3b: {  	[bflag:$0x0] =	sbarrier.arrive $0xFFFF  }
0x3c: {  	p0 =	sne.s32 s0, $0x0;
	_ =	strace $0x90000053  }
0x3d: {  	s0 =	sadd.s32 @!p0 $0x100000, s1;
	[bflag:$0x2] =	sbarrier.arrive $0xFFFF  }
0x3e: {  	[sflag:s0] =	ssyncadd.tile.s32 @!p0 $0x1;
	_ =	shalt  }
.Lfunc_end2:
_tile_overlayer_lowered:
.L_overlay_start_2:
0x3f: {  	(tag) =	ssettag $0x2  }
0x40: {  	s0 =	rddreg [dreg:$0x0];
	s2 =	stileid.u32  }
0x41: {  	s1 =	rddreg [dreg:$0x1];
	p0 =	sne.s32 s2, $0x0  }
0x42: {  	s3 =	rddreg [dreg:$0x2];
	[bflag:$0x3] =	sbarrier.arrive $0xFFFF;
	s2 =	simm.s32 @!p0 $0x1C02  }
0x43: {  	[timem:s3], [sflag:s2] =	dma.local @!p0 [hbm:s0], s1  }
0x44: {  	s0 =	simm.s32 @!p0 $0x2  }
0x45: {  	_ =	swait.ge @!p0 [sflag:s0], s1  }
0x46: {  	s1 =	ssub.s32 @!p0 $0x0, s1;
	[sflag:s0] =	ssyncset.done @!p0 $0x0  }
0x47: {  	[sflag:s0] =	ssyncadd.s32 @!p0 s1  }
0x48: {  	[bflag:$0x3] =	sbarrier.arrive $0xFFFF  }
0x49: {  	_ =	shalt  }

// kernel: kernel.42.cloned.1.call-start
scs
__scs_entry_jumppad:
0x0: {  	(pc) =	sbr.rel $0x88, $3  }
0x1: {  	(tag) =	ssettag $0x0;
	lr =	simm.s32 $0x1  }
0x2: {  	[smem:$0x3F9A] =	sst lr;
	_ =	strace $0xD0000000  }
0x3: {  	_ = 	snop  }
0x4: {  	_ = 	snop  }
0x5: {  	_ = 	snop  }
0x6: {  	_ = 	snop  }
0x7: {  	_ = 	snop  }
__scs_overlays_trampoline_lowered:
0x8: {  	[smem:$0x3FA9] =	sst s0  }
0x9: {  	[smem:$0x3FAA] =	sst s1  }
0xa: {  	[smem:$0x3FAB] =	sst s2  }
0xb: {  	[smem:$0x3FAC] =	sst s3  }
0xc: {  	[smem:$0x3FAD] =	sst s4  }
0xd: {  	[smem:$0x3FAE] =	sst s5  }
0xe: {  	[smem:$0x3FAF] =	sst s6  }
0xf: {  	[smem:$0x3FB0] =	sst s7  }
0x10: {  	[smem:$0x3FB1] =	sst s8  }
0x11: {  	[smem:$0x3FB2] =	sst s9;
	s0 =	simm.s32 @!p0 $0x0  }
0x12: {  	s1 =	sld [smem:$0x3F98];
	s0 =	simm.s32 @p0 $0x1  }
0x13: {  	[smem:$0x3FB3] =	sst s0;
	s0 =	simm.s32 @!p1 $0x0  }
0x14: {  	s2 =	sld [smem:$0x3F97];
	s0 =	simm.s32 @p1 $0x1  }
0x15: {  	[smem:$0x3FB4] =	sst s0;
	s0 =	simm.s32 @!p2 $0x0  }
0x16: {  	s3 =	sld [smem:$0x3FDB];
	s0 =	simm.s32 @p2 $0x1  }
0x17: {  	s4 =	simm.s32 $0x1BF5;
	[smem:$0x3FB6] =	sst s0  }
0x18: {  	s0 =	sld [smem:$0x3F99];
	_ =	swait.ge [sflag:s4], $0x0  }
0x19: {  	s7 =	sld [smem:$0x3F9A]  }
0x1a: {  	s8 =	sadd.s32 $0xFFFFE003, lr  }
0x1b: {  	s9 =	sadd.s32 $0xFFFFFEF7, lr;
	s5 =	simm.s32 $0xFFFFFFFF;
	p2 =	slt.u32 s8, $0xFFFFF086  }
0x1c: {  	p1 =	slt.u32 s9, $0xF7A;
	s5 =	simm.s32 @!p2 $0x0  }
0x1d: {  	s5 =	simm.s32 @p1 $0x1;
	p0 =	seq.s32 s7, s2  }
0x1e: {  	s7 =	smul.u32 @!p0 $0xF7A, s2;
	p2 =	seq.s32 @!p0 s5, $0x0  }
0x1f: {  	s9 =	smul.u32 $0xF7A, s1;
	s8 =	simm.s32 @!p0 $0x1BF5;
	p2 =	por !p2, p0  }
0x20: {  	[sflag:s8] =	ssyncset.s32 @!p0 $0xFFFFF086;
	s6 =	sadd.s32 @!p0 s3, s7;
	s7 =	simm.s32 @!p0 $0x108  }
0x21: {  	s3 =	sadd.s32 s3, s9;
	s6 =	sadd.s32 @!p0 $0x88, s6;
	s7 =	simm.s32 @p2 $0x1082  }
0x22: {  	[simem:s7], [sflag:s8] =	dma.local @!p0 [hbm:s6], $0xF7A  }
0x23: {  	s9 =	sor.u32 $0xD0000000, s2;
	s6 =	simm.s32 $0x108;
	_ =	swait.ge @!p0 [sflag:s8], $0x0  }
0x24: {  	s3 =	sadd.s32 $0x88, s3;
	s6 =	simm.s32 @!p1 $0x1082;
	[sflag:s4] =	ssyncset.s32 $0xFFFFF086  }
0x25: {  	[simem:s6], [sflag:s4] =	dma.local [hbm:s3], $0xF7A  }
0x26: {  	[smem:$0x3F9A] =	sst s1;
	(tag) =	ssettag s2;
	_ =	strace s9  }
0x27: {  	s1 =	sld [smem:$0x3FAA]  }
0x28: {  	s2 =	sld [smem:$0x3FAB]  }
0x29: {  	s4 =	sld [smem:$0x3FAD]  }
0x2a: {  	p0 =	seq.s32 s5, $0x0;
	s5 =	sld [smem:$0x3FAE]  }
0x2b: {  	s6 =	sld [smem:$0x3FAF]  }
0x2c: {  	s7 =	sld [smem:$0x3FB0]  }
0x2d: {  	s3 =	simm.s32 $0x108;
	s8 =	sld [smem:$0x3FB1]  }
0x2e: {  	s3 =	simm.s32 @!p0 $0x1082;
	s9 =	sld [smem:$0x3FB2]  }
0x2f: {  	lr =	sadd.s32 s0, s3;
	s0 =	sld [smem:$0x3FA9]  }
0x30: {  	s3 =	sld [smem:$0x3FAC]  }
0x31: {  	[smem:$0x3FB5] =	sst s10  }
0x32: {  	s10 =	sld [smem:$0x3FB3];
	_ =	sdelay $0x3  }
0x33: {  	p0 =	seq.s32 s10, $0x1;
	s10 =	sld [smem:$0x3FB5];
	_ =	sdelay $0x3  }
0x34: {  	[smem:$0x3FB5] =	sst s10  }
0x35: {  	s10 =	sld [smem:$0x3FB4];
	_ =	sdelay $0x3  }
0x36: {  	p1 =	seq.s32 s10, $0x1;
	s10 =	sld [smem:$0x3FB5];
	_ =	sdelay $0x3  }
0x37: {  	[smem:$0x3FB5] =	sst s10  }
0x38: {  	s10 =	sld [smem:$0x3FB6]  }
0x39: {  	_ = 	snop;
	(pc) =	sbr.ind lr, $3  }
0x3a: {  	_ = 	snop  }
0x3b: {  	_ = 	snop  }
0x3c: {  	p2 =	seq.s32 s10, $0x1;
	s10 =	sld [smem:$0x3FB5]  }
0x3d: {  	_ =	shalt  }
0x3e: {  	_ =	shalt  }
0x3f: {  	_ =	shalt  }
0x40: {  	_ =	shalt  }
0x41: {  	_ =	shalt  }
0x42: {  	_ =	shalt  }
0x43: {  	_ =	shalt  }
0x44: {  	_ =	shalt  }
0x45: {  	_ =	shalt  }
0x46: {  	_ =	shalt  }
0x47: {  	_ =	shalt  }
0x48: {  	_ =	shalt  }
0x49: {  	_ =	shalt  }
0x4a: {  	_ =	shalt  }
0x4b: {  	_ =	shalt  }
0x4c: {  	_ =	shalt  }
0x4d: {  	_ =	shalt  }
0x4e: {  	_ =	shalt  }
0x4f: {  	_ =	shalt  }
0x50: {  	_ =	shalt  }
0x51: {  	_ =	shalt  }
0x52: {  	_ =	shalt  }
0x53: {  	_ =	shalt  }
0x54: {  	_ =	shalt  }
0x55: {  	_ =	shalt  }
0x56: {  	_ =	shalt  }
0x57: {  	_ =	shalt  }
0x58: {  	_ =	shalt  }
0x59: {  	_ =	shalt  }
0x5a: {  	_ =	shalt  }
0x5b: {  	_ =	shalt  }
0x5c: {  	_ =	shalt  }
0x5d: {  	_ =	shalt  }
0x5e: {  	_ =	shalt  }
0x5f: {  	_ =	shalt  }
0x60: {  	_ =	shalt  }
0x61: {  	_ =	shalt  }
0x62: {  	_ =	shalt  }
0x63: {  	_ =	shalt  }
0x64: {  	_ =	shalt  }
0x65: {  	_ =	shalt  }
0x66: {  	_ =	shalt  }
0x67: {  	_ =	shalt  }
0x68: {  	_ =	shalt  }
0x69: {  	_ =	shalt  }
0x6a: {  	_ =	shalt  }
0x6b: {  	_ =	shalt  }
0x6c: {  	_ =	shalt  }
0x6d: {  	_ =	shalt  }
0x6e: {  	_ =	shalt  }
0x6f: {  	_ =	shalt  }
0x70: {  	_ =	shalt  }
0x71: {  	_ =	shalt  }
0x72: {  	_ =	shalt  }
0x73: {  	_ =	shalt  }
0x74: {  	_ =	shalt  }
0x75: {  	_ =	shalt  }
0x76: {  	_ =	shalt  }
0x77: {  	_ =	shalt  }
0x78: {  	_ =	shalt  }
0x79: {  	_ =	shalt  }
0x7a: {  	_ =	shalt  }
0x7b: {  	_ =	shalt  }
0x7c: {  	_ =	shalt  }
0x7d: {  	_ =	shalt  }
0x7e: {  	_ =	shalt  }
0x7f: {  	_ =	shalt  }
0x80: {  	_ =	shalt  }
0x81: {  	_ =	shalt  }
0x82: {  	_ =	shalt  }
0x83: {  	_ =	shalt  }
0x84: {  	_ =	shalt  }
0x85: {  	_ =	shalt  }
0x86: {  	_ =	shalt  }
0x87: {  	_ =	shalt  }
.Lfunc_end0:
.L_simem_size_0:
called_computation.5_lowered:
.L_overlay_start_0:
0x88: {  	s2 =	sld [smem:$0x3FD9]  }
0x89: {  	s3 =	sld [smem:$0x3FFE];
	_ =	sdelay $0x1  }
0x8a: {  	s1 =	srdreg.scid  }
0x8b: {  	s0 =	sand.u32 $0x1, s1  }
0x8c: {  	s16 =	sshll.u32 s0, $0xA;
	s2 =	sadd.s32 s3, s2  }
0x8d: {  	s2 =	sadd.s32 s2, s16  }
0x8e: {  	[smem:$0x3FC1] =	sst s2  }
0x8f: {  	_ = 	snop  }
0x90: {  	(tm) =	ssettm $0x1  }
0x91: {  	s17 =	sld [smem:$0x3FFB];
	_ =	sdelay $0x3  }
0x92: {  	_ =	strace s17  }
0x93: {  	s2 =	sld [smem:$0x3FFC];
	_ =	sdelay $0x3  }
0x94: {  	_ =	strace s2  }
0x95: {  	s2 =	sld [smem:$0x3FFD];
	_ =	sdelay $0x3  }
0x96: {  	_ =	strace s2  }
0x97: {  	_ =	strace $0x8FFFFFFF  }
0x98: {  	s18 =	sld [smem:$0x3FDB];
	_ =	sdelay $0x1  }
0x99: {  	s19 =	simm.s32 $_scs_section_size  }
0x9a: {  	s4 =	simm.s32 $_size__tile_overlayer_lowered;
	s5 =	simm.s32 $_tile_overlayer_lowered  }
0x9b: {  	s22 =	simm.s32 $0x1BFF;
	s21 =	sshll.u32 s5, $0x1;
	s2 =	sadd.s32 s19, s18  }
0x9c: {  	s6 =	simm.s32 $0x0;
	s20 =	sshll.u32 s4, $0x1;
	s4 =	sadd.s32 s21, s2  }
0x9d: {  	[timem:s6], [sflag:s22] =	dma.local [hbm:s4], s20  }
0x9e: {  	_ =	swait.ge [sflag:s22], s20  }
0x9f: {  	s3 =	ssub.s32 $0x0, s20;
	[sflag:s22] =	ssyncset.done $0x0  }
0xa0: {  	[sflag:s22] =	ssyncadd.s32 s3;
	_ =	sdelay $0x1  }
0xa1: {  	s23 =	simm.s32 $0x1B8B  }
0xa2: {  	_ =	swait.ge [sflag:s23], $0x1  }
0xa3: {  	[sflag:s23] =	ssyncset.done $0x0  }
0xa4: {  	s25 =	simm.s32 $0x1B8E;
	s24 =	sld [smem:$0x3FFE];
	[sflag:s23] =	ssyncadd.s32 $0xFFFFFFFF  }
0xa5: {  	s26 =	simm.s32 $execute0_lowered;
	[smem:$0x3FD2] =	sst s25  }
0xa6: {  	s4 =	sshll.u32 s26, $0x1;
	_ =	strace $0x80000055;
	[dreg:$0x1] =	wrdreg $0xFFFFFFFF  }
0xa7: {  	s28 =	simm.s32 $_size_execute0_lowered;
	s2 =	sadd.s32 s2, s4;
	[dreg:$0x0] =	wrdreg $0x0  }
0xa8: {  	s4 =	sshll.u32 s28, $0x1;
	[dreg:$0x2] =	wrdreg s2  }
0xa9: {  	[dreg:$0x3] =	wrdreg s4  }
0xaa: {  	[dreg:$0x4] =	wrdreg $0xC0  }
0xab: {  	_ =	task [dreg:s6], $0x5FFFF  }
0xac: {  	[dreg:$0x1] =	wrdreg $0xFFFFFFFF  }
0xad: {  	[dreg:$0x0] =	wrdreg $0x60  }
0xae: {  	[dreg:$0x2] =	wrdreg s24  }
0xaf: {  	[dreg:$0x3] =	wrdreg $0x90000  }
0xb0: {  	[dreg:$0x4] =	wrdreg $0x9  }
0xb1: {  	_ =	task.clear_ibuf [dreg:s6], $0x5FFFF;
	_ =	strace $0x90000055  }
0xb2: {  	s29 =	simm.s32 $0x9;
	_ =	strace $0x80000057  }
0xb3: {  	_ =	swait.ge [sflag:s29], $0x1  }
0xb4: {  	[sflag:s29] =	ssyncadd.s32 $0xFFFFFFFF  }
0xb5: {  	_ =	strace $0x90000057  }
0xb6: {  	_ =	sfence  }
0xb7: {  	s30 =	sld [smem:$0x0];
	_ =	sdelay $0x2  }
0xb8: {  	s31 =	sshll.u32 s1, $0xD;
	s1 =	sshrl.u32 s1, $0x2  }
0xb9: {  	s3 =	sand.u32 $0x4000, s31;
	s1 =	sadd.s32 s1, s30  }
0xba: {  	s0 =	sor.u32 s3, s0;
	s1 =	sshll.u32 s1, $0x11  }
0xbb: {  	s0 =	sor.u32 s1, s0  }
0xbc: {  	s0 =	sadd.s32 $0x8F2B, s0  }
0xbd: {  	[sflag:s0] =	ssyncadd.remote.s32 $0x1  }
0xbe: {  	_ =	sfence.sel $0xFFFF  }
0xbf: {  	[dreg:$0x0] =	wrdreg $0xFFFFFFFF;
	(pc) =	sbr.abs _section_cstart, $3  }
0xc0: {  	[dreg:$0x1] =	wrdreg $0xFFFFFFFF  }
0xc1: {  	_ =	task.clear_ibuf [dreg:s6], $0x2FFFF;
	_ =	strace $0x9FFFFFFF  }
0xc2: {  	(tm) =	ssettm $0x7FFFFFFF  }
0xc3: {  	_ =	shalt  }
tec
execute0_lowered:
.L_overlay_start_1:
0x0: {  	(tag) =	ssettag $0x1  }
0x1: {  	s6 =	rddreg [dreg:$0x0]  }
0x2: {  	s0 =	srdreg.scid;
	s2 =	rddreg [dreg:$0x1]  }
0x3: {  	s3 =	simm.s32 $0x0;
	s14 =	simm.s32 $0x80;
	s15 =	simm.s32 $0x5000  }
0x4: {  	s16 =	simm.s32 $0x1;
	s5 =	sand.u32 $0x1, s0;
	s0 =	stileid.u32  }
0x5: {  	s17 =	simm.s32 $0x0;
	[smem:$0x7FF] =	sst s3;
	s8 =	smul.u32 $0x13C000, s5  }
0x6: {  	s4 =	sadd.s32 $0x96000, s6;
	s1 =	sshll.u32 s5, $0x4;
	s9 =	smul.u32 $0x13C00, s0  }
0x7: {  	s30 =	ssub.s32 $0x2, s5;
	s11 =	smul.u32 $0x4F000, s0;
	s5 =	sadd.s32 $0x12800, s6  }
0x8: {  	s12 =	sshll.u32 s0, $0x6;
	s1 =	sor.u32 s0, s1;
	s10 =	sshrl.u32 s30, $0x1  }
0x9: {  	s12 =	sor.u32 $0x1C02, s12;
	s7 =	smul.u32 $0x500, s1;
	s1 =	rddreg [dreg:$0x2]  }
0xa: {  	_ =	strace $0x80000056;
	s8 =	sadd.s32 s9, s8;
	s9 =	ssub.s32 s30, s10  }
0xb: {  	s31 =	sshrl.u32 s11, $0x2;
	s10 =	simm.s32 $0x2;
	s11 =	simm.s32 $0x2800  }
0xc: {  	s8 =	sshrl.u32 s8, $0x3;
	s13 =	sadd.s32 s31, s2;
	s9 =	smax.u32 s9, $0x1  }
0xd: {  	s7 =	sadd.s32 s7, s6;
	s8 =	sadd.s32 s8, s6;
	s13 =	sshrl.u32 s13, $0x3  }
0xe: {  	s6 =	sadd.s32 $0x8800, s7;
	s7 =	sadd.s32 $0x64800, s7;
	s8 =	sadd.s32 $0xBD800, s8  }
.LBB2_1:
0xf: {  	[tilespmem:s3], [sflag:$0x2] =	stream.linear.gather [hbm4b:s6+s3], $0x2780, $0x38;
	[tilespmem:$0x1CC00] =	vst v63  }
0x10: {  	_ =	swait.ge [sflag:s10], $0x2780  }
0x11: {  	[sflag:s10] =	ssyncset.done $0x0  }
0x12: {  	[sflag:s10] =	ssyncadd.s32 $0xFFFFD880  }
0x13: {  	[tilespmem:s11], [sflag:$0x2] =	stream.linear.gather [hbm4b:s7+s3], $0x2780, $0x38;
	[tilespmem:$0x1CC00] =	vst v63  }
0x14: {  	_ =	swait.ge [sflag:s10], $0x2780  }
0x15: {  	[sflag:s10] =	ssyncset.done $0x0  }
0x16: {  	[sflag:s10] =	ssyncadd.s32 $0xFFFFD880  }
0x17: {  	[spmem:s13], [sflag:s12] =	dma.local [hbm:s5], $0x2780  }
0x18: {  	_ =	swait.ge [sflag:s10], $0x2780  }
0x19: {  	[sflag:s10] =	ssyncset.done $0x0  }
0x1a: {  	[sflag:s10] =	ssyncadd.s32 $0xFFFFD880  }
0x1b: {  	s18 =	simm.s32 $0x0;
	[bflag:$0x0] =	sbarrier.arrive $0xFFFF  }
0x1c: {  	[tilespmem:s15], [sflag:$0x1] =	stream.indirect.gather [hbm4b:s4+s14], $0x80, s18, s14, $0xb8;
	[tilespmem:$0x1CC00] =	vst v63  }
0x1d: {  	_ =	swait.ge [sflag:s16], $0x4000  }
0x1e: {  	[sflag:s16] =	ssyncset.done $0x0  }
0x1f: {  	s31 =	simm.s32 $0x2800;
	[sflag:s16] =	ssyncadd.s32 $0xFFFFC000  }
0x20: {  	[spmem:s2] =	stream.indirect.scatter.add.f32 [tilespmem:s15], [sflag:$0x2], $0x80, s31, s14, $0xb8;
	[tilespmem:$0x1CC00] =	vst v63  }
0x21: {  	_ =	swait.ge [sflag:s10], $0x4000  }
0x22: {  	s19 =	simm.s32 $0x400;
	s18 =	simm.s32 $0x200;
	[sflag:s10] =	ssyncset.done $0x0  }
.LBB2_2:
0x23: {  	s20 =	sshra.s32 s18, $0x2  }
0x24: {  	[sflag:s10] =	ssyncadd.s32 $0xFFFFC000;
	s18 =	smov.u32 s19;
	s21 =	sadd.s32 $0x200, s19  }
0x25: {  	[tilespmem:s15], [sflag:$0x1] =	stream.indirect.gather [hbm4b:s4+s14], $0x80, s20, s14, $0xb8;
	[tilespmem:$0x1CC00] =	vst v63  }
0x26: {  	p0 =	sne.s32 s19, $0x9C00;
	_ =	swait.ge [sflag:s16], $0x4000  }
.Ltmp0:
0x27: {  	[sflag:s16] =	ssyncset.done $0x0;
	(pc) =	sbr.rel @p0 .LBB2_2-.Ltmp0, $4  }
0x28: {  	s19 =	sadd.s32 $0x2800, s20;
	[sflag:s16] =	ssyncadd.s32 $0xFFFFC000  }
0x29: {  	[spmem:s2] =	stream.indirect.scatter.add.f32 [tilespmem:s15], [sflag:$0x2], $0x80, s19, s14, $0xb8;
	[tilespmem:$0x1CC00] =	vst v63  }
0x2a: {  	_ =	swait.ge [sflag:s10], $0x4000  }
0x2b: {  	s19 =	smov.u32 s21;
	[sflag:s10] =	ssyncset.done $0x0  }
0x2c: {  	s18 =	sshra.s32 s18, $0x2;
	[sflag:s10] =	ssyncadd.s32 $0xFFFFC000  }
0x2d: {  	[tilespmem:s15], [sflag:$0x1] =	stream.indirect.gather [hbm4b:s4+s14], $0x80, s18, s14, $0xb8;
	[tilespmem:$0x1CC00] =	vst v63  }
0x2e: {  	_ =	swait.ge [sflag:s16], $0x4000  }
0x2f: {  	[sflag:s16] =	ssyncset.done $0x0  }
0x30: {  	s18 =	sadd.s32 $0x2800, s18;
	[sflag:s16] =	ssyncadd.s32 $0xFFFFC000  }
0x31: {  	[spmem:s2] =	stream.indirect.scatter.add.f32 [tilespmem:s15], [sflag:$0x2], $0x80, s18, s14, $0xb8;
	[tilespmem:$0x1CC00] =	vst v63  }
0x32: {  	_ =	swait.ge [sflag:s10], $0x4000  }
0x33: {  	s17 =	sadd.s32 $0x1, s17;
	[sflag:s10] =	ssyncset.done $0x0  }
0x34: {  	p0 =	sne.s32 s17, s9;
	[sflag:s10] =	ssyncadd.s32 $0xFFFFC000  }
.Ltmp1:
0x35: {  	[bflag:$0x0] =	sbarrier.arrive $0xFFFF;
	(pc) =	sbr.rel @p0 .LBB2_1-.Ltmp1, $4  }
0x36: {  	[hbm:s8], [sflag:s12] =	dma.local [spmem:s13], $0x2780  }
0x37: {  	_ =	swait.ge [sflag:s10], $0x2780  }
0x38: {  	[sflag:s10] =	ssyncset.done $0x0  }
0x39: {  	[sflag:s10] =	ssyncadd.s32 $0xFFFFD880  }
0x3a: {  	_ =	sfence.sel $0x180000  }
0x3b: {  	[bflag:$0x0] =	sbarrier.arrive $0xFFFF  }
0x3c: {  	p0 =	sne.s32 s0, $0x0;
	_ =	strace $0x90000056  }
0x3d: {  	s0 =	sadd.s32 @!p0 $0x100000, s1;
	[bflag:$0x2] =	sbarrier.arrive $0xFFFF  }
0x3e: {  	[sflag:s0] =	ssyncadd.tile.s32 @!p0 $0x1;
	_ =	shalt  }
.Lfunc_end2:
_tile_overlayer_lowered:
.L_overlay_start_2:
0x3f: {  	(tag) =	ssettag $0x2  }
0x40: {  	s0 =	rddreg [dreg:$0x0];
	s2 =	stileid.u32  }
0x41: {  	s1 =	rddreg [dreg:$0x1];
	p0 =	sne.s32 s2, $0x0  }
0x42: {  	s3 =	rddreg [dreg:$0x2];
	[bflag:$0x3] =	sbarrier.arrive $0xFFFF;
	s2 =	simm.s32 @!p0 $0x1C02  }
0x43: {  	[timem:s3], [sflag:s2] =	dma.local @!p0 [hbm:s0], s1  }
0x44: {  	s0 =	simm.s32 @!p0 $0x2  }
0x45: {  	_ =	swait.ge @!p0 [sflag:s0], s1  }
0x46: {  	s1 =	ssub.s32 @!p0 $0x0, s1;
	[sflag:s0] =	ssyncset.done @!p0 $0x0  }
0x47: {  	[sflag:s0] =	ssyncadd.s32 @!p0 s1  }
0x48: {  	[bflag:$0x3] =	sbarrier.arrive $0xFFFF  }
0x49: {  	_ =	shalt  }

// kernel: kernel.45.cloned.1.call-start
scs
__scs_entry_jumppad:
0x0: {  	(pc) =	sbr.rel $0x88, $3  }
0x1: {  	(tag) =	ssettag $0x0;
	lr =	simm.s32 $0x1  }
0x2: {  	[smem:$0x3F9A] =	sst lr;
	_ =	strace $0xD0000000  }
0x3: {  	_ = 	snop  }
0x4: {  	_ = 	snop  }
0x5: {  	_ = 	snop  }
0x6: {  	_ = 	snop  }
0x7: {  	_ = 	snop  }
__scs_overlays_trampoline_lowered:
0x8: {  	[smem:$0x3FA9] =	sst s0  }
0x9: {  	[smem:$0x3FAA] =	sst s1  }
0xa: {  	[smem:$0x3FAB] =	sst s2  }
0xb: {  	[smem:$0x3FAC] =	sst s3  }
0xc: {  	[smem:$0x3FAD] =	sst s4  }
0xd: {  	[smem:$0x3FAE] =	sst s5  }
0xe: {  	[smem:$0x3FAF] =	sst s6  }
0xf: {  	[smem:$0x3FB0] =	sst s7  }
0x10: {  	[smem:$0x3FB1] =	sst s8  }
0x11: {  	[smem:$0x3FB2] =	sst s9;
	s0 =	simm.s32 @!p0 $0x0  }
0x12: {  	s1 =	sld [smem:$0x3F98];
	s0 =	simm.s32 @p0 $0x1  }
0x13: {  	[smem:$0x3FB3] =	sst s0;
	s0 =	simm.s32 @!p1 $0x0  }
0x14: {  	s2 =	sld [smem:$0x3F97];
	s0 =	simm.s32 @p1 $0x1  }
0x15: {  	[smem:$0x3FB4] =	sst s0;
	s0 =	simm.s32 @!p2 $0x0  }
0x16: {  	s3 =	sld [smem:$0x3FDB];
	s0 =	simm.s32 @p2 $0x1  }
0x17: {  	s4 =	simm.s32 $0x1BF5;
	[smem:$0x3FB6] =	sst s0  }
0x18: {  	s0 =	sld [smem:$0x3F99];
	_ =	swait.ge [sflag:s4], $0x0  }
0x19: {  	s7 =	sld [smem:$0x3F9A]  }
0x1a: {  	s8 =	sadd.s32 $0xFFFFE003, lr  }
0x1b: {  	s9 =	sadd.s32 $0xFFFFFEF7, lr;
	s5 =	simm.s32 $0xFFFFFFFF;
	p2 =	slt.u32 s8, $0xFFFFF086  }
0x1c: {  	p1 =	slt.u32 s9, $0xF7A;
	s5 =	simm.s32 @!p2 $0x0  }
0x1d: {  	s5 =	simm.s32 @p1 $0x1;
	p0 =	seq.s32 s7, s2  }
0x1e: {  	s7 =	smul.u32 @!p0 $0xF7A, s2;
	p2 =	seq.s32 @!p0 s5, $0x0  }
0x1f: {  	s9 =	smul.u32 $0xF7A, s1;
	s8 =	simm.s32 @!p0 $0x1BF5;
	p2 =	por !p2, p0  }
0x20: {  	[sflag:s8] =	ssyncset.s32 @!p0 $0xFFFFF086;
	s6 =	sadd.s32 @!p0 s3, s7;
	s7 =	simm.s32 @!p0 $0x108  }
0x21: {  	s3 =	sadd.s32 s3, s9;
	s6 =	sadd.s32 @!p0 $0x88, s6;
	s7 =	simm.s32 @p2 $0x1082  }
0x22: {  	[simem:s7], [sflag:s8] =	dma.local @!p0 [hbm:s6], $0xF7A  }
0x23: {  	s9 =	sor.u32 $0xD0000000, s2;
	s6 =	simm.s32 $0x108;
	_ =	swait.ge @!p0 [sflag:s8], $0x0  }
0x24: {  	s3 =	sadd.s32 $0x88, s3;
	s6 =	simm.s32 @!p1 $0x1082;
	[sflag:s4] =	ssyncset.s32 $0xFFFFF086  }
0x25: {  	[simem:s6], [sflag:s4] =	dma.local [hbm:s3], $0xF7A  }
0x26: {  	[smem:$0x3F9A] =	sst s1;
	(tag) =	ssettag s2;
	_ =	strace s9  }
0x27: {  	s1 =	sld [smem:$0x3FAA]  }
0x28: {  	s2 =	sld [smem:$0x3FAB]  }
0x29: {  	s4 =	sld [smem:$0x3FAD]  }
0x2a: {  	p0 =	seq.s32 s5, $0x0;
	s5 =	sld [smem:$0x3FAE]  }
0x2b: {  	s6 =	sld [smem:$0x3FAF]  }
0x2c: {  	s7 =	sld [smem:$0x3FB0]  }
0x2d: {  	s3 =	simm.s32 $0x108;
	s8 =	sld [smem:$0x3FB1]  }
0x2e: {  	s3 =	simm.s32 @!p0 $0x1082;
	s9 =	sld [smem:$0x3FB2]  }
0x2f: {  	lr =	sadd.s32 s0, s3;
	s0 =	sld [smem:$0x3FA9]  }
0x30: {  	s3 =	sld [smem:$0x3FAC]  }
0x31: {  	[smem:$0x3FB5] =	sst s10  }
0x32: {  	s10 =	sld [smem:$0x3FB3];
	_ =	sdelay $0x3  }
0x33: {  	p0 =	seq.s32 s10, $0x1;
	s10 =	sld [smem:$0x3FB5];
	_ =	sdelay $0x3  }
0x34: {  	[smem:$0x3FB5] =	sst s10  }
0x35: {  	s10 =	sld [smem:$0x3FB4];
	_ =	sdelay $0x3  }
0x36: {  	p1 =	seq.s32 s10, $0x1;
	s10 =	sld [smem:$0x3FB5];
	_ =	sdelay $0x3  }
0x37: {  	[smem:$0x3FB5] =	sst s10  }
0x38: {  	s10 =	sld [smem:$0x3FB6]  }
0x39: {  	_ = 	snop;
	(pc) =	sbr.ind lr, $3  }
0x3a: {  	_ = 	snop  }
0x3b: {  	_ = 	snop  }
0x3c: {  	p2 =	seq.s32 s10, $0x1;
	s10 =	sld [smem:$0x3FB5]  }
0x3d: {  	_ =	shalt  }
0x3e: {  	_ =	shalt  }
0x3f: {  	_ =	shalt  }
0x40: {  	_ =	shalt  }
0x41: {  	_ =	shalt  }
0x42: {  	_ =	shalt  }
0x43: {  	_ =	shalt  }
0x44: {  	_ =	shalt  }
0x45: {  	_ =	shalt  }
0x46: {  	_ =	shalt  }
0x47: {  	_ =	shalt  }
0x48: {  	_ =	shalt  }
0x49: {  	_ =	shalt  }
0x4a: {  	_ =	shalt  }
0x4b: {  	_ =	shalt  }
0x4c: {  	_ =	shalt  }
0x4d: {  	_ =	shalt  }
0x4e: {  	_ =	shalt  }
0x4f: {  	_ =	shalt  }
0x50: {  	_ =	shalt  }
0x51: {  	_ =	shalt  }
0x52: {  	_ =	shalt  }
0x53: {  	_ =	shalt  }
0x54: {  	_ =	shalt  }
0x55: {  	_ =	shalt  }
0x56: {  	_ =	shalt  }
0x57: {  	_ =	shalt  }
0x58: {  	_ =	shalt  }
0x59: {  	_ =	shalt  }
0x5a: {  	_ =	shalt  }
0x5b: {  	_ =	shalt  }
0x5c: {  	_ =	shalt  }
0x5d: {  	_ =	shalt  }
0x5e: {  	_ =	shalt  }
0x5f: {  	_ =	shalt  }
0x60: {  	_ =	shalt  }
0x61: {  	_ =	shalt  }
0x62: {  	_ =	shalt  }
0x63: {  	_ =	shalt  }
0x64: {  	_ =	shalt  }
0x65: {  	_ =	shalt  }
0x66: {  	_ =	shalt  }
0x67: {  	_ =	shalt  }
0x68: {  	_ =	shalt  }
0x69: {  	_ =	shalt  }
0x6a: {  	_ =	shalt  }
0x6b: {  	_ =	shalt  }
0x6c: {  	_ =	shalt  }
0x6d: {  	_ =	shalt  }
0x6e: {  	_ =	shalt  }
0x6f: {  	_ =	shalt  }
0x70: {  	_ =	shalt  }
0x71: {  	_ =	shalt  }
0x72: {  	_ =	shalt  }
0x73: {  	_ =	shalt  }
0x74: {  	_ =	shalt  }
0x75: {  	_ =	shalt  }
0x76: {  	_ =	shalt  }
0x77: {  	_ =	shalt  }
0x78: {  	_ =	shalt  }
0x79: {  	_ =	shalt  }
0x7a: {  	_ =	shalt  }
0x7b: {  	_ =	shalt  }
0x7c: {  	_ =	shalt  }
0x7d: {  	_ =	shalt  }
0x7e: {  	_ =	shalt  }
0x7f: {  	_ =	shalt  }
0x80: {  	_ =	shalt  }
0x81: {  	_ =	shalt  }
0x82: {  	_ =	shalt  }
0x83: {  	_ =	shalt  }
0x84: {  	_ =	shalt  }
0x85: {  	_ =	shalt  }
0x86: {  	_ =	shalt  }
0x87: {  	_ =	shalt  }
.Lfunc_end0:
.L_simem_size_0:
called_computation.6_lowered:
.L_overlay_start_0:
0x88: {  	s2 =	sld [smem:$0x3FD9]  }
0x89: {  	s3 =	sld [smem:$0x3FFE];
	_ =	sdelay $0x1  }
0x8a: {  	s1 =	srdreg.scid  }
0x8b: {  	s0 =	sand.u32 $0x1, s1  }
0x8c: {  	s16 =	sshll.u32 s0, $0xA;
	s2 =	sadd.s32 s3, s2  }
0x8d: {  	s2 =	sadd.s32 s2, s16  }
0x8e: {  	[smem:$0x3FC1] =	sst s2  }
0x8f: {  	_ = 	snop  }
0x90: {  	(tm) =	ssettm $0x1  }
0x91: {  	s17 =	sld [smem:$0x3FFB];
	_ =	sdelay $0x3  }
0x92: {  	_ =	strace s17  }
0x93: {  	s2 =	sld [smem:$0x3FFC];
	_ =	sdelay $0x3  }
0x94: {  	_ =	strace s2  }
0x95: {  	s2 =	sld [smem:$0x3FFD];
	_ =	sdelay $0x3  }
0x96: {  	_ =	strace s2  }
0x97: {  	_ =	strace $0x8FFFFFFF  }
0x98: {  	s18 =	sld [smem:$0x3FDB];
	_ =	sdelay $0x1  }
0x99: {  	s19 =	simm.s32 $_scs_section_size  }
0x9a: {  	s4 =	simm.s32 $_size__tile_overlayer_lowered;
	s5 =	simm.s32 $_tile_overlayer_lowered  }
0x9b: {  	s22 =	simm.s32 $0x1BFF;
	s21 =	sshll.u32 s5, $0x1;
	s2 =	sadd.s32 s19, s18  }
0x9c: {  	s6 =	simm.s32 $0x0;
	s20 =	sshll.u32 s4, $0x1;
	s4 =	sadd.s32 s21, s2  }
0x9d: {  	[timem:s6], [sflag:s22] =	dma.local [hbm:s4], s20  }
0x9e: {  	_ =	swait.ge [sflag:s22], s20  }
0x9f: {  	s3 =	ssub.s32 $0x0, s20;
	[sflag:s22] =	ssyncset.done $0x0  }
0xa0: {  	[sflag:s22] =	ssyncadd.s32 s3;
	_ =	sdelay $0x1  }
0xa1: {  	s23 =	simm.s32 $0x1B8B  }
0xa2: {  	_ =	swait.ge [sflag:s23], $0x1  }
0xa3: {  	[sflag:s23] =	ssyncset.done $0x0  }
0xa4: {  	s25 =	simm.s32 $0x1B8E;
	s24 =	sld [smem:$0x3FFE];
	[sflag:s23] =	ssyncadd.s32 $0xFFFFFFFF  }
0xa5: {  	s26 =	simm.s32 $execute0_lowered;
	[smem:$0x3FD2] =	sst s25  }
0xa6: {  	s4 =	sshll.u32 s26, $0x1;
	_ =	strace $0x80000058;
	[dreg:$0x1] =	wrdreg $0xFFFFFFFF  }
0xa7: {  	s28 =	simm.s32 $_size_execute0_lowered;
	s2 =	sadd.s32 s2, s4;
	[dreg:$0x0] =	wrdreg $0x0  }
0xa8: {  	s4 =	sshll.u32 s28, $0x1;
	[dreg:$0x2] =	wrdreg s2  }
0xa9: {  	[dreg:$0x3] =	wrdreg s4  }
0xaa: {  	[dreg:$0x4] =	wrdreg $0xC0  }
0xab: {  	_ =	task [dreg:s6], $0x5FFFF  }
0xac: {  	[dreg:$0x1] =	wrdreg $0xFFFFFFFF  }
0xad: {  	[dreg:$0x0] =	wrdreg $0x60  }
0xae: {  	[dreg:$0x2] =	wrdreg s24  }
0xaf: {  	[dreg:$0x3] =	wrdreg $0x90000  }
0xb0: {  	[dreg:$0x4] =	wrdreg $0x9  }
0xb1: {  	_ =	task.clear_ibuf [dreg:s6], $0x5FFFF;
	_ =	strace $0x90000058  }
0xb2: {  	s29 =	simm.s32 $0x9;
	_ =	strace $0x8000005A  }
0xb3: {  	_ =	swait.ge [sflag:s29], $0x1  }
0xb4: {  	[sflag:s29] =	ssyncadd.s32 $0xFFFFFFFF  }
0xb5: {  	_ =	strace $0x9000005A  }
0xb6: {  	_ =	sfence  }
0xb7: {  	s30 =	sld [smem:$0x0];
	_ =	sdelay $0x2  }
0xb8: {  	s31 =	sshll.u32 s1, $0xD;
	s1 =	sshrl.u32 s1, $0x2  }
0xb9: {  	s3 =	sand.u32 $0x4000, s31;
	s1 =	sadd.s32 s1, s30  }
0xba: {  	s0 =	sor.u32 s3, s0;
	s1 =	sshll.u32 s1, $0x11  }
0xbb: {  	s0 =	sor.u32 s1, s0  }
0xbc: {  	s0 =	sadd.s32 $0x8F2B, s0  }
0xbd: {  	[sflag:s0] =	ssyncadd.remote.s32 $0x1  }
0xbe: {  	_ =	sfence.sel $0xFFFF  }
0xbf: {  	[dreg:$0x0] =	wrdreg $0xFFFFFFFF;
	(pc) =	sbr.abs _section_cstart, $3  }
0xc0: {  	[dreg:$0x1] =	wrdreg $0xFFFFFFFF  }
0xc1: {  	_ =	task.clear_ibuf [dreg:s6], $0x2FFFF;
	_ =	strace $0x9FFFFFFF  }
0xc2: {  	(tm) =	ssettm $0x7FFFFFFF  }
0xc3: {  	_ =	shalt  }
tec
execute0_lowered:
.L_overlay_start_1:
0x0: {  	(tag) =	ssettag $0x1  }
0x1: {  	s6 =	rddreg [dreg:$0x0]  }
0x2: {  	s0 =	srdreg.scid;
	s2 =	rddreg [dreg:$0x1]  }
0x3: {  	s3 =	simm.s32 $0x0;
	s14 =	simm.s32 $0x80;
	s15 =	simm.s32 $0x5000  }
0x4: {  	s16 =	simm.s32 $0x1;
	s5 =	sand.u32 $0x1, s0;
	s0 =	stileid.u32  }
0x5: {  	s17 =	simm.s32 $0x0;
	[smem:$0x7FF] =	sst s3;
	s8 =	smul.u32 $0x13C000, s5  }
0x6: {  	s4 =	sadd.s32 $0xBD800, s6;
	s1 =	sshll.u32 s5, $0x4;
	s9 =	smul.u32 $0x13C00, s0  }
0x7: {  	s30 =	ssub.s32 $0x2, s5;
	s11 =	smul.u32 $0x4F000, s0;
	s5 =	sadd.s32 $0x12800, s6  }
0x8: {  	s12 =	sshll.u32 s0, $0x6;
	s1 =	sor.u32 s0, s1;
	s10 =	sshrl.u32 s30, $0x1  }
0x9: {  	s12 =	sor.u32 $0x1C02, s12;
	s7 =	smul.u32 $0x500, s1;
	s1 =	rddreg [dreg:$0x2]  }
0xa: {  	_ =	strace $0x80000059;
	s8 =	sadd.s32 s9, s8;
	s9 =	ssub.s32 s30, s10  }
0xb: {  	s31 =	sshrl.u32 s11, $0x2;
	s10 =	simm.s32 $0x2;
	s11 =	simm.s32 $0x2800  }
0xc: {  	s8 =	sshrl.u32 s8, $0x3;
	s13 =	sadd.s32 s31, s2;
	s9 =	smax.u32 s9, $0x1  }
0xd: {  	s7 =	sadd.s32 s7, s6;
	s8 =	sadd.s32 s8, s6;
	s13 =	sshrl.u32 s13, $0x3  }
0xe: {  	s6 =	sadd.s32 $0x8800, s7;
	s7 =	sadd.s32 $0x64800, s7;
	s8 =	sadd.s32 $0xE5000, s8  }
.LBB2_1:
0xf: {  	[tilespmem:s3], [sflag:$0x2] =	stream.linear.gather [hbm4b:s6+s3], $0x2780, $0x38;
	[tilespmem:$0x1CC00] =	vst v63  }
0x10: {  	_ =	swait.ge [sflag:s10], $0x2780  }
0x11: {  	[sflag:s10] =	ssyncset.done $0x0  }
0x12: {  	[sflag:s10] =	ssyncadd.s32 $0xFFFFD880  }
0x13: {  	[tilespmem:s11], [sflag:$0x2] =	stream.linear.gather [hbm4b:s7+s3], $0x2780, $0x38;
	[tilespmem:$0x1CC00] =	vst v63  }
0x14: {  	_ =	swait.ge [sflag:s10], $0x2780  }
0x15: {  	[sflag:s10] =	ssyncset.done $0x0  }
0x16: {  	[sflag:s10] =	ssyncadd.s32 $0xFFFFD880  }
0x17: {  	[spmem:s13], [sflag:s12] =	dma.local [hbm:s5], $0x2780  }
0x18: {  	_ =	swait.ge [sflag:s10], $0x2780  }
0x19: {  	[sflag:s10] =	ssyncset.done $0x0  }
0x1a: {  	[sflag:s10] =	ssyncadd.s32 $0xFFFFD880  }
0x1b: {  	s18 =	simm.s32 $0x0;
	[bflag:$0x0] =	sbarrier.arrive $0xFFFF  }
0x1c: {  	[tilespmem:s15], [sflag:$0x1] =	stream.indirect.gather [hbm4b:s4+s14], $0x80, s18, s14, $0xb8;
	[tilespmem:$0x1CC00] =	vst v63  }
0x1d: {  	_ =	swait.ge [sflag:s16], $0x4000  }
0x1e: {  	[sflag:s16] =	ssyncset.done $0x0  }
0x1f: {  	s31 =	simm.s32 $0x2800;
	[sflag:s16] =	ssyncadd.s32 $0xFFFFC000  }
0x20: {  	[spmem:s2] =	stream.indirect.scatter.add.f32 [tilespmem:s15], [sflag:$0x2], $0x80, s31, s14, $0xb8;
	[tilespmem:$0x1CC00] =	vst v63  }
0x21: {  	_ =	swait.ge [sflag:s10], $0x4000  }
0x22: {  	s19 =	simm.s32 $0x400;
	s18 =	simm.s32 $0x200;
	[sflag:s10] =	ssyncset.done $0x0  }
.LBB2_2:
0x23: {  	s20 =	sshra.s32 s18, $0x2  }
0x24: {  	[sflag:s10] =	ssyncadd.s32 $0xFFFFC000;
	s18 =	smov.u32 s19;
	s21 =	sadd.s32 $0x200, s19  }
0x25: {  	[tilespmem:s15], [sflag:$0x1] =	stream.indirect.gather [hbm4b:s4+s14], $0x80, s20, s14, $0xb8;
	[tilespmem:$0x1CC00] =	vst v63  }
0x26: {  	p0 =	sne.s32 s19, $0x9C00;
	_ =	swait.ge [sflag:s16], $0x4000  }
.Ltmp0:
0x27: {  	[sflag:s16] =	ssyncset.done $0x0;
	(pc) =	sbr.rel @p0 .LBB2_2-.Ltmp0, $4  }
0x28: {  	s19 =	sadd.s32 $0x2800, s20;
	[sflag:s16] =	ssyncadd.s32 $0xFFFFC000  }
0x29: {  	[spmem:s2] =	stream.indirect.scatter.add.f32 [tilespmem:s15], [sflag:$0x2], $0x80, s19, s14, $0xb8;
	[tilespmem:$0x1CC00] =	vst v63  }
0x2a: {  	_ =	swait.ge [sflag:s10], $0x4000  }
0x2b: {  	s19 =	smov.u32 s21;
	[sflag:s10] =	ssyncset.done $0x0  }
0x2c: {  	s18 =	sshra.s32 s18, $0x2;
	[sflag:s10] =	ssyncadd.s32 $0xFFFFC000  }
0x2d: {  	[tilespmem:s15], [sflag:$0x1] =	stream.indirect.gather [hbm4b:s4+s14], $0x80, s18, s14, $0xb8;
	[tilespmem:$0x1CC00] =	vst v63  }
0x2e: {  	_ =	swait.ge [sflag:s16], $0x4000  }
0x2f: {  	[sflag:s16] =	ssyncset.done $0x0  }
0x30: {  	s18 =	sadd.s32 $0x2800, s18;
	[sflag:s16] =	ssyncadd.s32 $0xFFFFC000  }
0x31: {  	[spmem:s2] =	stream.indirect.scatter.add.f32 [tilespmem:s15], [sflag:$0x2], $0x80, s18, s14, $0xb8;
	[tilespmem:$0x1CC00] =	vst v63  }
0x32: {  	_ =	swait.ge [sflag:s10], $0x4000  }
0x33: {  	s17 =	sadd.s32 $0x1, s17;
	[sflag:s10] =	ssyncset.done $0x0  }
0x34: {  	p0 =	sne.s32 s17, s9;
	[sflag:s10] =	ssyncadd.s32 $0xFFFFC000  }
.Ltmp1:
0x35: {  	[bflag:$0x0] =	sbarrier.arrive $0xFFFF;
	(pc) =	sbr.rel @p0 .LBB2_1-.Ltmp1, $4  }
0x36: {  	[hbm:s8], [sflag:s12] =	dma.local [spmem:s13], $0x2780  }
0x37: {  	_ =	swait.ge [sflag:s10], $0x2780  }
0x38: {  	[sflag:s10] =	ssyncset.done $0x0  }
0x39: {  	[sflag:s10] =	ssyncadd.s32 $0xFFFFD880  }
0x3a: {  	_ =	sfence.sel $0x180000  }
0x3b: {  	[bflag:$0x0] =	sbarrier.arrive $0xFFFF  }
0x3c: {  	p0 =	sne.s32 s0, $0x0;
	_ =	strace $0x90000059  }
0x3d: {  	s0 =	sadd.s32 @!p0 $0x100000, s1;
	[bflag:$0x2] =	sbarrier.arrive $0xFFFF  }
0x3e: {  	[sflag:s0] =	ssyncadd.tile.s32 @!p0 $0x1;
	_ =	shalt  }
.Lfunc_end2:
_tile_overlayer_lowered:
.L_overlay_start_2:
0x3f: {  	(tag) =	ssettag $0x2  }
0x40: {  	s0 =	rddreg [dreg:$0x0];
	s2 =	stileid.u32  }
0x41: {  	s1 =	rddreg [dreg:$0x1];
	p0 =	sne.s32 s2, $0x0  }
0x42: {  	s3 =	rddreg [dreg:$0x2];
	[bflag:$0x3] =	sbarrier.arrive $0xFFFF;
	s2 =	simm.s32 @!p0 $0x1C02  }
0x43: {  	[timem:s3], [sflag:s2] =	dma.local @!p0 [hbm:s0], s1  }
0x44: {  	s0 =	simm.s32 @!p0 $0x2  }
0x45: {  	_ =	swait.ge @!p0 [sflag:s0], s1  }
0x46: {  	s1 =	ssub.s32 @!p0 $0x0, s1;
	[sflag:s0] =	ssyncset.done @!p0 $0x0  }
0x47: {  	[sflag:s0] =	ssyncadd.s32 @!p0 s1  }
0x48: {  	[bflag:$0x3] =	sbarrier.arrive $0xFFFF  }
0x49: {  	_ =	shalt  }

// kernel: kernel.48.cloned.1.call-start
scs
__scs_entry_jumppad:
0x0: {  	(pc) =	sbr.rel $0x88, $3  }
0x1: {  	(tag) =	ssettag $0x0;
	lr =	simm.s32 $0x1  }
0x2: {  	[smem:$0x3F9A] =	sst lr;
	_ =	strace $0xD0000000  }
0x3: {  	_ = 	snop  }
0x4: {  	_ = 	snop  }
0x5: {  	_ = 	snop  }
0x6: {  	_ = 	snop  }
0x7: {  	_ = 	snop  }
__scs_overlays_trampoline_lowered:
0x8: {  	[smem:$0x3FA9] =	sst s0  }
0x9: {  	[smem:$0x3FAA] =	sst s1  }
0xa: {  	[smem:$0x3FAB] =	sst s2  }
0xb: {  	[smem:$0x3FAC] =	sst s3  }
0xc: {  	[smem:$0x3FAD] =	sst s4  }
0xd: {  	[smem:$0x3FAE] =	sst s5  }
0xe: {  	[smem:$0x3FAF] =	sst s6  }
0xf: {  	[smem:$0x3FB0] =	sst s7  }
0x10: {  	[smem:$0x3FB1] =	sst s8  }
0x11: {  	[smem:$0x3FB2] =	sst s9;
	s0 =	simm.s32 @!p0 $0x0  }
0x12: {  	s1 =	sld [smem:$0x3F98];
	s0 =	simm.s32 @p0 $0x1  }
0x13: {  	[smem:$0x3FB3] =	sst s0;
	s0 =	simm.s32 @!p1 $0x0  }
0x14: {  	s2 =	sld [smem:$0x3F97];
	s0 =	simm.s32 @p1 $0x1  }
0x15: {  	[smem:$0x3FB4] =	sst s0;
	s0 =	simm.s32 @!p2 $0x0  }
0x16: {  	s3 =	sld [smem:$0x3FDB];
	s0 =	simm.s32 @p2 $0x1  }
0x17: {  	s4 =	simm.s32 $0x1BF5;
	[smem:$0x3FB6] =	sst s0  }
0x18: {  	s0 =	sld [smem:$0x3F99];
	_ =	swait.ge [sflag:s4], $0x0  }
0x19: {  	s7 =	sld [smem:$0x3F9A]  }
0x1a: {  	s8 =	sadd.s32 $0xFFFFE003, lr  }
0x1b: {  	s9 =	sadd.s32 $0xFFFFFEF7, lr;
	s5 =	simm.s32 $0xFFFFFFFF;
	p2 =	slt.u32 s8, $0xFFFFF086  }
0x1c: {  	p1 =	slt.u32 s9, $0xF7A;
	s5 =	simm.s32 @!p2 $0x0  }
0x1d: {  	s5 =	simm.s32 @p1 $0x1;
	p0 =	seq.s32 s7, s2  }
0x1e: {  	s7 =	smul.u32 @!p0 $0xF7A, s2;
	p2 =	seq.s32 @!p0 s5, $0x0  }
0x1f: {  	s9 =	smul.u32 $0xF7A, s1;
	s8 =	simm.s32 @!p0 $0x1BF5;
	p2 =	por !p2, p0  }
0x20: {  	[sflag:s8] =	ssyncset.s32 @!p0 $0xFFFFF086;
	s6 =	sadd.s32 @!p0 s3, s7;
	s7 =	simm.s32 @!p0 $0x108  }
0x21: {  	s3 =	sadd.s32 s3, s9;
	s6 =	sadd.s32 @!p0 $0x88, s6;
	s7 =	simm.s32 @p2 $0x1082  }
0x22: {  	[simem:s7], [sflag:s8] =	dma.local @!p0 [hbm:s6], $0xF7A  }
0x23: {  	s9 =	sor.u32 $0xD0000000, s2;
	s6 =	simm.s32 $0x108;
	_ =	swait.ge @!p0 [sflag:s8], $0x0  }
0x24: {  	s3 =	sadd.s32 $0x88, s3;
	s6 =	simm.s32 @!p1 $0x1082;
	[sflag:s4] =	ssyncset.s32 $0xFFFFF086  }
0x25: {  	[simem:s6], [sflag:s4] =	dma.local [hbm:s3], $0xF7A  }
0x26: {  	[smem:$0x3F9A] =	sst s1;
	(tag) =	ssettag s2;
	_ =	strace s9  }
0x27: {  	s1 =	sld [smem:$0x3FAA]  }
0x28: {  	s2 =	sld [smem:$0x3FAB]  }
0x29: {  	s4 =	sld [smem:$0x3FAD]  }
0x2a: {  	p0 =	seq.s32 s5, $0x0;
	s5 =	sld [smem:$0x3FAE]  }
0x2b: {  	s6 =	sld [smem:$0x3FAF]  }
0x2c: {  	s7 =	sld [smem:$0x3FB0]  }
0x2d: {  	s3 =	simm.s32 $0x108;
	s8 =	sld [smem:$0x3FB1]  }
0x2e: {  	s3 =	simm.s32 @!p0 $0x1082;
	s9 =	sld [smem:$0x3FB2]  }
0x2f: {  	lr =	sadd.s32 s0, s3;
	s0 =	sld [smem:$0x3FA9]  }
0x30: {  	s3 =	sld [smem:$0x3FAC]  }
0x31: {  	[smem:$0x3FB5] =	sst s10  }
0x32: {  	s10 =	sld [smem:$0x3FB3];
	_ =	sdelay $0x3  }
0x33: {  	p0 =	seq.s32 s10, $0x1;
	s10 =	sld [smem:$0x3FB5];
	_ =	sdelay $0x3  }
0x34: {  	[smem:$0x3FB5] =	sst s10  }
0x35: {  	s10 =	sld [smem:$0x3FB4];
	_ =	sdelay $0x3  }
0x36: {  	p1 =	seq.s32 s10, $0x1;
	s10 =	sld [smem:$0x3FB5];
	_ =	sdelay $0x3  }
0x37: {  	[smem:$0x3FB5] =	sst s10  }
0x38: {  	s10 =	sld [smem:$0x3FB6]  }
0x39: {  	_ = 	snop;
	(pc) =	sbr.ind lr, $3  }
0x3a: {  	_ = 	snop  }
0x3b: {  	_ = 	snop  }
0x3c: {  	p2 =	seq.s32 s10, $0x1;
	s10 =	sld [smem:$0x3FB5]  }
0x3d: {  	_ =	shalt  }
0x3e: {  	_ =	shalt  }
0x3f: {  	_ =	shalt  }
0x40: {  	_ =	shalt  }
0x41: {  	_ =	shalt  }
0x42: {  	_ =	shalt  }
0x43: {  	_ =	shalt  }
0x44: {  	_ =	shalt  }
0x45: {  	_ =	shalt  }
0x46: {  	_ =	shalt  }
0x47: {  	_ =	shalt  }
0x48: {  	_ =	shalt  }
0x49: {  	_ =	shalt  }
0x4a: {  	_ =	shalt  }
0x4b: {  	_ =	shalt  }
0x4c: {  	_ =	shalt  }
0x4d: {  	_ =	shalt  }
0x4e: {  	_ =	shalt  }
0x4f: {  	_ =	shalt  }
0x50: {  	_ =	shalt  }
0x51: {  	_ =	shalt  }
0x52: {  	_ =	shalt  }
0x53: {  	_ =	shalt  }
0x54: {  	_ =	shalt  }
0x55: {  	_ =	shalt  }
0x56: {  	_ =	shalt  }
0x57: {  	_ =	shalt  }
0x58: {  	_ =	shalt  }
0x59: {  	_ =	shalt  }
0x5a: {  	_ =	shalt  }
0x5b: {  	_ =	shalt  }
0x5c: {  	_ =	shalt  }
0x5d: {  	_ =	shalt  }
0x5e: {  	_ =	shalt  }
0x5f: {  	_ =	shalt  }
0x60: {  	_ =	shalt  }
0x61: {  	_ =	shalt  }
0x62: {  	_ =	shalt  }
0x63: {  	_ =	shalt  }
0x64: {  	_ =	shalt  }
0x65: {  	_ =	shalt  }
0x66: {  	_ =	shalt  }
0x67: {  	_ =	shalt  }
0x68: {  	_ =	shalt  }
0x69: {  	_ =	shalt  }
0x6a: {  	_ =	shalt  }
0x6b: {  	_ =	shalt  }
0x6c: {  	_ =	shalt  }
0x6d: {  	_ =	shalt  }
0x6e: {  	_ =	shalt  }
0x6f: {  	_ =	shalt  }
0x70: {  	_ =	shalt  }
0x71: {  	_ =	shalt  }
0x72: {  	_ =	shalt  }
0x73: {  	_ =	shalt  }
0x74: {  	_ =	shalt  }
0x75: {  	_ =	shalt  }
0x76: {  	_ =	shalt  }
0x77: {  	_ =	shalt  }
0x78: {  	_ =	shalt  }
0x79: {  	_ =	shalt  }
0x7a: {  	_ =	shalt  }
0x7b: {  	_ =	shalt  }
0x7c: {  	_ =	shalt  }
0x7d: {  	_ =	shalt  }
0x7e: {  	_ =	shalt  }
0x7f: {  	_ =	shalt  }
0x80: {  	_ =	shalt  }
0x81: {  	_ =	shalt  }
0x82: {  	_ =	shalt  }
0x83: {  	_ =	shalt  }
0x84: {  	_ =	shalt  }
0x85: {  	_ =	shalt  }
0x86: {  	_ =	shalt  }
0x87: {  	_ =	shalt  }
.Lfunc_end0:
.L_simem_size_0:
called_computation.7_lowered:
.L_overlay_start_0:
0x88: {  	s2 =	sld [smem:$0x3FD9]  }
0x89: {  	s3 =	sld [smem:$0x3FFE];
	_ =	sdelay $0x1  }
0x8a: {  	s1 =	srdreg.scid  }
0x8b: {  	s0 =	sand.u32 $0x1, s1  }
0x8c: {  	s16 =	sshll.u32 s0, $0xA;
	s2 =	sadd.s32 s3, s2  }
0x8d: {  	s2 =	sadd.s32 s2, s16  }
0x8e: {  	[smem:$0x3FC1] =	sst s2  }
0x8f: {  	_ = 	snop  }
0x90: {  	(tm) =	ssettm $0x1  }
0x91: {  	s17 =	sld [smem:$0x3FFB];
	_ =	sdelay $0x3  }
0x92: {  	_ =	strace s17  }
0x93: {  	s2 =	sld [smem:$0x3FFC];
	_ =	sdelay $0x3  }
0x94: {  	_ =	strace s2  }
0x95: {  	s2 =	sld [smem:$0x3FFD];
	_ =	sdelay $0x3  }
0x96: {  	_ =	strace s2  }
0x97: {  	_ =	strace $0x8FFFFFFF  }
0x98: {  	s18 =	sld [smem:$0x3FDB];
	_ =	sdelay $0x1  }
0x99: {  	s19 =	simm.s32 $_scs_section_size  }
0x9a: {  	s4 =	simm.s32 $_size__tile_overlayer_lowered;
	s5 =	simm.s32 $_tile_overlayer_lowered  }
0x9b: {  	s22 =	simm.s32 $0x1BFF;
	s21 =	sshll.u32 s5, $0x1;
	s2 =	sadd.s32 s19, s18  }
0x9c: {  	s6 =	simm.s32 $0x0;
	s20 =	sshll.u32 s4, $0x1;
	s4 =	sadd.s32 s21, s2  }
0x9d: {  	[timem:s6], [sflag:s22] =	dma.local [hbm:s4], s20  }
0x9e: {  	_ =	swait.ge [sflag:s22], s20  }
0x9f: {  	s3 =	ssub.s32 $0x0, s20;
	[sflag:s22] =	ssyncset.done $0x0  }
0xa0: {  	[sflag:s22] =	ssyncadd.s32 s3;
	_ =	sdelay $0x1  }
0xa1: {  	s23 =	simm.s32 $0x1B8B  }
0xa2: {  	_ =	swait.ge [sflag:s23], $0x1  }
0xa3: {  	[sflag:s23] =	ssyncset.done $0x0  }
0xa4: {  	s25 =	simm.s32 $0x1B8E;
	s24 =	sld [smem:$0x3FFE];
	[sflag:s23] =	ssyncadd.s32 $0xFFFFFFFF  }
0xa5: {  	s26 =	simm.s32 $execute0_lowered;
	[smem:$0x3FD2] =	sst s25  }
0xa6: {  	s4 =	sshll.u32 s26, $0x1;
	_ =	strace $0x8000005B;
	[dreg:$0x1] =	wrdreg $0xFFFFFFFF  }
0xa7: {  	s28 =	simm.s32 $_size_execute0_lowered;
	s2 =	sadd.s32 s2, s4;
	[dreg:$0x0] =	wrdreg $0x0  }
0xa8: {  	s4 =	sshll.u32 s28, $0x1;
	[dreg:$0x2] =	wrdreg s2  }
0xa9: {  	[dreg:$0x3] =	wrdreg s4  }
0xaa: {  	[dreg:$0x4] =	wrdreg $0xC0  }
0xab: {  	_ =	task [dreg:s6], $0x5FFFF  }
0xac: {  	[dreg:$0x1] =	wrdreg $0xFFFFFFFF  }
0xad: {  	[dreg:$0x0] =	wrdreg $0x60  }
0xae: {  	[dreg:$0x2] =	wrdreg s24  }
0xaf: {  	[dreg:$0x3] =	wrdreg $0x90000  }
0xb0: {  	[dreg:$0x4] =	wrdreg $0x9  }
0xb1: {  	_ =	task.clear_ibuf [dreg:s6], $0x5FFFF;
	_ =	strace $0x9000005B  }
0xb2: {  	s29 =	simm.s32 $0x9;
	_ =	strace $0x8000005D  }
0xb3: {  	_ =	swait.ge [sflag:s29], $0x1  }
0xb4: {  	[sflag:s29] =	ssyncadd.s32 $0xFFFFFFFF  }
0xb5: {  	_ =	strace $0x9000005D  }
0xb6: {  	_ =	sfence  }
0xb7: {  	s30 =	sld [smem:$0x0];
	_ =	sdelay $0x2  }
0xb8: {  	s31 =	sshll.u32 s1, $0xD;
	s1 =	sshrl.u32 s1, $0x2  }
0xb9: {  	s3 =	sand.u32 $0x4000, s31;
	s1 =	sadd.s32 s1, s30  }
0xba: {  	s0 =	sor.u32 s3, s0;
	s1 =	sshll.u32 s1, $0x11  }
0xbb: {  	s0 =	sor.u32 s1, s0  }
0xbc: {  	s0 =	sadd.s32 $0x8F2B, s0  }
0xbd: {  	[sflag:s0] =	ssyncadd.remote.s32 $0x1  }
0xbe: {  	_ =	sfence.sel $0xFFFF  }
0xbf: {  	[dreg:$0x0] =	wrdreg $0xFFFFFFFF;
	(pc) =	sbr.abs _section_cstart, $3  }
0xc0: {  	[dreg:$0x1] =	wrdreg $0xFFFFFFFF  }
0xc1: {  	_ =	task.clear_ibuf [dreg:s6], $0x2FFFF;
	_ =	strace $0x9FFFFFFF  }
0xc2: {  	(tm) =	ssettm $0x7FFFFFFF  }
0xc3: {  	_ =	shalt  }
tec
execute0_lowered:
.L_overlay_start_1:
0x0: {  	(tag) =	ssettag $0x1  }
0x1: {  	s6 =	rddreg [dreg:$0x0]  }
0x2: {  	s0 =	srdreg.scid;
	s2 =	rddreg [dreg:$0x1]  }
0x3: {  	s3 =	simm.s32 $0x0;
	s14 =	simm.s32 $0x80;
	s15 =	simm.s32 $0x5000  }
0x4: {  	s16 =	simm.s32 $0x1;
	s5 =	sand.u32 $0x1, s0;
	s0 =	stileid.u32  }
0x5: {  	s17 =	simm.s32 $0x0;
	[smem:$0x7FF] =	sst s3;
	s8 =	smul.u32 $0x13C000, s5  }
0x6: {  	s4 =	sadd.s32 $0xBD800, s6;
	s1 =	sshll.u32 s5, $0x4;
	s9 =	smul.u32 $0x13C00, s0  }
0x7: {  	s30 =	ssub.s32 $0x2, s5;
	s11 =	smul.u32 $0x4F000, s0;
	s5 =	sadd.s32 $0x12800, s6  }
0x8: {  	s12 =	sshll.u32 s0, $0x6;
	s1 =	sor.u32 s0, s1;
	s10 =	sshrl.u32 s30, $0x1  }
0x9: {  	s12 =	sor.u32 $0x1C02, s12;
	s7 =	smul.u32 $0x500, s1;
	s1 =	rddreg [dreg:$0x2]  }
0xa: {  	_ =	strace $0x8000005C;
	s8 =	sadd.s32 s9, s8;
	s9 =	ssub.s32 s30, s10  }
0xb: {  	s31 =	sshrl.u32 s11, $0x2;
	s10 =	simm.s32 $0x2;
	s11 =	simm.s32 $0x2800  }
0xc: {  	s8 =	sshrl.u32 s8, $0x3;
	s13 =	sadd.s32 s31, s2;
	s9 =	smax.u32 s9, $0x1  }
0xd: {  	s7 =	sadd.s32 s7, s6;
	s8 =	sadd.s32 s8, s6;
	s13 =	sshrl.u32 s13, $0x3  }
0xe: {  	s6 =	sadd.s32 $0x8800, s7;
	s7 =	sadd.s32 $0x64800, s7;
	s8 =	sadd.s32 $0xE5000, s8  }
.LBB2_1:
0xf: {  	[tilespmem:s3], [sflag:$0x2] =	stream.linear.gather [hbm4b:s6+s3], $0x2780, $0x38;
	[tilespmem:$0x1CC00] =	vst v63  }
0x10: {  	_ =	swait.ge [sflag:s10], $0x2780  }
0x11: {  	[sflag:s10] =	ssyncset.done $0x0  }
0x12: {  	[sflag:s10] =	ssyncadd.s32 $0xFFFFD880  }
0x13: {  	[tilespmem:s11], [sflag:$0x2] =	stream.linear.gather [hbm4b:s7+s3], $0x2780, $0x38;
	[tilespmem:$0x1CC00] =	vst v63  }
0x14: {  	_ =	swait.ge [sflag:s10], $0x2780  }
0x15: {  	[sflag:s10] =	ssyncset.done $0x0  }
0x16: {  	[sflag:s10] =	ssyncadd.s32 $0xFFFFD880  }
0x17: {  	[spmem:s13], [sflag:s12] =	dma.local [hbm:s5], $0x2780  }
0x18: {  	_ =	swait.ge [sflag:s10], $0x2780  }
0x19: {  	[sflag:s10] =	ssyncset.done $0x0  }
0x1a: {  	[sflag:s10] =	ssyncadd.s32 $0xFFFFD880  }
0x1b: {  	s18 =	simm.s32 $0x0;
	[bflag:$0x0] =	sbarrier.arrive $0xFFFF  }
0x1c: {  	[tilespmem:s15], [sflag:$0x1] =	stream.indirect.gather [hbm4b:s4+s14], $0x80, s18, s14, $0xb8;
	[tilespmem:$0x1CC00] =	vst v63  }
0x1d: {  	_ =	swait.ge [sflag:s16], $0x4000  }
0x1e: {  	[sflag:s16] =	ssyncset.done $0x0  }
0x1f: {  	s31 =	simm.s32 $0x2800;
	[sflag:s16] =	ssyncadd.s32 $0xFFFFC000  }
0x20: {  	[spmem:s2] =	stream.indirect.scatter.add.f32 [tilespmem:s15], [sflag:$0x2], $0x80, s31, s14, $0xb8;
	[tilespmem:$0x1CC00] =	vst v63  }
0x21: {  	_ =	swait.ge [sflag:s10], $0x4000  }
0x22: {  	s19 =	simm.s32 $0x400;
	s18 =	simm.s32 $0x200;
	[sflag:s10] =	ssyncset.done $0x0  }
.LBB2_2:
0x23: {  	s20 =	sshra.s32 s18, $0x2  }
0x24: {  	[sflag:s10] =	ssyncadd.s32 $0xFFFFC000;
	s18 =	smov.u32 s19;
	s21 =	sadd.s32 $0x200, s19  }
0x25: {  	[tilespmem:s15], [sflag:$0x1] =	stream.indirect.gather [hbm4b:s4+s14], $0x80, s20, s14, $0xb8;
	[tilespmem:$0x1CC00] =	vst v63  }
0x26: {  	p0 =	sne.s32 s19, $0x9C00;
	_ =	swait.ge [sflag:s16], $0x4000  }
.Ltmp0:
0x27: {  	[sflag:s16] =	ssyncset.done $0x0;
	(pc) =	sbr.rel @p0 .LBB2_2-.Ltmp0, $4  }
0x28: {  	s19 =	sadd.s32 $0x2800, s20;
	[sflag:s16] =	ssyncadd.s32 $0xFFFFC000  }
0x29: {  	[spmem:s2] =	stream.indirect.scatter.add.f32 [tilespmem:s15], [sflag:$0x2], $0x80, s19, s14, $0xb8;
	[tilespmem:$0x1CC00] =	vst v63  }
0x2a: {  	_ =	swait.ge [sflag:s10], $0x4000  }
0x2b: {  	s19 =	smov.u32 s21;
	[sflag:s10] =	ssyncset.done $0x0  }
0x2c: {  	s18 =	sshra.s32 s18, $0x2;
	[sflag:s10] =	ssyncadd.s32 $0xFFFFC000  }
0x2d: {  	[tilespmem:s15], [sflag:$0x1] =	stream.indirect.gather [hbm4b:s4+s14], $0x80, s18, s14, $0xb8;
	[tilespmem:$0x1CC00] =	vst v63  }
0x2e: {  	_ =	swait.ge [sflag:s16], $0x4000  }
0x2f: {  	[sflag:s16] =	ssyncset.done $0x0  }
0x30: {  	s18 =	sadd.s32 $0x2800, s18;
	[sflag:s16] =	ssyncadd.s32 $0xFFFFC000  }
0x31: {  	[spmem:s2] =	stream.indirect.scatter.add.f32 [tilespmem:s15], [sflag:$0x2], $0x80, s18, s14, $0xb8;
	[tilespmem:$0x1CC00] =	vst v63  }
0x32: {  	_ =	swait.ge [sflag:s10], $0x4000  }
0x33: {  	s17 =	sadd.s32 $0x1, s17;
	[sflag:s10] =	ssyncset.done $0x0  }
0x34: {  	p0 =	sne.s32 s17, s9;
	[sflag:s10] =	ssyncadd.s32 $0xFFFFC000  }
.Ltmp1:
0x35: {  	[bflag:$0x0] =	sbarrier.arrive $0xFFFF;
	(pc) =	sbr.rel @p0 .LBB2_1-.Ltmp1, $4  }
0x36: {  	[hbm:s8], [sflag:s12] =	dma.local [spmem:s13], $0x2780  }
0x37: {  	_ =	swait.ge [sflag:s10], $0x2780  }
0x38: {  	[sflag:s10] =	ssyncset.done $0x0  }
0x39: {  	[sflag:s10] =	ssyncadd.s32 $0xFFFFD880  }
0x3a: {  	_ =	sfence.sel $0x180000  }
0x3b: {  	[bflag:$0x0] =	sbarrier.arrive $0xFFFF  }
0x3c: {  	p0 =	sne.s32 s0, $0x0;
	_ =	strace $0x9000005C  }
0x3d: {  	s0 =	sadd.s32 @!p0 $0x100000, s1;
	[bflag:$0x2] =	sbarrier.arrive $0xFFFF  }
0x3e: {  	[sflag:s0] =	ssyncadd.tile.s32 @!p0 $0x1;
	_ =	shalt  }
.Lfunc_end2:
_tile_overlayer_lowered:
.L_overlay_start_2:
0x3f: {  	(tag) =	ssettag $0x2  }
0x40: {  	s0 =	rddreg [dreg:$0x0];
	s2 =	stileid.u32  }
0x41: {  	s1 =	rddreg [dreg:$0x1];
	p0 =	sne.s32 s2, $0x0  }
0x42: {  	s3 =	rddreg [dreg:$0x2];
	[bflag:$0x3] =	sbarrier.arrive $0xFFFF;
	s2 =	simm.s32 @!p0 $0x1C02  }
0x43: {  	[timem:s3], [sflag:s2] =	dma.local @!p0 [hbm:s0], s1  }
0x44: {  	s0 =	simm.s32 @!p0 $0x2  }
0x45: {  	_ =	swait.ge @!p0 [sflag:s0], s1  }
0x46: {  	s1 =	ssub.s32 @!p0 $0x0, s1;
	[sflag:s0] =	ssyncset.done @!p0 $0x0  }
0x47: {  	[sflag:s0] =	ssyncadd.s32 @!p0 s1  }
0x48: {  	[bflag:$0x3] =	sbarrier.arrive $0xFFFF  }
0x49: {  	_ =	shalt  }

// kernel: kernel.51.cloned.1.call-start
scs
__scs_entry_jumppad:
0x0: {  	(pc) =	sbr.rel $0x88, $3  }
0x1: {  	(tag) =	ssettag $0x0;
	lr =	simm.s32 $0x1  }
0x2: {  	[smem:$0x3F9A] =	sst lr;
	_ =	strace $0xD0000000  }
0x3: {  	_ = 	snop  }
0x4: {  	_ = 	snop  }
0x5: {  	_ = 	snop  }
0x6: {  	_ = 	snop  }
0x7: {  	_ = 	snop  }
__scs_overlays_trampoline_lowered:
0x8: {  	[smem:$0x3FA9] =	sst s0  }
0x9: {  	[smem:$0x3FAA] =	sst s1  }
0xa: {  	[smem:$0x3FAB] =	sst s2  }
0xb: {  	[smem:$0x3FAC] =	sst s3  }
0xc: {  	[smem:$0x3FAD] =	sst s4  }
0xd: {  	[smem:$0x3FAE] =	sst s5  }
0xe: {  	[smem:$0x3FAF] =	sst s6  }
0xf: {  	[smem:$0x3FB0] =	sst s7  }
0x10: {  	[smem:$0x3FB1] =	sst s8  }
0x11: {  	[smem:$0x3FB2] =	sst s9;
	s0 =	simm.s32 @!p0 $0x0  }
0x12: {  	s1 =	sld [smem:$0x3F98];
	s0 =	simm.s32 @p0 $0x1  }
0x13: {  	[smem:$0x3FB3] =	sst s0;
	s0 =	simm.s32 @!p1 $0x0  }
0x14: {  	s2 =	sld [smem:$0x3F97];
	s0 =	simm.s32 @p1 $0x1  }
0x15: {  	[smem:$0x3FB4] =	sst s0;
	s0 =	simm.s32 @!p2 $0x0  }
0x16: {  	s3 =	sld [smem:$0x3FDB];
	s0 =	simm.s32 @p2 $0x1  }
0x17: {  	s4 =	simm.s32 $0x1BF5;
	[smem:$0x3FB6] =	sst s0  }
0x18: {  	s0 =	sld [smem:$0x3F99];
	_ =	swait.ge [sflag:s4], $0x0  }
0x19: {  	s7 =	sld [smem:$0x3F9A]  }
0x1a: {  	s8 =	sadd.s32 $0xFFFFE003, lr  }
0x1b: {  	s9 =	sadd.s32 $0xFFFFFEF7, lr;
	s5 =	simm.s32 $0xFFFFFFFF;
	p2 =	slt.u32 s8, $0xFFFFF086  }
0x1c: {  	p1 =	slt.u32 s9, $0xF7A;
	s5 =	simm.s32 @!p2 $0x0  }
0x1d: {  	s5 =	simm.s32 @p1 $0x1;
	p0 =	seq.s32 s7, s2  }
0x1e: {  	s7 =	smul.u32 @!p0 $0xF7A, s2;
	p2 =	seq.s32 @!p0 s5, $0x0  }
0x1f: {  	s9 =	smul.u32 $0xF7A, s1;
	s8 =	simm.s32 @!p0 $0x1BF5;
	p2 =	por !p2, p0  }
0x20: {  	[sflag:s8] =	ssyncset.s32 @!p0 $0xFFFFF086;
	s6 =	sadd.s32 @!p0 s3, s7;
	s7 =	simm.s32 @!p0 $0x108  }
0x21: {  	s3 =	sadd.s32 s3, s9;
	s6 =	sadd.s32 @!p0 $0x88, s6;
	s7 =	simm.s32 @p2 $0x1082  }
0x22: {  	[simem:s7], [sflag:s8] =	dma.local @!p0 [hbm:s6], $0xF7A  }
0x23: {  	s9 =	sor.u32 $0xD0000000, s2;
	s6 =	simm.s32 $0x108;
	_ =	swait.ge @!p0 [sflag:s8], $0x0  }
0x24: {  	s3 =	sadd.s32 $0x88, s3;
	s6 =	simm.s32 @!p1 $0x1082;
	[sflag:s4] =	ssyncset.s32 $0xFFFFF086  }
0x25: {  	[simem:s6], [sflag:s4] =	dma.local [hbm:s3], $0xF7A  }
0x26: {  	[smem:$0x3F9A] =	sst s1;
	(tag) =	ssettag s2;
	_ =	strace s9  }
0x27: {  	s1 =	sld [smem:$0x3FAA]  }
0x28: {  	s2 =	sld [smem:$0x3FAB]  }
0x29: {  	s4 =	sld [smem:$0x3FAD]  }
0x2a: {  	p0 =	seq.s32 s5, $0x0;
	s5 =	sld [smem:$0x3FAE]  }
0x2b: {  	s6 =	sld [smem:$0x3FAF]  }
0x2c: {  	s7 =	sld [smem:$0x3FB0]  }
0x2d: {  	s3 =	simm.s32 $0x108;
	s8 =	sld [smem:$0x3FB1]  }
0x2e: {  	s3 =	simm.s32 @!p0 $0x1082;
	s9 =	sld [smem:$0x3FB2]  }
0x2f: {  	lr =	sadd.s32 s0, s3;
	s0 =	sld [smem:$0x3FA9]  }
0x30: {  	s3 =	sld [smem:$0x3FAC]  }
0x31: {  	[smem:$0x3FB5] =	sst s10  }
0x32: {  	s10 =	sld [smem:$0x3FB3];
	_ =	sdelay $0x3  }
0x33: {  	p0 =	seq.s32 s10, $0x1;
	s10 =	sld [smem:$0x3FB5];
	_ =	sdelay $0x3  }
0x34: {  	[smem:$0x3FB5] =	sst s10  }
0x35: {  	s10 =	sld [smem:$0x3FB4];
	_ =	sdelay $0x3  }
0x36: {  	p1 =	seq.s32 s10, $0x1;
	s10 =	sld [smem:$0x3FB5];
	_ =	sdelay $0x3  }
0x37: {  	[smem:$0x3FB5] =	sst s10  }
0x38: {  	s10 =	sld [smem:$0x3FB6]  }
0x39: {  	_ = 	snop;
	(pc) =	sbr.ind lr, $3  }
0x3a: {  	_ = 	snop  }
0x3b: {  	_ = 	snop  }
0x3c: {  	p2 =	seq.s32 s10, $0x1;
	s10 =	sld [smem:$0x3FB5]  }
0x3d: {  	_ =	shalt  }
0x3e: {  	_ =	shalt  }
0x3f: {  	_ =	shalt  }
0x40: {  	_ =	shalt  }
0x41: {  	_ =	shalt  }
0x42: {  	_ =	shalt  }
0x43: {  	_ =	shalt  }
0x44: {  	_ =	shalt  }
0x45: {  	_ =	shalt  }
0x46: {  	_ =	shalt  }
0x47: {  	_ =	shalt  }
0x48: {  	_ =	shalt  }
0x49: {  	_ =	shalt  }
0x4a: {  	_ =	shalt  }
0x4b: {  	_ =	shalt  }
0x4c: {  	_ =	shalt  }
0x4d: {  	_ =	shalt  }
0x4e: {  	_ =	shalt  }
0x4f: {  	_ =	shalt  }
0x50: {  	_ =	shalt  }
0x51: {  	_ =	shalt  }
0x52: {  	_ =	shalt  }
0x53: {  	_ =	shalt  }
0x54: {  	_ =	shalt  }
0x55: {  	_ =	shalt  }
0x56: {  	_ =	shalt  }
0x57: {  	_ =	shalt  }
0x58: {  	_ =	shalt  }
0x59: {  	_ =	shalt  }
0x5a: {  	_ =	shalt  }
0x5b: {  	_ =	shalt  }
0x5c: {  	_ =	shalt  }
0x5d: {  	_ =	shalt  }
0x5e: {  	_ =	shalt  }
0x5f: {  	_ =	shalt  }
0x60: {  	_ =	shalt  }
0x61: {  	_ =	shalt  }
0x62: {  	_ =	shalt  }
0x63: {  	_ =	shalt  }
0x64: {  	_ =	shalt  }
0x65: {  	_ =	shalt  }
0x66: {  	_ =	shalt  }
0x67: {  	_ =	shalt  }
0x68: {  	_ =	shalt  }
0x69: {  	_ =	shalt  }
0x6a: {  	_ =	shalt  }
0x6b: {  	_ =	shalt  }
0x6c: {  	_ =	shalt  }
0x6d: {  	_ =	shalt  }
0x6e: {  	_ =	shalt  }
0x6f: {  	_ =	shalt  }
0x70: {  	_ =	shalt  }
0x71: {  	_ =	shalt  }
0x72: {  	_ =	shalt  }
0x73: {  	_ =	shalt  }
0x74: {  	_ =	shalt  }
0x75: {  	_ =	shalt  }
0x76: {  	_ =	shalt  }
0x77: {  	_ =	shalt  }
0x78: {  	_ =	shalt  }
0x79: {  	_ =	shalt  }
0x7a: {  	_ =	shalt  }
0x7b: {  	_ =	shalt  }
0x7c: {  	_ =	shalt  }
0x7d: {  	_ =	shalt  }
0x7e: {  	_ =	shalt  }
0x7f: {  	_ =	shalt  }
0x80: {  	_ =	shalt  }
0x81: {  	_ =	shalt  }
0x82: {  	_ =	shalt  }
0x83: {  	_ =	shalt  }
0x84: {  	_ =	shalt  }
0x85: {  	_ =	shalt  }
0x86: {  	_ =	shalt  }
0x87: {  	_ =	shalt  }
.Lfunc_end0:
.L_simem_size_0:
called_computation.8_lowered:
.L_overlay_start_0:
0x88: {  	s2 =	sld [smem:$0x3FD9]  }
0x89: {  	s3 =	sld [smem:$0x3FFE];
	_ =	sdelay $0x1  }
0x8a: {  	s1 =	srdreg.scid  }
0x8b: {  	s0 =	sand.u32 $0x1, s1  }
0x8c: {  	s16 =	sshll.u32 s0, $0xA;
	s2 =	sadd.s32 s3, s2  }
0x8d: {  	s2 =	sadd.s32 s2, s16  }
0x8e: {  	[smem:$0x3FC1] =	sst s2  }
0x8f: {  	_ = 	snop  }
0x90: {  	(tm) =	ssettm $0x1  }
0x91: {  	s17 =	sld [smem:$0x3FFB];
	_ =	sdelay $0x3  }
0x92: {  	_ =	strace s17  }
0x93: {  	s2 =	sld [smem:$0x3FFC];
	_ =	sdelay $0x3  }
0x94: {  	_ =	strace s2  }
0x95: {  	s2 =	sld [smem:$0x3FFD];
	_ =	sdelay $0x3  }
0x96: {  	_ =	strace s2  }
0x97: {  	_ =	strace $0x8FFFFFFF  }
0x98: {  	s18 =	sld [smem:$0x3FDB];
	_ =	sdelay $0x1  }
0x99: {  	s19 =	simm.s32 $_scs_section_size  }
0x9a: {  	s4 =	simm.s32 $_size__tile_overlayer_lowered;
	s5 =	simm.s32 $_tile_overlayer_lowered  }
0x9b: {  	s22 =	simm.s32 $0x1BFF;
	s21 =	sshll.u32 s5, $0x1;
	s2 =	sadd.s32 s19, s18  }
0x9c: {  	s6 =	simm.s32 $0x0;
	s20 =	sshll.u32 s4, $0x1;
	s4 =	sadd.s32 s21, s2  }
0x9d: {  	[timem:s6], [sflag:s22] =	dma.local [hbm:s4], s20  }
0x9e: {  	_ =	swait.ge [sflag:s22], s20  }
0x9f: {  	s3 =	ssub.s32 $0x0, s20;
	[sflag:s22] =	ssyncset.done $0x0  }
0xa0: {  	[sflag:s22] =	ssyncadd.s32 s3;
	_ =	sdelay $0x1  }
0xa1: {  	s23 =	simm.s32 $0x1B8B  }
0xa2: {  	_ =	swait.ge [sflag:s23], $0x1  }
0xa3: {  	[sflag:s23] =	ssyncset.done $0x0  }
0xa4: {  	s25 =	simm.s32 $0x1B8E;
	s24 =	sld [smem:$0x3FFE];
	[sflag:s23] =	ssyncadd.s32 $0xFFFFFFFF  }
0xa5: {  	s26 =	simm.s32 $execute0_lowered;
	[smem:$0x3FD2] =	sst s25  }
0xa6: {  	s4 =	sshll.u32 s26, $0x1;
	_ =	strace $0x8000005E;
	[dreg:$0x1] =	wrdreg $0xFFFFFFFF  }
0xa7: {  	s28 =	simm.s32 $_size_execute0_lowered;
	s2 =	sadd.s32 s2, s4;
	[dreg:$0x0] =	wrdreg $0x0  }
0xa8: {  	s4 =	sshll.u32 s28, $0x1;
	[dreg:$0x2] =	wrdreg s2  }
0xa9: {  	[dreg:$0x3] =	wrdreg s4  }
0xaa: {  	[dreg:$0x4] =	wrdreg $0xC0  }
0xab: {  	_ =	task [dreg:s6], $0x5FFFF  }
0xac: {  	[dreg:$0x1] =	wrdreg $0xFFFFFFFF  }
0xad: {  	[dreg:$0x0] =	wrdreg $0x60  }
0xae: {  	[dreg:$0x2] =	wrdreg s24  }
0xaf: {  	[dreg:$0x3] =	wrdreg $0x90000  }
0xb0: {  	[dreg:$0x4] =	wrdreg $0x9  }
0xb1: {  	_ =	task.clear_ibuf [dreg:s6], $0x5FFFF;
	_ =	strace $0x9000005E  }
0xb2: {  	s29 =	simm.s32 $0x9;
	_ =	strace $0x80000060  }
0xb3: {  	_ =	swait.ge [sflag:s29], $0x1  }
0xb4: {  	[sflag:s29] =	ssyncadd.s32 $0xFFFFFFFF  }
0xb5: {  	_ =	strace $0x90000060  }
0xb6: {  	_ =	sfence  }
0xb7: {  	s30 =	sld [smem:$0x0];
	_ =	sdelay $0x2  }
0xb8: {  	s31 =	sshll.u32 s1, $0xD;
	s1 =	sshrl.u32 s1, $0x2  }
0xb9: {  	s3 =	sand.u32 $0x4000, s31;
	s1 =	sadd.s32 s1, s30  }
0xba: {  	s0 =	sor.u32 s3, s0;
	s1 =	sshll.u32 s1, $0x11  }
0xbb: {  	s0 =	sor.u32 s1, s0  }
0xbc: {  	s0 =	sadd.s32 $0x8F2B, s0  }
0xbd: {  	[sflag:s0] =	ssyncadd.remote.s32 $0x1  }
0xbe: {  	_ =	sfence.sel $0xFFFF  }
0xbf: {  	[dreg:$0x0] =	wrdreg $0xFFFFFFFF;
	(pc) =	sbr.abs _section_cstart, $3  }
0xc0: {  	[dreg:$0x1] =	wrdreg $0xFFFFFFFF  }
0xc1: {  	_ =	task.clear_ibuf [dreg:s6], $0x2FFFF;
	_ =	strace $0x9FFFFFFF  }
0xc2: {  	(tm) =	ssettm $0x7FFFFFFF  }
0xc3: {  	_ =	shalt  }
tec
execute0_lowered:
.L_overlay_start_1:
0x0: {  	(tag) =	ssettag $0x1  }
0x1: {  	s6 =	rddreg [dreg:$0x0]  }
0x2: {  	s0 =	srdreg.scid;
	s2 =	rddreg [dreg:$0x1]  }
0x3: {  	s3 =	simm.s32 $0x0;
	s14 =	simm.s32 $0x80;
	s15 =	simm.s32 $0x5000  }
0x4: {  	s16 =	simm.s32 $0x1;
	s5 =	sand.u32 $0x1, s0;
	s0 =	stileid.u32  }
0x5: {  	s17 =	simm.s32 $0x0;
	[smem:$0x7FF] =	sst s3;
	s8 =	smul.u32 $0x13C000, s5  }
0x6: {  	s4 =	sadd.s32 $0xE5000, s6;
	s1 =	sshll.u32 s5, $0x4;
	s9 =	smul.u32 $0x13C00, s0  }
0x7: {  	s30 =	ssub.s32 $0x2, s5;
	s11 =	smul.u32 $0x4F000, s0;
	s5 =	sadd.s32 $0x12800, s6  }
0x8: {  	s12 =	sshll.u32 s0, $0x6;
	s1 =	sor.u32 s0, s1;
	s10 =	sshrl.u32 s30, $0x1  }
0x9: {  	s12 =	sor.u32 $0x1C02, s12;
	s7 =	smul.u32 $0x500, s1;
	s1 =	rddreg [dreg:$0x2]  }
0xa: {  	_ =	strace $0x8000005F;
	s8 =	sadd.s32 s9, s8;
	s9 =	ssub.s32 s30, s10  }
0xb: {  	s31 =	sshrl.u32 s11, $0x2;
	s10 =	simm.s32 $0x2;
	s11 =	simm.s32 $0x2800  }
0xc: {  	s8 =	sshrl.u32 s8, $0x3;
	s13 =	sadd.s32 s31, s2;
	s9 =	smax.u32 s9, $0x1  }
0xd: {  	s7 =	sadd.s32 s7, s6;
	s8 =	sadd.s32 s8, s6;
	s13 =	sshrl.u32 s13, $0x3  }
0xe: {  	s6 =	sadd.s32 $0x8800, s7;
	s7 =	sadd.s32 $0x64800, s7;
	s8 =	sadd.s32 $0x10C800, s8  }
.LBB2_1:
0xf: {  	[tilespmem:s3], [sflag:$0x2] =	stream.linear.gather [hbm4b:s6+s3], $0x2780, $0x38;
	[tilespmem:$0x1CC00] =	vst v63  }
0x10: {  	_ =	swait.ge [sflag:s10], $0x2780  }
0x11: {  	[sflag:s10] =	ssyncset.done $0x0  }
0x12: {  	[sflag:s10] =	ssyncadd.s32 $0xFFFFD880  }
0x13: {  	[tilespmem:s11], [sflag:$0x2] =	stream.linear.gather [hbm4b:s7+s3], $0x2780, $0x38;
	[tilespmem:$0x1CC00] =	vst v63  }
0x14: {  	_ =	swait.ge [sflag:s10], $0x2780  }
0x15: {  	[sflag:s10] =	ssyncset.done $0x0  }
0x16: {  	[sflag:s10] =	ssyncadd.s32 $0xFFFFD880  }
0x17: {  	[spmem:s13], [sflag:s12] =	dma.local [hbm:s5], $0x2780  }
0x18: {  	_ =	swait.ge [sflag:s10], $0x2780  }
0x19: {  	[sflag:s10] =	ssyncset.done $0x0  }
0x1a: {  	[sflag:s10] =	ssyncadd.s32 $0xFFFFD880  }
0x1b: {  	s18 =	simm.s32 $0x0;
	[bflag:$0x0] =	sbarrier.arrive $0xFFFF  }
0x1c: {  	[tilespmem:s15], [sflag:$0x1] =	stream.indirect.gather [hbm4b:s4+s14], $0x80, s18, s14, $0xb8;
	[tilespmem:$0x1CC00] =	vst v63  }
0x1d: {  	_ =	swait.ge [sflag:s16], $0x4000  }
0x1e: {  	[sflag:s16] =	ssyncset.done $0x0  }
0x1f: {  	s31 =	simm.s32 $0x2800;
	[sflag:s16] =	ssyncadd.s32 $0xFFFFC000  }
0x20: {  	[spmem:s2] =	stream.indirect.scatter.add.f32 [tilespmem:s15], [sflag:$0x2], $0x80, s31, s14, $0xb8;
	[tilespmem:$0x1CC00] =	vst v63  }
0x21: {  	_ =	swait.ge [sflag:s10], $0x4000  }
0x22: {  	s19 =	simm.s32 $0x400;
	s18 =	simm.s32 $0x200;
	[sflag:s10] =	ssyncset.done $0x0  }
.LBB2_2:
0x23: {  	s20 =	sshra.s32 s18, $0x2  }
0x24: {  	[sflag:s10] =	ssyncadd.s32 $0xFFFFC000;
	s18 =	smov.u32 s19;
	s21 =	sadd.s32 $0x200, s19  }
0x25: {  	[tilespmem:s15], [sflag:$0x1] =	stream.indirect.gather [hbm4b:s4+s14], $0x80, s20, s14, $0xb8;
	[tilespmem:$0x1CC00] =	vst v63  }
0x26: {  	p0 =	sne.s32 s19, $0x9C00;
	_ =	swait.ge [sflag:s16], $0x4000  }
.Ltmp0:
0x27: {  	[sflag:s16] =	ssyncset.done $0x0;
	(pc) =	sbr.rel @p0 .LBB2_2-.Ltmp0, $4  }
0x28: {  	s19 =	sadd.s32 $0x2800, s20;
	[sflag:s16] =	ssyncadd.s32 $0xFFFFC000  }
0x29: {  	[spmem:s2] =	stream.indirect.scatter.add.f32 [tilespmem:s15], [sflag:$0x2], $0x80, s19, s14, $0xb8;
	[tilespmem:$0x1CC00] =	vst v63  }
0x2a: {  	_ =	swait.ge [sflag:s10], $0x4000  }
0x2b: {  	s19 =	smov.u32 s21;
	[sflag:s10] =	ssyncset.done $0x0  }
0x2c: {  	s18 =	sshra.s32 s18, $0x2;
	[sflag:s10] =	ssyncadd.s32 $0xFFFFC000  }
0x2d: {  	[tilespmem:s15], [sflag:$0x1] =	stream.indirect.gather [hbm4b:s4+s14], $0x80, s18, s14, $0xb8;
	[tilespmem:$0x1CC00] =	vst v63  }
0x2e: {  	_ =	swait.ge [sflag:s16], $0x4000  }
0x2f: {  	[sflag:s16] =	ssyncset.done $0x0  }
0x30: {  	s18 =	sadd.s32 $0x2800, s18;
	[sflag:s16] =	ssyncadd.s32 $0xFFFFC000  }
0x31: {  	[spmem:s2] =	stream.indirect.scatter.add.f32 [tilespmem:s15], [sflag:$0x2], $0x80, s18, s14, $0xb8;
	[tilespmem:$0x1CC00] =	vst v63  }
0x32: {  	_ =	swait.ge [sflag:s10], $0x4000  }
0x33: {  	s17 =	sadd.s32 $0x1, s17;
	[sflag:s10] =	ssyncset.done $0x0  }
0x34: {  	p0 =	sne.s32 s17, s9;
	[sflag:s10] =	ssyncadd.s32 $0xFFFFC000  }
.Ltmp1:
0x35: {  	[bflag:$0x0] =	sbarrier.arrive $0xFFFF;
	(pc) =	sbr.rel @p0 .LBB2_1-.Ltmp1, $4  }
0x36: {  	[hbm:s8], [sflag:s12] =	dma.local [spmem:s13], $0x2780  }
0x37: {  	_ =	swait.ge [sflag:s10], $0x2780  }
0x38: {  	[sflag:s10] =	ssyncset.done $0x0  }
0x39: {  	[sflag:s10] =	ssyncadd.s32 $0xFFFFD880  }
0x3a: {  	_ =	sfence.sel $0x180000  }
0x3b: {  	[bflag:$0x0] =	sbarrier.arrive $0xFFFF  }
0x3c: {  	p0 =	sne.s32 s0, $0x0;
	_ =	strace $0x9000005F  }
0x3d: {  	s0 =	sadd.s32 @!p0 $0x100000, s1;
	[bflag:$0x2] =	sbarrier.arrive $0xFFFF  }
0x3e: {  	[sflag:s0] =	ssyncadd.tile.s32 @!p0 $0x1;
	_ =	shalt  }
.Lfunc_end2:
_tile_overlayer_lowered:
.L_overlay_start_2:
0x3f: {  	(tag) =	ssettag $0x2  }
0x40: {  	s0 =	rddreg [dreg:$0x0];
	s2 =	stileid.u32  }
0x41: {  	s1 =	rddreg [dreg:$0x1];
	p0 =	sne.s32 s2, $0x0  }
0x42: {  	s3 =	rddreg [dreg:$0x2];
	[bflag:$0x3] =	sbarrier.arrive $0xFFFF;
	s2 =	simm.s32 @!p0 $0x1C02  }
0x43: {  	[timem:s3], [sflag:s2] =	dma.local @!p0 [hbm:s0], s1  }
0x44: {  	s0 =	simm.s32 @!p0 $0x2  }
0x45: {  	_ =	swait.ge @!p0 [sflag:s0], s1  }
0x46: {  	s1 =	ssub.s32 @!p0 $0x0, s1;
	[sflag:s0] =	ssyncset.done @!p0 $0x0  }
0x47: {  	[sflag:s0] =	ssyncadd.s32 @!p0 s1  }
0x48: {  	[bflag:$0x3] =	sbarrier.arrive $0xFFFF  }
0x49: {  	_ =	shalt  }

// kernel: kernel.54.cloned.1.call-start
scs
__scs_entry_jumppad:
0x0: {  	(pc) =	sbr.rel $0x88, $3  }
0x1: {  	(tag) =	ssettag $0x0;
	lr =	simm.s32 $0x1  }
0x2: {  	[smem:$0x3F9A] =	sst lr;
	_ =	strace $0xD0000000  }
0x3: {  	_ = 	snop  }
0x4: {  	_ = 	snop  }
0x5: {  	_ = 	snop  }
0x6: {  	_ = 	snop  }
0x7: {  	_ = 	snop  }
__scs_overlays_trampoline_lowered:
0x8: {  	[smem:$0x3FA9] =	sst s0  }
0x9: {  	[smem:$0x3FAA] =	sst s1  }
0xa: {  	[smem:$0x3FAB] =	sst s2  }
0xb: {  	[smem:$0x3FAC] =	sst s3  }
0xc: {  	[smem:$0x3FAD] =	sst s4  }
0xd: {  	[smem:$0x3FAE] =	sst s5  }
0xe: {  	[smem:$0x3FAF] =	sst s6  }
0xf: {  	[smem:$0x3FB0] =	sst s7  }
0x10: {  	[smem:$0x3FB1] =	sst s8  }
0x11: {  	[smem:$0x3FB2] =	sst s9;
	s0 =	simm.s32 @!p0 $0x0  }
0x12: {  	s1 =	sld [smem:$0x3F98];
	s0 =	simm.s32 @p0 $0x1  }
0x13: {  	[smem:$0x3FB3] =	sst s0;
	s0 =	simm.s32 @!p1 $0x0  }
0x14: {  	s2 =	sld [smem:$0x3F97];
	s0 =	simm.s32 @p1 $0x1  }
0x15: {  	[smem:$0x3FB4] =	sst s0;
	s0 =	simm.s32 @!p2 $0x0  }
0x16: {  	s3 =	sld [smem:$0x3FDB];
	s0 =	simm.s32 @p2 $0x1  }
0x17: {  	s4 =	simm.s32 $0x1BF5;
	[smem:$0x3FB6] =	sst s0  }
0x18: {  	s0 =	sld [smem:$0x3F99];
	_ =	swait.ge [sflag:s4], $0x0  }
0x19: {  	s7 =	sld [smem:$0x3F9A]  }
0x1a: {  	s8 =	sadd.s32 $0xFFFFE003, lr  }
0x1b: {  	s9 =	sadd.s32 $0xFFFFFEF7, lr;
	s5 =	simm.s32 $0xFFFFFFFF;
	p2 =	slt.u32 s8, $0xFFFFF086  }
0x1c: {  	p1 =	slt.u32 s9, $0xF7A;
	s5 =	simm.s32 @!p2 $0x0  }
0x1d: {  	s5 =	simm.s32 @p1 $0x1;
	p0 =	seq.s32 s7, s2  }
0x1e: {  	s7 =	smul.u32 @!p0 $0xF7A, s2;
	p2 =	seq.s32 @!p0 s5, $0x0  }
0x1f: {  	s9 =	smul.u32 $0xF7A, s1;
	s8 =	simm.s32 @!p0 $0x1BF5;
	p2 =	por !p2, p0  }
0x20: {  	[sflag:s8] =	ssyncset.s32 @!p0 $0xFFFFF086;
	s6 =	sadd.s32 @!p0 s3, s7;
	s7 =	simm.s32 @!p0 $0x108  }
0x21: {  	s3 =	sadd.s32 s3, s9;
	s6 =	sadd.s32 @!p0 $0x88, s6;
	s7 =	simm.s32 @p2 $0x1082  }
0x22: {  	[simem:s7], [sflag:s8] =	dma.local @!p0 [hbm:s6], $0xF7A  }
0x23: {  	s9 =	sor.u32 $0xD0000000, s2;
	s6 =	simm.s32 $0x108;
	_ =	swait.ge @!p0 [sflag:s8], $0x0  }
0x24: {  	s3 =	sadd.s32 $0x88, s3;
	s6 =	simm.s32 @!p1 $0x1082;
	[sflag:s4] =	ssyncset.s32 $0xFFFFF086  }
0x25: {  	[simem:s6], [sflag:s4] =	dma.local [hbm:s3], $0xF7A  }
0x26: {  	[smem:$0x3F9A] =	sst s1;
	(tag) =	ssettag s2;
	_ =	strace s9  }
0x27: {  	s1 =	sld [smem:$0x3FAA]  }
0x28: {  	s2 =	sld [smem:$0x3FAB]  }
0x29: {  	s4 =	sld [smem:$0x3FAD]  }
0x2a: {  	p0 =	seq.s32 s5, $0x0;
	s5 =	sld [smem:$0x3FAE]  }
0x2b: {  	s6 =	sld [smem:$0x3FAF]  }
0x2c: {  	s7 =	sld [smem:$0x3FB0]  }
0x2d: {  	s3 =	simm.s32 $0x108;
	s8 =	sld [smem:$0x3FB1]  }
0x2e: {  	s3 =	simm.s32 @!p0 $0x1082;
	s9 =	sld [smem:$0x3FB2]  }
0x2f: {  	lr =	sadd.s32 s0, s3;
	s0 =	sld [smem:$0x3FA9]  }
0x30: {  	s3 =	sld [smem:$0x3FAC]  }
0x31: {  	[smem:$0x3FB5] =	sst s10  }
0x32: {  	s10 =	sld [smem:$0x3FB3];
	_ =	sdelay $0x3  }
0x33: {  	p0 =	seq.s32 s10, $0x1;
	s10 =	sld [smem:$0x3FB5];
	_ =	sdelay $0x3  }
0x34: {  	[smem:$0x3FB5] =	sst s10  }
0x35: {  	s10 =	sld [smem:$0x3FB4];
	_ =	sdelay $0x3  }
0x36: {  	p1 =	seq.s32 s10, $0x1;
	s10 =	sld [smem:$0x3FB5];
	_ =	sdelay $0x3  }
0x37: {  	[smem:$0x3FB5] =	sst s10  }
0x38: {  	s10 =	sld [smem:$0x3FB6]  }
0x39: {  	_ = 	snop;
	(pc) =	sbr.ind lr, $3  }
0x3a: {  	_ = 	snop  }
0x3b: {  	_ = 	snop  }
0x3c: {  	p2 =	seq.s32 s10, $0x1;
	s10 =	sld [smem:$0x3FB5]  }
0x3d: {  	_ =	shalt  }
0x3e: {  	_ =	shalt  }
0x3f: {  	_ =	shalt  }
0x40: {  	_ =	shalt  }
0x41: {  	_ =	shalt  }
0x42: {  	_ =	shalt  }
0x43: {  	_ =	shalt  }
0x44: {  	_ =	shalt  }
0x45: {  	_ =	shalt  }
0x46: {  	_ =	shalt  }
0x47: {  	_ =	shalt  }
0x48: {  	_ =	shalt  }
0x49: {  	_ =	shalt  }
0x4a: {  	_ =	shalt  }
0x4b: {  	_ =	shalt  }
0x4c: {  	_ =	shalt  }
0x4d: {  	_ =	shalt  }
0x4e: {  	_ =	shalt  }
0x4f: {  	_ =	shalt  }
0x50: {  	_ =	shalt  }
0x51: {  	_ =	shalt  }
0x52: {  	_ =	shalt  }
0x53: {  	_ =	shalt  }
0x54: {  	_ =	shalt  }
0x55: {  	_ =	shalt  }
0x56: {  	_ =	shalt  }
0x57: {  	_ =	shalt  }
0x58: {  	_ =	shalt  }
0x59: {  	_ =	shalt  }
0x5a: {  	_ =	shalt  }
0x5b: {  	_ =	shalt  }
0x5c: {  	_ =	shalt  }
0x5d: {  	_ =	shalt  }
0x5e: {  	_ =	shalt  }
0x5f: {  	_ =	shalt  }
0x60: {  	_ =	shalt  }
0x61: {  	_ =	shalt  }
0x62: {  	_ =	shalt  }
0x63: {  	_ =	shalt  }
0x64: {  	_ =	shalt  }
0x65: {  	_ =	shalt  }
0x66: {  	_ =	shalt  }
0x67: {  	_ =	shalt  }
0x68: {  	_ =	shalt  }
0x69: {  	_ =	shalt  }
0x6a: {  	_ =	shalt  }
0x6b: {  	_ =	shalt  }
0x6c: {  	_ =	shalt  }
0x6d: {  	_ =	shalt  }
0x6e: {  	_ =	shalt  }
0x6f: {  	_ =	shalt  }
0x70: {  	_ =	shalt  }
0x71: {  	_ =	shalt  }
0x72: {  	_ =	shalt  }
0x73: {  	_ =	shalt  }
0x74: {  	_ =	shalt  }
0x75: {  	_ =	shalt  }
0x76: {  	_ =	shalt  }
0x77: {  	_ =	shalt  }
0x78: {  	_ =	shalt  }
0x79: {  	_ =	shalt  }
0x7a: {  	_ =	shalt  }
0x7b: {  	_ =	shalt  }
0x7c: {  	_ =	shalt  }
0x7d: {  	_ =	shalt  }
0x7e: {  	_ =	shalt  }
0x7f: {  	_ =	shalt  }
0x80: {  	_ =	shalt  }
0x81: {  	_ =	shalt  }
0x82: {  	_ =	shalt  }
0x83: {  	_ =	shalt  }
0x84: {  	_ =	shalt  }
0x85: {  	_ =	shalt  }
0x86: {  	_ =	shalt  }
0x87: {  	_ =	shalt  }
.Lfunc_end0:
.L_simem_size_0:
called_computation.9_lowered:
.L_overlay_start_0:
0x88: {  	s2 =	sld [smem:$0x3FD9]  }
0x89: {  	s3 =	sld [smem:$0x3FFE];
	_ =	sdelay $0x1  }
0x8a: {  	s1 =	srdreg.scid  }
0x8b: {  	s0 =	sand.u32 $0x1, s1  }
0x8c: {  	s16 =	sshll.u32 s0, $0xA;
	s2 =	sadd.s32 s3, s2  }
0x8d: {  	s2 =	sadd.s32 s2, s16  }
0x8e: {  	[smem:$0x3FC1] =	sst s2  }
0x8f: {  	_ = 	snop  }
0x90: {  	(tm) =	ssettm $0x1  }
0x91: {  	s17 =	sld [smem:$0x3FFB];
	_ =	sdelay $0x3  }
0x92: {  	_ =	strace s17  }
0x93: {  	s2 =	sld [smem:$0x3FFC];
	_ =	sdelay $0x3  }
0x94: {  	_ =	strace s2  }
0x95: {  	s2 =	sld [smem:$0x3FFD];
	_ =	sdelay $0x3  }
0x96: {  	_ =	strace s2  }
0x97: {  	_ =	strace $0x8FFFFFFF  }
0x98: {  	s18 =	sld [smem:$0x3FDB];
	_ =	sdelay $0x1  }
0x99: {  	s19 =	simm.s32 $_scs_section_size  }
0x9a: {  	s4 =	simm.s32 $_size__tile_overlayer_lowered;
	s5 =	simm.s32 $_tile_overlayer_lowered  }
0x9b: {  	s22 =	simm.s32 $0x1BFF;
	s21 =	sshll.u32 s5, $0x1;
	s2 =	sadd.s32 s19, s18  }
0x9c: {  	s6 =	simm.s32 $0x0;
	s20 =	sshll.u32 s4, $0x1;
	s4 =	sadd.s32 s21, s2  }
0x9d: {  	[timem:s6], [sflag:s22] =	dma.local [hbm:s4], s20  }
0x9e: {  	_ =	swait.ge [sflag:s22], s20  }
0x9f: {  	s3 =	ssub.s32 $0x0, s20;
	[sflag:s22] =	ssyncset.done $0x0  }
0xa0: {  	[sflag:s22] =	ssyncadd.s32 s3;
	_ =	sdelay $0x1  }
0xa1: {  	s23 =	simm.s32 $0x1B8B  }
0xa2: {  	_ =	swait.ge [sflag:s23], $0x1  }
0xa3: {  	[sflag:s23] =	ssyncset.done $0x0  }
0xa4: {  	s25 =	simm.s32 $0x1B8E;
	s24 =	sld [smem:$0x3FFE];
	[sflag:s23] =	ssyncadd.s32 $0xFFFFFFFF  }
0xa5: {  	s26 =	simm.s32 $execute0_lowered;
	[smem:$0x3FD2] =	sst s25  }
0xa6: {  	s4 =	sshll.u32 s26, $0x1;
	_ =	strace $0x80000061;
	[dreg:$0x1] =	wrdreg $0xFFFFFFFF  }
0xa7: {  	s28 =	simm.s32 $_size_execute0_lowered;
	s2 =	sadd.s32 s2, s4;
	[dreg:$0x0] =	wrdreg $0x0  }
0xa8: {  	s4 =	sshll.u32 s28, $0x1;
	[dreg:$0x2] =	wrdreg s2  }
0xa9: {  	[dreg:$0x3] =	wrdreg s4  }
0xaa: {  	[dreg:$0x4] =	wrdreg $0xC0  }
0xab: {  	_ =	task [dreg:s6], $0x5FFFF  }
0xac: {  	[dreg:$0x1] =	wrdreg $0xFFFFFFFF  }
0xad: {  	[dreg:$0x0] =	wrdreg $0x60  }
0xae: {  	[dreg:$0x2] =	wrdreg s24  }
0xaf: {  	[dreg:$0x3] =	wrdreg $0x90000  }
0xb0: {  	[dreg:$0x4] =	wrdreg $0x9  }
0xb1: {  	_ =	task.clear_ibuf [dreg:s6], $0x5FFFF;
	_ =	strace $0x90000061  }
0xb2: {  	s29 =	simm.s32 $0x9;
	_ =	strace $0x80000063  }
0xb3: {  	_ =	swait.ge [sflag:s29], $0x1  }
0xb4: {  	[sflag:s29] =	ssyncadd.s32 $0xFFFFFFFF  }
0xb5: {  	_ =	strace $0x90000063  }
0xb6: {  	_ =	sfence  }
0xb7: {  	s30 =	sld [smem:$0x0];
	_ =	sdelay $0x2  }
0xb8: {  	s31 =	sshll.u32 s1, $0xD;
	s1 =	sshrl.u32 s1, $0x2  }
0xb9: {  	s3 =	sand.u32 $0x4000, s31;
	s1 =	sadd.s32 s1, s30  }
0xba: {  	s0 =	sor.u32 s3, s0;
	s1 =	sshll.u32 s1, $0x11  }
0xbb: {  	s0 =	sor.u32 s1, s0  }
0xbc: {  	s0 =	sadd.s32 $0x8F2B, s0  }
0xbd: {  	[sflag:s0] =	ssyncadd.remote.s32 $0x1  }
0xbe: {  	_ =	sfence.sel $0xFFFF  }
0xbf: {  	[dreg:$0x0] =	wrdreg $0xFFFFFFFF;
	(pc) =	sbr.abs _section_cstart, $3  }
0xc0: {  	[dreg:$0x1] =	wrdreg $0xFFFFFFFF  }
0xc1: {  	_ =	task.clear_ibuf [dreg:s6], $0x2FFFF;
	_ =	strace $0x9FFFFFFF  }
0xc2: {  	(tm) =	ssettm $0x7FFFFFFF  }
0xc3: {  	_ =	shalt  }
tec
execute0_lowered:
.L_overlay_start_1:
0x0: {  	(tag) =	ssettag $0x1  }
0x1: {  	s6 =	rddreg [dreg:$0x0]  }
0x2: {  	s0 =	srdreg.scid;
	s2 =	rddreg [dreg:$0x1]  }
0x3: {  	s3 =	simm.s32 $0x0;
	s14 =	simm.s32 $0x80;
	s15 =	simm.s32 $0x5000  }
0x4: {  	s16 =	simm.s32 $0x1;
	s5 =	sand.u32 $0x1, s0;
	s0 =	stileid.u32  }
0x5: {  	s17 =	simm.s32 $0x0;
	[smem:$0x7FF] =	sst s3;
	s8 =	smul.u32 $0x13C000, s5  }
0x6: {  	s4 =	sadd.s32 $0xE5000, s6;
	s1 =	sshll.u32 s5, $0x4;
	s9 =	smul.u32 $0x13C00, s0  }
0x7: {  	s30 =	ssub.s32 $0x2, s5;
	s11 =	smul.u32 $0x4F000, s0;
	s5 =	sadd.s32 $0x12800, s6  }
0x8: {  	s12 =	sshll.u32 s0, $0x6;
	s1 =	sor.u32 s0, s1;
	s10 =	sshrl.u32 s30, $0x1  }
0x9: {  	s12 =	sor.u32 $0x1C02, s12;
	s7 =	smul.u32 $0x500, s1;
	s1 =	rddreg [dreg:$0x2]  }
0xa: {  	_ =	strace $0x80000062;
	s8 =	sadd.s32 s9, s8;
	s9 =	ssub.s32 s30, s10  }
0xb: {  	s31 =	sshrl.u32 s11, $0x2;
	s10 =	simm.s32 $0x2;
	s11 =	simm.s32 $0x2800  }
0xc: {  	s8 =	sshrl.u32 s8, $0x3;
	s13 =	sadd.s32 s31, s2;
	s9 =	smax.u32 s9, $0x1  }
0xd: {  	s7 =	sadd.s32 s7, s6;
	s8 =	sadd.s32 s8, s6;
	s13 =	sshrl.u32 s13, $0x3  }
0xe: {  	s6 =	sadd.s32 $0x8800, s7;
	s7 =	sadd.s32 $0x64800, s7;
	s8 =	sadd.s32 $0x10C800, s8  }
.LBB2_1:
0xf: {  	[tilespmem:s3], [sflag:$0x2] =	stream.linear.gather [hbm4b:s6+s3], $0x2780, $0x38;
	[tilespmem:$0x1CC00] =	vst v63  }
0x10: {  	_ =	swait.ge [sflag:s10], $0x2780  }
0x11: {  	[sflag:s10] =	ssyncset.done $0x0  }
0x12: {  	[sflag:s10] =	ssyncadd.s32 $0xFFFFD880  }
0x13: {  	[tilespmem:s11], [sflag:$0x2] =	stream.linear.gather [hbm4b:s7+s3], $0x2780, $0x38;
	[tilespmem:$0x1CC00] =	vst v63  }
0x14: {  	_ =	swait.ge [sflag:s10], $0x2780  }
0x15: {  	[sflag:s10] =	ssyncset.done $0x0  }
0x16: {  	[sflag:s10] =	ssyncadd.s32 $0xFFFFD880  }
0x17: {  	[spmem:s13], [sflag:s12] =	dma.local [hbm:s5], $0x2780  }
0x18: {  	_ =	swait.ge [sflag:s10], $0x2780  }
0x19: {  	[sflag:s10] =	ssyncset.done $0x0  }
0x1a: {  	[sflag:s10] =	ssyncadd.s32 $0xFFFFD880  }
0x1b: {  	s18 =	simm.s32 $0x0;
	[bflag:$0x0] =	sbarrier.arrive $0xFFFF  }
0x1c: {  	[tilespmem:s15], [sflag:$0x1] =	stream.indirect.gather [hbm4b:s4+s14], $0x80, s18, s14, $0xb8;
	[tilespmem:$0x1CC00] =	vst v63  }
0x1d: {  	_ =	swait.ge [sflag:s16], $0x4000  }
0x1e: {  	[sflag:s16] =	ssyncset.done $0x0  }
0x1f: {  	s31 =	simm.s32 $0x2800;
	[sflag:s16] =	ssyncadd.s32 $0xFFFFC000  }
0x20: {  	[spmem:s2] =	stream.indirect.scatter.add.f32 [tilespmem:s15], [sflag:$0x2], $0x80, s31, s14, $0xb8;
	[tilespmem:$0x1CC00] =	vst v63  }
0x21: {  	_ =	swait.ge [sflag:s10], $0x4000  }
0x22: {  	s19 =	simm.s32 $0x400;
	s18 =	simm.s32 $0x200;
	[sflag:s10] =	ssyncset.done $0x0  }
.LBB2_2:
0x23: {  	s20 =	sshra.s32 s18, $0x2  }
0x24: {  	[sflag:s10] =	ssyncadd.s32 $0xFFFFC000;
	s18 =	smov.u32 s19;
	s21 =	sadd.s32 $0x200, s19  }
0x25: {  	[tilespmem:s15], [sflag:$0x1] =	stream.indirect.gather [hbm4b:s4+s14], $0x80, s20, s14, $0xb8;
	[tilespmem:$0x1CC00] =	vst v63  }
0x26: {  	p0 =	sne.s32 s19, $0x9C00;
	_ =	swait.ge [sflag:s16], $0x4000  }
.Ltmp0:
0x27: {  	[sflag:s16] =	ssyncset.done $0x0;
	(pc) =	sbr.rel @p0 .LBB2_2-.Ltmp0, $4  }
0x28: {  	s19 =	sadd.s32 $0x2800, s20;
	[sflag:s16] =	ssyncadd.s32 $0xFFFFC000  }
0x29: {  	[spmem:s2] =	stream.indirect.scatter.add.f32 [tilespmem:s15], [sflag:$0x2], $0x80, s19, s14, $0xb8;
	[tilespmem:$0x1CC00] =	vst v63  }
0x2a: {  	_ =	swait.ge [sflag:s10], $0x4000  }
0x2b: {  	s19 =	smov.u32 s21;
	[sflag:s10] =	ssyncset.done $0x0  }
0x2c: {  	s18 =	sshra.s32 s18, $0x2;
	[sflag:s10] =	ssyncadd.s32 $0xFFFFC000  }
0x2d: {  	[tilespmem:s15], [sflag:$0x1] =	stream.indirect.gather [hbm4b:s4+s14], $0x80, s18, s14, $0xb8;
	[tilespmem:$0x1CC00] =	vst v63  }
0x2e: {  	_ =	swait.ge [sflag:s16], $0x4000  }
0x2f: {  	[sflag:s16] =	ssyncset.done $0x0  }
0x30: {  	s18 =	sadd.s32 $0x2800, s18;
	[sflag:s16] =	ssyncadd.s32 $0xFFFFC000  }
0x31: {  	[spmem:s2] =	stream.indirect.scatter.add.f32 [tilespmem:s15], [sflag:$0x2], $0x80, s18, s14, $0xb8;
	[tilespmem:$0x1CC00] =	vst v63  }
0x32: {  	_ =	swait.ge [sflag:s10], $0x4000  }
0x33: {  	s17 =	sadd.s32 $0x1, s17;
	[sflag:s10] =	ssyncset.done $0x0  }
0x34: {  	p0 =	sne.s32 s17, s9;
	[sflag:s10] =	ssyncadd.s32 $0xFFFFC000  }
.Ltmp1:
0x35: {  	[bflag:$0x0] =	sbarrier.arrive $0xFFFF;
	(pc) =	sbr.rel @p0 .LBB2_1-.Ltmp1, $4  }
0x36: {  	[hbm:s8], [sflag:s12] =	dma.local [spmem:s13], $0x2780  }
0x37: {  	_ =	swait.ge [sflag:s10], $0x2780  }
0x38: {  	[sflag:s10] =	ssyncset.done $0x0  }
0x39: {  	[sflag:s10] =	ssyncadd.s32 $0xFFFFD880  }
0x3a: {  	_ =	sfence.sel $0x180000  }
0x3b: {  	[bflag:$0x0] =	sbarrier.arrive $0xFFFF  }
0x3c: {  	p0 =	sne.s32 s0, $0x0;
	_ =	strace $0x90000062  }
0x3d: {  	s0 =	sadd.s32 @!p0 $0x100000, s1;
	[bflag:$0x2] =	sbarrier.arrive $0xFFFF  }
0x3e: {  	[sflag:s0] =	ssyncadd.tile.s32 @!p0 $0x1;
	_ =	shalt  }
.Lfunc_end2:
_tile_overlayer_lowered:
.L_overlay_start_2:
0x3f: {  	(tag) =	ssettag $0x2  }
0x40: {  	s0 =	rddreg [dreg:$0x0];
	s2 =	stileid.u32  }
0x41: {  	s1 =	rddreg [dreg:$0x1];
	p0 =	sne.s32 s2, $0x0  }
0x42: {  	s3 =	rddreg [dreg:$0x2];
	[bflag:$0x3] =	sbarrier.arrive $0xFFFF;
	s2 =	simm.s32 @!p0 $0x1C02  }
0x43: {  	[timem:s3], [sflag:s2] =	dma.local @!p0 [hbm:s0], s1  }
0x44: {  	s0 =	simm.s32 @!p0 $0x2  }
0x45: {  	_ =	swait.ge @!p0 [sflag:s0], s1  }
0x46: {  	s1 =	ssub.s32 @!p0 $0x0, s1;
	[sflag:s0] =	ssyncset.done @!p0 $0x0  }
0x47: {  	[sflag:s0] =	ssyncadd.s32 @!p0 s1  }
0x48: {  	[bflag:$0x3] =	sbarrier.arrive $0xFFFF  }
0x49: {  	_ =	shalt  }

// kernel: kernel.57.cloned.1.call-start
scs
__scs_entry_jumppad:
0x0: {  	(pc) =	sbr.rel $0x88, $3  }
0x1: {  	(tag) =	ssettag $0x0;
	lr =	simm.s32 $0x1  }
0x2: {  	[smem:$0x3F9A] =	sst lr;
	_ =	strace $0xD0000000  }
0x3: {  	_ = 	snop  }
0x4: {  	_ = 	snop  }
0x5: {  	_ = 	snop  }
0x6: {  	_ = 	snop  }
0x7: {  	_ = 	snop  }
__scs_overlays_trampoline_lowered:
0x8: {  	[smem:$0x3FA9] =	sst s0  }
0x9: {  	[smem:$0x3FAA] =	sst s1  }
0xa: {  	[smem:$0x3FAB] =	sst s2  }
0xb: {  	[smem:$0x3FAC] =	sst s3  }
0xc: {  	[smem:$0x3FAD] =	sst s4  }
0xd: {  	[smem:$0x3FAE] =	sst s5  }
0xe: {  	[smem:$0x3FAF] =	sst s6  }
0xf: {  	[smem:$0x3FB0] =	sst s7  }
0x10: {  	[smem:$0x3FB1] =	sst s8  }
0x11: {  	[smem:$0x3FB2] =	sst s9;
	s0 =	simm.s32 @!p0 $0x0  }
0x12: {  	s1 =	sld [smem:$0x3F98];
	s0 =	simm.s32 @p0 $0x1  }
0x13: {  	[smem:$0x3FB3] =	sst s0;
	s0 =	simm.s32 @!p1 $0x0  }
0x14: {  	s2 =	sld [smem:$0x3F97];
	s0 =	simm.s32 @p1 $0x1  }
0x15: {  	[smem:$0x3FB4] =	sst s0;
	s0 =	simm.s32 @!p2 $0x0  }
0x16: {  	s3 =	sld [smem:$0x3FDB];
	s0 =	simm.s32 @p2 $0x1  }
0x17: {  	s4 =	simm.s32 $0x1BF5;
	[smem:$0x3FB6] =	sst s0  }
0x18: {  	s0 =	sld [smem:$0x3F99];
	_ =	swait.ge [sflag:s4], $0x0  }
0x19: {  	s7 =	sld [smem:$0x3F9A]  }
0x1a: {  	s8 =	sadd.s32 $0xFFFFE003, lr  }
0x1b: {  	s9 =	sadd.s32 $0xFFFFFEF7, lr;
	s5 =	simm.s32 $0xFFFFFFFF;
	p2 =	slt.u32 s8, $0xFFFFF086  }
0x1c: {  	p1 =	slt.u32 s9, $0xF7A;
	s5 =	simm.s32 @!p2 $0x0  }
0x1d: {  	s5 =	simm.s32 @p1 $0x1;
	p0 =	seq.s32 s7, s2  }
0x1e: {  	s7 =	smul.u32 @!p0 $0xF7A, s2;
	p2 =	seq.s32 @!p0 s5, $0x0  }
0x1f: {  	s9 =	smul.u32 $0xF7A, s1;
	s8 =	simm.s32 @!p0 $0x1BF5;
	p2 =	por !p2, p0  }
0x20: {  	[sflag:s8] =	ssyncset.s32 @!p0 $0xFFFFF086;
	s6 =	sadd.s32 @!p0 s3, s7;
	s7 =	simm.s32 @!p0 $0x108  }
0x21: {  	s3 =	sadd.s32 s3, s9;
	s6 =	sadd.s32 @!p0 $0x88, s6;
	s7 =	simm.s32 @p2 $0x1082  }
0x22: {  	[simem:s7], [sflag:s8] =	dma.local @!p0 [hbm:s6], $0xF7A  }
0x23: {  	s9 =	sor.u32 $0xD0000000, s2;
	s6 =	simm.s32 $0x108;
	_ =	swait.ge @!p0 [sflag:s8], $0x0  }
0x24: {  	s3 =	sadd.s32 $0x88, s3;
	s6 =	simm.s32 @!p1 $0x1082;
	[sflag:s4] =	ssyncset.s32 $0xFFFFF086  }
0x25: {  	[simem:s6], [sflag:s4] =	dma.local [hbm:s3], $0xF7A  }
0x26: {  	[smem:$0x3F9A] =	sst s1;
	(tag) =	ssettag s2;
	_ =	strace s9  }
0x27: {  	s1 =	sld [smem:$0x3FAA]  }
0x28: {  	s2 =	sld [smem:$0x3FAB]  }
0x29: {  	s4 =	sld [smem:$0x3FAD]  }
0x2a: {  	p0 =	seq.s32 s5, $0x0;
	s5 =	sld [smem:$0x3FAE]  }
0x2b: {  	s6 =	sld [smem:$0x3FAF]  }
0x2c: {  	s7 =	sld [smem:$0x3FB0]  }
0x2d: {  	s3 =	simm.s32 $0x108;
	s8 =	sld [smem:$0x3FB1]  }
0x2e: {  	s3 =	simm.s32 @!p0 $0x1082;
	s9 =	sld [smem:$0x3FB2]  }
0x2f: {  	lr =	sadd.s32 s0, s3;
	s0 =	sld [smem:$0x3FA9]  }
0x30: {  	s3 =	sld [smem:$0x3FAC]  }
0x31: {  	[smem:$0x3FB5] =	sst s10  }
0x32: {  	s10 =	sld [smem:$0x3FB3];
	_ =	sdelay $0x3  }
0x33: {  	p0 =	seq.s32 s10, $0x1;
	s10 =	sld [smem:$0x3FB5];
	_ =	sdelay $0x3  }
0x34: {  	[smem:$0x3FB5] =	sst s10  }
0x35: {  	s10 =	sld [smem:$0x3FB4];
	_ =	sdelay $0x3  }
0x36: {  	p1 =	seq.s32 s10, $0x1;
	s10 =	sld [smem:$0x3FB5];
	_ =	sdelay $0x3  }
0x37: {  	[smem:$0x3FB5] =	sst s10  }
0x38: {  	s10 =	sld [smem:$0x3FB6]  }
0x39: {  	_ = 	snop;
	(pc) =	sbr.ind lr, $3  }
0x3a: {  	_ = 	snop  }
0x3b: {  	_ = 	snop  }
0x3c: {  	p2 =	seq.s32 s10, $0x1;
	s10 =	sld [smem:$0x3FB5]  }
0x3d: {  	_ =	shalt  }
0x3e: {  	_ =	shalt  }
0x3f: {  	_ =	shalt  }
0x40: {  	_ =	shalt  }
0x41: {  	_ =	shalt  }
0x42: {  	_ =	shalt  }
0x43: {  	_ =	shalt  }
0x44: {  	_ =	shalt  }
0x45: {  	_ =	shalt  }
0x46: {  	_ =	shalt  }
0x47: {  	_ =	shalt  }
0x48: {  	_ =	shalt  }
0x49: {  	_ =	shalt  }
0x4a: {  	_ =	shalt  }
0x4b: {  	_ =	shalt  }
0x4c: {  	_ =	shalt  }
0x4d: {  	_ =	shalt  }
0x4e: {  	_ =	shalt  }
0x4f: {  	_ =	shalt  }
0x50: {  	_ =	shalt  }
0x51: {  	_ =	shalt  }
0x52: {  	_ =	shalt  }
0x53: {  	_ =	shalt  }
0x54: {  	_ =	shalt  }
0x55: {  	_ =	shalt  }
0x56: {  	_ =	shalt  }
0x57: {  	_ =	shalt  }
0x58: {  	_ =	shalt  }
0x59: {  	_ =	shalt  }
0x5a: {  	_ =	shalt  }
0x5b: {  	_ =	shalt  }
0x5c: {  	_ =	shalt  }
0x5d: {  	_ =	shalt  }
0x5e: {  	_ =	shalt  }
0x5f: {  	_ =	shalt  }
0x60: {  	_ =	shalt  }
0x61: {  	_ =	shalt  }
0x62: {  	_ =	shalt  }
0x63: {  	_ =	shalt  }
0x64: {  	_ =	shalt  }
0x65: {  	_ =	shalt  }
0x66: {  	_ =	shalt  }
0x67: {  	_ =	shalt  }
0x68: {  	_ =	shalt  }
0x69: {  	_ =	shalt  }
0x6a: {  	_ =	shalt  }
0x6b: {  	_ =	shalt  }
0x6c: {  	_ =	shalt  }
0x6d: {  	_ =	shalt  }
0x6e: {  	_ =	shalt  }
0x6f: {  	_ =	shalt  }
0x70: {  	_ =	shalt  }
0x71: {  	_ =	shalt  }
0x72: {  	_ =	shalt  }
0x73: {  	_ =	shalt  }
0x74: {  	_ =	shalt  }
0x75: {  	_ =	shalt  }
0x76: {  	_ =	shalt  }
0x77: {  	_ =	shalt  }
0x78: {  	_ =	shalt  }
0x79: {  	_ =	shalt  }
0x7a: {  	_ =	shalt  }
0x7b: {  	_ =	shalt  }
0x7c: {  	_ =	shalt  }
0x7d: {  	_ =	shalt  }
0x7e: {  	_ =	shalt  }
0x7f: {  	_ =	shalt  }
0x80: {  	_ =	shalt  }
0x81: {  	_ =	shalt  }
0x82: {  	_ =	shalt  }
0x83: {  	_ =	shalt  }
0x84: {  	_ =	shalt  }
0x85: {  	_ =	shalt  }
0x86: {  	_ =	shalt  }
0x87: {  	_ =	shalt  }
.Lfunc_end0:
.L_simem_size_0:
called_computation.10_lowered:
.L_overlay_start_0:
0x88: {  	s2 =	sld [smem:$0x3FD9]  }
0x89: {  	s3 =	sld [smem:$0x3FFE];
	_ =	sdelay $0x1  }
0x8a: {  	s1 =	srdreg.scid  }
0x8b: {  	s0 =	sand.u32 $0x1, s1  }
0x8c: {  	s16 =	sshll.u32 s0, $0xA;
	s2 =	sadd.s32 s3, s2  }
0x8d: {  	s2 =	sadd.s32 s2, s16  }
0x8e: {  	[smem:$0x3FC1] =	sst s2  }
0x8f: {  	_ = 	snop  }
0x90: {  	(tm) =	ssettm $0x1  }
0x91: {  	s17 =	sld [smem:$0x3FFB];
	_ =	sdelay $0x3  }
0x92: {  	_ =	strace s17  }
0x93: {  	s2 =	sld [smem:$0x3FFC];
	_ =	sdelay $0x3  }
0x94: {  	_ =	strace s2  }
0x95: {  	s2 =	sld [smem:$0x3FFD];
	_ =	sdelay $0x3  }
0x96: {  	_ =	strace s2  }
0x97: {  	_ =	strace $0x8FFFFFFF  }
0x98: {  	s18 =	sld [smem:$0x3FDB];
	_ =	sdelay $0x1  }
0x99: {  	s19 =	simm.s32 $_scs_section_size  }
0x9a: {  	s4 =	simm.s32 $_size__tile_overlayer_lowered;
	s5 =	simm.s32 $_tile_overlayer_lowered  }
0x9b: {  	s22 =	simm.s32 $0x1BFF;
	s21 =	sshll.u32 s5, $0x1;
	s2 =	sadd.s32 s19, s18  }
0x9c: {  	s6 =	simm.s32 $0x0;
	s20 =	sshll.u32 s4, $0x1;
	s4 =	sadd.s32 s21, s2  }
0x9d: {  	[timem:s6], [sflag:s22] =	dma.local [hbm:s4], s20  }
0x9e: {  	_ =	swait.ge [sflag:s22], s20  }
0x9f: {  	s3 =	ssub.s32 $0x0, s20;
	[sflag:s22] =	ssyncset.done $0x0  }
0xa0: {  	[sflag:s22] =	ssyncadd.s32 s3;
	_ =	sdelay $0x1  }
0xa1: {  	s23 =	simm.s32 $0x1B8B  }
0xa2: {  	_ =	swait.ge [sflag:s23], $0x1  }
0xa3: {  	[sflag:s23] =	ssyncset.done $0x0  }
0xa4: {  	s25 =	simm.s32 $0x1B8E;
	s24 =	sld [smem:$0x3FFE];
	[sflag:s23] =	ssyncadd.s32 $0xFFFFFFFF  }
0xa5: {  	s26 =	simm.s32 $execute0_lowered;
	[smem:$0x3FD2] =	sst s25  }
0xa6: {  	s4 =	sshll.u32 s26, $0x1;
	_ =	strace $0x80000064;
	[dreg:$0x1] =	wrdreg $0xFFFFFFFF  }
0xa7: {  	s28 =	simm.s32 $_size_execute0_lowered;
	s2 =	sadd.s32 s2, s4;
	[dreg:$0x0] =	wrdreg $0x0  }
0xa8: {  	s4 =	sshll.u32 s28, $0x1;
	[dreg:$0x2] =	wrdreg s2  }
0xa9: {  	[dreg:$0x3] =	wrdreg s4  }
0xaa: {  	[dreg:$0x4] =	wrdreg $0xC0  }
0xab: {  	_ =	task [dreg:s6], $0x5FFFF  }
0xac: {  	[dreg:$0x1] =	wrdreg $0xFFFFFFFF  }
0xad: {  	[dreg:$0x0] =	wrdreg $0x60  }
0xae: {  	[dreg:$0x2] =	wrdreg s24  }
0xaf: {  	[dreg:$0x3] =	wrdreg $0x90000  }
0xb0: {  	[dreg:$0x4] =	wrdreg $0x9  }
0xb1: {  	_ =	task.clear_ibuf [dreg:s6], $0x5FFFF;
	_ =	strace $0x90000064  }
0xb2: {  	s29 =	simm.s32 $0x9;
	_ =	strace $0x80000066  }
0xb3: {  	_ =	swait.ge [sflag:s29], $0x1  }
0xb4: {  	[sflag:s29] =	ssyncadd.s32 $0xFFFFFFFF  }
0xb5: {  	_ =	strace $0x90000066  }
0xb6: {  	_ =	sfence  }
0xb7: {  	s30 =	sld [smem:$0x0];
	_ =	sdelay $0x2  }
0xb8: {  	s31 =	sshll.u32 s1, $0xD;
	s1 =	sshrl.u32 s1, $0x2  }
0xb9: {  	s3 =	sand.u32 $0x4000, s31;
	s1 =	sadd.s32 s1, s30  }
0xba: {  	s0 =	sor.u32 s3, s0;
	s1 =	sshll.u32 s1, $0x11  }
0xbb: {  	s0 =	sor.u32 s1, s0  }
0xbc: {  	s0 =	sadd.s32 $0x8F2B, s0  }
0xbd: {  	[sflag:s0] =	ssyncadd.remote.s32 $0x1  }
0xbe: {  	_ =	sfence.sel $0xFFFF  }
0xbf: {  	[dreg:$0x0] =	wrdreg $0xFFFFFFFF;
	(pc) =	sbr.abs _section_cstart, $3  }
0xc0: {  	[dreg:$0x1] =	wrdreg $0xFFFFFFFF  }
0xc1: {  	_ =	task.clear_ibuf [dreg:s6], $0x2FFFF;
	_ =	strace $0x9FFFFFFF  }
0xc2: {  	(tm) =	ssettm $0x7FFFFFFF  }
0xc3: {  	_ =	shalt  }
tec
execute0_lowered:
.L_overlay_start_1:
0x0: {  	(tag) =	ssettag $0x1  }
0x1: {  	s6 =	rddreg [dreg:$0x0]  }
0x2: {  	s0 =	srdreg.scid;
	s2 =	rddreg [dreg:$0x1]  }
0x3: {  	s3 =	simm.s32 $0x0;
	s14 =	simm.s32 $0x80;
	s15 =	simm.s32 $0x5000  }
0x4: {  	s16 =	simm.s32 $0x1;
	s5 =	sand.u32 $0x1, s0;
	s0 =	stileid.u32  }
0x5: {  	s17 =	simm.s32 $0x0;
	[smem:$0x7FF] =	sst s3;
	s8 =	smul.u32 $0x13C000, s5  }
0x6: {  	s4 =	sadd.s32 $0x10C800, s6;
	s1 =	sshll.u32 s5, $0x4;
	s9 =	smul.u32 $0x13C00, s0  }
0x7: {  	s30 =	ssub.s32 $0x2, s5;
	s11 =	smul.u32 $0x4F000, s0;
	s5 =	sadd.s32 $0x12800, s6  }
0x8: {  	s12 =	sshll.u32 s0, $0x6;
	s1 =	sor.u32 s0, s1;
	s10 =	sshrl.u32 s30, $0x1  }
0x9: {  	s12 =	sor.u32 $0x1C02, s12;
	s7 =	smul.u32 $0x500, s1;
	s1 =	rddreg [dreg:$0x2]  }
0xa: {  	_ =	strace $0x80000065;
	s8 =	sadd.s32 s9, s8;
	s9 =	ssub.s32 s30, s10  }
0xb: {  	s31 =	sshrl.u32 s11, $0x2;
	s10 =	simm.s32 $0x2;
	s11 =	simm.s32 $0x2800  }
0xc: {  	s8 =	sshrl.u32 s8, $0x3;
	s13 =	sadd.s32 s31, s2;
	s9 =	smax.u32 s9, $0x1  }
0xd: {  	s7 =	sadd.s32 s7, s6;
	s8 =	sadd.s32 s8, s6;
	s13 =	sshrl.u32 s13, $0x3  }
0xe: {  	s6 =	sadd.s32 $0x8800, s7;
	s7 =	sadd.s32 $0x64800, s7;
	s8 =	sadd.s32 $0x134000, s8  }
.LBB2_1:
0xf: {  	[tilespmem:s3], [sflag:$0x2] =	stream.linear.gather [hbm4b:s6+s3], $0x2780, $0x38;
	[tilespmem:$0x1CC00] =	vst v63  }
0x10: {  	_ =	swait.ge [sflag:s10], $0x2780  }
0x11: {  	[sflag:s10] =	ssyncset.done $0x0  }
0x12: {  	[sflag:s10] =	ssyncadd.s32 $0xFFFFD880  }
0x13: {  	[tilespmem:s11], [sflag:$0x2] =	stream.linear.gather [hbm4b:s7+s3], $0x2780, $0x38;
	[tilespmem:$0x1CC00] =	vst v63  }
0x14: {  	_ =	swait.ge [sflag:s10], $0x2780  }
0x15: {  	[sflag:s10] =	ssyncset.done $0x0  }
0x16: {  	[sflag:s10] =	ssyncadd.s32 $0xFFFFD880  }
0x17: {  	[spmem:s13], [sflag:s12] =	dma.local [hbm:s5], $0x2780  }
0x18: {  	_ =	swait.ge [sflag:s10], $0x2780  }
0x19: {  	[sflag:s10] =	ssyncset.done $0x0  }
0x1a: {  	[sflag:s10] =	ssyncadd.s32 $0xFFFFD880  }
0x1b: {  	s18 =	simm.s32 $0x0;
	[bflag:$0x0] =	sbarrier.arrive $0xFFFF  }
0x1c: {  	[tilespmem:s15], [sflag:$0x1] =	stream.indirect.gather [hbm4b:s4+s14], $0x80, s18, s14, $0xb8;
	[tilespmem:$0x1CC00] =	vst v63  }
0x1d: {  	_ =	swait.ge [sflag:s16], $0x4000  }
0x1e: {  	[sflag:s16] =	ssyncset.done $0x0  }
0x1f: {  	s31 =	simm.s32 $0x2800;
	[sflag:s16] =	ssyncadd.s32 $0xFFFFC000  }
0x20: {  	[spmem:s2] =	stream.indirect.scatter.add.f32 [tilespmem:s15], [sflag:$0x2], $0x80, s31, s14, $0xb8;
	[tilespmem:$0x1CC00] =	vst v63  }
0x21: {  	_ =	swait.ge [sflag:s10], $0x4000  }
0x22: {  	s19 =	simm.s32 $0x400;
	s18 =	simm.s32 $0x200;
	[sflag:s10] =	ssyncset.done $0x0  }
.LBB2_2:
0x23: {  	s20 =	sshra.s32 s18, $0x2  }
0x24: {  	[sflag:s10] =	ssyncadd.s32 $0xFFFFC000;
	s18 =	smov.u32 s19;
	s21 =	sadd.s32 $0x200, s19  }
0x25: {  	[tilespmem:s15], [sflag:$0x1] =	stream.indirect.gather [hbm4b:s4+s14], $0x80, s20, s14, $0xb8;
	[tilespmem:$0x1CC00] =	vst v63  }
0x26: {  	p0 =	sne.s32 s19, $0x9C00;
	_ =	swait.ge [sflag:s16], $0x4000  }
.Ltmp0:
0x27: {  	[sflag:s16] =	ssyncset.done $0x0;
	(pc) =	sbr.rel @p0 .LBB2_2-.Ltmp0, $4  }
0x28: {  	s19 =	sadd.s32 $0x2800, s20;
	[sflag:s16] =	ssyncadd.s32 $0xFFFFC000  }
0x29: {  	[spmem:s2] =	stream.indirect.scatter.add.f32 [tilespmem:s15], [sflag:$0x2], $0x80, s19, s14, $0xb8;
	[tilespmem:$0x1CC00] =	vst v63  }
0x2a: {  	_ =	swait.ge [sflag:s10], $0x4000  }
0x2b: {  	s19 =	smov.u32 s21;
	[sflag:s10] =	ssyncset.done $0x0  }
0x2c: {  	s18 =	sshra.s32 s18, $0x2;
	[sflag:s10] =	ssyncadd.s32 $0xFFFFC000  }
0x2d: {  	[tilespmem:s15], [sflag:$0x1] =	stream.indirect.gather [hbm4b:s4+s14], $0x80, s18, s14, $0xb8;
	[tilespmem:$0x1CC00] =	vst v63  }
0x2e: {  	_ =	swait.ge [sflag:s16], $0x4000  }
0x2f: {  	[sflag:s16] =	ssyncset.done $0x0  }
0x30: {  	s18 =	sadd.s32 $0x2800, s18;
	[sflag:s16] =	ssyncadd.s32 $0xFFFFC000  }
0x31: {  	[spmem:s2] =	stream.indirect.scatter.add.f32 [tilespmem:s15], [sflag:$0x2], $0x80, s18, s14, $0xb8;
	[tilespmem:$0x1CC00] =	vst v63  }
0x32: {  	_ =	swait.ge [sflag:s10], $0x4000  }
0x33: {  	s17 =	sadd.s32 $0x1, s17;
	[sflag:s10] =	ssyncset.done $0x0  }
0x34: {  	p0 =	sne.s32 s17, s9;
	[sflag:s10] =	ssyncadd.s32 $0xFFFFC000  }
.Ltmp1:
0x35: {  	[bflag:$0x0] =	sbarrier.arrive $0xFFFF;
	(pc) =	sbr.rel @p0 .LBB2_1-.Ltmp1, $4  }
0x36: {  	[hbm:s8], [sflag:s12] =	dma.local [spmem:s13], $0x2780  }
0x37: {  	_ =	swait.ge [sflag:s10], $0x2780  }
0x38: {  	[sflag:s10] =	ssyncset.done $0x0  }
0x39: {  	[sflag:s10] =	ssyncadd.s32 $0xFFFFD880  }
0x3a: {  	_ =	sfence.sel $0x180000  }
0x3b: {  	[bflag:$0x0] =	sbarrier.arrive $0xFFFF  }
0x3c: {  	p0 =	sne.s32 s0, $0x0;
	_ =	strace $0x90000065  }
0x3d: {  	s0 =	sadd.s32 @!p0 $0x100000, s1;
	[bflag:$0x2] =	sbarrier.arrive $0xFFFF  }
0x3e: {  	[sflag:s0] =	ssyncadd.tile.s32 @!p0 $0x1;
	_ =	shalt  }
.Lfunc_end2:
_tile_overlayer_lowered:
.L_overlay_start_2:
0x3f: {  	(tag) =	ssettag $0x2  }
0x40: {  	s0 =	rddreg [dreg:$0x0];
	s2 =	stileid.u32  }
0x41: {  	s1 =	rddreg [dreg:$0x1];
	p0 =	sne.s32 s2, $0x0  }
0x42: {  	s3 =	rddreg [dreg:$0x2];
	[bflag:$0x3] =	sbarrier.arrive $0xFFFF;
	s2 =	simm.s32 @!p0 $0x1C02  }
0x43: {  	[timem:s3], [sflag:s2] =	dma.local @!p0 [hbm:s0], s1  }
0x44: {  	s0 =	simm.s32 @!p0 $0x2  }
0x45: {  	_ =	swait.ge @!p0 [sflag:s0], s1  }
0x46: {  	s1 =	ssub.s32 @!p0 $0x0, s1;
	[sflag:s0] =	ssyncset.done @!p0 $0x0  }
0x47: {  	[sflag:s0] =	ssyncadd.s32 @!p0 s1  }
0x48: {  	[bflag:$0x3] =	sbarrier.arrive $0xFFFF  }
0x49: {  	_ =	shalt  }

</sc_bundles>
